<compile_context>
chip_gen: v7x
topology: tpu7x:2x2x1
jax: 0.10.2.dev20260603
libtpu: 0.0.44.dev20260713+nightly
codegen_flags: <defaults>
</compile_context>

<pallas_src>
import functools
import math

import jax
import jax.numpy as jnp
from jax import lax
from jax.experimental import pallas as pl
from jax.experimental.pallas import tpu as pltpu
from jax.experimental.pallas import tpu_sc as plsc

EMB = 64
SCALE = math.sqrt(EMB)

_info = plsc.get_sparse_core_info()
NC = _info.num_cores
NS = _info.num_subcores
L = _info.num_lanes
NW = NC * NS

NB = 4096
NT = 200
LANES = 128
SUB = 8
NBT = NB // LANES
OBP = 137

_mesh = plsc.VectorSubcoreMesh(core_axis_name="c", subcore_axis_name="s")
NTT = NT // SUB


@functools.partial(
    pl.kernel,
    out_type=jax.ShapeDtypeStruct((NTT, NBT, SUB, LANES), jnp.int32),
    mesh=_mesh,
    compiler_params=pltpu.CompilerParams(
        use_tc_tiling_on_sc=True, needs_layout_passes=False),
    scratch_types=[
        pltpu.VMEM((SUB, LANES), jnp.int32),
        pltpu.VMEM((SUB, LANES), jnp.int32),
        pltpu.SemaphoreType.DMA,
        pltpu.SemaphoreType.DMA,
    ],
)
def _detile_tokens(tok_hbm, out_hbm, buf0, buf1, sem0, sem1):
    buf = (buf0, buf1)
    sem = (sem0, sem1)
    w = lax.axis_index("s") * NC + lax.axis_index("c")

    def src(tt):
        return tok_hbm.at[pl.ds(tt * SUB, SUB), pl.ds(w * LANES, LANES)]

    def load_start(tt, b):
        pltpu.async_copy(src(tt), buf[b], sem[b])

    def load_wait(tt, b):
        pltpu.make_async_copy(src(tt), buf[b], sem[b]).wait()

    load_start(0, 0)

    for tt in range(NTT):
        b = tt % 2
        load_wait(tt, b)
        if tt + 1 < NTT:
            load_start(tt + 1, 1 - b)
        pltpu.sync_copy(buf[b], out_hbm.at[tt, w])


@functools.partial(
    pl.kernel,
    out_type=jax.ShapeDtypeStruct((NT, SUB, NBT, SUB, LANES), jnp.float32),
    mesh=_mesh,
    compiler_params=pltpu.CompilerParams(
        use_tc_tiling_on_sc=False, needs_layout_passes=False),
    scratch_types=[
        pltpu.VMEM((NTT, SUB, LANES), jnp.int32),
        pltpu.VMEM((LANES, EMB), jnp.float32),
        pltpu.VMEM((LANES, EMB), jnp.float32),
        pltpu.VMEM((SUB, SUB, OBP), jnp.float32),
        pltpu.VMEM((SUB, SUB, OBP), jnp.float32),
        pltpu.SemaphoreType.DMA,
        pltpu.SemaphoreType.DMA,
        pltpu.SemaphoreType.DMA,
        pltpu.SemaphoreType.DMA,
    ],
)
def _emb_kernel(tokens_hbm, table_hbm, out_hbm, idx_v, rows0, rows1,
                ob0, ob1, gsem0, gsem1, ssem0, ssem1):
    rows = (rows0, rows1)
    ob = (ob0, ob1)
    gsem = (gsem0, gsem1)
    ssem = (ssem0, ssem1)

    w = lax.axis_index("s") * NC + lax.axis_index("c")

    pltpu.sync_copy(tokens_hbm.at[pl.ds(0, NTT), w], idx_v)

    def tok_slice(t):
        return idx_v.at[t // SUB, t % SUB]

    def gather_start(t, b):
        pltpu.async_copy(table_hbm.at[tok_slice(t)], rows[b], gsem[b])

    def gather_wait(t, b):
        pltpu.make_async_copy(
            table_hbm.at[tok_slice(t)], rows[b], gsem[b]).wait()

    def out_slice(t):
        return out_hbm.at[t, pl.ds(0, SUB), w]

    def ob_slice(b):
        return ob[b].at[pl.ds(0, SUB), pl.ds(0, SUB), pl.ds(0, LANES)]

    def store_start(t, b):
        pltpu.async_copy(ob_slice(b), out_slice(t), ssem[b])

    def store_wait(t, b):
        pltpu.make_async_copy(ob_slice(b), out_slice(t), ssem[b]).wait()

    iota = lax.iota(jnp.int32, L)
    zeros = jnp.zeros((L,), jnp.int32)
    idx_ct = tuple((iota + j * L) // SUB for j in range(EMB // L))
    idx_cs = tuple((iota + j * L) % SUB for j in range(EMB // L))

    def transpose_scale(b):
        @plsc.parallel_loop(0, LANES, unroll=8)
        def _(r):
            idx_r = zeros + r
            for j in range(EMB // L):
                v = rows[b][r, pl.ds(j * L, L)]
                plsc.store_scatter(
                    ob[b], [idx_ct[j], idx_cs[j], idx_r], v * SCALE)

    gather_start(0, 0)
    gather_start(1, 1)

    def body(g, _):
        for b in range(2):
            t = g * 2 + b

            gather_wait(t, b)

            @pl.when(t >= 2)
            def _():
                store_wait(t - 2, b)

            transpose_scale(b)
            store_start(t, b)

            @pl.when(t + 2 < NT)
            def _():
                gather_start(t + 2, b)

        return 0

    lax.fori_loop(0, NT // 2, body, 0)
    store_wait(NT - 2, 0)
    store_wait(NT - 1, 1)


def kernel(tokens, table):
    tok4 = _detile_tokens(tokens.T.astype(jnp.int32))
    out5 = _emb_kernel(tok4, table)
    return out5.transpose(2, 4, 0, 1, 3).reshape(NB, NT, EMB)

# --- scband reference (transcript-rebuilt; emitter-appended) ---
"""Pipeline reference for scband-token-embedding-27917287424653 (READ-ONLY COPY).

The authoritative reference and input builder live on the scoring server;
editing this copy changes nothing except your own understanding.
"""

import math
import jax, jax.numpy as jnp
import numpy as np

VOCAB = 1000000
EMB = 64

def setup_inputs(seed: int = 0) -> dict:
    key = jax.random.key(seed)
    k1, k2 = jax.random.split(key)
    tokens = jax.random.randint(k1, (4096, 200), 0, VOCAB, dtype=jnp.int64 if jax.config.jax_enable_x64 else jnp.int32)
    table = jax.random.normal(k2, (VOCAB, EMB), dtype=jnp.float32) * 0.02
    return {"tokens": tokens, "table": table}

def reference(tokens, table):
    emb = jnp.take(table, tokens, axis=0)
    return emb * math.sqrt(EMB)

if __name__ == "__main__":
    import jax
    _d = setup_inputs()
    print(jax.jit(kernel)(*tuple(_d.values())))

</pallas_src>

<mosaic_0001>
#map = affine_map<(d0, d1) -> (0, 0, 0, 0)>
#map1 = affine_map<(d0, d1) -> (0, 0)>
#map2 = affine_map<(d0, d1) -> (0, 0, 0, 0, 0)>
module attributes {stable_mosaic.version = 14 : i64} {
  func.func @_emb_kernel(%arg0: i32, %arg1: i32, %arg2: memref<25x32x8x128xi32, #tpu.memory_space<hbm>>, %arg3: memref<1000000x64xf32, #tpu.memory_space<hbm>>, %arg4: memref<200x8x32x8x128xf32, #tpu.memory_space<hbm>>, %arg5: memref<25x8x128xi32, #tpu.memory_space<vmem>>, %arg6: memref<128x64xf32, #tpu.memory_space<vmem>>, %arg7: memref<128x64xf32, #tpu.memory_space<vmem>>, %arg8: memref<8x8x137xf32, #tpu.memory_space<vmem>>, %arg9: memref<8x8x137xf32, #tpu.memory_space<vmem>>, %arg10: memref<!tpu.dma_semaphore, #tpu.memory_space<semaphore_mem>>, %arg11: memref<!tpu.dma_semaphore, #tpu.memory_space<semaphore_mem>>, %arg12: memref<!tpu.dma_semaphore, #tpu.memory_space<semaphore_mem>>, %arg13: memref<!tpu.dma_semaphore, #tpu.memory_space<semaphore_mem>>) attributes {dimension_semantics = [#tpu.dimension_semantics<core_parallel>, #tpu.dimension_semantics<subcore_parallel>], iteration_bounds = array<i64: 2, 16>, scalar_prefetch = 0 : i64, scratch_operands = 9 : i64, tpu.core_type = #tpu.core_type<sc_vector_subcore>, window_params = [{transform_indices = #map}, {transform_indices = #map1}, {transform_indices = #map2}]} {
    %mul3A = arith.constant 2 : i32
    %mul3A_0 = arith.muli %arg1, %mul3A : i32
    %add3A = arith.addi %mul3A_0, %arg0 : i32
    "tpu.region"() ({
      %run_scoped3A = tpu.sem_alloc : memref<!tpu.dma_semaphore, #tpu.memory_space<semaphore_mem>>
      %dma_start3A_286 = arith.constant 0 : i32
      %dma_start3A_287 = arith.constant 0 : i32
      %dma_start3A_288 = arith.constant 0 : i32
      %dma_start3A_289 = tpu.memref_slice %arg2[%dma_start3A_286, %add3A, %dma_start3A_287, %dma_start3A_288] : memref<25x32x8x128xi32, #tpu.memory_space<hbm>> -> memref<25x1x8x128xi32, #tpu.memory_space<hbm>>
      %dma_start3A_290 = tpu.memref_squeeze %dma_start3A_289 : memref<25x1x8x128xi32, #tpu.memory_space<hbm>> -> memref<25x8x128xi32, #tpu.memory_space<hbm>>
      %dma_start3A_291 = arith.constant 0 : i32
      %dma_start3A_292 = arith.constant 0 : i32
      %dma_start3A_293 = arith.constant 0 : i32
      %dma_start3A_294 = tpu.memref_slice %arg2[%dma_start3A_291, %add3A, %dma_start3A_292, %dma_start3A_293] : memref<25x32x8x128xi32, #tpu.memory_space<hbm>> -> memref<25x1x8x128xi32, #tpu.memory_space<hbm>>
      %dma_start3A_295 = tpu.memref_squeeze %dma_start3A_294 : memref<25x1x8x128xi32, #tpu.memory_space<hbm>> -> memref<25x8x128xi32, #tpu.memory_space<hbm>>
      tpu.enqueue_dma source(%dma_start3A_295 : memref<25x8x128xi32, #tpu.memory_space<hbm>>) target(%arg5 : memref<25x8x128xi32, #tpu.memory_space<vmem>>) target_semaphore(%run_scoped3A : memref<!tpu.dma_semaphore, #tpu.memory_space<semaphore_mem>>)
      %dma_wait3A_296 = arith.constant 0 : i32
      %dma_wait3A_297 = arith.constant 0 : i32
      %dma_wait3A_298 = arith.constant 0 : i32
      %dma_wait3A_299 = tpu.memref_slice %arg2[%dma_wait3A_296, %add3A, %dma_wait3A_297, %dma_wait3A_298] : memref<25x32x8x128xi32, #tpu.memory_space<hbm>> -> memref<25x1x8x128xi32, #tpu.memory_space<hbm>>
      %dma_wait3A_300 = tpu.memref_squeeze %dma_wait3A_299 : memref<25x1x8x128xi32, #tpu.memory_space<hbm>> -> memref<25x8x128xi32, #tpu.memory_space<hbm>>
      %dma_wait3A_301 = arith.constant 0 : i32
      %dma_wait3A_302 = arith.constant 0 : i32
      %dma_wait3A_303 = arith.constant 0 : i32
      %dma_wait3A_304 = tpu.memref_slice %arg2[%dma_wait3A_301, %add3A, %dma_wait3A_302, %dma_wait3A_303] : memref<25x32x8x128xi32, #tpu.memory_space<hbm>> -> memref<25x1x8x128xi32, #tpu.memory_space<hbm>>
      %dma_wait3A_305 = tpu.memref_squeeze %dma_wait3A_304 : memref<25x1x8x128xi32, #tpu.memory_space<hbm>> -> memref<25x8x128xi32, #tpu.memory_space<hbm>>
      tpu.wait_dma2 semaphore(%run_scoped3A : memref<!tpu.dma_semaphore, #tpu.memory_space<semaphore_mem>>) src(%dma_wait3A_305 : memref<25x8x128xi32, #tpu.memory_space<hbm>>) dst(%arg5 : memref<25x8x128xi32, #tpu.memory_space<vmem>>)
      tpu.yield
    }) : () -> ()
    %iota3A = tpu.iota {dimensions = array<i32: 0>} : vector<16xi32>
    %broadcast_in_dim3A = arith.constant 0 : i32
    %broadcast_in_dim3A_1 = vector.broadcast %broadcast_in_dim3A : i32 to vector<16xi32>
    %add3A_2 = arith.constant 0 : i32
    %add3A_3 = vector.broadcast %add3A_2 : i32 to vector<16xi32>
    %add3A_4 = arith.addi %iota3A, %add3A_3 : vector<16xi32>
    %jit3A = arith.constant 8 : i32
    %div3A = vector.broadcast %jit3A : i32 to vector<16xi32>
    %div3A_5 = arith.divsi %add3A_4, %div3A : vector<16xi32>
    %sign3A = arith.constant 0 : i32
    %sign3A_6 = vector.broadcast %sign3A : i32 to vector<16xi32>
    %sign3A_7 = arith.cmpi sgt, %add3A_4, %sign3A_6 : vector<16xi32>
    %sign3A_8 = arith.extui %sign3A_7 : vector<16xi1> to vector<16xi32>
    %sign3A_9 = arith.constant 0 : i32
    %sign3A_10 = vector.broadcast %sign3A_9 : i32 to vector<16xi32>
    %sign3A_11 = arith.cmpi slt, %add3A_4, %sign3A_10 : vector<16xi32>
    %sign3A_12 = arith.extui %sign3A_11 : vector<16xi1> to vector<16xi32>
    %sign3A_13 = arith.subi %sign3A_8, %sign3A_12 : vector<16xi32>
    %sign3A_14 = arith.constant 0 : i32
    %sign3A_15 = arith.cmpi sgt, %jit3A, %sign3A_14 : i32
    %sign3A_16 = arith.extui %sign3A_15 : i1 to i32
    %sign3A_17 = arith.constant 0 : i32
    %sign3A_18 = arith.cmpi slt, %jit3A, %sign3A_17 : i32
    %sign3A_19 = arith.extui %sign3A_18 : i1 to i32
    %sign3A_20 = arith.subi %sign3A_16, %sign3A_19 : i32
    %ne3A = vector.broadcast %sign3A_20 : i32 to vector<16xi32>
    %ne3A_21 = arith.cmpi ne, %sign3A_13, %ne3A : vector<16xi32>
    %rem3A = vector.broadcast %jit3A : i32 to vector<16xi32>
    %rem3A_22 = arith.remsi %add3A_4, %rem3A : vector<16xi32>
    %ne3A_23 = arith.constant 0 : i32
    %ne3A_24 = vector.broadcast %ne3A_23 : i32 to vector<16xi32>
    %ne3A_25 = arith.cmpi ne, %rem3A_22, %ne3A_24 : vector<16xi32>
    %and3A = arith.andi %ne3A_21, %ne3A_25 : vector<16xi1>
    %sub3A = arith.constant 1 : i32
    %sub3A_26 = vector.broadcast %sub3A : i32 to vector<16xi32>
    %sub3A_27 = arith.subi %div3A_5, %sub3A_26 : vector<16xi32>
    %select_n3A = arith.select %and3A, %sub3A_27, %div3A_5 : vector<16xi1>, vector<16xi32>
    %add3A_28 = arith.constant 16 : i32
    %add3A_29 = vector.broadcast %add3A_28 : i32 to vector<16xi32>
    %add3A_30 = arith.addi %iota3A, %add3A_29 : vector<16xi32>
    %jit3A_31 = arith.constant 8 : i32
    %div3A_32 = vector.broadcast %jit3A_31 : i32 to vector<16xi32>
    %div3A_33 = arith.divsi %add3A_30, %div3A_32 : vector<16xi32>
    %sign3A_34 = arith.constant 0 : i32
    %sign3A_35 = vector.broadcast %sign3A_34 : i32 to vector<16xi32>
    %sign3A_36 = arith.cmpi sgt, %add3A_30, %sign3A_35 : vector<16xi32>
    %sign3A_37 = arith.extui %sign3A_36 : vector<16xi1> to vector<16xi32>
    %sign3A_38 = arith.constant 0 : i32
    %sign3A_39 = vector.broadcast %sign3A_38 : i32 to vector<16xi32>
    %sign3A_40 = arith.cmpi slt, %add3A_30, %sign3A_39 : vector<16xi32>
    %sign3A_41 = arith.extui %sign3A_40 : vector<16xi1> to vector<16xi32>
    %sign3A_42 = arith.subi %sign3A_37, %sign3A_41 : vector<16xi32>
    %sign3A_43 = arith.constant 0 : i32
    %sign3A_44 = arith.cmpi sgt, %jit3A_31, %sign3A_43 : i32
    %sign3A_45 = arith.extui %sign3A_44 : i1 to i32
    %sign3A_46 = arith.constant 0 : i32
    %sign3A_47 = arith.cmpi slt, %jit3A_31, %sign3A_46 : i32
    %sign3A_48 = arith.extui %sign3A_47 : i1 to i32
    %sign3A_49 = arith.subi %sign3A_45, %sign3A_48 : i32
    %ne3A_50 = vector.broadcast %sign3A_49 : i32 to vector<16xi32>
    %ne3A_51 = arith.cmpi ne, %sign3A_42, %ne3A_50 : vector<16xi32>
    %rem3A_52 = vector.broadcast %jit3A_31 : i32 to vector<16xi32>
    %rem3A_53 = arith.remsi %add3A_30, %rem3A_52 : vector<16xi32>
    %ne3A_54 = arith.constant 0 : i32
    %ne3A_55 = vector.broadcast %ne3A_54 : i32 to vector<16xi32>
    %ne3A_56 = arith.cmpi ne, %rem3A_53, %ne3A_55 : vector<16xi32>
    %and3A_57 = arith.andi %ne3A_51, %ne3A_56 : vector<16xi1>
    %sub3A_58 = arith.constant 1 : i32
    %sub3A_59 = vector.broadcast %sub3A_58 : i32 to vector<16xi32>
    %sub3A_60 = arith.subi %div3A_33, %sub3A_59 : vector<16xi32>
    %select_n3A_61 = arith.select %and3A_57, %sub3A_60, %div3A_33 : vector<16xi1>, vector<16xi32>
    %add3A_62 = arith.constant 32 : i32
    %add3A_63 = vector.broadcast %add3A_62 : i32 to vector<16xi32>
    %add3A_64 = arith.addi %iota3A, %add3A_63 : vector<16xi32>
    %jit3A_65 = arith.constant 8 : i32
    %div3A_66 = vector.broadcast %jit3A_65 : i32 to vector<16xi32>
    %div3A_67 = arith.divsi %add3A_64, %div3A_66 : vector<16xi32>
    %sign3A_68 = arith.constant 0 : i32
    %sign3A_69 = vector.broadcast %sign3A_68 : i32 to vector<16xi32>
    %sign3A_70 = arith.cmpi sgt, %add3A_64, %sign3A_69 : vector<16xi32>
    %sign3A_71 = arith.extui %sign3A_70 : vector<16xi1> to vector<16xi32>
    %sign3A_72 = arith.constant 0 : i32
    %sign3A_73 = vector.broadcast %sign3A_72 : i32 to vector<16xi32>
    %sign3A_74 = arith.cmpi slt, %add3A_64, %sign3A_73 : vector<16xi32>
    %sign3A_75 = arith.extui %sign3A_74 : vector<16xi1> to vector<16xi32>
    %sign3A_76 = arith.subi %sign3A_71, %sign3A_75 : vector<16xi32>
    %sign3A_77 = arith.constant 0 : i32
    %sign3A_78 = arith.cmpi sgt, %jit3A_65, %sign3A_77 : i32
    %sign3A_79 = arith.extui %sign3A_78 : i1 to i32
    %sign3A_80 = arith.constant 0 : i32
    %sign3A_81 = arith.cmpi slt, %jit3A_65, %sign3A_80 : i32
    %sign3A_82 = arith.extui %sign3A_81 : i1 to i32
    %sign3A_83 = arith.subi %sign3A_79, %sign3A_82 : i32
    %ne3A_84 = vector.broadcast %sign3A_83 : i32 to vector<16xi32>
    %ne3A_85 = arith.cmpi ne, %sign3A_76, %ne3A_84 : vector<16xi32>
    %rem3A_86 = vector.broadcast %jit3A_65 : i32 to vector<16xi32>
    %rem3A_87 = arith.remsi %add3A_64, %rem3A_86 : vector<16xi32>
    %ne3A_88 = arith.constant 0 : i32
    %ne3A_89 = vector.broadcast %ne3A_88 : i32 to vector<16xi32>
    %ne3A_90 = arith.cmpi ne, %rem3A_87, %ne3A_89 : vector<16xi32>
    %and3A_91 = arith.andi %ne3A_85, %ne3A_90 : vector<16xi1>
    %sub3A_92 = arith.constant 1 : i32
    %sub3A_93 = vector.broadcast %sub3A_92 : i32 to vector<16xi32>
    %sub3A_94 = arith.subi %div3A_67, %sub3A_93 : vector<16xi32>
    %select_n3A_95 = arith.select %and3A_91, %sub3A_94, %div3A_67 : vector<16xi1>, vector<16xi32>
    %add3A_96 = arith.constant 48 : i32
    %add3A_97 = vector.broadcast %add3A_96 : i32 to vector<16xi32>
    %add3A_98 = arith.addi %iota3A, %add3A_97 : vector<16xi32>
    %jit3A_99 = arith.constant 8 : i32
    %div3A_100 = vector.broadcast %jit3A_99 : i32 to vector<16xi32>
    %div3A_101 = arith.divsi %add3A_98, %div3A_100 : vector<16xi32>
    %sign3A_102 = arith.constant 0 : i32
    %sign3A_103 = vector.broadcast %sign3A_102 : i32 to vector<16xi32>
    %sign3A_104 = arith.cmpi sgt, %add3A_98, %sign3A_103 : vector<16xi32>
    %sign3A_105 = arith.extui %sign3A_104 : vector<16xi1> to vector<16xi32>
    %sign3A_106 = arith.constant 0 : i32
    %sign3A_107 = vector.broadcast %sign3A_106 : i32 to vector<16xi32>
    %sign3A_108 = arith.cmpi slt, %add3A_98, %sign3A_107 : vector<16xi32>
    %sign3A_109 = arith.extui %sign3A_108 : vector<16xi1> to vector<16xi32>
    %sign3A_110 = arith.subi %sign3A_105, %sign3A_109 : vector<16xi32>
    %sign3A_111 = arith.constant 0 : i32
    %sign3A_112 = arith.cmpi sgt, %jit3A_99, %sign3A_111 : i32
    %sign3A_113 = arith.extui %sign3A_112 : i1 to i32
    %sign3A_114 = arith.constant 0 : i32
    %sign3A_115 = arith.cmpi slt, %jit3A_99, %sign3A_114 : i32
    %sign3A_116 = arith.extui %sign3A_115 : i1 to i32
    %sign3A_117 = arith.subi %sign3A_113, %sign3A_116 : i32
    %ne3A_118 = vector.broadcast %sign3A_117 : i32 to vector<16xi32>
    %ne3A_119 = arith.cmpi ne, %sign3A_110, %ne3A_118 : vector<16xi32>
    %rem3A_120 = vector.broadcast %jit3A_99 : i32 to vector<16xi32>
    %rem3A_121 = arith.remsi %add3A_98, %rem3A_120 : vector<16xi32>
    %ne3A_122 = arith.constant 0 : i32
    %ne3A_123 = vector.broadcast %ne3A_122 : i32 to vector<16xi32>
    %ne3A_124 = arith.cmpi ne, %rem3A_121, %ne3A_123 : vector<16xi32>
    %and3A_125 = arith.andi %ne3A_119, %ne3A_124 : vector<16xi1>
    %sub3A_126 = arith.constant 1 : i32
    %sub3A_127 = vector.broadcast %sub3A_126 : i32 to vector<16xi32>
    %sub3A_128 = arith.subi %div3A_101, %sub3A_127 : vector<16xi32>
    %select_n3A_129 = arith.select %and3A_125, %sub3A_128, %div3A_101 : vector<16xi1>, vector<16xi32>
    %add3A_130 = arith.constant 0 : i32
    %add3A_131 = vector.broadcast %add3A_130 : i32 to vector<16xi32>
    %add3A_132 = arith.addi %iota3A, %add3A_131 : vector<16xi32>
    %jit3A_133 = arith.constant 8 : i32
    %eq3A = arith.constant 0 : i32
    %eq3A_134 = arith.cmpi eq, %jit3A_133, %eq3A : i32
    %jit3A_135 = arith.constant 1 : i32
    %select_n3A_136 = arith.select %eq3A_134, %jit3A_135, %jit3A_133 : i32
    %rem3A_137 = vector.broadcast %select_n3A_136 : i32 to vector<16xi32>
    %rem3A_138 = arith.remsi %add3A_132, %rem3A_137 : vector<16xi32>
    %ne3A_139 = arith.constant 0 : i32
    %ne3A_140 = vector.broadcast %ne3A_139 : i32 to vector<16xi32>
    %ne3A_141 = arith.cmpi ne, %rem3A_138, %ne3A_140 : vector<16xi32>
    %lt3A = arith.constant 0 : i32
    %lt3A_142 = vector.broadcast %lt3A : i32 to vector<16xi32>
    %lt3A_143 = arith.cmpi slt, %rem3A_138, %lt3A_142 : vector<16xi32>
    %lt3A_144 = arith.constant 0 : i32
    %lt3A_145 = arith.cmpi slt, %select_n3A_136, %lt3A_144 : i32
    %ne3A_146 = vector.broadcast %lt3A_145 : i1 to vector<16xi1>
    %ne3A_147 = vector.broadcast %ne3A_146 : vector<16xi1> to vector<16xi1>
    %ne3A_148 = arith.xori %lt3A_143, %ne3A_147 : vector<16xi1>
    %and3A_149 = arith.andi %ne3A_148, %ne3A_141 : vector<16xi1>
    %add3A_150 = vector.broadcast %select_n3A_136 : i32 to vector<16xi32>
    %add3A_151 = arith.addi %rem3A_138, %add3A_150 : vector<16xi32>
    %select_n3A_152 = arith.select %and3A_149, %add3A_151, %rem3A_138 : vector<16xi1>, vector<16xi32>
    %add3A_153 = arith.constant 16 : i32
    %add3A_154 = vector.broadcast %add3A_153 : i32 to vector<16xi32>
    %add3A_155 = arith.addi %iota3A, %add3A_154 : vector<16xi32>
    %jit3A_156 = arith.constant 8 : i32
    %eq3A_157 = arith.constant 0 : i32
    %eq3A_158 = arith.cmpi eq, %jit3A_156, %eq3A_157 : i32
    %jit3A_159 = arith.constant 1 : i32
    %select_n3A_160 = arith.select %eq3A_158, %jit3A_159, %jit3A_156 : i32
    %rem3A_161 = vector.broadcast %select_n3A_160 : i32 to vector<16xi32>
    %rem3A_162 = arith.remsi %add3A_155, %rem3A_161 : vector<16xi32>
    %ne3A_163 = arith.constant 0 : i32
    %ne3A_164 = vector.broadcast %ne3A_163 : i32 to vector<16xi32>
    %ne3A_165 = arith.cmpi ne, %rem3A_162, %ne3A_164 : vector<16xi32>
    %lt3A_166 = arith.constant 0 : i32
    %lt3A_167 = vector.broadcast %lt3A_166 : i32 to vector<16xi32>
    %lt3A_168 = arith.cmpi slt, %rem3A_162, %lt3A_167 : vector<16xi32>
    %lt3A_169 = arith.constant 0 : i32
    %lt3A_170 = arith.cmpi slt, %select_n3A_160, %lt3A_169 : i32
    %ne3A_171 = vector.broadcast %lt3A_170 : i1 to vector<16xi1>
    %ne3A_172 = vector.broadcast %ne3A_171 : vector<16xi1> to vector<16xi1>
    %ne3A_173 = arith.xori %lt3A_168, %ne3A_172 : vector<16xi1>
    %and3A_174 = arith.andi %ne3A_173, %ne3A_165 : vector<16xi1>
    %add3A_175 = vector.broadcast %select_n3A_160 : i32 to vector<16xi32>
    %add3A_176 = arith.addi %rem3A_162, %add3A_175 : vector<16xi32>
    %select_n3A_177 = arith.select %and3A_174, %add3A_176, %rem3A_162 : vector<16xi1>, vector<16xi32>
    %add3A_178 = arith.constant 32 : i32
    %add3A_179 = vector.broadcast %add3A_178 : i32 to vector<16xi32>
    %add3A_180 = arith.addi %iota3A, %add3A_179 : vector<16xi32>
    %jit3A_181 = arith.constant 8 : i32
    %eq3A_182 = arith.constant 0 : i32
    %eq3A_183 = arith.cmpi eq, %jit3A_181, %eq3A_182 : i32
    %jit3A_184 = arith.constant 1 : i32
    %select_n3A_185 = arith.select %eq3A_183, %jit3A_184, %jit3A_181 : i32
    %rem3A_186 = vector.broadcast %select_n3A_185 : i32 to vector<16xi32>
    %rem3A_187 = arith.remsi %add3A_180, %rem3A_186 : vector<16xi32>
    %ne3A_188 = arith.constant 0 : i32
    %ne3A_189 = vector.broadcast %ne3A_188 : i32 to vector<16xi32>
    %ne3A_190 = arith.cmpi ne, %rem3A_187, %ne3A_189 : vector<16xi32>
    %lt3A_191 = arith.constant 0 : i32
    %lt3A_192 = vector.broadcast %lt3A_191 : i32 to vector<16xi32>
    %lt3A_193 = arith.cmpi slt, %rem3A_187, %lt3A_192 : vector<16xi32>
    %lt3A_194 = arith.constant 0 : i32
    %lt3A_195 = arith.cmpi slt, %select_n3A_185, %lt3A_194 : i32
    %ne3A_196 = vector.broadcast %lt3A_195 : i1 to vector<16xi1>
    %ne3A_197 = vector.broadcast %ne3A_196 : vector<16xi1> to vector<16xi1>
    %ne3A_198 = arith.xori %lt3A_193, %ne3A_197 : vector<16xi1>
    %and3A_199 = arith.andi %ne3A_198, %ne3A_190 : vector<16xi1>
    %add3A_200 = vector.broadcast %select_n3A_185 : i32 to vector<16xi32>
    %add3A_201 = arith.addi %rem3A_187, %add3A_200 : vector<16xi32>
    %select_n3A_202 = arith.select %and3A_199, %add3A_201, %rem3A_187 : vector<16xi1>, vector<16xi32>
    %add3A_203 = arith.constant 48 : i32
    %add3A_204 = vector.broadcast %add3A_203 : i32 to vector<16xi32>
    %add3A_205 = arith.addi %iota3A, %add3A_204 : vector<16xi32>
    %jit3A_206 = arith.constant 8 : i32
    %eq3A_207 = arith.constant 0 : i32
    %eq3A_208 = arith.cmpi eq, %jit3A_206, %eq3A_207 : i32
    %jit3A_209 = arith.constant 1 : i32
    %select_n3A_210 = arith.select %eq3A_208, %jit3A_209, %jit3A_206 : i32
    %rem3A_211 = vector.broadcast %select_n3A_210 : i32 to vector<16xi32>
    %rem3A_212 = arith.remsi %add3A_205, %rem3A_211 : vector<16xi32>
    %ne3A_213 = arith.constant 0 : i32
    %ne3A_214 = vector.broadcast %ne3A_213 : i32 to vector<16xi32>
    %ne3A_215 = arith.cmpi ne, %rem3A_212, %ne3A_214 : vector<16xi32>
    %lt3A_216 = arith.constant 0 : i32
    %lt3A_217 = vector.broadcast %lt3A_216 : i32 to vector<16xi32>
    %lt3A_218 = arith.cmpi slt, %rem3A_212, %lt3A_217 : vector<16xi32>
    %lt3A_219 = arith.constant 0 : i32
    %lt3A_220 = arith.cmpi slt, %select_n3A_210, %lt3A_219 : i32
    %ne3A_221 = vector.broadcast %lt3A_220 : i1 to vector<16xi1>
    %ne3A_222 = vector.broadcast %ne3A_221 : vector<16xi1> to vector<16xi1>
    %ne3A_223 = arith.xori %lt3A_218, %ne3A_222 : vector<16xi1>
    %and3A_224 = arith.andi %ne3A_223, %ne3A_215 : vector<16xi1>
    %add3A_225 = vector.broadcast %select_n3A_210 : i32 to vector<16xi32>
    %add3A_226 = arith.addi %rem3A_212, %add3A_225 : vector<16xi32>
    %select_n3A_227 = arith.select %and3A_224, %add3A_226, %rem3A_212 : vector<16xi1>, vector<16xi32>
    %dma_start3A = arith.constant 0 : i32
    %dma_start3A_228 = arith.constant 0 : i32
    %dma_start3A_229 = arith.constant 0 : i32
    %dma_start3A_230 = tpu.memref_slice %arg5[%dma_start3A, %dma_start3A_228, %dma_start3A_229] : memref<25x8x128xi32, #tpu.memory_space<vmem>> -> memref<1x1x128xi32, #tpu.memory_space<vmem>>
    %dma_start3A_231 = tpu.memref_squeeze %dma_start3A_230 : memref<1x1x128xi32, #tpu.memory_space<vmem>> -> memref<128xi32, #tpu.memory_space<vmem>>
    %dma_start3A_232 = arith.constant 0 : i32
    %dma_start3A_233 = arith.constant 0 : i32
    %dma_start3A_234 = tpu.memref_slice %arg3[%dma_start3A_232, %dma_start3A_233] : memref<1000000x64xf32, #tpu.memory_space<hbm>> -> memref<1000000x64xf32, #tpu.memory_space<hbm>>
    tpu.enqueue_indirect_dma source(%dma_start3A_234 : memref<1000000x64xf32, #tpu.memory_space<hbm>>) target(%arg6 : memref<128x64xf32, #tpu.memory_space<vmem>>) offsets(%dma_start3A_231 : memref<128xi32, #tpu.memory_space<vmem>>) semaphore(%arg10 : memref<!tpu.dma_semaphore, #tpu.memory_space<semaphore_mem>>)
    %dma_start3A_235 = arith.constant 0 : i32
    %dma_start3A_236 = arith.constant 1 : i32
    %dma_start3A_237 = arith.constant 0 : i32
    %dma_start3A_238 = tpu.memref_slice %arg5[%dma_start3A_235, %dma_start3A_236, %dma_start3A_237] : memref<25x8x128xi32, #tpu.memory_space<vmem>> -> memref<1x1x128xi32, #tpu.memory_space<vmem>>
    %dma_start3A_239 = tpu.memref_squeeze %dma_start3A_238 : memref<1x1x128xi32, #tpu.memory_space<vmem>> -> memref<128xi32, #tpu.memory_space<vmem>>
    %dma_start3A_240 = arith.constant 0 : i32
    %dma_start3A_241 = arith.constant 0 : i32
    %dma_start3A_242 = tpu.memref_slice %arg3[%dma_start3A_240, %dma_start3A_241] : memref<1000000x64xf32, #tpu.memory_space<hbm>> -> memref<1000000x64xf32, #tpu.memory_space<hbm>>
    tpu.enqueue_indirect_dma source(%dma_start3A_242 : memref<1000000x64xf32, #tpu.memory_space<hbm>>) target(%arg7 : memref<128x64xf32, #tpu.memory_space<vmem>>) offsets(%dma_start3A_239 : memref<128xi32, #tpu.memory_space<vmem>>) semaphore(%arg11 : memref<!tpu.dma_semaphore, #tpu.memory_space<semaphore_mem>>)
    %scan3A = arith.constant 0 : i32
    %scan3A_243 = arith.constant 0 : i32
    %scan3A_244 = arith.constant 100 : i32
    %scan3A_245 = arith.addi %scan3A_243, %scan3A_244 : i32
    %scan3A_246 = arith.constant 1 : i32
    %scan3A_247 = scf.for %scan3A_286 = %scan3A_243 to %scan3A_245 step %scan3A_246 iter_args(%scan3A_287 = %scan3A) -> (i32)  : i32 {
      %mul3A_288 = arith.constant 2 : i32
      %mul3A_289 = arith.muli %scan3A_286, %mul3A_288 : i32
      %add3A_290 = arith.constant 0 : i32
      %add3A_291 = arith.addi %mul3A_289, %add3A_290 : i32
      %jit3A_292 = arith.constant 8 : i32
      %div3A_293 = arith.divsi %add3A_291, %jit3A_292 : i32
      %sign3A_294 = arith.constant 0 : i32
      %sign3A_295 = arith.cmpi sgt, %add3A_291, %sign3A_294 : i32
      %sign3A_296 = arith.extui %sign3A_295 : i1 to i32
      %sign3A_297 = arith.constant 0 : i32
      %sign3A_298 = arith.cmpi slt, %add3A_291, %sign3A_297 : i32
      %sign3A_299 = arith.extui %sign3A_298 : i1 to i32
      %sign3A_300 = arith.subi %sign3A_296, %sign3A_299 : i32
      %sign3A_301 = arith.constant 0 : i32
      %sign3A_302 = arith.cmpi sgt, %jit3A_292, %sign3A_301 : i32
      %sign3A_303 = arith.extui %sign3A_302 : i1 to i32
      %sign3A_304 = arith.constant 0 : i32
      %sign3A_305 = arith.cmpi slt, %jit3A_292, %sign3A_304 : i32
      %sign3A_306 = arith.extui %sign3A_305 : i1 to i32
      %sign3A_307 = arith.subi %sign3A_303, %sign3A_306 : i32
      %ne3A_308 = arith.cmpi ne, %sign3A_300, %sign3A_307 : i32
      %rem3A_309 = arith.remsi %add3A_291, %jit3A_292 : i32
      %ne3A_310 = arith.constant 0 : i32
      %ne3A_311 = arith.cmpi ne, %rem3A_309, %ne3A_310 : i32
      %and3A_312 = arith.andi %ne3A_308, %ne3A_311 : i1
      %sub3A_313 = arith.constant 1 : i32
      %sub3A_314 = arith.subi %div3A_293, %sub3A_313 : i32
      %select_n3A_315 = arith.select %and3A_312, %sub3A_314, %div3A_293 : i32
      %jit3A_316 = arith.constant 8 : i32
      %eq3A_317 = arith.constant 0 : i32
      %eq3A_318 = arith.cmpi eq, %jit3A_316, %eq3A_317 : i32
      %jit3A_319 = arith.constant 1 : i32
      %select_n3A_320 = arith.select %eq3A_318, %jit3A_319, %jit3A_316 : i32
      %rem3A_321 = arith.remsi %add3A_291, %select_n3A_320 : i32
      %ne3A_322 = arith.constant 0 : i32
      %ne3A_323 = arith.cmpi ne, %rem3A_321, %ne3A_322 : i32
      %lt3A_324 = arith.constant 0 : i32
      %lt3A_325 = arith.cmpi slt, %rem3A_321, %lt3A_324 : i32
      %lt3A_326 = arith.constant 0 : i32
      %lt3A_327 = arith.cmpi slt, %select_n3A_320, %lt3A_326 : i32
      %ne3A_328 = arith.xori %lt3A_325, %lt3A_327 : i1
      %and3A_329 = arith.andi %ne3A_328, %ne3A_323 : i1
      %add3A_330 = arith.addi %rem3A_321, %select_n3A_320 : i32
      %select_n3A_331 = arith.select %and3A_329, %add3A_330, %rem3A_321 : i32
      %dma_wait3A_332 = arith.constant 0 : i32
      %dma_wait3A_333 = tpu.memref_slice %arg5[%select_n3A_315, %select_n3A_331, %dma_wait3A_332] : memref<25x8x128xi32, #tpu.memory_space<vmem>> -> memref<1x1x128xi32, #tpu.memory_space<vmem>>
      %dma_wait3A_334 = tpu.memref_squeeze %dma_wait3A_333 : memref<1x1x128xi32, #tpu.memory_space<vmem>> -> memref<128xi32, #tpu.memory_space<vmem>>
      %dma_wait3A_335 = arith.constant 0 : i32
      %dma_wait3A_336 = arith.constant 0 : i32
      %dma_wait3A_337 = tpu.memref_slice %arg3[%dma_wait3A_335, %dma_wait3A_336] : memref<1000000x64xf32, #tpu.memory_space<hbm>> -> memref<1000000x64xf32, #tpu.memory_space<hbm>>
      tpu.wait_indirect_dma semaphore(%arg10 : memref<!tpu.dma_semaphore, #tpu.memory_space<semaphore_mem>>) src(%dma_wait3A_337 : memref<1000000x64xf32, #tpu.memory_space<hbm>>) dst(%arg6 : memref<128x64xf32, #tpu.memory_space<vmem>>)
      %ge3A = arith.constant 2 : i32
      %ge3A_338 = arith.cmpi sge, %add3A_291, %ge3A : i32
      %convert_element_type3A = arith.extui %ge3A_338 : i1 to i32
      %cond3A = arith.constant 0 : i32
      %cond3A_339 = arith.cmpi ne, %convert_element_type3A, %cond3A : i32
      scf.if %cond3A_339 {
        %sub3A_451 = arith.constant 2 : i32
        %sub3A_452 = arith.subi %add3A_291, %sub3A_451 : i32
        %dma_wait3A_453 = arith.constant 0 : i32
        %dma_wait3A_454 = arith.constant 0 : i32
        %dma_wait3A_455 = arith.constant 0 : i32
        %dma_wait3A_456 = tpu.memref_slice %arg8[%dma_wait3A_453, %dma_wait3A_454, %dma_wait3A_455] : memref<8x8x137xf32, #tpu.memory_space<vmem>> -> memref<8x8x128xf32, #tpu.memory_space<vmem>>
        %dma_wait3A_457 = arith.constant 0 : i32
        %dma_wait3A_458 = arith.constant 0 : i32
        %dma_wait3A_459 = arith.constant 0 : i32
        %dma_wait3A_460 = tpu.memref_slice %arg4[%sub3A_452, %dma_wait3A_457, %add3A, %dma_wait3A_458, %dma_wait3A_459] : memref<200x8x32x8x128xf32, #tpu.memory_space<hbm>> -> memref<1x8x1x8x128xf32, #tpu.memory_space<hbm>>
        %dma_wait3A_461 = tpu.memref_squeeze %dma_wait3A_460 : memref<1x8x1x8x128xf32, #tpu.memory_space<hbm>> -> memref<8x8x128xf32, #tpu.memory_space<hbm>>
        %dma_wait3A_462 = arith.constant 0 : i32
        %dma_wait3A_463 = arith.constant 0 : i32
        %dma_wait3A_464 = arith.constant 0 : i32
        %dma_wait3A_465 = tpu.memref_slice %arg4[%sub3A_452, %dma_wait3A_462, %add3A, %dma_wait3A_463, %dma_wait3A_464] : memref<200x8x32x8x128xf32, #tpu.memory_space<hbm>> -> memref<1x8x1x8x128xf32, #tpu.memory_space<hbm>>
        %dma_wait3A_466 = tpu.memref_squeeze %dma_wait3A_465 : memref<1x8x1x8x128xf32, #tpu.memory_space<hbm>> -> memref<8x8x128xf32, #tpu.memory_space<hbm>>
        %dma_wait3A_467 = arith.constant 0 : i32
        %dma_wait3A_468 = arith.constant 0 : i32
        %dma_wait3A_469 = arith.constant 0 : i32
        %dma_wait3A_470 = tpu.memref_slice %arg8[%dma_wait3A_467, %dma_wait3A_468, %dma_wait3A_469] : memref<8x8x137xf32, #tpu.memory_space<vmem>> -> memref<8x8x128xf32, #tpu.memory_space<vmem>>
        tpu.wait_dma2 semaphore(%arg12 : memref<!tpu.dma_semaphore, #tpu.memory_space<semaphore_mem>>) src(%dma_wait3A_470 : memref<8x8x128xf32, #tpu.memory_space<vmem>>) dst(%dma_wait3A_466 : memref<8x8x128xf32, #tpu.memory_space<hbm>>)
      } else {
      }
      %parallel_loop3A = arith.constant 0 : i32
      %parallel_loop3A_340 = arith.constant 128 : i32
      %parallel_loop3A_341 = arith.constant 1 : i32
      scf.for %parallel_loop3A_451 = %parallel_loop3A to %parallel_loop3A_340 step %parallel_loop3A_341  : i32 {
        %parallel_loop3A_452 = vector.broadcast %parallel_loop3A_451 : i32 to vector<16xi32>
        %parallel_loop3A_453 = arith.addi %broadcast_in_dim3A_1, %parallel_loop3A_452 : vector<16xi32>
        %parallel_loop3A_454 = arith.index_cast %parallel_loop3A_451 : i32 to index
        %parallel_loop3A_455 = arith.constant 0 : index
        %parallel_loop3A_456 = tpu.vector_load %arg6[%parallel_loop3A_454, %parallel_loop3A_455] {strides = array<i32>} : memref<128x64xf32, #tpu.memory_space<vmem>>, vector<16xf32>,
        %parallel_loop3A_457 = arith.constant 8.000000e+00 : f32
        %parallel_loop3A_458 = vector.broadcast %parallel_loop3A_457 : f32 to vector<16xf32>
        %parallel_loop3A_459 = arith.mulf %parallel_loop3A_456, %parallel_loop3A_458 : vector<16xf32>
        tpu.vector_store_idx %arg8[%select_n3A, %select_n3A_152, %parallel_loop3A_453], %parallel_loop3A_459 : memref<8x8x137xf32, #tpu.memory_space<vmem>>[vector<16xi32>, vector<16xi32>, vector<16xi32>], vector<16xf32>,
        %parallel_loop3A_460 = arith.index_cast %parallel_loop3A_451 : i32 to index
        %parallel_loop3A_461 = arith.constant 16 : index
        %parallel_loop3A_462 = tpu.vector_load %arg6[%parallel_loop3A_460, %parallel_loop3A_461] {strides = array<i32>} : memref<128x64xf32, #tpu.memory_space<vmem>>, vector<16xf32>,
        %parallel_loop3A_463 = arith.constant 8.000000e+00 : f32
        %parallel_loop3A_464 = vector.broadcast %parallel_loop3A_463 : f32 to vector<16xf32>
        %parallel_loop3A_465 = arith.mulf %parallel_loop3A_462, %parallel_loop3A_464 : vector<16xf32>
        tpu.vector_store_idx %arg8[%select_n3A_61, %select_n3A_177, %parallel_loop3A_453], %parallel_loop3A_465 : memref<8x8x137xf32, #tpu.memory_space<vmem>>[vector<16xi32>, vector<16xi32>, vector<16xi32>], vector<16xf32>,
        %parallel_loop3A_466 = arith.index_cast %parallel_loop3A_451 : i32 to index
        %parallel_loop3A_467 = arith.constant 32 : index
        %parallel_loop3A_468 = tpu.vector_load %arg6[%parallel_loop3A_466, %parallel_loop3A_467] {strides = array<i32>} : memref<128x64xf32, #tpu.memory_space<vmem>>, vector<16xf32>,
        %parallel_loop3A_469 = arith.constant 8.000000e+00 : f32
        %parallel_loop3A_470 = vector.broadcast %parallel_loop3A_469 : f32 to vector<16xf32>
        %parallel_loop3A_471 = arith.mulf %parallel_loop3A_468, %parallel_loop3A_470 : vector<16xf32>
        tpu.vector_store_idx %arg8[%select_n3A_95, %select_n3A_202, %parallel_loop3A_453], %parallel_loop3A_471 : memref<8x8x137xf32, #tpu.memory_space<vmem>>[vector<16xi32>, vector<16xi32>, vector<16xi32>], vector<16xf32>,
        %parallel_loop3A_472 = arith.index_cast %parallel_loop3A_451 : i32 to index
        %parallel_loop3A_473 = arith.constant 48 : index
        %parallel_loop3A_474 = tpu.vector_load %arg6[%parallel_loop3A_472, %parallel_loop3A_473] {strides = array<i32>} : memref<128x64xf32, #tpu.memory_space<vmem>>, vector<16xf32>,
        %parallel_loop3A_475 = arith.constant 8.000000e+00 : f32
        %parallel_loop3A_476 = vector.broadcast %parallel_loop3A_475 : f32 to vector<16xf32>
        %parallel_loop3A_477 = arith.mulf %parallel_loop3A_474, %parallel_loop3A_476 : vector<16xf32>
        tpu.vector_store_idx %arg8[%select_n3A_129, %select_n3A_227, %parallel_loop3A_453], %parallel_loop3A_477 : memref<8x8x137xf32, #tpu.memory_space<vmem>>[vector<16xi32>, vector<16xi32>, vector<16xi32>], vector<16xf32>,
      } {sc.loop_unroll_factor = 8 : i64, sc.parallel_access}
      %dma_start3A_342 = arith.constant 0 : i32
      %dma_start3A_343 = arith.constant 0 : i32
      %dma_start3A_344 = arith.constant 0 : i32
      %dma_start3A_345 = tpu.memref_slice %arg8[%dma_start3A_342, %dma_start3A_343, %dma_start3A_344] : memref<8x8x137xf32, #tpu.memory_space<vmem>> -> memref<8x8x128xf32, #tpu.memory_space<vmem>>
      %dma_start3A_346 = arith.constant 0 : i32
      %dma_start3A_347 = arith.constant 0 : i32
      %dma_start3A_348 = arith.constant 0 : i32
      %dma_start3A_349 = tpu.memref_slice %arg4[%add3A_291, %dma_start3A_346, %add3A, %dma_start3A_347, %dma_start3A_348] : memref<200x8x32x8x128xf32, #tpu.memory_space<hbm>> -> memref<1x8x1x8x128xf32, #tpu.memory_space<hbm>>
      %dma_start3A_350 = tpu.memref_squeeze %dma_start3A_349 : memref<1x8x1x8x128xf32, #tpu.memory_space<hbm>> -> memref<8x8x128xf32, #tpu.memory_space<hbm>>
      %dma_start3A_351 = arith.constant 0 : i32
      %dma_start3A_352 = arith.constant 0 : i32
      %dma_start3A_353 = arith.constant 0 : i32
      %dma_start3A_354 = tpu.memref_slice %arg4[%add3A_291, %dma_start3A_351, %add3A, %dma_start3A_352, %dma_start3A_353] : memref<200x8x32x8x128xf32, #tpu.memory_space<hbm>> -> memref<1x8x1x8x128xf32, #tpu.memory_space<hbm>>
      %dma_start3A_355 = tpu.memref_squeeze %dma_start3A_354 : memref<1x8x1x8x128xf32, #tpu.memory_space<hbm>> -> memref<8x8x128xf32, #tpu.memory_space<hbm>>
      %dma_start3A_356 = arith.constant 0 : i32
      %dma_start3A_357 = arith.constant 0 : i32
      %dma_start3A_358 = arith.constant 0 : i32
      %dma_start3A_359 = tpu.memref_slice %arg8[%dma_start3A_356, %dma_start3A_357, %dma_start3A_358] : memref<8x8x137xf32, #tpu.memory_space<vmem>> -> memref<8x8x128xf32, #tpu.memory_space<vmem>>
      tpu.enqueue_dma source(%dma_start3A_359 : memref<8x8x128xf32, #tpu.memory_space<vmem>>) target(%dma_start3A_355 : memref<8x8x128xf32, #tpu.memory_space<hbm>>) target_semaphore(%arg12 : memref<!tpu.dma_semaphore, #tpu.memory_space<semaphore_mem>>)
      %add3A_360 = arith.constant 2 : i32
      %add3A_361 = arith.addi %add3A_291, %add3A_360 : i32
      %lt3A_362 = arith.constant 200 : i32
      %lt3A_363 = arith.cmpi slt, %add3A_361, %lt3A_362 : i32
      %convert_element_type3A_364 = arith.extui %lt3A_363 : i1 to i32
      %cond3A_365 = arith.constant 0 : i32
      %cond3A_366 = arith.cmpi ne, %convert_element_type3A_364, %cond3A_365 : i32
      scf.if %cond3A_366 {
        %add3A_451 = arith.constant 2 : i32
        %add3A_452 = arith.addi %add3A_291, %add3A_451 : i32
        %jit3A_453 = arith.constant 8 : i32
        %div3A_454 = arith.divsi %add3A_452, %jit3A_453 : i32
        %sign3A_455 = arith.constant 0 : i32
        %sign3A_456 = arith.cmpi sgt, %add3A_452, %sign3A_455 : i32
        %sign3A_457 = arith.extui %sign3A_456 : i1 to i32
        %sign3A_458 = arith.constant 0 : i32
        %sign3A_459 = arith.cmpi slt, %add3A_452, %sign3A_458 : i32
        %sign3A_460 = arith.extui %sign3A_459 : i1 to i32
        %sign3A_461 = arith.subi %sign3A_457, %sign3A_460 : i32
        %sign3A_462 = arith.constant 0 : i32
        %sign3A_463 = arith.cmpi sgt, %jit3A_453, %sign3A_462 : i32
        %sign3A_464 = arith.extui %sign3A_463 : i1 to i32
        %sign3A_465 = arith.constant 0 : i32
        %sign3A_466 = arith.cmpi slt, %jit3A_453, %sign3A_465 : i32
        %sign3A_467 = arith.extui %sign3A_466 : i1 to i32
        %sign3A_468 = arith.subi %sign3A_464, %sign3A_467 : i32
        %ne3A_469 = arith.cmpi ne, %sign3A_461, %sign3A_468 : i32
        %rem3A_470 = arith.remsi %add3A_452, %jit3A_453 : i32
        %ne3A_471 = arith.constant 0 : i32
        %ne3A_472 = arith.cmpi ne, %rem3A_470, %ne3A_471 : i32
        %and3A_473 = arith.andi %ne3A_469, %ne3A_472 : i1
        %sub3A_474 = arith.constant 1 : i32
        %sub3A_475 = arith.subi %div3A_454, %sub3A_474 : i32
        %select_n3A_476 = arith.select %and3A_473, %sub3A_475, %div3A_454 : i32
        %jit3A_477 = arith.constant 8 : i32
        %eq3A_478 = arith.constant 0 : i32
        %eq3A_479 = arith.cmpi eq, %jit3A_477, %eq3A_478 : i32
        %jit3A_480 = arith.constant 1 : i32
        %select_n3A_481 = arith.select %eq3A_479, %jit3A_480, %jit3A_477 : i32
        %rem3A_482 = arith.remsi %add3A_452, %select_n3A_481 : i32
        %ne3A_483 = arith.constant 0 : i32
        %ne3A_484 = arith.cmpi ne, %rem3A_482, %ne3A_483 : i32
        %lt3A_485 = arith.constant 0 : i32
        %lt3A_486 = arith.cmpi slt, %rem3A_482, %lt3A_485 : i32
        %lt3A_487 = arith.constant 0 : i32
        %lt3A_488 = arith.cmpi slt, %select_n3A_481, %lt3A_487 : i32
        %ne3A_489 = arith.xori %lt3A_486, %lt3A_488 : i1
        %and3A_490 = arith.andi %ne3A_489, %ne3A_484 : i1
        %add3A_491 = arith.addi %rem3A_482, %select_n3A_481 : i32
        %select_n3A_492 = arith.select %and3A_490, %add3A_491, %rem3A_482 : i32
        %dma_start3A_493 = arith.constant 0 : i32
        %dma_start3A_494 = tpu.memref_slice %arg5[%select_n3A_476, %select_n3A_492, %dma_start3A_493] : memref<25x8x128xi32, #tpu.memory_space<vmem>> -> memref<1x1x128xi32, #tpu.memory_space<vmem>>
        %dma_start3A_495 = tpu.memref_squeeze %dma_start3A_494 : memref<1x1x128xi32, #tpu.memory_space<vmem>> -> memref<128xi32, #tpu.memory_space<vmem>>
        %dma_start3A_496 = arith.constant 0 : i32
        %dma_start3A_497 = arith.constant 0 : i32
        %dma_start3A_498 = tpu.memref_slice %arg3[%dma_start3A_496, %dma_start3A_497] : memref<1000000x64xf32, #tpu.memory_space<hbm>> -> memref<1000000x64xf32, #tpu.memory_space<hbm>>
        tpu.enqueue_indirect_dma source(%dma_start3A_498 : memref<1000000x64xf32, #tpu.memory_space<hbm>>) target(%arg6 : memref<128x64xf32, #tpu.memory_space<vmem>>) offsets(%dma_start3A_495 : memref<128xi32, #tpu.memory_space<vmem>>) semaphore(%arg10 : memref<!tpu.dma_semaphore, #tpu.memory_space<semaphore_mem>>)
      } else {
      }
      %mul3A_367 = arith.constant 2 : i32
      %mul3A_368 = arith.muli %scan3A_286, %mul3A_367 : i32
      %add3A_369 = arith.constant 1 : i32
      %add3A_370 = arith.addi %mul3A_368, %add3A_369 : i32
      %jit3A_371 = arith.constant 8 : i32
      %div3A_372 = arith.divsi %add3A_370, %jit3A_371 : i32
      %sign3A_373 = arith.constant 0 : i32
      %sign3A_374 = arith.cmpi sgt, %add3A_370, %sign3A_373 : i32
      %sign3A_375 = arith.extui %sign3A_374 : i1 to i32
      %sign3A_376 = arith.constant 0 : i32
      %sign3A_377 = arith.cmpi slt, %add3A_370, %sign3A_376 : i32
      %sign3A_378 = arith.extui %sign3A_377 : i1 to i32
      %sign3A_379 = arith.subi %sign3A_375, %sign3A_378 : i32
      %sign3A_380 = arith.constant 0 : i32
      %sign3A_381 = arith.cmpi sgt, %jit3A_371, %sign3A_380 : i32
      %sign3A_382 = arith.extui %sign3A_381 : i1 to i32
      %sign3A_383 = arith.constant 0 : i32
      %sign3A_384 = arith.cmpi slt, %jit3A_371, %sign3A_383 : i32
      %sign3A_385 = arith.extui %sign3A_384 : i1 to i32
      %sign3A_386 = arith.subi %sign3A_382, %sign3A_385 : i32
      %ne3A_387 = arith.cmpi ne, %sign3A_379, %sign3A_386 : i32
      %rem3A_388 = arith.remsi %add3A_370, %jit3A_371 : i32
      %ne3A_389 = arith.constant 0 : i32
      %ne3A_390 = arith.cmpi ne, %rem3A_388, %ne3A_389 : i32
      %and3A_391 = arith.andi %ne3A_387, %ne3A_390 : i1
      %sub3A_392 = arith.constant 1 : i32
      %sub3A_393 = arith.subi %div3A_372, %sub3A_392 : i32
      %select_n3A_394 = arith.select %and3A_391, %sub3A_393, %div3A_372 : i32
      %jit3A_395 = arith.constant 8 : i32
      %eq3A_396 = arith.constant 0 : i32
      %eq3A_397 = arith.cmpi eq, %jit3A_395, %eq3A_396 : i32
      %jit3A_398 = arith.constant 1 : i32
      %select_n3A_399 = arith.select %eq3A_397, %jit3A_398, %jit3A_395 : i32
      %rem3A_400 = arith.remsi %add3A_370, %select_n3A_399 : i32
      %ne3A_401 = arith.constant 0 : i32
      %ne3A_402 = arith.cmpi ne, %rem3A_400, %ne3A_401 : i32
      %lt3A_403 = arith.constant 0 : i32
      %lt3A_404 = arith.cmpi slt, %rem3A_400, %lt3A_403 : i32
      %lt3A_405 = arith.constant 0 : i32
      %lt3A_406 = arith.cmpi slt, %select_n3A_399, %lt3A_405 : i32
      %ne3A_407 = arith.xori %lt3A_404, %lt3A_406 : i1
      %and3A_408 = arith.andi %ne3A_407, %ne3A_402 : i1
      %add3A_409 = arith.addi %rem3A_400, %select_n3A_399 : i32
      %select_n3A_410 = arith.select %and3A_408, %add3A_409, %rem3A_400 : i32
      %dma_wait3A_411 = arith.constant 0 : i32
      %dma_wait3A_412 = tpu.memref_slice %arg5[%select_n3A_394, %select_n3A_410, %dma_wait3A_411] : memref<25x8x128xi32, #tpu.memory_space<vmem>> -> memref<1x1x128xi32, #tpu.memory_space<vmem>>
      %dma_wait3A_413 = tpu.memref_squeeze %dma_wait3A_412 : memref<1x1x128xi32, #tpu.memory_space<vmem>> -> memref<128xi32, #tpu.memory_space<vmem>>
      %dma_wait3A_414 = arith.constant 0 : i32
      %dma_wait3A_415 = arith.constant 0 : i32
      %dma_wait3A_416 = tpu.memref_slice %arg3[%dma_wait3A_414, %dma_wait3A_415] : memref<1000000x64xf32, #tpu.memory_space<hbm>> -> memref<1000000x64xf32, #tpu.memory_space<hbm>>
      tpu.wait_indirect_dma semaphore(%arg11 : memref<!tpu.dma_semaphore, #tpu.memory_space<semaphore_mem>>) src(%dma_wait3A_416 : memref<1000000x64xf32, #tpu.memory_space<hbm>>) dst(%arg7 : memref<128x64xf32, #tpu.memory_space<vmem>>)
      %ge3A_417 = arith.constant 2 : i32
      %ge3A_418 = arith.cmpi sge, %add3A_370, %ge3A_417 : i32
      %convert_element_type3A_419 = arith.extui %ge3A_418 : i1 to i32
      %cond3A_420 = arith.constant 0 : i32
      %cond3A_421 = arith.cmpi ne, %convert_element_type3A_419, %cond3A_420 : i32
      scf.if %cond3A_421 {
        %sub3A_451 = arith.constant 2 : i32
        %sub3A_452 = arith.subi %add3A_370, %sub3A_451 : i32
        %dma_wait3A_453 = arith.constant 0 : i32
        %dma_wait3A_454 = arith.constant 0 : i32
        %dma_wait3A_455 = arith.constant 0 : i32
        %dma_wait3A_456 = tpu.memref_slice %arg9[%dma_wait3A_453, %dma_wait3A_454, %dma_wait3A_455] : memref<8x8x137xf32, #tpu.memory_space<vmem>> -> memref<8x8x128xf32, #tpu.memory_space<vmem>>
        %dma_wait3A_457 = arith.constant 0 : i32
        %dma_wait3A_458 = arith.constant 0 : i32
        %dma_wait3A_459 = arith.constant 0 : i32
        %dma_wait3A_460 = tpu.memref_slice %arg4[%sub3A_452, %dma_wait3A_457, %add3A, %dma_wait3A_458, %dma_wait3A_459] : memref<200x8x32x8x128xf32, #tpu.memory_space<hbm>> -> memref<1x8x1x8x128xf32, #tpu.memory_space<hbm>>
        %dma_wait3A_461 = tpu.memref_squeeze %dma_wait3A_460 : memref<1x8x1x8x128xf32, #tpu.memory_space<hbm>> -> memref<8x8x128xf32, #tpu.memory_space<hbm>>
        %dma_wait3A_462 = arith.constant 0 : i32
        %dma_wait3A_463 = arith.constant 0 : i32
        %dma_wait3A_464 = arith.constant 0 : i32
        %dma_wait3A_465 = tpu.memref_slice %arg4[%sub3A_452, %dma_wait3A_462, %add3A, %dma_wait3A_463, %dma_wait3A_464] : memref<200x8x32x8x128xf32, #tpu.memory_space<hbm>> -> memref<1x8x1x8x128xf32, #tpu.memory_space<hbm>>
        %dma_wait3A_466 = tpu.memref_squeeze %dma_wait3A_465 : memref<1x8x1x8x128xf32, #tpu.memory_space<hbm>> -> memref<8x8x128xf32, #tpu.memory_space<hbm>>
        %dma_wait3A_467 = arith.constant 0 : i32
        %dma_wait3A_468 = arith.constant 0 : i32
        %dma_wait3A_469 = arith.constant 0 : i32
        %dma_wait3A_470 = tpu.memref_slice %arg9[%dma_wait3A_467, %dma_wait3A_468, %dma_wait3A_469] : memref<8x8x137xf32, #tpu.memory_space<vmem>> -> memref<8x8x128xf32, #tpu.memory_space<vmem>>
        tpu.wait_dma2 semaphore(%arg13 : memref<!tpu.dma_semaphore, #tpu.memory_space<semaphore_mem>>) src(%dma_wait3A_470 : memref<8x8x128xf32, #tpu.memory_space<vmem>>) dst(%dma_wait3A_466 : memref<8x8x128xf32, #tpu.memory_space<hbm>>)
      } else {
      }
      %parallel_loop3A_422 = arith.constant 0 : i32
      %parallel_loop3A_423 = arith.constant 128 : i32
      %parallel_loop3A_424 = arith.constant 1 : i32
      scf.for %parallel_loop3A_451 = %parallel_loop3A_422 to %parallel_loop3A_423 step %parallel_loop3A_424  : i32 {
        %parallel_loop3A_452 = vector.broadcast %parallel_loop3A_451 : i32 to vector<16xi32>
        %parallel_loop3A_453 = arith.addi %broadcast_in_dim3A_1, %parallel_loop3A_452 : vector<16xi32>
        %parallel_loop3A_454 = arith.index_cast %parallel_loop3A_451 : i32 to index
        %parallel_loop3A_455 = arith.constant 0 : index
        %parallel_loop3A_456 = tpu.vector_load %arg7[%parallel_loop3A_454, %parallel_loop3A_455] {strides = array<i32>} : memref<128x64xf32, #tpu.memory_space<vmem>>, vector<16xf32>,
        %parallel_loop3A_457 = arith.constant 8.000000e+00 : f32
        %parallel_loop3A_458 = vector.broadcast %parallel_loop3A_457 : f32 to vector<16xf32>
        %parallel_loop3A_459 = arith.mulf %parallel_loop3A_456, %parallel_loop3A_458 : vector<16xf32>
        tpu.vector_store_idx %arg9[%select_n3A, %select_n3A_152, %parallel_loop3A_453], %parallel_loop3A_459 : memref<8x8x137xf32, #tpu.memory_space<vmem>>[vector<16xi32>, vector<16xi32>, vector<16xi32>], vector<16xf32>,
        %parallel_loop3A_460 = arith.index_cast %parallel_loop3A_451 : i32 to index
        %parallel_loop3A_461 = arith.constant 16 : index
        %parallel_loop3A_462 = tpu.vector_load %arg7[%parallel_loop3A_460, %parallel_loop3A_461] {strides = array<i32>} : memref<128x64xf32, #tpu.memory_space<vmem>>, vector<16xf32>,
        %parallel_loop3A_463 = arith.constant 8.000000e+00 : f32
        %parallel_loop3A_464 = vector.broadcast %parallel_loop3A_463 : f32 to vector<16xf32>
        %parallel_loop3A_465 = arith.mulf %parallel_loop3A_462, %parallel_loop3A_464 : vector<16xf32>
        tpu.vector_store_idx %arg9[%select_n3A_61, %select_n3A_177, %parallel_loop3A_453], %parallel_loop3A_465 : memref<8x8x137xf32, #tpu.memory_space<vmem>>[vector<16xi32>, vector<16xi32>, vector<16xi32>], vector<16xf32>,
        %parallel_loop3A_466 = arith.index_cast %parallel_loop3A_451 : i32 to index
        %parallel_loop3A_467 = arith.constant 32 : index
        %parallel_loop3A_468 = tpu.vector_load %arg7[%parallel_loop3A_466, %parallel_loop3A_467] {strides = array<i32>} : memref<128x64xf32, #tpu.memory_space<vmem>>, vector<16xf32>,
        %parallel_loop3A_469 = arith.constant 8.000000e+00 : f32
        %parallel_loop3A_470 = vector.broadcast %parallel_loop3A_469 : f32 to vector<16xf32>
        %parallel_loop3A_471 = arith.mulf %parallel_loop3A_468, %parallel_loop3A_470 : vector<16xf32>
        tpu.vector_store_idx %arg9[%select_n3A_95, %select_n3A_202, %parallel_loop3A_453], %parallel_loop3A_471 : memref<8x8x137xf32, #tpu.memory_space<vmem>>[vector<16xi32>, vector<16xi32>, vector<16xi32>], vector<16xf32>,
        %parallel_loop3A_472 = arith.index_cast %parallel_loop3A_451 : i32 to index
        %parallel_loop3A_473 = arith.constant 48 : index
        %parallel_loop3A_474 = tpu.vector_load %arg7[%parallel_loop3A_472, %parallel_loop3A_473] {strides = array<i32>} : memref<128x64xf32, #tpu.memory_space<vmem>>, vector<16xf32>,
        %parallel_loop3A_475 = arith.constant 8.000000e+00 : f32
        %parallel_loop3A_476 = vector.broadcast %parallel_loop3A_475 : f32 to vector<16xf32>
        %parallel_loop3A_477 = arith.mulf %parallel_loop3A_474, %parallel_loop3A_476 : vector<16xf32>
        tpu.vector_store_idx %arg9[%select_n3A_129, %select_n3A_227, %parallel_loop3A_453], %parallel_loop3A_477 : memref<8x8x137xf32, #tpu.memory_space<vmem>>[vector<16xi32>, vector<16xi32>, vector<16xi32>], vector<16xf32>,
      } {sc.loop_unroll_factor = 8 : i64, sc.parallel_access}
      %dma_start3A_425 = arith.constant 0 : i32
      %dma_start3A_426 = arith.constant 0 : i32
      %dma_start3A_427 = arith.constant 0 : i32
      %dma_start3A_428 = tpu.memref_slice %arg9[%dma_start3A_425, %dma_start3A_426, %dma_start3A_427] : memref<8x8x137xf32, #tpu.memory_space<vmem>> -> memref<8x8x128xf32, #tpu.memory_space<vmem>>
      %dma_start3A_429 = arith.constant 0 : i32
      %dma_start3A_430 = arith.constant 0 : i32
      %dma_start3A_431 = arith.constant 0 : i32
      %dma_start3A_432 = tpu.memref_slice %arg4[%add3A_370, %dma_start3A_429, %add3A, %dma_start3A_430, %dma_start3A_431] : memref<200x8x32x8x128xf32, #tpu.memory_space<hbm>> -> memref<1x8x1x8x128xf32, #tpu.memory_space<hbm>>
      %dma_start3A_433 = tpu.memref_squeeze %dma_start3A_432 : memref<1x8x1x8x128xf32, #tpu.memory_space<hbm>> -> memref<8x8x128xf32, #tpu.memory_space<hbm>>
      %dma_start3A_434 = arith.constant 0 : i32
      %dma_start3A_435 = arith.constant 0 : i32
      %dma_start3A_436 = arith.constant 0 : i32
      %dma_start3A_437 = tpu.memref_slice %arg4[%add3A_370, %dma_start3A_434, %add3A, %dma_start3A_435, %dma_start3A_436] : memref<200x8x32x8x128xf32, #tpu.memory_space<hbm>> -> memref<1x8x1x8x128xf32, #tpu.memory_space<hbm>>
      %dma_start3A_438 = tpu.memref_squeeze %dma_start3A_437 : memref<1x8x1x8x128xf32, #tpu.memory_space<hbm>> -> memref<8x8x128xf32, #tpu.memory_space<hbm>>
      %dma_start3A_439 = arith.constant 0 : i32
      %dma_start3A_440 = arith.constant 0 : i32
      %dma_start3A_441 = arith.constant 0 : i32
      %dma_start3A_442 = tpu.memref_slice %arg9[%dma_start3A_439, %dma_start3A_440, %dma_start3A_441] : memref<8x8x137xf32, #tpu.memory_space<vmem>> -> memref<8x8x128xf32, #tpu.memory_space<vmem>>
      tpu.enqueue_dma source(%dma_start3A_442 : memref<8x8x128xf32, #tpu.memory_space<vmem>>) target(%dma_start3A_438 : memref<8x8x128xf32, #tpu.memory_space<hbm>>) target_semaphore(%arg13 : memref<!tpu.dma_semaphore, #tpu.memory_space<semaphore_mem>>)
      %add3A_443 = arith.constant 2 : i32
      %add3A_444 = arith.addi %add3A_370, %add3A_443 : i32
      %lt3A_445 = arith.constant 200 : i32
      %lt3A_446 = arith.cmpi slt, %add3A_444, %lt3A_445 : i32
      %convert_element_type3A_447 = arith.extui %lt3A_446 : i1 to i32
      %cond3A_448 = arith.constant 0 : i32
      %cond3A_449 = arith.cmpi ne, %convert_element_type3A_447, %cond3A_448 : i32
      scf.if %cond3A_449 {
        %add3A_451 = arith.constant 2 : i32
        %add3A_452 = arith.addi %add3A_370, %add3A_451 : i32
        %jit3A_453 = arith.constant 8 : i32
        %div3A_454 = arith.divsi %add3A_452, %jit3A_453 : i32
        %sign3A_455 = arith.constant 0 : i32
        %sign3A_456 = arith.cmpi sgt, %add3A_452, %sign3A_455 : i32
        %sign3A_457 = arith.extui %sign3A_456 : i1 to i32
        %sign3A_458 = arith.constant 0 : i32
        %sign3A_459 = arith.cmpi slt, %add3A_452, %sign3A_458 : i32
        %sign3A_460 = arith.extui %sign3A_459 : i1 to i32
        %sign3A_461 = arith.subi %sign3A_457, %sign3A_460 : i32
        %sign3A_462 = arith.constant 0 : i32
        %sign3A_463 = arith.cmpi sgt, %jit3A_453, %sign3A_462 : i32
        %sign3A_464 = arith.extui %sign3A_463 : i1 to i32
        %sign3A_465 = arith.constant 0 : i32
        %sign3A_466 = arith.cmpi slt, %jit3A_453, %sign3A_465 : i32
        %sign3A_467 = arith.extui %sign3A_466 : i1 to i32
        %sign3A_468 = arith.subi %sign3A_464, %sign3A_467 : i32
        %ne3A_469 = arith.cmpi ne, %sign3A_461, %sign3A_468 : i32
        %rem3A_470 = arith.remsi %add3A_452, %jit3A_453 : i32
        %ne3A_471 = arith.constant 0 : i32
        %ne3A_472 = arith.cmpi ne, %rem3A_470, %ne3A_471 : i32
        %and3A_473 = arith.andi %ne3A_469, %ne3A_472 : i1
        %sub3A_474 = arith.constant 1 : i32
        %sub3A_475 = arith.subi %div3A_454, %sub3A_474 : i32
        %select_n3A_476 = arith.select %and3A_473, %sub3A_475, %div3A_454 : i32
        %jit3A_477 = arith.constant 8 : i32
        %eq3A_478 = arith.constant 0 : i32
        %eq3A_479 = arith.cmpi eq, %jit3A_477, %eq3A_478 : i32
        %jit3A_480 = arith.constant 1 : i32
        %select_n3A_481 = arith.select %eq3A_479, %jit3A_480, %jit3A_477 : i32
        %rem3A_482 = arith.remsi %add3A_452, %select_n3A_481 : i32
        %ne3A_483 = arith.constant 0 : i32
        %ne3A_484 = arith.cmpi ne, %rem3A_482, %ne3A_483 : i32
        %lt3A_485 = arith.constant 0 : i32
        %lt3A_486 = arith.cmpi slt, %rem3A_482, %lt3A_485 : i32
        %lt3A_487 = arith.constant 0 : i32
        %lt3A_488 = arith.cmpi slt, %select_n3A_481, %lt3A_487 : i32
        %ne3A_489 = arith.xori %lt3A_486, %lt3A_488 : i1
        %and3A_490 = arith.andi %ne3A_489, %ne3A_484 : i1
        %add3A_491 = arith.addi %rem3A_482, %select_n3A_481 : i32
        %select_n3A_492 = arith.select %and3A_490, %add3A_491, %rem3A_482 : i32
        %dma_start3A_493 = arith.constant 0 : i32
        %dma_start3A_494 = tpu.memref_slice %arg5[%select_n3A_476, %select_n3A_492, %dma_start3A_493] : memref<25x8x128xi32, #tpu.memory_space<vmem>> -> memref<1x1x128xi32, #tpu.memory_space<vmem>>
        %dma_start3A_495 = tpu.memref_squeeze %dma_start3A_494 : memref<1x1x128xi32, #tpu.memory_space<vmem>> -> memref<128xi32, #tpu.memory_space<vmem>>
        %dma_start3A_496 = arith.constant 0 : i32
        %dma_start3A_497 = arith.constant 0 : i32
        %dma_start3A_498 = tpu.memref_slice %arg3[%dma_start3A_496, %dma_start3A_497] : memref<1000000x64xf32, #tpu.memory_space<hbm>> -> memref<1000000x64xf32, #tpu.memory_space<hbm>>
        tpu.enqueue_indirect_dma source(%dma_start3A_498 : memref<1000000x64xf32, #tpu.memory_space<hbm>>) target(%arg7 : memref<128x64xf32, #tpu.memory_space<vmem>>) offsets(%dma_start3A_495 : memref<128xi32, #tpu.memory_space<vmem>>) semaphore(%arg11 : memref<!tpu.dma_semaphore, #tpu.memory_space<semaphore_mem>>)
      } else {
      }
      %scan3A_450 = arith.constant 0 : i32
      scf.yield %scan3A_450 : i32
    }
    %scan3A_248 = arith.constant 100 : i32
    %dma_wait3A = arith.constant 198 : i32
    %dma_wait3A_249 = arith.constant 0 : i32
    %dma_wait3A_250 = arith.constant 0 : i32
    %dma_wait3A_251 = arith.constant 0 : i32
    %dma_wait3A_252 = tpu.memref_slice %arg8[%dma_wait3A_249, %dma_wait3A_250, %dma_wait3A_251] : memref<8x8x137xf32, #tpu.memory_space<vmem>> -> memref<8x8x128xf32, #tpu.memory_space<vmem>>
    %dma_wait3A_253 = arith.constant 0 : i32
    %dma_wait3A_254 = arith.constant 0 : i32
    %dma_wait3A_255 = arith.constant 0 : i32
    %dma_wait3A_256 = tpu.memref_slice %arg4[%dma_wait3A, %dma_wait3A_253, %add3A, %dma_wait3A_254, %dma_wait3A_255] : memref<200x8x32x8x128xf32, #tpu.memory_space<hbm>> -> memref<1x8x1x8x128xf32, #tpu.memory_space<hbm>>
    %dma_wait3A_257 = tpu.memref_squeeze %dma_wait3A_256 : memref<1x8x1x8x128xf32, #tpu.memory_space<hbm>> -> memref<8x8x128xf32, #tpu.memory_space<hbm>>
    %dma_wait3A_258 = arith.constant 0 : i32
    %dma_wait3A_259 = arith.constant 0 : i32
    %dma_wait3A_260 = arith.constant 0 : i32
    %dma_wait3A_261 = tpu.memref_slice %arg4[%dma_wait3A, %dma_wait3A_258, %add3A, %dma_wait3A_259, %dma_wait3A_260] : memref<200x8x32x8x128xf32, #tpu.memory_space<hbm>> -> memref<1x8x1x8x128xf32, #tpu.memory_space<hbm>>
    %dma_wait3A_262 = tpu.memref_squeeze %dma_wait3A_261 : memref<1x8x1x8x128xf32, #tpu.memory_space<hbm>> -> memref<8x8x128xf32, #tpu.memory_space<hbm>>
    %dma_wait3A_263 = arith.constant 0 : i32
    %dma_wait3A_264 = arith.constant 0 : i32
    %dma_wait3A_265 = arith.constant 0 : i32
    %dma_wait3A_266 = tpu.memref_slice %arg8[%dma_wait3A_263, %dma_wait3A_264, %dma_wait3A_265] : memref<8x8x137xf32, #tpu.memory_space<vmem>> -> memref<8x8x128xf32, #tpu.memory_space<vmem>>
    tpu.wait_dma2 semaphore(%arg12 : memref<!tpu.dma_semaphore, #tpu.memory_space<semaphore_mem>>) src(%dma_wait3A_266 : memref<8x8x128xf32, #tpu.memory_space<vmem>>) dst(%dma_wait3A_262 : memref<8x8x128xf32, #tpu.memory_space<hbm>>)
    %dma_wait3A_267 = arith.constant 199 : i32
    %dma_wait3A_268 = arith.constant 0 : i32
    %dma_wait3A_269 = arith.constant 0 : i32
    %dma_wait3A_270 = arith.constant 0 : i32
    %dma_wait3A_271 = tpu.memref_slice %arg9[%dma_wait3A_268, %dma_wait3A_269, %dma_wait3A_270] : memref<8x8x137xf32, #tpu.memory_space<vmem>> -> memref<8x8x128xf32, #tpu.memory_space<vmem>>
    %dma_wait3A_272 = arith.constant 0 : i32
    %dma_wait3A_273 = arith.constant 0 : i32
    %dma_wait3A_274 = arith.constant 0 : i32
    %dma_wait3A_275 = tpu.memref_slice %arg4[%dma_wait3A_267, %dma_wait3A_272, %add3A, %dma_wait3A_273, %dma_wait3A_274] : memref<200x8x32x8x128xf32, #tpu.memory_space<hbm>> -> memref<1x8x1x8x128xf32, #tpu.memory_space<hbm>>
    %dma_wait3A_276 = tpu.memref_squeeze %dma_wait3A_275 : memref<1x8x1x8x128xf32, #tpu.memory_space<hbm>> -> memref<8x8x128xf32, #tpu.memory_space<hbm>>
    %dma_wait3A_277 = arith.constant 0 : i32
    %dma_wait3A_278 = arith.constant 0 : i32
    %dma_wait3A_279 = arith.constant 0 : i32
    %dma_wait3A_280 = tpu.memref_slice %arg4[%dma_wait3A_267, %dma_wait3A_277, %add3A, %dma_wait3A_278, %dma_wait3A_279] : memref<200x8x32x8x128xf32, #tpu.memory_space<hbm>> -> memref<1x8x1x8x128xf32, #tpu.memory_space<hbm>>
    %dma_wait3A_281 = tpu.memref_squeeze %dma_wait3A_280 : memref<1x8x1x8x128xf32, #tpu.memory_space<hbm>> -> memref<8x8x128xf32, #tpu.memory_space<hbm>>
    %dma_wait3A_282 = arith.constant 0 : i32
    %dma_wait3A_283 = arith.constant 0 : i32
    %dma_wait3A_284 = arith.constant 0 : i32
    %dma_wait3A_285 = tpu.memref_slice %arg9[%dma_wait3A_282, %dma_wait3A_283, %dma_wait3A_284] : memref<8x8x137xf32, #tpu.memory_space<vmem>> -> memref<8x8x128xf32, #tpu.memory_space<vmem>>
    tpu.wait_dma2 semaphore(%arg13 : memref<!tpu.dma_semaphore, #tpu.memory_space<semaphore_mem>>) src(%dma_wait3A_285 : memref<8x8x128xf32, #tpu.memory_space<vmem>>) dst(%dma_wait3A_281 : memref<8x8x128xf32, #tpu.memory_space<hbm>>)
    return
  }
}

#map = affine_map<(d0, d1) -> (0, 0)>
#map1 = affine_map<(d0, d1) -> (0, 0, 0, 0)>
module attributes {stable_mosaic.version = 14 : i64} {
  func.func @_detile_tokens(%arg0: i32, %arg1: i32, %arg2: memref<200x4096xi32, #tpu.memory_space<hbm>>, %arg3: memref<25x32x8x128xi32, #tpu.memory_space<hbm>>, %arg4: memref<8x128xi32, #tpu.memory_space<vmem>>, %arg5: memref<8x128xi32, #tpu.memory_space<vmem>>, %arg6: memref<!tpu.dma_semaphore, #tpu.memory_space<semaphore_mem>>, %arg7: memref<!tpu.dma_semaphore, #tpu.memory_space<semaphore_mem>>) attributes {dimension_semantics = [#tpu.dimension_semantics<core_parallel>, #tpu.dimension_semantics<subcore_parallel>], iteration_bounds = array<i64: 2, 16>, scalar_prefetch = 0 : i64, scratch_operands = 4 : i64, tpu.core_type = #tpu.core_type<sc_vector_subcore>, window_params = [{transform_indices = #map}, {transform_indices = #map1}]} {
    %mul3A = arith.constant 2 : i32
    %mul3A_0 = arith.muli %arg1, %mul3A : i32
    %add3A = arith.addi %mul3A_0, %arg0 : i32
    %mul3A_1 = arith.constant 128 : i32
    %mul3A_2 = arith.muli %add3A, %mul3A_1 : i32
    %dma_start3A = arith.constant 0 : i32
    %dma_start3A_3 = tpu.memref_slice %arg2[%dma_start3A, %mul3A_2] : memref<200x4096xi32, #tpu.memory_space<hbm>> -> memref<8x128xi32, #tpu.memory_space<hbm>>
    %dma_start3A_4 = arith.constant 0 : i32
    %dma_start3A_5 = tpu.memref_slice %arg2[%dma_start3A_4, %mul3A_2] : memref<200x4096xi32, #tpu.memory_space<hbm>> -> memref<8x128xi32, #tpu.memory_space<hbm>>
    tpu.enqueue_dma source(%dma_start3A_5 : memref<8x128xi32, #tpu.memory_space<hbm>>) target(%arg4 : memref<8x128xi32, #tpu.memory_space<vmem>>) target_semaphore(%arg6 : memref<!tpu.dma_semaphore, #tpu.memory_space<semaphore_mem>>)
    %mul3A_6 = arith.constant 128 : i32
    %mul3A_7 = arith.muli %add3A, %mul3A_6 : i32
    %dma_wait3A = arith.constant 0 : i32
    %dma_wait3A_8 = tpu.memref_slice %arg2[%dma_wait3A, %mul3A_7] : memref<200x4096xi32, #tpu.memory_space<hbm>> -> memref<8x128xi32, #tpu.memory_space<hbm>>
    %dma_wait3A_9 = arith.constant 0 : i32
    %dma_wait3A_10 = tpu.memref_slice %arg2[%dma_wait3A_9, %mul3A_7] : memref<200x4096xi32, #tpu.memory_space<hbm>> -> memref<8x128xi32, #tpu.memory_space<hbm>>
    tpu.wait_dma2 semaphore(%arg6 : memref<!tpu.dma_semaphore, #tpu.memory_space<semaphore_mem>>) src(%dma_wait3A_10 : memref<8x128xi32, #tpu.memory_space<hbm>>) dst(%arg4 : memref<8x128xi32, #tpu.memory_space<vmem>>)
    %mul3A_11 = arith.constant 128 : i32
    %mul3A_12 = arith.muli %add3A, %mul3A_11 : i32
    %dma_start3A_13 = arith.constant 8 : i32
    %dma_start3A_14 = tpu.memref_slice %arg2[%dma_start3A_13, %mul3A_12] : memref<200x4096xi32, #tpu.memory_space<hbm>> -> memref<8x128xi32, #tpu.memory_space<hbm>>
    %dma_start3A_15 = arith.constant 8 : i32
    %dma_start3A_16 = tpu.memref_slice %arg2[%dma_start3A_15, %mul3A_12] : memref<200x4096xi32, #tpu.memory_space<hbm>> -> memref<8x128xi32, #tpu.memory_space<hbm>>
    tpu.enqueue_dma source(%dma_start3A_16 : memref<8x128xi32, #tpu.memory_space<hbm>>) target(%arg5 : memref<8x128xi32, #tpu.memory_space<vmem>>) target_semaphore(%arg7 : memref<!tpu.dma_semaphore, #tpu.memory_space<semaphore_mem>>)
    %run_scoped3A = arith.constant 0 : i32
    "tpu.region"() ({
      %run_scoped3A_323 = tpu.sem_alloc : memref<!tpu.dma_semaphore, #tpu.memory_space<semaphore_mem>>
      %dma_start3A_324 = arith.constant 0 : i32
      %dma_start3A_325 = arith.constant 0 : i32
      %dma_start3A_326 = tpu.memref_slice %arg3[%run_scoped3A, %add3A, %dma_start3A_324, %dma_start3A_325] : memref<25x32x8x128xi32, #tpu.memory_space<hbm>> -> memref<1x1x8x128xi32, #tpu.memory_space<hbm>>
      %dma_start3A_327 = tpu.memref_squeeze %dma_start3A_326 : memref<1x1x8x128xi32, #tpu.memory_space<hbm>> -> memref<8x128xi32, #tpu.memory_space<hbm>>
      %dma_start3A_328 = arith.constant 0 : i32
      %dma_start3A_329 = arith.constant 0 : i32
      %dma_start3A_330 = tpu.memref_slice %arg3[%run_scoped3A, %add3A, %dma_start3A_328, %dma_start3A_329] : memref<25x32x8x128xi32, #tpu.memory_space<hbm>> -> memref<1x1x8x128xi32, #tpu.memory_space<hbm>>
      %dma_start3A_331 = tpu.memref_squeeze %dma_start3A_330 : memref<1x1x8x128xi32, #tpu.memory_space<hbm>> -> memref<8x128xi32, #tpu.memory_space<hbm>>
      tpu.enqueue_dma source(%arg4 : memref<8x128xi32, #tpu.memory_space<vmem>>) target(%dma_start3A_331 : memref<8x128xi32, #tpu.memory_space<hbm>>) target_semaphore(%run_scoped3A_323 : memref<!tpu.dma_semaphore, #tpu.memory_space<semaphore_mem>>)
      %dma_wait3A_332 = arith.constant 0 : i32
      %dma_wait3A_333 = arith.constant 0 : i32
      %dma_wait3A_334 = tpu.memref_slice %arg3[%run_scoped3A, %add3A, %dma_wait3A_332, %dma_wait3A_333] : memref<25x32x8x128xi32, #tpu.memory_space<hbm>> -> memref<1x1x8x128xi32, #tpu.memory_space<hbm>>
      %dma_wait3A_335 = tpu.memref_squeeze %dma_wait3A_334 : memref<1x1x8x128xi32, #tpu.memory_space<hbm>> -> memref<8x128xi32, #tpu.memory_space<hbm>>
      %dma_wait3A_336 = arith.constant 0 : i32
      %dma_wait3A_337 = arith.constant 0 : i32
      %dma_wait3A_338 = tpu.memref_slice %arg3[%run_scoped3A, %add3A, %dma_wait3A_336, %dma_wait3A_337] : memref<25x32x8x128xi32, #tpu.memory_space<hbm>> -> memref<1x1x8x128xi32, #tpu.memory_space<hbm>>
      %dma_wait3A_339 = tpu.memref_squeeze %dma_wait3A_338 : memref<1x1x8x128xi32, #tpu.memory_space<hbm>> -> memref<8x128xi32, #tpu.memory_space<hbm>>
      tpu.wait_dma2 semaphore(%run_scoped3A_323 : memref<!tpu.dma_semaphore, #tpu.memory_space<semaphore_mem>>) src(%arg4 : memref<8x128xi32, #tpu.memory_space<vmem>>) dst(%dma_wait3A_339 : memref<8x128xi32, #tpu.memory_space<hbm>>)
      tpu.yield
    }) : () -> ()
    %mul3A_17 = arith.constant 128 : i32
    %mul3A_18 = arith.muli %add3A, %mul3A_17 : i32
    %dma_wait3A_19 = arith.constant 8 : i32
    %dma_wait3A_20 = tpu.memref_slice %arg2[%dma_wait3A_19, %mul3A_18] : memref<200x4096xi32, #tpu.memory_space<hbm>> -> memref<8x128xi32, #tpu.memory_space<hbm>>
    %dma_wait3A_21 = arith.constant 8 : i32
    %dma_wait3A_22 = tpu.memref_slice %arg2[%dma_wait3A_21, %mul3A_18] : memref<200x4096xi32, #tpu.memory_space<hbm>> -> memref<8x128xi32, #tpu.memory_space<hbm>>
    tpu.wait_dma2 semaphore(%arg7 : memref<!tpu.dma_semaphore, #tpu.memory_space<semaphore_mem>>) src(%dma_wait3A_22 : memref<8x128xi32, #tpu.memory_space<hbm>>) dst(%arg5 : memref<8x128xi32, #tpu.memory_space<vmem>>)
    %mul3A_23 = arith.constant 128 : i32
    %mul3A_24 = arith.muli %add3A, %mul3A_23 : i32
    %dma_start3A_25 = arith.constant 16 : i32
    %dma_start3A_26 = tpu.memref_slice %arg2[%dma_start3A_25, %mul3A_24] : memref<200x4096xi32, #tpu.memory_space<hbm>> -> memref<8x128xi32, #tpu.memory_space<hbm>>
    %dma_start3A_27 = arith.constant 16 : i32
    %dma_start3A_28 = tpu.memref_slice %arg2[%dma_start3A_27, %mul3A_24] : memref<200x4096xi32, #tpu.memory_space<hbm>> -> memref<8x128xi32, #tpu.memory_space<hbm>>
    tpu.enqueue_dma source(%dma_start3A_28 : memref<8x128xi32, #tpu.memory_space<hbm>>) target(%arg4 : memref<8x128xi32, #tpu.memory_space<vmem>>) target_semaphore(%arg6 : memref<!tpu.dma_semaphore, #tpu.memory_space<semaphore_mem>>)
    %run_scoped3A_29 = arith.constant 1 : i32
    "tpu.region"() ({
      %run_scoped3A_323 = tpu.sem_alloc : memref<!tpu.dma_semaphore, #tpu.memory_space<semaphore_mem>>
      %dma_start3A_324 = arith.constant 0 : i32
      %dma_start3A_325 = arith.constant 0 : i32
      %dma_start3A_326 = tpu.memref_slice %arg3[%run_scoped3A_29, %add3A, %dma_start3A_324, %dma_start3A_325] : memref<25x32x8x128xi32, #tpu.memory_space<hbm>> -> memref<1x1x8x128xi32, #tpu.memory_space<hbm>>
      %dma_start3A_327 = tpu.memref_squeeze %dma_start3A_326 : memref<1x1x8x128xi32, #tpu.memory_space<hbm>> -> memref<8x128xi32, #tpu.memory_space<hbm>>
      %dma_start3A_328 = arith.constant 0 : i32
      %dma_start3A_329 = arith.constant 0 : i32
      %dma_start3A_330 = tpu.memref_slice %arg3[%run_scoped3A_29, %add3A, %dma_start3A_328, %dma_start3A_329] : memref<25x32x8x128xi32, #tpu.memory_space<hbm>> -> memref<1x1x8x128xi32, #tpu.memory_space<hbm>>
      %dma_start3A_331 = tpu.memref_squeeze %dma_start3A_330 : memref<1x1x8x128xi32, #tpu.memory_space<hbm>> -> memref<8x128xi32, #tpu.memory_space<hbm>>
      tpu.enqueue_dma source(%arg5 : memref<8x128xi32, #tpu.memory_space<vmem>>) target(%dma_start3A_331 : memref<8x128xi32, #tpu.memory_space<hbm>>) target_semaphore(%run_scoped3A_323 : memref<!tpu.dma_semaphore, #tpu.memory_space<semaphore_mem>>)
      %dma_wait3A_332 = arith.constant 0 : i32
      %dma_wait3A_333 = arith.constant 0 : i32
      %dma_wait3A_334 = tpu.memref_slice %arg3[%run_scoped3A_29, %add3A, %dma_wait3A_332, %dma_wait3A_333] : memref<25x32x8x128xi32, #tpu.memory_space<hbm>> -> memref<1x1x8x128xi32, #tpu.memory_space<hbm>>
      %dma_wait3A_335 = tpu.memref_squeeze %dma_wait3A_334 : memref<1x1x8x128xi32, #tpu.memory_space<hbm>> -> memref<8x128xi32, #tpu.memory_space<hbm>>
      %dma_wait3A_336 = arith.constant 0 : i32
      %dma_wait3A_337 = arith.constant 0 : i32
      %dma_wait3A_338 = tpu.memref_slice %arg3[%run_scoped3A_29, %add3A, %dma_wait3A_336, %dma_wait3A_337] : memref<25x32x8x128xi32, #tpu.memory_space<hbm>> -> memref<1x1x8x128xi32, #tpu.memory_space<hbm>>
      %dma_wait3A_339 = tpu.memref_squeeze %dma_wait3A_338 : memref<1x1x8x128xi32, #tpu.memory_space<hbm>> -> memref<8x128xi32, #tpu.memory_space<hbm>>
      tpu.wait_dma2 semaphore(%run_scoped3A_323 : memref<!tpu.dma_semaphore, #tpu.memory_space<semaphore_mem>>) src(%arg5 : memref<8x128xi32, #tpu.memory_space<vmem>>) dst(%dma_wait3A_339 : memref<8x128xi32, #tpu.memory_space<hbm>>)
      tpu.yield
    }) : () -> ()
    %mul3A_30 = arith.constant 128 : i32
    %mul3A_31 = arith.muli %add3A, %mul3A_30 : i32
    %dma_wait3A_32 = arith.constant 16 : i32
    %dma_wait3A_33 = tpu.memref_slice %arg2[%dma_wait3A_32, %mul3A_31] : memref<200x4096xi32, #tpu.memory_space<hbm>> -> memref<8x128xi32, #tpu.memory_space<hbm>>
    %dma_wait3A_34 = arith.constant 16 : i32
    %dma_wait3A_35 = tpu.memref_slice %arg2[%dma_wait3A_34, %mul3A_31] : memref<200x4096xi32, #tpu.memory_space<hbm>> -> memref<8x128xi32, #tpu.memory_space<hbm>>
    tpu.wait_dma2 semaphore(%arg6 : memref<!tpu.dma_semaphore, #tpu.memory_space<semaphore_mem>>) src(%dma_wait3A_35 : memref<8x128xi32, #tpu.memory_space<hbm>>) dst(%arg4 : memref<8x128xi32, #tpu.memory_space<vmem>>)
    %mul3A_36 = arith.constant 128 : i32
    %mul3A_37 = arith.muli %add3A, %mul3A_36 : i32
    %dma_start3A_38 = arith.constant 24 : i32
    %dma_start3A_39 = tpu.memref_slice %arg2[%dma_start3A_38, %mul3A_37] : memref<200x4096xi32, #tpu.memory_space<hbm>> -> memref<8x128xi32, #tpu.memory_space<hbm>>
    %dma_start3A_40 = arith.constant 24 : i32
    %dma_start3A_41 = tpu.memref_slice %arg2[%dma_start3A_40, %mul3A_37] : memref<200x4096xi32, #tpu.memory_space<hbm>> -> memref<8x128xi32, #tpu.memory_space<hbm>>
    tpu.enqueue_dma source(%dma_start3A_41 : memref<8x128xi32, #tpu.memory_space<hbm>>) target(%arg5 : memref<8x128xi32, #tpu.memory_space<vmem>>) target_semaphore(%arg7 : memref<!tpu.dma_semaphore, #tpu.memory_space<semaphore_mem>>)
    %run_scoped3A_42 = arith.constant 2 : i32
    "tpu.region"() ({
      %run_scoped3A_323 = tpu.sem_alloc : memref<!tpu.dma_semaphore, #tpu.memory_space<semaphore_mem>>
      %dma_start3A_324 = arith.constant 0 : i32
      %dma_start3A_325 = arith.constant 0 : i32
      %dma_start3A_326 = tpu.memref_slice %arg3[%run_scoped3A_42, %add3A, %dma_start3A_324, %dma_start3A_325] : memref<25x32x8x128xi32, #tpu.memory_space<hbm>> -> memref<1x1x8x128xi32, #tpu.memory_space<hbm>>
      %dma_start3A_327 = tpu.memref_squeeze %dma_start3A_326 : memref<1x1x8x128xi32, #tpu.memory_space<hbm>> -> memref<8x128xi32, #tpu.memory_space<hbm>>
      %dma_start3A_328 = arith.constant 0 : i32
      %dma_start3A_329 = arith.constant 0 : i32
      %dma_start3A_330 = tpu.memref_slice %arg3[%run_scoped3A_42, %add3A, %dma_start3A_328, %dma_start3A_329] : memref<25x32x8x128xi32, #tpu.memory_space<hbm>> -> memref<1x1x8x128xi32, #tpu.memory_space<hbm>>
      %dma_start3A_331 = tpu.memref_squeeze %dma_start3A_330 : memref<1x1x8x128xi32, #tpu.memory_space<hbm>> -> memref<8x128xi32, #tpu.memory_space<hbm>>
      tpu.enqueue_dma source(%arg4 : memref<8x128xi32, #tpu.memory_space<vmem>>) target(%dma_start3A_331 : memref<8x128xi32, #tpu.memory_space<hbm>>) target_semaphore(%run_scoped3A_323 : memref<!tpu.dma_semaphore, #tpu.memory_space<semaphore_mem>>)
      %dma_wait3A_332 = arith.constant 0 : i32
      %dma_wait3A_333 = arith.constant 0 : i32
      %dma_wait3A_334 = tpu.memref_slice %arg3[%run_scoped3A_42, %add3A, %dma_wait3A_332, %dma_wait3A_333] : memref<25x32x8x128xi32, #tpu.memory_space<hbm>> -> memref<1x1x8x128xi32, #tpu.memory_space<hbm>>
      %dma_wait3A_335 = tpu.memref_squeeze %dma_wait3A_334 : memref<1x1x8x128xi32, #tpu.memory_space<hbm>> -> memref<8x128xi32, #tpu.memory_space<hbm>>
      %dma_wait3A_336 = arith.constant 0 : i32
      %dma_wait3A_337 = arith.constant 0 : i32
      %dma_wait3A_338 = tpu.memref_slice %arg3[%run_scoped3A_42, %add3A, %dma_wait3A_336, %dma_wait3A_337] : memref<25x32x8x128xi32, #tpu.memory_space<hbm>> -> memref<1x1x8x128xi32, #tpu.memory_space<hbm>>
      %dma_wait3A_339 = tpu.memref_squeeze %dma_wait3A_338 : memref<1x1x8x128xi32, #tpu.memory_space<hbm>> -> memref<8x128xi32, #tpu.memory_space<hbm>>
      tpu.wait_dma2 semaphore(%run_scoped3A_323 : memref<!tpu.dma_semaphore, #tpu.memory_space<semaphore_mem>>) src(%arg4 : memref<8x128xi32, #tpu.memory_space<vmem>>) dst(%dma_wait3A_339 : memref<8x128xi32, #tpu.memory_space<hbm>>)
      tpu.yield
    }) : () -> ()
    %mul3A_43 = arith.constant 128 : i32
    %mul3A_44 = arith.muli %add3A, %mul3A_43 : i32
    %dma_wait3A_45 = arith.constant 24 : i32
    %dma_wait3A_46 = tpu.memref_slice %arg2[%dma_wait3A_45, %mul3A_44] : memref<200x4096xi32, #tpu.memory_space<hbm>> -> memref<8x128xi32, #tpu.memory_space<hbm>>
    %dma_wait3A_47 = arith.constant 24 : i32
    %dma_wait3A_48 = tpu.memref_slice %arg2[%dma_wait3A_47, %mul3A_44] : memref<200x4096xi32, #tpu.memory_space<hbm>> -> memref<8x128xi32, #tpu.memory_space<hbm>>
    tpu.wait_dma2 semaphore(%arg7 : memref<!tpu.dma_semaphore, #tpu.memory_space<semaphore_mem>>) src(%dma_wait3A_48 : memref<8x128xi32, #tpu.memory_space<hbm>>) dst(%arg5 : memref<8x128xi32, #tpu.memory_space<vmem>>)
    %mul3A_49 = arith.constant 128 : i32
    %mul3A_50 = arith.muli %add3A, %mul3A_49 : i32
    %dma_start3A_51 = arith.constant 32 : i32
    %dma_start3A_52 = tpu.memref_slice %arg2[%dma_start3A_51, %mul3A_50] : memref<200x4096xi32, #tpu.memory_space<hbm>> -> memref<8x128xi32, #tpu.memory_space<hbm>>
    %dma_start3A_53 = arith.constant 32 : i32
    %dma_start3A_54 = tpu.memref_slice %arg2[%dma_start3A_53, %mul3A_50] : memref<200x4096xi32, #tpu.memory_space<hbm>> -> memref<8x128xi32, #tpu.memory_space<hbm>>
    tpu.enqueue_dma source(%dma_start3A_54 : memref<8x128xi32, #tpu.memory_space<hbm>>) target(%arg4 : memref<8x128xi32, #tpu.memory_space<vmem>>) target_semaphore(%arg6 : memref<!tpu.dma_semaphore, #tpu.memory_space<semaphore_mem>>)
    %run_scoped3A_55 = arith.constant 3 : i32
    "tpu.region"() ({
      %run_scoped3A_323 = tpu.sem_alloc : memref<!tpu.dma_semaphore, #tpu.memory_space<semaphore_mem>>
      %dma_start3A_324 = arith.constant 0 : i32
      %dma_start3A_325 = arith.constant 0 : i32
      %dma_start3A_326 = tpu.memref_slice %arg3[%run_scoped3A_55, %add3A, %dma_start3A_324, %dma_start3A_325] : memref<25x32x8x128xi32, #tpu.memory_space<hbm>> -> memref<1x1x8x128xi32, #tpu.memory_space<hbm>>
      %dma_start3A_327 = tpu.memref_squeeze %dma_start3A_326 : memref<1x1x8x128xi32, #tpu.memory_space<hbm>> -> memref<8x128xi32, #tpu.memory_space<hbm>>
      %dma_start3A_328 = arith.constant 0 : i32
      %dma_start3A_329 = arith.constant 0 : i32
      %dma_start3A_330 = tpu.memref_slice %arg3[%run_scoped3A_55, %add3A, %dma_start3A_328, %dma_start3A_329] : memref<25x32x8x128xi32, #tpu.memory_space<hbm>> -> memref<1x1x8x128xi32, #tpu.memory_space<hbm>>
      %dma_start3A_331 = tpu.memref_squeeze %dma_start3A_330 : memref<1x1x8x128xi32, #tpu.memory_space<hbm>> -> memref<8x128xi32, #tpu.memory_space<hbm>>
      tpu.enqueue_dma source(%arg5 : memref<8x128xi32, #tpu.memory_space<vmem>>) target(%dma_start3A_331 : memref<8x128xi32, #tpu.memory_space<hbm>>) target_semaphore(%run_scoped3A_323 : memref<!tpu.dma_semaphore, #tpu.memory_space<semaphore_mem>>)
      %dma_wait3A_332 = arith.constant 0 : i32
      %dma_wait3A_333 = arith.constant 0 : i32
      %dma_wait3A_334 = tpu.memref_slice %arg3[%run_scoped3A_55, %add3A, %dma_wait3A_332, %dma_wait3A_333] : memref<25x32x8x128xi32, #tpu.memory_space<hbm>> -> memref<1x1x8x128xi32, #tpu.memory_space<hbm>>
      %dma_wait3A_335 = tpu.memref_squeeze %dma_wait3A_334 : memref<1x1x8x128xi32, #tpu.memory_space<hbm>> -> memref<8x128xi32, #tpu.memory_space<hbm>>
      %dma_wait3A_336 = arith.constant 0 : i32
      %dma_wait3A_337 = arith.constant 0 : i32
      %dma_wait3A_338 = tpu.memref_slice %arg3[%run_scoped3A_55, %add3A, %dma_wait3A_336, %dma_wait3A_337] : memref<25x32x8x128xi32, #tpu.memory_space<hbm>> -> memref<1x1x8x128xi32, #tpu.memory_space<hbm>>
      %dma_wait3A_339 = tpu.memref_squeeze %dma_wait3A_338 : memref<1x1x8x128xi32, #tpu.memory_space<hbm>> -> memref<8x128xi32, #tpu.memory_space<hbm>>
      tpu.wait_dma2 semaphore(%run_scoped3A_323 : memref<!tpu.dma_semaphore, #tpu.memory_space<semaphore_mem>>) src(%arg5 : memref<8x128xi32, #tpu.memory_space<vmem>>) dst(%dma_wait3A_339 : memref<8x128xi32, #tpu.memory_space<hbm>>)
      tpu.yield
    }) : () -> ()
    %mul3A_56 = arith.constant 128 : i32
    %mul3A_57 = arith.muli %add3A, %mul3A_56 : i32
    %dma_wait3A_58 = arith.constant 32 : i32
    %dma_wait3A_59 = tpu.memref_slice %arg2[%dma_wait3A_58, %mul3A_57] : memref<200x4096xi32, #tpu.memory_space<hbm>> -> memref<8x128xi32, #tpu.memory_space<hbm>>
    %dma_wait3A_60 = arith.constant 32 : i32
    %dma_wait3A_61 = tpu.memref_slice %arg2[%dma_wait3A_60, %mul3A_57] : memref<200x4096xi32, #tpu.memory_space<hbm>> -> memref<8x128xi32, #tpu.memory_space<hbm>>
    tpu.wait_dma2 semaphore(%arg6 : memref<!tpu.dma_semaphore, #tpu.memory_space<semaphore_mem>>) src(%dma_wait3A_61 : memref<8x128xi32, #tpu.memory_space<hbm>>) dst(%arg4 : memref<8x128xi32, #tpu.memory_space<vmem>>)
    %mul3A_62 = arith.constant 128 : i32
    %mul3A_63 = arith.muli %add3A, %mul3A_62 : i32
    %dma_start3A_64 = arith.constant 40 : i32
    %dma_start3A_65 = tpu.memref_slice %arg2[%dma_start3A_64, %mul3A_63] : memref<200x4096xi32, #tpu.memory_space<hbm>> -> memref<8x128xi32, #tpu.memory_space<hbm>>
    %dma_start3A_66 = arith.constant 40 : i32
    %dma_start3A_67 = tpu.memref_slice %arg2[%dma_start3A_66, %mul3A_63] : memref<200x4096xi32, #tpu.memory_space<hbm>> -> memref<8x128xi32, #tpu.memory_space<hbm>>
    tpu.enqueue_dma source(%dma_start3A_67 : memref<8x128xi32, #tpu.memory_space<hbm>>) target(%arg5 : memref<8x128xi32, #tpu.memory_space<vmem>>) target_semaphore(%arg7 : memref<!tpu.dma_semaphore, #tpu.memory_space<semaphore_mem>>)
    %run_scoped3A_68 = arith.constant 4 : i32
    "tpu.region"() ({
      %run_scoped3A_323 = tpu.sem_alloc : memref<!tpu.dma_semaphore, #tpu.memory_space<semaphore_mem>>
      %dma_start3A_324 = arith.constant 0 : i32
      %dma_start3A_325 = arith.constant 0 : i32
      %dma_start3A_326 = tpu.memref_slice %arg3[%run_scoped3A_68, %add3A, %dma_start3A_324, %dma_start3A_325] : memref<25x32x8x128xi32, #tpu.memory_space<hbm>> -> memref<1x1x8x128xi32, #tpu.memory_space<hbm>>
      %dma_start3A_327 = tpu.memref_squeeze %dma_start3A_326 : memref<1x1x8x128xi32, #tpu.memory_space<hbm>> -> memref<8x128xi32, #tpu.memory_space<hbm>>
      %dma_start3A_328 = arith.constant 0 : i32
      %dma_start3A_329 = arith.constant 0 : i32
      %dma_start3A_330 = tpu.memref_slice %arg3[%run_scoped3A_68, %add3A, %dma_start3A_328, %dma_start3A_329] : memref<25x32x8x128xi32, #tpu.memory_space<hbm>> -> memref<1x1x8x128xi32, #tpu.memory_space<hbm>>
      %dma_start3A_331 = tpu.memref_squeeze %dma_start3A_330 : memref<1x1x8x128xi32, #tpu.memory_space<hbm>> -> memref<8x128xi32, #tpu.memory_space<hbm>>
      tpu.enqueue_dma source(%arg4 : memref<8x128xi32, #tpu.memory_space<vmem>>) target(%dma_start3A_331 : memref<8x128xi32, #tpu.memory_space<hbm>>) target_semaphore(%run_scoped3A_323 : memref<!tpu.dma_semaphore, #tpu.memory_space<semaphore_mem>>)
      %dma_wait3A_332 = arith.constant 0 : i32
      %dma_wait3A_333 = arith.constant 0 : i32
      %dma_wait3A_334 = tpu.memref_slice %arg3[%run_scoped3A_68, %add3A, %dma_wait3A_332, %dma_wait3A_333] : memref<25x32x8x128xi32, #tpu.memory_space<hbm>> -> memref<1x1x8x128xi32, #tpu.memory_space<hbm>>
      %dma_wait3A_335 = tpu.memref_squeeze %dma_wait3A_334 : memref<1x1x8x128xi32, #tpu.memory_space<hbm>> -> memref<8x128xi32, #tpu.memory_space<hbm>>
      %dma_wait3A_336 = arith.constant 0 : i32
      %dma_wait3A_337 = arith.constant 0 : i32
      %dma_wait3A_338 = tpu.memref_slice %arg3[%run_scoped3A_68, %add3A, %dma_wait3A_336, %dma_wait3A_337] : memref<25x32x8x128xi32, #tpu.memory_space<hbm>> -> memref<1x1x8x128xi32, #tpu.memory_space<hbm>>
      %dma_wait3A_339 = tpu.memref_squeeze %dma_wait3A_338 : memref<1x1x8x128xi32, #tpu.memory_space<hbm>> -> memref<8x128xi32, #tpu.memory_space<hbm>>
      tpu.wait_dma2 semaphore(%run_scoped3A_323 : memref<!tpu.dma_semaphore, #tpu.memory_space<semaphore_mem>>) src(%arg4 : memref<8x128xi32, #tpu.memory_space<vmem>>) dst(%dma_wait3A_339 : memref<8x128xi32, #tpu.memory_space<hbm>>)
      tpu.yield
    }) : () -> ()
    %mul3A_69 = arith.constant 128 : i32
    %mul3A_70 = arith.muli %add3A, %mul3A_69 : i32
    %dma_wait3A_71 = arith.constant 40 : i32
    %dma_wait3A_72 = tpu.memref_slice %arg2[%dma_wait3A_71, %mul3A_70] : memref<200x4096xi32, #tpu.memory_space<hbm>> -> memref<8x128xi32, #tpu.memory_space<hbm>>
    %dma_wait3A_73 = arith.constant 40 : i32
    %dma_wait3A_74 = tpu.memref_slice %arg2[%dma_wait3A_73, %mul3A_70] : memref<200x4096xi32, #tpu.memory_space<hbm>> -> memref<8x128xi32, #tpu.memory_space<hbm>>
    tpu.wait_dma2 semaphore(%arg7 : memref<!tpu.dma_semaphore, #tpu.memory_space<semaphore_mem>>) src(%dma_wait3A_74 : memref<8x128xi32, #tpu.memory_space<hbm>>) dst(%arg5 : memref<8x128xi32, #tpu.memory_space<vmem>>)
    %mul3A_75 = arith.constant 128 : i32
    %mul3A_76 = arith.muli %add3A, %mul3A_75 : i32
    %dma_start3A_77 = arith.constant 48 : i32
    %dma_start3A_78 = tpu.memref_slice %arg2[%dma_start3A_77, %mul3A_76] : memref<200x4096xi32, #tpu.memory_space<hbm>> -> memref<8x128xi32, #tpu.memory_space<hbm>>
    %dma_start3A_79 = arith.constant 48 : i32
    %dma_start3A_80 = tpu.memref_slice %arg2[%dma_start3A_79, %mul3A_76] : memref<200x4096xi32, #tpu.memory_space<hbm>> -> memref<8x128xi32, #tpu.memory_space<hbm>>
    tpu.enqueue_dma source(%dma_start3A_80 : memref<8x128xi32, #tpu.memory_space<hbm>>) target(%arg4 : memref<8x128xi32, #tpu.memory_space<vmem>>) target_semaphore(%arg6 : memref<!tpu.dma_semaphore, #tpu.memory_space<semaphore_mem>>)
    %run_scoped3A_81 = arith.constant 5 : i32
    "tpu.region"() ({
      %run_scoped3A_323 = tpu.sem_alloc : memref<!tpu.dma_semaphore, #tpu.memory_space<semaphore_mem>>
      %dma_start3A_324 = arith.constant 0 : i32
      %dma_start3A_325 = arith.constant 0 : i32
      %dma_start3A_326 = tpu.memref_slice %arg3[%run_scoped3A_81, %add3A, %dma_start3A_324, %dma_start3A_325] : memref<25x32x8x128xi32, #tpu.memory_space<hbm>> -> memref<1x1x8x128xi32, #tpu.memory_space<hbm>>
      %dma_start3A_327 = tpu.memref_squeeze %dma_start3A_326 : memref<1x1x8x128xi32, #tpu.memory_space<hbm>> -> memref<8x128xi32, #tpu.memory_space<hbm>>
      %dma_start3A_328 = arith.constant 0 : i32
      %dma_start3A_329 = arith.constant 0 : i32
      %dma_start3A_330 = tpu.memref_slice %arg3[%run_scoped3A_81, %add3A, %dma_start3A_328, %dma_start3A_329] : memref<25x32x8x128xi32, #tpu.memory_space<hbm>> -> memref<1x1x8x128xi32, #tpu.memory_space<hbm>>
      %dma_start3A_331 = tpu.memref_squeeze %dma_start3A_330 : memref<1x1x8x128xi32, #tpu.memory_space<hbm>> -> memref<8x128xi32, #tpu.memory_space<hbm>>
      tpu.enqueue_dma source(%arg5 : memref<8x128xi32, #tpu.memory_space<vmem>>) target(%dma_start3A_331 : memref<8x128xi32, #tpu.memory_space<hbm>>) target_semaphore(%run_scoped3A_323 : memref<!tpu.dma_semaphore, #tpu.memory_space<semaphore_mem>>)
      %dma_wait3A_332 = arith.constant 0 : i32
      %dma_wait3A_333 = arith.constant 0 : i32
      %dma_wait3A_334 = tpu.memref_slice %arg3[%run_scoped3A_81, %add3A, %dma_wait3A_332, %dma_wait3A_333] : memref<25x32x8x128xi32, #tpu.memory_space<hbm>> -> memref<1x1x8x128xi32, #tpu.memory_space<hbm>>
      %dma_wait3A_335 = tpu.memref_squeeze %dma_wait3A_334 : memref<1x1x8x128xi32, #tpu.memory_space<hbm>> -> memref<8x128xi32, #tpu.memory_space<hbm>>
      %dma_wait3A_336 = arith.constant 0 : i32
      %dma_wait3A_337 = arith.constant 0 : i32
      %dma_wait3A_338 = tpu.memref_slice %arg3[%run_scoped3A_81, %add3A, %dma_wait3A_336, %dma_wait3A_337] : memref<25x32x8x128xi32, #tpu.memory_space<hbm>> -> memref<1x1x8x128xi32, #tpu.memory_space<hbm>>
      %dma_wait3A_339 = tpu.memref_squeeze %dma_wait3A_338 : memref<1x1x8x128xi32, #tpu.memory_space<hbm>> -> memref<8x128xi32, #tpu.memory_space<hbm>>
      tpu.wait_dma2 semaphore(%run_scoped3A_323 : memref<!tpu.dma_semaphore, #tpu.memory_space<semaphore_mem>>) src(%arg5 : memref<8x128xi32, #tpu.memory_space<vmem>>) dst(%dma_wait3A_339 : memref<8x128xi32, #tpu.memory_space<hbm>>)
      tpu.yield
    }) : () -> ()
    %mul3A_82 = arith.constant 128 : i32
    %mul3A_83 = arith.muli %add3A, %mul3A_82 : i32
    %dma_wait3A_84 = arith.constant 48 : i32
    %dma_wait3A_85 = tpu.memref_slice %arg2[%dma_wait3A_84, %mul3A_83] : memref<200x4096xi32, #tpu.memory_space<hbm>> -> memref<8x128xi32, #tpu.memory_space<hbm>>
    %dma_wait3A_86 = arith.constant 48 : i32
    %dma_wait3A_87 = tpu.memref_slice %arg2[%dma_wait3A_86, %mul3A_83] : memref<200x4096xi32, #tpu.memory_space<hbm>> -> memref<8x128xi32, #tpu.memory_space<hbm>>
    tpu.wait_dma2 semaphore(%arg6 : memref<!tpu.dma_semaphore, #tpu.memory_space<semaphore_mem>>) src(%dma_wait3A_87 : memref<8x128xi32, #tpu.memory_space<hbm>>) dst(%arg4 : memref<8x128xi32, #tpu.memory_space<vmem>>)
    %mul3A_88 = arith.constant 128 : i32
    %mul3A_89 = arith.muli %add3A, %mul3A_88 : i32
    %dma_start3A_90 = arith.constant 56 : i32
    %dma_start3A_91 = tpu.memref_slice %arg2[%dma_start3A_90, %mul3A_89] : memref<200x4096xi32, #tpu.memory_space<hbm>> -> memref<8x128xi32, #tpu.memory_space<hbm>>
    %dma_start3A_92 = arith.constant 56 : i32
    %dma_start3A_93 = tpu.memref_slice %arg2[%dma_start3A_92, %mul3A_89] : memref<200x4096xi32, #tpu.memory_space<hbm>> -> memref<8x128xi32, #tpu.memory_space<hbm>>
    tpu.enqueue_dma source(%dma_start3A_93 : memref<8x128xi32, #tpu.memory_space<hbm>>) target(%arg5 : memref<8x128xi32, #tpu.memory_space<vmem>>) target_semaphore(%arg7 : memref<!tpu.dma_semaphore, #tpu.memory_space<semaphore_mem>>)
    %run_scoped3A_94 = arith.constant 6 : i32
    "tpu.region"() ({
      %run_scoped3A_323 = tpu.sem_alloc : memref<!tpu.dma_semaphore, #tpu.memory_space<semaphore_mem>>
      %dma_start3A_324 = arith.constant 0 : i32
      %dma_start3A_325 = arith.constant 0 : i32
      %dma_start3A_326 = tpu.memref_slice %arg3[%run_scoped3A_94, %add3A, %dma_start3A_324, %dma_start3A_325] : memref<25x32x8x128xi32, #tpu.memory_space<hbm>> -> memref<1x1x8x128xi32, #tpu.memory_space<hbm>>
      %dma_start3A_327 = tpu.memref_squeeze %dma_start3A_326 : memref<1x1x8x128xi32, #tpu.memory_space<hbm>> -> memref<8x128xi32, #tpu.memory_space<hbm>>
      %dma_start3A_328 = arith.constant 0 : i32
      %dma_start3A_329 = arith.constant 0 : i32
      %dma_start3A_330 = tpu.memref_slice %arg3[%run_scoped3A_94, %add3A, %dma_start3A_328, %dma_start3A_329] : memref<25x32x8x128xi32, #tpu.memory_space<hbm>> -> memref<1x1x8x128xi32, #tpu.memory_space<hbm>>
      %dma_start3A_331 = tpu.memref_squeeze %dma_start3A_330 : memref<1x1x8x128xi32, #tpu.memory_space<hbm>> -> memref<8x128xi32, #tpu.memory_space<hbm>>
      tpu.enqueue_dma source(%arg4 : memref<8x128xi32, #tpu.memory_space<vmem>>) target(%dma_start3A_331 : memref<8x128xi32, #tpu.memory_space<hbm>>) target_semaphore(%run_scoped3A_323 : memref<!tpu.dma_semaphore, #tpu.memory_space<semaphore_mem>>)
      %dma_wait3A_332 = arith.constant 0 : i32
      %dma_wait3A_333 = arith.constant 0 : i32
      %dma_wait3A_334 = tpu.memref_slice %arg3[%run_scoped3A_94, %add3A, %dma_wait3A_332, %dma_wait3A_333] : memref<25x32x8x128xi32, #tpu.memory_space<hbm>> -> memref<1x1x8x128xi32, #tpu.memory_space<hbm>>
      %dma_wait3A_335 = tpu.memref_squeeze %dma_wait3A_334 : memref<1x1x8x128xi32, #tpu.memory_space<hbm>> -> memref<8x128xi32, #tpu.memory_space<hbm>>
      %dma_wait3A_336 = arith.constant 0 : i32
      %dma_wait3A_337 = arith.constant 0 : i32
      %dma_wait3A_338 = tpu.memref_slice %arg3[%run_scoped3A_94, %add3A, %dma_wait3A_336, %dma_wait3A_337] : memref<25x32x8x128xi32, #tpu.memory_space<hbm>> -> memref<1x1x8x128xi32, #tpu.memory_space<hbm>>
      %dma_wait3A_339 = tpu.memref_squeeze %dma_wait3A_338 : memref<1x1x8x128xi32, #tpu.memory_space<hbm>> -> memref<8x128xi32, #tpu.memory_space<hbm>>
      tpu.wait_dma2 semaphore(%run_scoped3A_323 : memref<!tpu.dma_semaphore, #tpu.memory_space<semaphore_mem>>) src(%arg4 : memref<8x128xi32, #tpu.memory_space<vmem>>) dst(%dma_wait3A_339 : memref<8x128xi32, #tpu.memory_space<hbm>>)
      tpu.yield
    }) : () -> ()
    %mul3A_95 = arith.constant 128 : i32
    %mul3A_96 = arith.muli %add3A, %mul3A_95 : i32
    %dma_wait3A_97 = arith.constant 56 : i32
    %dma_wait3A_98 = tpu.memref_slice %arg2[%dma_wait3A_97, %mul3A_96] : memref<200x4096xi32, #tpu.memory_space<hbm>> -> memref<8x128xi32, #tpu.memory_space<hbm>>
    %dma_wait3A_99 = arith.constant 56 : i32
    %dma_wait3A_100 = tpu.memref_slice %arg2[%dma_wait3A_99, %mul3A_96] : memref<200x4096xi32, #tpu.memory_space<hbm>> -> memref<8x128xi32, #tpu.memory_space<hbm>>
    tpu.wait_dma2 semaphore(%arg7 : memref<!tpu.dma_semaphore, #tpu.memory_space<semaphore_mem>>) src(%dma_wait3A_100 : memref<8x128xi32, #tpu.memory_space<hbm>>) dst(%arg5 : memref<8x128xi32, #tpu.memory_space<vmem>>)
    %mul3A_101 = arith.constant 128 : i32
    %mul3A_102 = arith.muli %add3A, %mul3A_101 : i32
    %dma_start3A_103 = arith.constant 64 : i32
    %dma_start3A_104 = tpu.memref_slice %arg2[%dma_start3A_103, %mul3A_102] : memref<200x4096xi32, #tpu.memory_space<hbm>> -> memref<8x128xi32, #tpu.memory_space<hbm>>
    %dma_start3A_105 = arith.constant 64 : i32
    %dma_start3A_106 = tpu.memref_slice %arg2[%dma_start3A_105, %mul3A_102] : memref<200x4096xi32, #tpu.memory_space<hbm>> -> memref<8x128xi32, #tpu.memory_space<hbm>>
    tpu.enqueue_dma source(%dma_start3A_106 : memref<8x128xi32, #tpu.memory_space<hbm>>) target(%arg4 : memref<8x128xi32, #tpu.memory_space<vmem>>) target_semaphore(%arg6 : memref<!tpu.dma_semaphore, #tpu.memory_space<semaphore_mem>>)
    %run_scoped3A_107 = arith.constant 7 : i32
    "tpu.region"() ({
      %run_scoped3A_323 = tpu.sem_alloc : memref<!tpu.dma_semaphore, #tpu.memory_space<semaphore_mem>>
      %dma_start3A_324 = arith.constant 0 : i32
      %dma_start3A_325 = arith.constant 0 : i32
      %dma_start3A_326 = tpu.memref_slice %arg3[%run_scoped3A_107, %add3A, %dma_start3A_324, %dma_start3A_325] : memref<25x32x8x128xi32, #tpu.memory_space<hbm>> -> memref<1x1x8x128xi32, #tpu.memory_space<hbm>>
      %dma_start3A_327 = tpu.memref_squeeze %dma_start3A_326 : memref<1x1x8x128xi32, #tpu.memory_space<hbm>> -> memref<8x128xi32, #tpu.memory_space<hbm>>
      %dma_start3A_328 = arith.constant 0 : i32
      %dma_start3A_329 = arith.constant 0 : i32
      %dma_start3A_330 = tpu.memref_slice %arg3[%run_scoped3A_107, %add3A, %dma_start3A_328, %dma_start3A_329] : memref<25x32x8x128xi32, #tpu.memory_space<hbm>> -> memref<1x1x8x128xi32, #tpu.memory_space<hbm>>
      %dma_start3A_331 = tpu.memref_squeeze %dma_start3A_330 : memref<1x1x8x128xi32, #tpu.memory_space<hbm>> -> memref<8x128xi32, #tpu.memory_space<hbm>>
      tpu.enqueue_dma source(%arg5 : memref<8x128xi32, #tpu.memory_space<vmem>>) target(%dma_start3A_331 : memref<8x128xi32, #tpu.memory_space<hbm>>) target_semaphore(%run_scoped3A_323 : memref<!tpu.dma_semaphore, #tpu.memory_space<semaphore_mem>>)
      %dma_wait3A_332 = arith.constant 0 : i32
      %dma_wait3A_333 = arith.constant 0 : i32
      %dma_wait3A_334 = tpu.memref_slice %arg3[%run_scoped3A_107, %add3A, %dma_wait3A_332, %dma_wait3A_333] : memref<25x32x8x128xi32, #tpu.memory_space<hbm>> -> memref<1x1x8x128xi32, #tpu.memory_space<hbm>>
      %dma_wait3A_335 = tpu.memref_squeeze %dma_wait3A_334 : memref<1x1x8x128xi32, #tpu.memory_space<hbm>> -> memref<8x128xi32, #tpu.memory_space<hbm>>
      %dma_wait3A_336 = arith.constant 0 : i32
      %dma_wait3A_337 = arith.constant 0 : i32
      %dma_wait3A_338 = tpu.memref_slice %arg3[%run_scoped3A_107, %add3A, %dma_wait3A_336, %dma_wait3A_337] : memref<25x32x8x128xi32, #tpu.memory_space<hbm>> -> memref<1x1x8x128xi32, #tpu.memory_space<hbm>>
      %dma_wait3A_339 = tpu.memref_squeeze %dma_wait3A_338 : memref<1x1x8x128xi32, #tpu.memory_space<hbm>> -> memref<8x128xi32, #tpu.memory_space<hbm>>
      tpu.wait_dma2 semaphore(%run_scoped3A_323 : memref<!tpu.dma_semaphore, #tpu.memory_space<semaphore_mem>>) src(%arg5 : memref<8x128xi32, #tpu.memory_space<vmem>>) dst(%dma_wait3A_339 : memref<8x128xi32, #tpu.memory_space<hbm>>)
      tpu.yield
    }) : () -> ()
    %mul3A_108 = arith.constant 128 : i32
    %mul3A_109 = arith.muli %add3A, %mul3A_108 : i32
    %dma_wait3A_110 = arith.constant 64 : i32
    %dma_wait3A_111 = tpu.memref_slice %arg2[%dma_wait3A_110, %mul3A_109] : memref<200x4096xi32, #tpu.memory_space<hbm>> -> memref<8x128xi32, #tpu.memory_space<hbm>>
    %dma_wait3A_112 = arith.constant 64 : i32
    %dma_wait3A_113 = tpu.memref_slice %arg2[%dma_wait3A_112, %mul3A_109] : memref<200x4096xi32, #tpu.memory_space<hbm>> -> memref<8x128xi32, #tpu.memory_space<hbm>>
    tpu.wait_dma2 semaphore(%arg6 : memref<!tpu.dma_semaphore, #tpu.memory_space<semaphore_mem>>) src(%dma_wait3A_113 : memref<8x128xi32, #tpu.memory_space<hbm>>) dst(%arg4 : memref<8x128xi32, #tpu.memory_space<vmem>>)
    %mul3A_114 = arith.constant 128 : i32
    %mul3A_115 = arith.muli %add3A, %mul3A_114 : i32
    %dma_start3A_116 = arith.constant 72 : i32
    %dma_start3A_117 = tpu.memref_slice %arg2[%dma_start3A_116, %mul3A_115] : memref<200x4096xi32, #tpu.memory_space<hbm>> -> memref<8x128xi32, #tpu.memory_space<hbm>>
    %dma_start3A_118 = arith.constant 72 : i32
    %dma_start3A_119 = tpu.memref_slice %arg2[%dma_start3A_118, %mul3A_115] : memref<200x4096xi32, #tpu.memory_space<hbm>> -> memref<8x128xi32, #tpu.memory_space<hbm>>
    tpu.enqueue_dma source(%dma_start3A_119 : memref<8x128xi32, #tpu.memory_space<hbm>>) target(%arg5 : memref<8x128xi32, #tpu.memory_space<vmem>>) target_semaphore(%arg7 : memref<!tpu.dma_semaphore, #tpu.memory_space<semaphore_mem>>)
    %run_scoped3A_120 = arith.constant 8 : i32
    "tpu.region"() ({
      %run_scoped3A_323 = tpu.sem_alloc : memref<!tpu.dma_semaphore, #tpu.memory_space<semaphore_mem>>
      %dma_start3A_324 = arith.constant 0 : i32
      %dma_start3A_325 = arith.constant 0 : i32
      %dma_start3A_326 = tpu.memref_slice %arg3[%run_scoped3A_120, %add3A, %dma_start3A_324, %dma_start3A_325] : memref<25x32x8x128xi32, #tpu.memory_space<hbm>> -> memref<1x1x8x128xi32, #tpu.memory_space<hbm>>
      %dma_start3A_327 = tpu.memref_squeeze %dma_start3A_326 : memref<1x1x8x128xi32, #tpu.memory_space<hbm>> -> memref<8x128xi32, #tpu.memory_space<hbm>>
      %dma_start3A_328 = arith.constant 0 : i32
      %dma_start3A_329 = arith.constant 0 : i32
      %dma_start3A_330 = tpu.memref_slice %arg3[%run_scoped3A_120, %add3A, %dma_start3A_328, %dma_start3A_329] : memref<25x32x8x128xi32, #tpu.memory_space<hbm>> -> memref<1x1x8x128xi32, #tpu.memory_space<hbm>>
      %dma_start3A_331 = tpu.memref_squeeze %dma_start3A_330 : memref<1x1x8x128xi32, #tpu.memory_space<hbm>> -> memref<8x128xi32, #tpu.memory_space<hbm>>
      tpu.enqueue_dma source(%arg4 : memref<8x128xi32, #tpu.memory_space<vmem>>) target(%dma_start3A_331 : memref<8x128xi32, #tpu.memory_space<hbm>>) target_semaphore(%run_scoped3A_323 : memref<!tpu.dma_semaphore, #tpu.memory_space<semaphore_mem>>)
      %dma_wait3A_332 = arith.constant 0 : i32
      %dma_wait3A_333 = arith.constant 0 : i32
      %dma_wait3A_334 = tpu.memref_slice %arg3[%run_scoped3A_120, %add3A, %dma_wait3A_332, %dma_wait3A_333] : memref<25x32x8x128xi32, #tpu.memory_space<hbm>> -> memref<1x1x8x128xi32, #tpu.memory_space<hbm>>
      %dma_wait3A_335 = tpu.memref_squeeze %dma_wait3A_334 : memref<1x1x8x128xi32, #tpu.memory_space<hbm>> -> memref<8x128xi32, #tpu.memory_space<hbm>>
      %dma_wait3A_336 = arith.constant 0 : i32
      %dma_wait3A_337 = arith.constant 0 : i32
      %dma_wait3A_338 = tpu.memref_slice %arg3[%run_scoped3A_120, %add3A, %dma_wait3A_336, %dma_wait3A_337] : memref<25x32x8x128xi32, #tpu.memory_space<hbm>> -> memref<1x1x8x128xi32, #tpu.memory_space<hbm>>
      %dma_wait3A_339 = tpu.memref_squeeze %dma_wait3A_338 : memref<1x1x8x128xi32, #tpu.memory_space<hbm>> -> memref<8x128xi32, #tpu.memory_space<hbm>>
      tpu.wait_dma2 semaphore(%run_scoped3A_323 : memref<!tpu.dma_semaphore, #tpu.memory_space<semaphore_mem>>) src(%arg4 : memref<8x128xi32, #tpu.memory_space<vmem>>) dst(%dma_wait3A_339 : memref<8x128xi32, #tpu.memory_space<hbm>>)
      tpu.yield
    }) : () -> ()
    %mul3A_121 = arith.constant 128 : i32
    %mul3A_122 = arith.muli %add3A, %mul3A_121 : i32
    %dma_wait3A_123 = arith.constant 72 : i32
    %dma_wait3A_124 = tpu.memref_slice %arg2[%dma_wait3A_123, %mul3A_122] : memref<200x4096xi32, #tpu.memory_space<hbm>> -> memref<8x128xi32, #tpu.memory_space<hbm>>
    %dma_wait3A_125 = arith.constant 72 : i32
    %dma_wait3A_126 = tpu.memref_slice %arg2[%dma_wait3A_125, %mul3A_122] : memref<200x4096xi32, #tpu.memory_space<hbm>> -> memref<8x128xi32, #tpu.memory_space<hbm>>
    tpu.wait_dma2 semaphore(%arg7 : memref<!tpu.dma_semaphore, #tpu.memory_space<semaphore_mem>>) src(%dma_wait3A_126 : memref<8x128xi32, #tpu.memory_space<hbm>>) dst(%arg5 : memref<8x128xi32, #tpu.memory_space<vmem>>)
    %mul3A_127 = arith.constant 128 : i32
    %mul3A_128 = arith.muli %add3A, %mul3A_127 : i32
    %dma_start3A_129 = arith.constant 80 : i32
    %dma_start3A_130 = tpu.memref_slice %arg2[%dma_start3A_129, %mul3A_128] : memref<200x4096xi32, #tpu.memory_space<hbm>> -> memref<8x128xi32, #tpu.memory_space<hbm>>
    %dma_start3A_131 = arith.constant 80 : i32
    %dma_start3A_132 = tpu.memref_slice %arg2[%dma_start3A_131, %mul3A_128] : memref<200x4096xi32, #tpu.memory_space<hbm>> -> memref<8x128xi32, #tpu.memory_space<hbm>>
    tpu.enqueue_dma source(%dma_start3A_132 : memref<8x128xi32, #tpu.memory_space<hbm>>) target(%arg4 : memref<8x128xi32, #tpu.memory_space<vmem>>) target_semaphore(%arg6 : memref<!tpu.dma_semaphore, #tpu.memory_space<semaphore_mem>>)
    %run_scoped3A_133 = arith.constant 9 : i32
    "tpu.region"() ({
      %run_scoped3A_323 = tpu.sem_alloc : memref<!tpu.dma_semaphore, #tpu.memory_space<semaphore_mem>>
      %dma_start3A_324 = arith.constant 0 : i32
      %dma_start3A_325 = arith.constant 0 : i32
      %dma_start3A_326 = tpu.memref_slice %arg3[%run_scoped3A_133, %add3A, %dma_start3A_324, %dma_start3A_325] : memref<25x32x8x128xi32, #tpu.memory_space<hbm>> -> memref<1x1x8x128xi32, #tpu.memory_space<hbm>>
      %dma_start3A_327 = tpu.memref_squeeze %dma_start3A_326 : memref<1x1x8x128xi32, #tpu.memory_space<hbm>> -> memref<8x128xi32, #tpu.memory_space<hbm>>
      %dma_start3A_328 = arith.constant 0 : i32
      %dma_start3A_329 = arith.constant 0 : i32
      %dma_start3A_330 = tpu.memref_slice %arg3[%run_scoped3A_133, %add3A, %dma_start3A_328, %dma_start3A_329] : memref<25x32x8x128xi32, #tpu.memory_space<hbm>> -> memref<1x1x8x128xi32, #tpu.memory_space<hbm>>
      %dma_start3A_331 = tpu.memref_squeeze %dma_start3A_330 : memref<1x1x8x128xi32, #tpu.memory_space<hbm>> -> memref<8x128xi32, #tpu.memory_space<hbm>>
      tpu.enqueue_dma source(%arg5 : memref<8x128xi32, #tpu.memory_space<vmem>>) target(%dma_start3A_331 : memref<8x128xi32, #tpu.memory_space<hbm>>) target_semaphore(%run_scoped3A_323 : memref<!tpu.dma_semaphore, #tpu.memory_space<semaphore_mem>>)
      %dma_wait3A_332 = arith.constant 0 : i32
      %dma_wait3A_333 = arith.constant 0 : i32
      %dma_wait3A_334 = tpu.memref_slice %arg3[%run_scoped3A_133, %add3A, %dma_wait3A_332, %dma_wait3A_333] : memref<25x32x8x128xi32, #tpu.memory_space<hbm>> -> memref<1x1x8x128xi32, #tpu.memory_space<hbm>>
      %dma_wait3A_335 = tpu.memref_squeeze %dma_wait3A_334 : memref<1x1x8x128xi32, #tpu.memory_space<hbm>> -> memref<8x128xi32, #tpu.memory_space<hbm>>
      %dma_wait3A_336 = arith.constant 0 : i32
      %dma_wait3A_337 = arith.constant 0 : i32
      %dma_wait3A_338 = tpu.memref_slice %arg3[%run_scoped3A_133, %add3A, %dma_wait3A_336, %dma_wait3A_337] : memref<25x32x8x128xi32, #tpu.memory_space<hbm>> -> memref<1x1x8x128xi32, #tpu.memory_space<hbm>>
      %dma_wait3A_339 = tpu.memref_squeeze %dma_wait3A_338 : memref<1x1x8x128xi32, #tpu.memory_space<hbm>> -> memref<8x128xi32, #tpu.memory_space<hbm>>
      tpu.wait_dma2 semaphore(%run_scoped3A_323 : memref<!tpu.dma_semaphore, #tpu.memory_space<semaphore_mem>>) src(%arg5 : memref<8x128xi32, #tpu.memory_space<vmem>>) dst(%dma_wait3A_339 : memref<8x128xi32, #tpu.memory_space<hbm>>)
      tpu.yield
    }) : () -> ()
    %mul3A_134 = arith.constant 128 : i32
    %mul3A_135 = arith.muli %add3A, %mul3A_134 : i32
    %dma_wait3A_136 = arith.constant 80 : i32
    %dma_wait3A_137 = tpu.memref_slice %arg2[%dma_wait3A_136, %mul3A_135] : memref<200x4096xi32, #tpu.memory_space<hbm>> -> memref<8x128xi32, #tpu.memory_space<hbm>>
    %dma_wait3A_138 = arith.constant 80 : i32
    %dma_wait3A_139 = tpu.memref_slice %arg2[%dma_wait3A_138, %mul3A_135] : memref<200x4096xi32, #tpu.memory_space<hbm>> -> memref<8x128xi32, #tpu.memory_space<hbm>>
    tpu.wait_dma2 semaphore(%arg6 : memref<!tpu.dma_semaphore, #tpu.memory_space<semaphore_mem>>) src(%dma_wait3A_139 : memref<8x128xi32, #tpu.memory_space<hbm>>) dst(%arg4 : memref<8x128xi32, #tpu.memory_space<vmem>>)
    %mul3A_140 = arith.constant 128 : i32
    %mul3A_141 = arith.muli %add3A, %mul3A_140 : i32
    %dma_start3A_142 = arith.constant 88 : i32
    %dma_start3A_143 = tpu.memref_slice %arg2[%dma_start3A_142, %mul3A_141] : memref<200x4096xi32, #tpu.memory_space<hbm>> -> memref<8x128xi32, #tpu.memory_space<hbm>>
    %dma_start3A_144 = arith.constant 88 : i32
    %dma_start3A_145 = tpu.memref_slice %arg2[%dma_start3A_144, %mul3A_141] : memref<200x4096xi32, #tpu.memory_space<hbm>> -> memref<8x128xi32, #tpu.memory_space<hbm>>
    tpu.enqueue_dma source(%dma_start3A_145 : memref<8x128xi32, #tpu.memory_space<hbm>>) target(%arg5 : memref<8x128xi32, #tpu.memory_space<vmem>>) target_semaphore(%arg7 : memref<!tpu.dma_semaphore, #tpu.memory_space<semaphore_mem>>)
    %run_scoped3A_146 = arith.constant 10 : i32
    "tpu.region"() ({
      %run_scoped3A_323 = tpu.sem_alloc : memref<!tpu.dma_semaphore, #tpu.memory_space<semaphore_mem>>
      %dma_start3A_324 = arith.constant 0 : i32
      %dma_start3A_325 = arith.constant 0 : i32
      %dma_start3A_326 = tpu.memref_slice %arg3[%run_scoped3A_146, %add3A, %dma_start3A_324, %dma_start3A_325] : memref<25x32x8x128xi32, #tpu.memory_space<hbm>> -> memref<1x1x8x128xi32, #tpu.memory_space<hbm>>
      %dma_start3A_327 = tpu.memref_squeeze %dma_start3A_326 : memref<1x1x8x128xi32, #tpu.memory_space<hbm>> -> memref<8x128xi32, #tpu.memory_space<hbm>>
      %dma_start3A_328 = arith.constant 0 : i32
      %dma_start3A_329 = arith.constant 0 : i32
      %dma_start3A_330 = tpu.memref_slice %arg3[%run_scoped3A_146, %add3A, %dma_start3A_328, %dma_start3A_329] : memref<25x32x8x128xi32, #tpu.memory_space<hbm>> -> memref<1x1x8x128xi32, #tpu.memory_space<hbm>>
      %dma_start3A_331 = tpu.memref_squeeze %dma_start3A_330 : memref<1x1x8x128xi32, #tpu.memory_space<hbm>> -> memref<8x128xi32, #tpu.memory_space<hbm>>
      tpu.enqueue_dma source(%arg4 : memref<8x128xi32, #tpu.memory_space<vmem>>) target(%dma_start3A_331 : memref<8x128xi32, #tpu.memory_space<hbm>>) target_semaphore(%run_scoped3A_323 : memref<!tpu.dma_semaphore, #tpu.memory_space<semaphore_mem>>)
      %dma_wait3A_332 = arith.constant 0 : i32
      %dma_wait3A_333 = arith.constant 0 : i32
      %dma_wait3A_334 = tpu.memref_slice %arg3[%run_scoped3A_146, %add3A, %dma_wait3A_332, %dma_wait3A_333] : memref<25x32x8x128xi32, #tpu.memory_space<hbm>> -> memref<1x1x8x128xi32, #tpu.memory_space<hbm>>
      %dma_wait3A_335 = tpu.memref_squeeze %dma_wait3A_334 : memref<1x1x8x128xi32, #tpu.memory_space<hbm>> -> memref<8x128xi32, #tpu.memory_space<hbm>>
      %dma_wait3A_336 = arith.constant 0 : i32
      %dma_wait3A_337 = arith.constant 0 : i32
      %dma_wait3A_338 = tpu.memref_slice %arg3[%run_scoped3A_146, %add3A, %dma_wait3A_336, %dma_wait3A_337] : memref<25x32x8x128xi32, #tpu.memory_space<hbm>> -> memref<1x1x8x128xi32, #tpu.memory_space<hbm>>
      %dma_wait3A_339 = tpu.memref_squeeze %dma_wait3A_338 : memref<1x1x8x128xi32, #tpu.memory_space<hbm>> -> memref<8x128xi32, #tpu.memory_space<hbm>>
      tpu.wait_dma2 semaphore(%run_scoped3A_323 : memref<!tpu.dma_semaphore, #tpu.memory_space<semaphore_mem>>) src(%arg4 : memref<8x128xi32, #tpu.memory_space<vmem>>) dst(%dma_wait3A_339 : memref<8x128xi32, #tpu.memory_space<hbm>>)
      tpu.yield
    }) : () -> ()
    %mul3A_147 = arith.constant 128 : i32
    %mul3A_148 = arith.muli %add3A, %mul3A_147 : i32
    %dma_wait3A_149 = arith.constant 88 : i32
    %dma_wait3A_150 = tpu.memref_slice %arg2[%dma_wait3A_149, %mul3A_148] : memref<200x4096xi32, #tpu.memory_space<hbm>> -> memref<8x128xi32, #tpu.memory_space<hbm>>
    %dma_wait3A_151 = arith.constant 88 : i32
    %dma_wait3A_152 = tpu.memref_slice %arg2[%dma_wait3A_151, %mul3A_148] : memref<200x4096xi32, #tpu.memory_space<hbm>> -> memref<8x128xi32, #tpu.memory_space<hbm>>
    tpu.wait_dma2 semaphore(%arg7 : memref<!tpu.dma_semaphore, #tpu.memory_space<semaphore_mem>>) src(%dma_wait3A_152 : memref<8x128xi32, #tpu.memory_space<hbm>>) dst(%arg5 : memref<8x128xi32, #tpu.memory_space<vmem>>)
    %mul3A_153 = arith.constant 128 : i32
    %mul3A_154 = arith.muli %add3A, %mul3A_153 : i32
    %dma_start3A_155 = arith.constant 96 : i32
    %dma_start3A_156 = tpu.memref_slice %arg2[%dma_start3A_155, %mul3A_154] : memref<200x4096xi32, #tpu.memory_space<hbm>> -> memref<8x128xi32, #tpu.memory_space<hbm>>
    %dma_start3A_157 = arith.constant 96 : i32
    %dma_start3A_158 = tpu.memref_slice %arg2[%dma_start3A_157, %mul3A_154] : memref<200x4096xi32, #tpu.memory_space<hbm>> -> memref<8x128xi32, #tpu.memory_space<hbm>>
    tpu.enqueue_dma source(%dma_start3A_158 : memref<8x128xi32, #tpu.memory_space<hbm>>) target(%arg4 : memref<8x128xi32, #tpu.memory_space<vmem>>) target_semaphore(%arg6 : memref<!tpu.dma_semaphore, #tpu.memory_space<semaphore_mem>>)
    %run_scoped3A_159 = arith.constant 11 : i32
    "tpu.region"() ({
      %run_scoped3A_323 = tpu.sem_alloc : memref<!tpu.dma_semaphore, #tpu.memory_space<semaphore_mem>>
      %dma_start3A_324 = arith.constant 0 : i32
      %dma_start3A_325 = arith.constant 0 : i32
      %dma_start3A_326 = tpu.memref_slice %arg3[%run_scoped3A_159, %add3A, %dma_start3A_324, %dma_start3A_325] : memref<25x32x8x128xi32, #tpu.memory_space<hbm>> -> memref<1x1x8x128xi32, #tpu.memory_space<hbm>>
      %dma_start3A_327 = tpu.memref_squeeze %dma_start3A_326 : memref<1x1x8x128xi32, #tpu.memory_space<hbm>> -> memref<8x128xi32, #tpu.memory_space<hbm>>
      %dma_start3A_328 = arith.constant 0 : i32
      %dma_start3A_329 = arith.constant 0 : i32
      %dma_start3A_330 = tpu.memref_slice %arg3[%run_scoped3A_159, %add3A, %dma_start3A_328, %dma_start3A_329] : memref<25x32x8x128xi32, #tpu.memory_space<hbm>> -> memref<1x1x8x128xi32, #tpu.memory_space<hbm>>
      %dma_start3A_331 = tpu.memref_squeeze %dma_start3A_330 : memref<1x1x8x128xi32, #tpu.memory_space<hbm>> -> memref<8x128xi32, #tpu.memory_space<hbm>>
      tpu.enqueue_dma source(%arg5 : memref<8x128xi32, #tpu.memory_space<vmem>>) target(%dma_start3A_331 : memref<8x128xi32, #tpu.memory_space<hbm>>) target_semaphore(%run_scoped3A_323 : memref<!tpu.dma_semaphore, #tpu.memory_space<semaphore_mem>>)
      %dma_wait3A_332 = arith.constant 0 : i32
      %dma_wait3A_333 = arith.constant 0 : i32
      %dma_wait3A_334 = tpu.memref_slice %arg3[%run_scoped3A_159, %add3A, %dma_wait3A_332, %dma_wait3A_333] : memref<25x32x8x128xi32, #tpu.memory_space<hbm>> -> memref<1x1x8x128xi32, #tpu.memory_space<hbm>>
      %dma_wait3A_335 = tpu.memref_squeeze %dma_wait3A_334 : memref<1x1x8x128xi32, #tpu.memory_space<hbm>> -> memref<8x128xi32, #tpu.memory_space<hbm>>
      %dma_wait3A_336 = arith.constant 0 : i32
      %dma_wait3A_337 = arith.constant 0 : i32
      %dma_wait3A_338 = tpu.memref_slice %arg3[%run_scoped3A_159, %add3A, %dma_wait3A_336, %dma_wait3A_337] : memref<25x32x8x128xi32, #tpu.memory_space<hbm>> -> memref<1x1x8x128xi32, #tpu.memory_space<hbm>>
      %dma_wait3A_339 = tpu.memref_squeeze %dma_wait3A_338 : memref<1x1x8x128xi32, #tpu.memory_space<hbm>> -> memref<8x128xi32, #tpu.memory_space<hbm>>
      tpu.wait_dma2 semaphore(%run_scoped3A_323 : memref<!tpu.dma_semaphore, #tpu.memory_space<semaphore_mem>>) src(%arg5 : memref<8x128xi32, #tpu.memory_space<vmem>>) dst(%dma_wait3A_339 : memref<8x128xi32, #tpu.memory_space<hbm>>)
      tpu.yield
    }) : () -> ()
    %mul3A_160 = arith.constant 128 : i32
    %mul3A_161 = arith.muli %add3A, %mul3A_160 : i32
    %dma_wait3A_162 = arith.constant 96 : i32
    %dma_wait3A_163 = tpu.memref_slice %arg2[%dma_wait3A_162, %mul3A_161] : memref<200x4096xi32, #tpu.memory_space<hbm>> -> memref<8x128xi32, #tpu.memory_space<hbm>>
    %dma_wait3A_164 = arith.constant 96 : i32
    %dma_wait3A_165 = tpu.memref_slice %arg2[%dma_wait3A_164, %mul3A_161] : memref<200x4096xi32, #tpu.memory_space<hbm>> -> memref<8x128xi32, #tpu.memory_space<hbm>>
    tpu.wait_dma2 semaphore(%arg6 : memref<!tpu.dma_semaphore, #tpu.memory_space<semaphore_mem>>) src(%dma_wait3A_165 : memref<8x128xi32, #tpu.memory_space<hbm>>) dst(%arg4 : memref<8x128xi32, #tpu.memory_space<vmem>>)
    %mul3A_166 = arith.constant 128 : i32
    %mul3A_167 = arith.muli %add3A, %mul3A_166 : i32
    %dma_start3A_168 = arith.constant 104 : i32
    %dma_start3A_169 = tpu.memref_slice %arg2[%dma_start3A_168, %mul3A_167] : memref<200x4096xi32, #tpu.memory_space<hbm>> -> memref<8x128xi32, #tpu.memory_space<hbm>>
    %dma_start3A_170 = arith.constant 104 : i32
    %dma_start3A_171 = tpu.memref_slice %arg2[%dma_start3A_170, %mul3A_167] : memref<200x4096xi32, #tpu.memory_space<hbm>> -> memref<8x128xi32, #tpu.memory_space<hbm>>
    tpu.enqueue_dma source(%dma_start3A_171 : memref<8x128xi32, #tpu.memory_space<hbm>>) target(%arg5 : memref<8x128xi32, #tpu.memory_space<vmem>>) target_semaphore(%arg7 : memref<!tpu.dma_semaphore, #tpu.memory_space<semaphore_mem>>)
    %run_scoped3A_172 = arith.constant 12 : i32
    "tpu.region"() ({
      %run_scoped3A_323 = tpu.sem_alloc : memref<!tpu.dma_semaphore, #tpu.memory_space<semaphore_mem>>
      %dma_start3A_324 = arith.constant 0 : i32
      %dma_start3A_325 = arith.constant 0 : i32
      %dma_start3A_326 = tpu.memref_slice %arg3[%run_scoped3A_172, %add3A, %dma_start3A_324, %dma_start3A_325] : memref<25x32x8x128xi32, #tpu.memory_space<hbm>> -> memref<1x1x8x128xi32, #tpu.memory_space<hbm>>
      %dma_start3A_327 = tpu.memref_squeeze %dma_start3A_326 : memref<1x1x8x128xi32, #tpu.memory_space<hbm>> -> memref<8x128xi32, #tpu.memory_space<hbm>>
      %dma_start3A_328 = arith.constant 0 : i32
      %dma_start3A_329 = arith.constant 0 : i32
      %dma_start3A_330 = tpu.memref_slice %arg3[%run_scoped3A_172, %add3A, %dma_start3A_328, %dma_start3A_329] : memref<25x32x8x128xi32, #tpu.memory_space<hbm>> -> memref<1x1x8x128xi32, #tpu.memory_space<hbm>>
      %dma_start3A_331 = tpu.memref_squeeze %dma_start3A_330 : memref<1x1x8x128xi32, #tpu.memory_space<hbm>> -> memref<8x128xi32, #tpu.memory_space<hbm>>
      tpu.enqueue_dma source(%arg4 : memref<8x128xi32, #tpu.memory_space<vmem>>) target(%dma_start3A_331 : memref<8x128xi32, #tpu.memory_space<hbm>>) target_semaphore(%run_scoped3A_323 : memref<!tpu.dma_semaphore, #tpu.memory_space<semaphore_mem>>)
      %dma_wait3A_332 = arith.constant 0 : i32
      %dma_wait3A_333 = arith.constant 0 : i32
      %dma_wait3A_334 = tpu.memref_slice %arg3[%run_scoped3A_172, %add3A, %dma_wait3A_332, %dma_wait3A_333] : memref<25x32x8x128xi32, #tpu.memory_space<hbm>> -> memref<1x1x8x128xi32, #tpu.memory_space<hbm>>
      %dma_wait3A_335 = tpu.memref_squeeze %dma_wait3A_334 : memref<1x1x8x128xi32, #tpu.memory_space<hbm>> -> memref<8x128xi32, #tpu.memory_space<hbm>>
      %dma_wait3A_336 = arith.constant 0 : i32
      %dma_wait3A_337 = arith.constant 0 : i32
      %dma_wait3A_338 = tpu.memref_slice %arg3[%run_scoped3A_172, %add3A, %dma_wait3A_336, %dma_wait3A_337] : memref<25x32x8x128xi32, #tpu.memory_space<hbm>> -> memref<1x1x8x128xi32, #tpu.memory_space<hbm>>
      %dma_wait3A_339 = tpu.memref_squeeze %dma_wait3A_338 : memref<1x1x8x128xi32, #tpu.memory_space<hbm>> -> memref<8x128xi32, #tpu.memory_space<hbm>>
      tpu.wait_dma2 semaphore(%run_scoped3A_323 : memref<!tpu.dma_semaphore, #tpu.memory_space<semaphore_mem>>) src(%arg4 : memref<8x128xi32, #tpu.memory_space<vmem>>) dst(%dma_wait3A_339 : memref<8x128xi32, #tpu.memory_space<hbm>>)
      tpu.yield
    }) : () -> ()
    %mul3A_173 = arith.constant 128 : i32
    %mul3A_174 = arith.muli %add3A, %mul3A_173 : i32
    %dma_wait3A_175 = arith.constant 104 : i32
    %dma_wait3A_176 = tpu.memref_slice %arg2[%dma_wait3A_175, %mul3A_174] : memref<200x4096xi32, #tpu.memory_space<hbm>> -> memref<8x128xi32, #tpu.memory_space<hbm>>
    %dma_wait3A_177 = arith.constant 104 : i32
    %dma_wait3A_178 = tpu.memref_slice %arg2[%dma_wait3A_177, %mul3A_174] : memref<200x4096xi32, #tpu.memory_space<hbm>> -> memref<8x128xi32, #tpu.memory_space<hbm>>
    tpu.wait_dma2 semaphore(%arg7 : memref<!tpu.dma_semaphore, #tpu.memory_space<semaphore_mem>>) src(%dma_wait3A_178 : memref<8x128xi32, #tpu.memory_space<hbm>>) dst(%arg5 : memref<8x128xi32, #tpu.memory_space<vmem>>)
    %mul3A_179 = arith.constant 128 : i32
    %mul3A_180 = arith.muli %add3A, %mul3A_179 : i32
    %dma_start3A_181 = arith.constant 112 : i32
    %dma_start3A_182 = tpu.memref_slice %arg2[%dma_start3A_181, %mul3A_180] : memref<200x4096xi32, #tpu.memory_space<hbm>> -> memref<8x128xi32, #tpu.memory_space<hbm>>
    %dma_start3A_183 = arith.constant 112 : i32
    %dma_start3A_184 = tpu.memref_slice %arg2[%dma_start3A_183, %mul3A_180] : memref<200x4096xi32, #tpu.memory_space<hbm>> -> memref<8x128xi32, #tpu.memory_space<hbm>>
    tpu.enqueue_dma source(%dma_start3A_184 : memref<8x128xi32, #tpu.memory_space<hbm>>) target(%arg4 : memref<8x128xi32, #tpu.memory_space<vmem>>) target_semaphore(%arg6 : memref<!tpu.dma_semaphore, #tpu.memory_space<semaphore_mem>>)
    %run_scoped3A_185 = arith.constant 13 : i32
    "tpu.region"() ({
      %run_scoped3A_323 = tpu.sem_alloc : memref<!tpu.dma_semaphore, #tpu.memory_space<semaphore_mem>>
      %dma_start3A_324 = arith.constant 0 : i32
      %dma_start3A_325 = arith.constant 0 : i32
      %dma_start3A_326 = tpu.memref_slice %arg3[%run_scoped3A_185, %add3A, %dma_start3A_324, %dma_start3A_325] : memref<25x32x8x128xi32, #tpu.memory_space<hbm>> -> memref<1x1x8x128xi32, #tpu.memory_space<hbm>>
      %dma_start3A_327 = tpu.memref_squeeze %dma_start3A_326 : memref<1x1x8x128xi32, #tpu.memory_space<hbm>> -> memref<8x128xi32, #tpu.memory_space<hbm>>
      %dma_start3A_328 = arith.constant 0 : i32
      %dma_start3A_329 = arith.constant 0 : i32
      %dma_start3A_330 = tpu.memref_slice %arg3[%run_scoped3A_185, %add3A, %dma_start3A_328, %dma_start3A_329] : memref<25x32x8x128xi32, #tpu.memory_space<hbm>> -> memref<1x1x8x128xi32, #tpu.memory_space<hbm>>
      %dma_start3A_331 = tpu.memref_squeeze %dma_start3A_330 : memref<1x1x8x128xi32, #tpu.memory_space<hbm>> -> memref<8x128xi32, #tpu.memory_space<hbm>>
      tpu.enqueue_dma source(%arg5 : memref<8x128xi32, #tpu.memory_space<vmem>>) target(%dma_start3A_331 : memref<8x128xi32, #tpu.memory_space<hbm>>) target_semaphore(%run_scoped3A_323 : memref<!tpu.dma_semaphore, #tpu.memory_space<semaphore_mem>>)
      %dma_wait3A_332 = arith.constant 0 : i32
      %dma_wait3A_333 = arith.constant 0 : i32
      %dma_wait3A_334 = tpu.memref_slice %arg3[%run_scoped3A_185, %add3A, %dma_wait3A_332, %dma_wait3A_333] : memref<25x32x8x128xi32, #tpu.memory_space<hbm>> -> memref<1x1x8x128xi32, #tpu.memory_space<hbm>>
      %dma_wait3A_335 = tpu.memref_squeeze %dma_wait3A_334 : memref<1x1x8x128xi32, #tpu.memory_space<hbm>> -> memref<8x128xi32, #tpu.memory_space<hbm>>
      %dma_wait3A_336 = arith.constant 0 : i32
      %dma_wait3A_337 = arith.constant 0 : i32
      %dma_wait3A_338 = tpu.memref_slice %arg3[%run_scoped3A_185, %add3A, %dma_wait3A_336, %dma_wait3A_337] : memref<25x32x8x128xi32, #tpu.memory_space<hbm>> -> memref<1x1x8x128xi32, #tpu.memory_space<hbm>>
      %dma_wait3A_339 = tpu.memref_squeeze %dma_wait3A_338 : memref<1x1x8x128xi32, #tpu.memory_space<hbm>> -> memref<8x128xi32, #tpu.memory_space<hbm>>
      tpu.wait_dma2 semaphore(%run_scoped3A_323 : memref<!tpu.dma_semaphore, #tpu.memory_space<semaphore_mem>>) src(%arg5 : memref<8x128xi32, #tpu.memory_space<vmem>>) dst(%dma_wait3A_339 : memref<8x128xi32, #tpu.memory_space<hbm>>)
      tpu.yield
    }) : () -> ()
    %mul3A_186 = arith.constant 128 : i32
    %mul3A_187 = arith.muli %add3A, %mul3A_186 : i32
    %dma_wait3A_188 = arith.constant 112 : i32
    %dma_wait3A_189 = tpu.memref_slice %arg2[%dma_wait3A_188, %mul3A_187] : memref<200x4096xi32, #tpu.memory_space<hbm>> -> memref<8x128xi32, #tpu.memory_space<hbm>>
    %dma_wait3A_190 = arith.constant 112 : i32
    %dma_wait3A_191 = tpu.memref_slice %arg2[%dma_wait3A_190, %mul3A_187] : memref<200x4096xi32, #tpu.memory_space<hbm>> -> memref<8x128xi32, #tpu.memory_space<hbm>>
    tpu.wait_dma2 semaphore(%arg6 : memref<!tpu.dma_semaphore, #tpu.memory_space<semaphore_mem>>) src(%dma_wait3A_191 : memref<8x128xi32, #tpu.memory_space<hbm>>) dst(%arg4 : memref<8x128xi32, #tpu.memory_space<vmem>>)
    %mul3A_192 = arith.constant 128 : i32
    %mul3A_193 = arith.muli %add3A, %mul3A_192 : i32
    %dma_start3A_194 = arith.constant 120 : i32
    %dma_start3A_195 = tpu.memref_slice %arg2[%dma_start3A_194, %mul3A_193] : memref<200x4096xi32, #tpu.memory_space<hbm>> -> memref<8x128xi32, #tpu.memory_space<hbm>>
    %dma_start3A_196 = arith.constant 120 : i32
    %dma_start3A_197 = tpu.memref_slice %arg2[%dma_start3A_196, %mul3A_193] : memref<200x4096xi32, #tpu.memory_space<hbm>> -> memref<8x128xi32, #tpu.memory_space<hbm>>
    tpu.enqueue_dma source(%dma_start3A_197 : memref<8x128xi32, #tpu.memory_space<hbm>>) target(%arg5 : memref<8x128xi32, #tpu.memory_space<vmem>>) target_semaphore(%arg7 : memref<!tpu.dma_semaphore, #tpu.memory_space<semaphore_mem>>)
    %run_scoped3A_198 = arith.constant 14 : i32
    "tpu.region"() ({
      %run_scoped3A_323 = tpu.sem_alloc : memref<!tpu.dma_semaphore, #tpu.memory_space<semaphore_mem>>
      %dma_start3A_324 = arith.constant 0 : i32
      %dma_start3A_325 = arith.constant 0 : i32
      %dma_start3A_326 = tpu.memref_slice %arg3[%run_scoped3A_198, %add3A, %dma_start3A_324, %dma_start3A_325] : memref<25x32x8x128xi32, #tpu.memory_space<hbm>> -> memref<1x1x8x128xi32, #tpu.memory_space<hbm>>
      %dma_start3A_327 = tpu.memref_squeeze %dma_start3A_326 : memref<1x1x8x128xi32, #tpu.memory_space<hbm>> -> memref<8x128xi32, #tpu.memory_space<hbm>>
      %dma_start3A_328 = arith.constant 0 : i32
      %dma_start3A_329 = arith.constant 0 : i32
      %dma_start3A_330 = tpu.memref_slice %arg3[%run_scoped3A_198, %add3A, %dma_start3A_328, %dma_start3A_329] : memref<25x32x8x128xi32, #tpu.memory_space<hbm>> -> memref<1x1x8x128xi32, #tpu.memory_space<hbm>>
      %dma_start3A_331 = tpu.memref_squeeze %dma_start3A_330 : memref<1x1x8x128xi32, #tpu.memory_space<hbm>> -> memref<8x128xi32, #tpu.memory_space<hbm>>
      tpu.enqueue_dma source(%arg4 : memref<8x128xi32, #tpu.memory_space<vmem>>) target(%dma_start3A_331 : memref<8x128xi32, #tpu.memory_space<hbm>>) target_semaphore(%run_scoped3A_323 : memref<!tpu.dma_semaphore, #tpu.memory_space<semaphore_mem>>)
      %dma_wait3A_332 = arith.constant 0 : i32
      %dma_wait3A_333 = arith.constant 0 : i32
      %dma_wait3A_334 = tpu.memref_slice %arg3[%run_scoped3A_198, %add3A, %dma_wait3A_332, %dma_wait3A_333] : memref<25x32x8x128xi32, #tpu.memory_space<hbm>> -> memref<1x1x8x128xi32, #tpu.memory_space<hbm>>
      %dma_wait3A_335 = tpu.memref_squeeze %dma_wait3A_334 : memref<1x1x8x128xi32, #tpu.memory_space<hbm>> -> memref<8x128xi32, #tpu.memory_space<hbm>>
      %dma_wait3A_336 = arith.constant 0 : i32
      %dma_wait3A_337 = arith.constant 0 : i32
      %dma_wait3A_338 = tpu.memref_slice %arg3[%run_scoped3A_198, %add3A, %dma_wait3A_336, %dma_wait3A_337] : memref<25x32x8x128xi32, #tpu.memory_space<hbm>> -> memref<1x1x8x128xi32, #tpu.memory_space<hbm>>
      %dma_wait3A_339 = tpu.memref_squeeze %dma_wait3A_338 : memref<1x1x8x128xi32, #tpu.memory_space<hbm>> -> memref<8x128xi32, #tpu.memory_space<hbm>>
      tpu.wait_dma2 semaphore(%run_scoped3A_323 : memref<!tpu.dma_semaphore, #tpu.memory_space<semaphore_mem>>) src(%arg4 : memref<8x128xi32, #tpu.memory_space<vmem>>) dst(%dma_wait3A_339 : memref<8x128xi32, #tpu.memory_space<hbm>>)
      tpu.yield
    }) : () -> ()
    %mul3A_199 = arith.constant 128 : i32
    %mul3A_200 = arith.muli %add3A, %mul3A_199 : i32
    %dma_wait3A_201 = arith.constant 120 : i32
    %dma_wait3A_202 = tpu.memref_slice %arg2[%dma_wait3A_201, %mul3A_200] : memref<200x4096xi32, #tpu.memory_space<hbm>> -> memref<8x128xi32, #tpu.memory_space<hbm>>
    %dma_wait3A_203 = arith.constant 120 : i32
    %dma_wait3A_204 = tpu.memref_slice %arg2[%dma_wait3A_203, %mul3A_200] : memref<200x4096xi32, #tpu.memory_space<hbm>> -> memref<8x128xi32, #tpu.memory_space<hbm>>
    tpu.wait_dma2 semaphore(%arg7 : memref<!tpu.dma_semaphore, #tpu.memory_space<semaphore_mem>>) src(%dma_wait3A_204 : memref<8x128xi32, #tpu.memory_space<hbm>>) dst(%arg5 : memref<8x128xi32, #tpu.memory_space<vmem>>)
    %mul3A_205 = arith.constant 128 : i32
    %mul3A_206 = arith.muli %add3A, %mul3A_205 : i32
    %dma_start3A_207 = arith.constant 128 : i32
    %dma_start3A_208 = tpu.memref_slice %arg2[%dma_start3A_207, %mul3A_206] : memref<200x4096xi32, #tpu.memory_space<hbm>> -> memref<8x128xi32, #tpu.memory_space<hbm>>
    %dma_start3A_209 = arith.constant 128 : i32
    %dma_start3A_210 = tpu.memref_slice %arg2[%dma_start3A_209, %mul3A_206] : memref<200x4096xi32, #tpu.memory_space<hbm>> -> memref<8x128xi32, #tpu.memory_space<hbm>>
    tpu.enqueue_dma source(%dma_start3A_210 : memref<8x128xi32, #tpu.memory_space<hbm>>) target(%arg4 : memref<8x128xi32, #tpu.memory_space<vmem>>) target_semaphore(%arg6 : memref<!tpu.dma_semaphore, #tpu.memory_space<semaphore_mem>>)
    %run_scoped3A_211 = arith.constant 15 : i32
    "tpu.region"() ({
      %run_scoped3A_323 = tpu.sem_alloc : memref<!tpu.dma_semaphore, #tpu.memory_space<semaphore_mem>>
      %dma_start3A_324 = arith.constant 0 : i32
      %dma_start3A_325 = arith.constant 0 : i32
      %dma_start3A_326 = tpu.memref_slice %arg3[%run_scoped3A_211, %add3A, %dma_start3A_324, %dma_start3A_325] : memref<25x32x8x128xi32, #tpu.memory_space<hbm>> -> memref<1x1x8x128xi32, #tpu.memory_space<hbm>>
      %dma_start3A_327 = tpu.memref_squeeze %dma_start3A_326 : memref<1x1x8x128xi32, #tpu.memory_space<hbm>> -> memref<8x128xi32, #tpu.memory_space<hbm>>
      %dma_start3A_328 = arith.constant 0 : i32
      %dma_start3A_329 = arith.constant 0 : i32
      %dma_start3A_330 = tpu.memref_slice %arg3[%run_scoped3A_211, %add3A, %dma_start3A_328, %dma_start3A_329] : memref<25x32x8x128xi32, #tpu.memory_space<hbm>> -> memref<1x1x8x128xi32, #tpu.memory_space<hbm>>
      %dma_start3A_331 = tpu.memref_squeeze %dma_start3A_330 : memref<1x1x8x128xi32, #tpu.memory_space<hbm>> -> memref<8x128xi32, #tpu.memory_space<hbm>>
      tpu.enqueue_dma source(%arg5 : memref<8x128xi32, #tpu.memory_space<vmem>>) target(%dma_start3A_331 : memref<8x128xi32, #tpu.memory_space<hbm>>) target_semaphore(%run_scoped3A_323 : memref<!tpu.dma_semaphore, #tpu.memory_space<semaphore_mem>>)
      %dma_wait3A_332 = arith.constant 0 : i32
      %dma_wait3A_333 = arith.constant 0 : i32
      %dma_wait3A_334 = tpu.memref_slice %arg3[%run_scoped3A_211, %add3A, %dma_wait3A_332, %dma_wait3A_333] : memref<25x32x8x128xi32, #tpu.memory_space<hbm>> -> memref<1x1x8x128xi32, #tpu.memory_space<hbm>>
      %dma_wait3A_335 = tpu.memref_squeeze %dma_wait3A_334 : memref<1x1x8x128xi32, #tpu.memory_space<hbm>> -> memref<8x128xi32, #tpu.memory_space<hbm>>
      %dma_wait3A_336 = arith.constant 0 : i32
      %dma_wait3A_337 = arith.constant 0 : i32
      %dma_wait3A_338 = tpu.memref_slice %arg3[%run_scoped3A_211, %add3A, %dma_wait3A_336, %dma_wait3A_337] : memref<25x32x8x128xi32, #tpu.memory_space<hbm>> -> memref<1x1x8x128xi32, #tpu.memory_space<hbm>>
      %dma_wait3A_339 = tpu.memref_squeeze %dma_wait3A_338 : memref<1x1x8x128xi32, #tpu.memory_space<hbm>> -> memref<8x128xi32, #tpu.memory_space<hbm>>
      tpu.wait_dma2 semaphore(%run_scoped3A_323 : memref<!tpu.dma_semaphore, #tpu.memory_space<semaphore_mem>>) src(%arg5 : memref<8x128xi32, #tpu.memory_space<vmem>>) dst(%dma_wait3A_339 : memref<8x128xi32, #tpu.memory_space<hbm>>)
      tpu.yield
    }) : () -> ()
    %mul3A_212 = arith.constant 128 : i32
    %mul3A_213 = arith.muli %add3A, %mul3A_212 : i32
    %dma_wait3A_214 = arith.constant 128 : i32
    %dma_wait3A_215 = tpu.memref_slice %arg2[%dma_wait3A_214, %mul3A_213] : memref<200x4096xi32, #tpu.memory_space<hbm>> -> memref<8x128xi32, #tpu.memory_space<hbm>>
    %dma_wait3A_216 = arith.constant 128 : i32
    %dma_wait3A_217 = tpu.memref_slice %arg2[%dma_wait3A_216, %mul3A_213] : memref<200x4096xi32, #tpu.memory_space<hbm>> -> memref<8x128xi32, #tpu.memory_space<hbm>>
    tpu.wait_dma2 semaphore(%arg6 : memref<!tpu.dma_semaphore, #tpu.memory_space<semaphore_mem>>) src(%dma_wait3A_217 : memref<8x128xi32, #tpu.memory_space<hbm>>) dst(%arg4 : memref<8x128xi32, #tpu.memory_space<vmem>>)
    %mul3A_218 = arith.constant 128 : i32
    %mul3A_219 = arith.muli %add3A, %mul3A_218 : i32
    %dma_start3A_220 = arith.constant 136 : i32
    %dma_start3A_221 = tpu.memref_slice %arg2[%dma_start3A_220, %mul3A_219] : memref<200x4096xi32, #tpu.memory_space<hbm>> -> memref<8x128xi32, #tpu.memory_space<hbm>>
    %dma_start3A_222 = arith.constant 136 : i32
    %dma_start3A_223 = tpu.memref_slice %arg2[%dma_start3A_222, %mul3A_219] : memref<200x4096xi32, #tpu.memory_space<hbm>> -> memref<8x128xi32, #tpu.memory_space<hbm>>
    tpu.enqueue_dma source(%dma_start3A_223 : memref<8x128xi32, #tpu.memory_space<hbm>>) target(%arg5 : memref<8x128xi32, #tpu.memory_space<vmem>>) target_semaphore(%arg7 : memref<!tpu.dma_semaphore, #tpu.memory_space<semaphore_mem>>)
    %run_scoped3A_224 = arith.constant 16 : i32
    "tpu.region"() ({
      %run_scoped3A_323 = tpu.sem_alloc : memref<!tpu.dma_semaphore, #tpu.memory_space<semaphore_mem>>
      %dma_start3A_324 = arith.constant 0 : i32
      %dma_start3A_325 = arith.constant 0 : i32
      %dma_start3A_326 = tpu.memref_slice %arg3[%run_scoped3A_224, %add3A, %dma_start3A_324, %dma_start3A_325] : memref<25x32x8x128xi32, #tpu.memory_space<hbm>> -> memref<1x1x8x128xi32, #tpu.memory_space<hbm>>
      %dma_start3A_327 = tpu.memref_squeeze %dma_start3A_326 : memref<1x1x8x128xi32, #tpu.memory_space<hbm>> -> memref<8x128xi32, #tpu.memory_space<hbm>>
      %dma_start3A_328 = arith.constant 0 : i32
      %dma_start3A_329 = arith.constant 0 : i32
      %dma_start3A_330 = tpu.memref_slice %arg3[%run_scoped3A_224, %add3A, %dma_start3A_328, %dma_start3A_329] : memref<25x32x8x128xi32, #tpu.memory_space<hbm>> -> memref<1x1x8x128xi32, #tpu.memory_space<hbm>>
      %dma_start3A_331 = tpu.memref_squeeze %dma_start3A_330 : memref<1x1x8x128xi32, #tpu.memory_space<hbm>> -> memref<8x128xi32, #tpu.memory_space<hbm>>
      tpu.enqueue_dma source(%arg4 : memref<8x128xi32, #tpu.memory_space<vmem>>) target(%dma_start3A_331 : memref<8x128xi32, #tpu.memory_space<hbm>>) target_semaphore(%run_scoped3A_323 : memref<!tpu.dma_semaphore, #tpu.memory_space<semaphore_mem>>)
      %dma_wait3A_332 = arith.constant 0 : i32
      %dma_wait3A_333 = arith.constant 0 : i32
      %dma_wait3A_334 = tpu.memref_slice %arg3[%run_scoped3A_224, %add3A, %dma_wait3A_332, %dma_wait3A_333] : memref<25x32x8x128xi32, #tpu.memory_space<hbm>> -> memref<1x1x8x128xi32, #tpu.memory_space<hbm>>
      %dma_wait3A_335 = tpu.memref_squeeze %dma_wait3A_334 : memref<1x1x8x128xi32, #tpu.memory_space<hbm>> -> memref<8x128xi32, #tpu.memory_space<hbm>>
      %dma_wait3A_336 = arith.constant 0 : i32
      %dma_wait3A_337 = arith.constant 0 : i32
      %dma_wait3A_338 = tpu.memref_slice %arg3[%run_scoped3A_224, %add3A, %dma_wait3A_336, %dma_wait3A_337] : memref<25x32x8x128xi32, #tpu.memory_space<hbm>> -> memref<1x1x8x128xi32, #tpu.memory_space<hbm>>
      %dma_wait3A_339 = tpu.memref_squeeze %dma_wait3A_338 : memref<1x1x8x128xi32, #tpu.memory_space<hbm>> -> memref<8x128xi32, #tpu.memory_space<hbm>>
      tpu.wait_dma2 semaphore(%run_scoped3A_323 : memref<!tpu.dma_semaphore, #tpu.memory_space<semaphore_mem>>) src(%arg4 : memref<8x128xi32, #tpu.memory_space<vmem>>) dst(%dma_wait3A_339 : memref<8x128xi32, #tpu.memory_space<hbm>>)
      tpu.yield
    }) : () -> ()
    %mul3A_225 = arith.constant 128 : i32
    %mul3A_226 = arith.muli %add3A, %mul3A_225 : i32
    %dma_wait3A_227 = arith.constant 136 : i32
    %dma_wait3A_228 = tpu.memref_slice %arg2[%dma_wait3A_227, %mul3A_226] : memref<200x4096xi32, #tpu.memory_space<hbm>> -> memref<8x128xi32, #tpu.memory_space<hbm>>
    %dma_wait3A_229 = arith.constant 136 : i32
    %dma_wait3A_230 = tpu.memref_slice %arg2[%dma_wait3A_229, %mul3A_226] : memref<200x4096xi32, #tpu.memory_space<hbm>> -> memref<8x128xi32, #tpu.memory_space<hbm>>
    tpu.wait_dma2 semaphore(%arg7 : memref<!tpu.dma_semaphore, #tpu.memory_space<semaphore_mem>>) src(%dma_wait3A_230 : memref<8x128xi32, #tpu.memory_space<hbm>>) dst(%arg5 : memref<8x128xi32, #tpu.memory_space<vmem>>)
    %mul3A_231 = arith.constant 128 : i32
    %mul3A_232 = arith.muli %add3A, %mul3A_231 : i32
    %dma_start3A_233 = arith.constant 144 : i32
    %dma_start3A_234 = tpu.memref_slice %arg2[%dma_start3A_233, %mul3A_232] : memref<200x4096xi32, #tpu.memory_space<hbm>> -> memref<8x128xi32, #tpu.memory_space<hbm>>
    %dma_start3A_235 = arith.constant 144 : i32
    %dma_start3A_236 = tpu.memref_slice %arg2[%dma_start3A_235, %mul3A_232] : memref<200x4096xi32, #tpu.memory_space<hbm>> -> memref<8x128xi32, #tpu.memory_space<hbm>>
    tpu.enqueue_dma source(%dma_start3A_236 : memref<8x128xi32, #tpu.memory_space<hbm>>) target(%arg4 : memref<8x128xi32, #tpu.memory_space<vmem>>) target_semaphore(%arg6 : memref<!tpu.dma_semaphore, #tpu.memory_space<semaphore_mem>>)
    %run_scoped3A_237 = arith.constant 17 : i32
    "tpu.region"() ({
      %run_scoped3A_323 = tpu.sem_alloc : memref<!tpu.dma_semaphore, #tpu.memory_space<semaphore_mem>>
      %dma_start3A_324 = arith.constant 0 : i32
      %dma_start3A_325 = arith.constant 0 : i32
      %dma_start3A_326 = tpu.memref_slice %arg3[%run_scoped3A_237, %add3A, %dma_start3A_324, %dma_start3A_325] : memref<25x32x8x128xi32, #tpu.memory_space<hbm>> -> memref<1x1x8x128xi32, #tpu.memory_space<hbm>>
      %dma_start3A_327 = tpu.memref_squeeze %dma_start3A_326 : memref<1x1x8x128xi32, #tpu.memory_space<hbm>> -> memref<8x128xi32, #tpu.memory_space<hbm>>
      %dma_start3A_328 = arith.constant 0 : i32
      %dma_start3A_329 = arith.constant 0 : i32
      %dma_start3A_330 = tpu.memref_slice %arg3[%run_scoped3A_237, %add3A, %dma_start3A_328, %dma_start3A_329] : memref<25x32x8x128xi32, #tpu.memory_space<hbm>> -> memref<1x1x8x128xi32, #tpu.memory_space<hbm>>
      %dma_start3A_331 = tpu.memref_squeeze %dma_start3A_330 : memref<1x1x8x128xi32, #tpu.memory_space<hbm>> -> memref<8x128xi32, #tpu.memory_space<hbm>>
      tpu.enqueue_dma source(%arg5 : memref<8x128xi32, #tpu.memory_space<vmem>>) target(%dma_start3A_331 : memref<8x128xi32, #tpu.memory_space<hbm>>) target_semaphore(%run_scoped3A_323 : memref<!tpu.dma_semaphore, #tpu.memory_space<semaphore_mem>>)
      %dma_wait3A_332 = arith.constant 0 : i32
      %dma_wait3A_333 = arith.constant 0 : i32
      %dma_wait3A_334 = tpu.memref_slice %arg3[%run_scoped3A_237, %add3A, %dma_wait3A_332, %dma_wait3A_333] : memref<25x32x8x128xi32, #tpu.memory_space<hbm>> -> memref<1x1x8x128xi32, #tpu.memory_space<hbm>>
      %dma_wait3A_335 = tpu.memref_squeeze %dma_wait3A_334 : memref<1x1x8x128xi32, #tpu.memory_space<hbm>> -> memref<8x128xi32, #tpu.memory_space<hbm>>
      %dma_wait3A_336 = arith.constant 0 : i32
      %dma_wait3A_337 = arith.constant 0 : i32
      %dma_wait3A_338 = tpu.memref_slice %arg3[%run_scoped3A_237, %add3A, %dma_wait3A_336, %dma_wait3A_337] : memref<25x32x8x128xi32, #tpu.memory_space<hbm>> -> memref<1x1x8x128xi32, #tpu.memory_space<hbm>>
      %dma_wait3A_339 = tpu.memref_squeeze %dma_wait3A_338 : memref<1x1x8x128xi32, #tpu.memory_space<hbm>> -> memref<8x128xi32, #tpu.memory_space<hbm>>
      tpu.wait_dma2 semaphore(%run_scoped3A_323 : memref<!tpu.dma_semaphore, #tpu.memory_space<semaphore_mem>>) src(%arg5 : memref<8x128xi32, #tpu.memory_space<vmem>>) dst(%dma_wait3A_339 : memref<8x128xi32, #tpu.memory_space<hbm>>)
      tpu.yield
    }) : () -> ()
    %mul3A_238 = arith.constant 128 : i32
    %mul3A_239 = arith.muli %add3A, %mul3A_238 : i32
    %dma_wait3A_240 = arith.constant 144 : i32
    %dma_wait3A_241 = tpu.memref_slice %arg2[%dma_wait3A_240, %mul3A_239] : memref<200x4096xi32, #tpu.memory_space<hbm>> -> memref<8x128xi32, #tpu.memory_space<hbm>>
    %dma_wait3A_242 = arith.constant 144 : i32
    %dma_wait3A_243 = tpu.memref_slice %arg2[%dma_wait3A_242, %mul3A_239] : memref<200x4096xi32, #tpu.memory_space<hbm>> -> memref<8x128xi32, #tpu.memory_space<hbm>>
    tpu.wait_dma2 semaphore(%arg6 : memref<!tpu.dma_semaphore, #tpu.memory_space<semaphore_mem>>) src(%dma_wait3A_243 : memref<8x128xi32, #tpu.memory_space<hbm>>) dst(%arg4 : memref<8x128xi32, #tpu.memory_space<vmem>>)
    %mul3A_244 = arith.constant 128 : i32
    %mul3A_245 = arith.muli %add3A, %mul3A_244 : i32
    %dma_start3A_246 = arith.constant 152 : i32
    %dma_start3A_247 = tpu.memref_slice %arg2[%dma_start3A_246, %mul3A_245] : memref<200x4096xi32, #tpu.memory_space<hbm>> -> memref<8x128xi32, #tpu.memory_space<hbm>>
    %dma_start3A_248 = arith.constant 152 : i32
    %dma_start3A_249 = tpu.memref_slice %arg2[%dma_start3A_248, %mul3A_245] : memref<200x4096xi32, #tpu.memory_space<hbm>> -> memref<8x128xi32, #tpu.memory_space<hbm>>
    tpu.enqueue_dma source(%dma_start3A_249 : memref<8x128xi32, #tpu.memory_space<hbm>>) target(%arg5 : memref<8x128xi32, #tpu.memory_space<vmem>>) target_semaphore(%arg7 : memref<!tpu.dma_semaphore, #tpu.memory_space<semaphore_mem>>)
    %run_scoped3A_250 = arith.constant 18 : i32
    "tpu.region"() ({
      %run_scoped3A_323 = tpu.sem_alloc : memref<!tpu.dma_semaphore, #tpu.memory_space<semaphore_mem>>
      %dma_start3A_324 = arith.constant 0 : i32
      %dma_start3A_325 = arith.constant 0 : i32
      %dma_start3A_326 = tpu.memref_slice %arg3[%run_scoped3A_250, %add3A, %dma_start3A_324, %dma_start3A_325] : memref<25x32x8x128xi32, #tpu.memory_space<hbm>> -> memref<1x1x8x128xi32, #tpu.memory_space<hbm>>
      %dma_start3A_327 = tpu.memref_squeeze %dma_start3A_326 : memref<1x1x8x128xi32, #tpu.memory_space<hbm>> -> memref<8x128xi32, #tpu.memory_space<hbm>>
      %dma_start3A_328 = arith.constant 0 : i32
      %dma_start3A_329 = arith.constant 0 : i32
      %dma_start3A_330 = tpu.memref_slice %arg3[%run_scoped3A_250, %add3A, %dma_start3A_328, %dma_start3A_329] : memref<25x32x8x128xi32, #tpu.memory_space<hbm>> -> memref<1x1x8x128xi32, #tpu.memory_space<hbm>>
      %dma_start3A_331 = tpu.memref_squeeze %dma_start3A_330 : memref<1x1x8x128xi32, #tpu.memory_space<hbm>> -> memref<8x128xi32, #tpu.memory_space<hbm>>
      tpu.enqueue_dma source(%arg4 : memref<8x128xi32, #tpu.memory_space<vmem>>) target(%dma_start3A_331 : memref<8x128xi32, #tpu.memory_space<hbm>>) target_semaphore(%run_scoped3A_323 : memref<!tpu.dma_semaphore, #tpu.memory_space<semaphore_mem>>)
      %dma_wait3A_332 = arith.constant 0 : i32
      %dma_wait3A_333 = arith.constant 0 : i32
      %dma_wait3A_334 = tpu.memref_slice %arg3[%run_scoped3A_250, %add3A, %dma_wait3A_332, %dma_wait3A_333] : memref<25x32x8x128xi32, #tpu.memory_space<hbm>> -> memref<1x1x8x128xi32, #tpu.memory_space<hbm>>
      %dma_wait3A_335 = tpu.memref_squeeze %dma_wait3A_334 : memref<1x1x8x128xi32, #tpu.memory_space<hbm>> -> memref<8x128xi32, #tpu.memory_space<hbm>>
      %dma_wait3A_336 = arith.constant 0 : i32
      %dma_wait3A_337 = arith.constant 0 : i32
      %dma_wait3A_338 = tpu.memref_slice %arg3[%run_scoped3A_250, %add3A, %dma_wait3A_336, %dma_wait3A_337] : memref<25x32x8x128xi32, #tpu.memory_space<hbm>> -> memref<1x1x8x128xi32, #tpu.memory_space<hbm>>
      %dma_wait3A_339 = tpu.memref_squeeze %dma_wait3A_338 : memref<1x1x8x128xi32, #tpu.memory_space<hbm>> -> memref<8x128xi32, #tpu.memory_space<hbm>>
      tpu.wait_dma2 semaphore(%run_scoped3A_323 : memref<!tpu.dma_semaphore, #tpu.memory_space<semaphore_mem>>) src(%arg4 : memref<8x128xi32, #tpu.memory_space<vmem>>) dst(%dma_wait3A_339 : memref<8x128xi32, #tpu.memory_space<hbm>>)
      tpu.yield
    }) : () -> ()
    %mul3A_251 = arith.constant 128 : i32
    %mul3A_252 = arith.muli %add3A, %mul3A_251 : i32
    %dma_wait3A_253 = arith.constant 152 : i32
    %dma_wait3A_254 = tpu.memref_slice %arg2[%dma_wait3A_253, %mul3A_252] : memref<200x4096xi32, #tpu.memory_space<hbm>> -> memref<8x128xi32, #tpu.memory_space<hbm>>
    %dma_wait3A_255 = arith.constant 152 : i32
    %dma_wait3A_256 = tpu.memref_slice %arg2[%dma_wait3A_255, %mul3A_252] : memref<200x4096xi32, #tpu.memory_space<hbm>> -> memref<8x128xi32, #tpu.memory_space<hbm>>
    tpu.wait_dma2 semaphore(%arg7 : memref<!tpu.dma_semaphore, #tpu.memory_space<semaphore_mem>>) src(%dma_wait3A_256 : memref<8x128xi32, #tpu.memory_space<hbm>>) dst(%arg5 : memref<8x128xi32, #tpu.memory_space<vmem>>)
    %mul3A_257 = arith.constant 128 : i32
    %mul3A_258 = arith.muli %add3A, %mul3A_257 : i32
    %dma_start3A_259 = arith.constant 160 : i32
    %dma_start3A_260 = tpu.memref_slice %arg2[%dma_start3A_259, %mul3A_258] : memref<200x4096xi32, #tpu.memory_space<hbm>> -> memref<8x128xi32, #tpu.memory_space<hbm>>
    %dma_start3A_261 = arith.constant 160 : i32
    %dma_start3A_262 = tpu.memref_slice %arg2[%dma_start3A_261, %mul3A_258] : memref<200x4096xi32, #tpu.memory_space<hbm>> -> memref<8x128xi32, #tpu.memory_space<hbm>>
    tpu.enqueue_dma source(%dma_start3A_262 : memref<8x128xi32, #tpu.memory_space<hbm>>) target(%arg4 : memref<8x128xi32, #tpu.memory_space<vmem>>) target_semaphore(%arg6 : memref<!tpu.dma_semaphore, #tpu.memory_space<semaphore_mem>>)
    %run_scoped3A_263 = arith.constant 19 : i32
    "tpu.region"() ({
      %run_scoped3A_323 = tpu.sem_alloc : memref<!tpu.dma_semaphore, #tpu.memory_space<semaphore_mem>>
      %dma_start3A_324 = arith.constant 0 : i32
      %dma_start3A_325 = arith.constant 0 : i32
      %dma_start3A_326 = tpu.memref_slice %arg3[%run_scoped3A_263, %add3A, %dma_start3A_324, %dma_start3A_325] : memref<25x32x8x128xi32, #tpu.memory_space<hbm>> -> memref<1x1x8x128xi32, #tpu.memory_space<hbm>>
      %dma_start3A_327 = tpu.memref_squeeze %dma_start3A_326 : memref<1x1x8x128xi32, #tpu.memory_space<hbm>> -> memref<8x128xi32, #tpu.memory_space<hbm>>
      %dma_start3A_328 = arith.constant 0 : i32
      %dma_start3A_329 = arith.constant 0 : i32
      %dma_start3A_330 = tpu.memref_slice %arg3[%run_scoped3A_263, %add3A, %dma_start3A_328, %dma_start3A_329] : memref<25x32x8x128xi32, #tpu.memory_space<hbm>> -> memref<1x1x8x128xi32, #tpu.memory_space<hbm>>
      %dma_start3A_331 = tpu.memref_squeeze %dma_start3A_330 : memref<1x1x8x128xi32, #tpu.memory_space<hbm>> -> memref<8x128xi32, #tpu.memory_space<hbm>>
      tpu.enqueue_dma source(%arg5 : memref<8x128xi32, #tpu.memory_space<vmem>>) target(%dma_start3A_331 : memref<8x128xi32, #tpu.memory_space<hbm>>) target_semaphore(%run_scoped3A_323 : memref<!tpu.dma_semaphore, #tpu.memory_space<semaphore_mem>>)
      %dma_wait3A_332 = arith.constant 0 : i32
      %dma_wait3A_333 = arith.constant 0 : i32
      %dma_wait3A_334 = tpu.memref_slice %arg3[%run_scoped3A_263, %add3A, %dma_wait3A_332, %dma_wait3A_333] : memref<25x32x8x128xi32, #tpu.memory_space<hbm>> -> memref<1x1x8x128xi32, #tpu.memory_space<hbm>>
      %dma_wait3A_335 = tpu.memref_squeeze %dma_wait3A_334 : memref<1x1x8x128xi32, #tpu.memory_space<hbm>> -> memref<8x128xi32, #tpu.memory_space<hbm>>
      %dma_wait3A_336 = arith.constant 0 : i32
      %dma_wait3A_337 = arith.constant 0 : i32
      %dma_wait3A_338 = tpu.memref_slice %arg3[%run_scoped3A_263, %add3A, %dma_wait3A_336, %dma_wait3A_337] : memref<25x32x8x128xi32, #tpu.memory_space<hbm>> -> memref<1x1x8x128xi32, #tpu.memory_space<hbm>>
      %dma_wait3A_339 = tpu.memref_squeeze %dma_wait3A_338 : memref<1x1x8x128xi32, #tpu.memory_space<hbm>> -> memref<8x128xi32, #tpu.memory_space<hbm>>
      tpu.wait_dma2 semaphore(%run_scoped3A_323 : memref<!tpu.dma_semaphore, #tpu.memory_space<semaphore_mem>>) src(%arg5 : memref<8x128xi32, #tpu.memory_space<vmem>>) dst(%dma_wait3A_339 : memref<8x128xi32, #tpu.memory_space<hbm>>)
      tpu.yield
    }) : () -> ()
    %mul3A_264 = arith.constant 128 : i32
    %mul3A_265 = arith.muli %add3A, %mul3A_264 : i32
    %dma_wait3A_266 = arith.constant 160 : i32
    %dma_wait3A_267 = tpu.memref_slice %arg2[%dma_wait3A_266, %mul3A_265] : memref<200x4096xi32, #tpu.memory_space<hbm>> -> memref<8x128xi32, #tpu.memory_space<hbm>>
    %dma_wait3A_268 = arith.constant 160 : i32
    %dma_wait3A_269 = tpu.memref_slice %arg2[%dma_wait3A_268, %mul3A_265] : memref<200x4096xi32, #tpu.memory_space<hbm>> -> memref<8x128xi32, #tpu.memory_space<hbm>>
    tpu.wait_dma2 semaphore(%arg6 : memref<!tpu.dma_semaphore, #tpu.memory_space<semaphore_mem>>) src(%dma_wait3A_269 : memref<8x128xi32, #tpu.memory_space<hbm>>) dst(%arg4 : memref<8x128xi32, #tpu.memory_space<vmem>>)
    %mul3A_270 = arith.constant 128 : i32
    %mul3A_271 = arith.muli %add3A, %mul3A_270 : i32
    %dma_start3A_272 = arith.constant 168 : i32
    %dma_start3A_273 = tpu.memref_slice %arg2[%dma_start3A_272, %mul3A_271] : memref<200x4096xi32, #tpu.memory_space<hbm>> -> memref<8x128xi32, #tpu.memory_space<hbm>>
    %dma_start3A_274 = arith.constant 168 : i32
    %dma_start3A_275 = tpu.memref_slice %arg2[%dma_start3A_274, %mul3A_271] : memref<200x4096xi32, #tpu.memory_space<hbm>> -> memref<8x128xi32, #tpu.memory_space<hbm>>
    tpu.enqueue_dma source(%dma_start3A_275 : memref<8x128xi32, #tpu.memory_space<hbm>>) target(%arg5 : memref<8x128xi32, #tpu.memory_space<vmem>>) target_semaphore(%arg7 : memref<!tpu.dma_semaphore, #tpu.memory_space<semaphore_mem>>)
    %run_scoped3A_276 = arith.constant 20 : i32
    "tpu.region"() ({
      %run_scoped3A_323 = tpu.sem_alloc : memref<!tpu.dma_semaphore, #tpu.memory_space<semaphore_mem>>
      %dma_start3A_324 = arith.constant 0 : i32
      %dma_start3A_325 = arith.constant 0 : i32
      %dma_start3A_326 = tpu.memref_slice %arg3[%run_scoped3A_276, %add3A, %dma_start3A_324, %dma_start3A_325] : memref<25x32x8x128xi32, #tpu.memory_space<hbm>> -> memref<1x1x8x128xi32, #tpu.memory_space<hbm>>
      %dma_start3A_327 = tpu.memref_squeeze %dma_start3A_326 : memref<1x1x8x128xi32, #tpu.memory_space<hbm>> -> memref<8x128xi32, #tpu.memory_space<hbm>>
      %dma_start3A_328 = arith.constant 0 : i32
      %dma_start3A_329 = arith.constant 0 : i32
      %dma_start3A_330 = tpu.memref_slice %arg3[%run_scoped3A_276, %add3A, %dma_start3A_328, %dma_start3A_329] : memref<25x32x8x128xi32, #tpu.memory_space<hbm>> -> memref<1x1x8x128xi32, #tpu.memory_space<hbm>>
      %dma_start3A_331 = tpu.memref_squeeze %dma_start3A_330 : memref<1x1x8x128xi32, #tpu.memory_space<hbm>> -> memref<8x128xi32, #tpu.memory_space<hbm>>
      tpu.enqueue_dma source(%arg4 : memref<8x128xi32, #tpu.memory_space<vmem>>) target(%dma_start3A_331 : memref<8x128xi32, #tpu.memory_space<hbm>>) target_semaphore(%run_scoped3A_323 : memref<!tpu.dma_semaphore, #tpu.memory_space<semaphore_mem>>)
      %dma_wait3A_332 = arith.constant 0 : i32
      %dma_wait3A_333 = arith.constant 0 : i32
      %dma_wait3A_334 = tpu.memref_slice %arg3[%run_scoped3A_276, %add3A, %dma_wait3A_332, %dma_wait3A_333] : memref<25x32x8x128xi32, #tpu.memory_space<hbm>> -> memref<1x1x8x128xi32, #tpu.memory_space<hbm>>
      %dma_wait3A_335 = tpu.memref_squeeze %dma_wait3A_334 : memref<1x1x8x128xi32, #tpu.memory_space<hbm>> -> memref<8x128xi32, #tpu.memory_space<hbm>>
      %dma_wait3A_336 = arith.constant 0 : i32
      %dma_wait3A_337 = arith.constant 0 : i32
      %dma_wait3A_338 = tpu.memref_slice %arg3[%run_scoped3A_276, %add3A, %dma_wait3A_336, %dma_wait3A_337] : memref<25x32x8x128xi32, #tpu.memory_space<hbm>> -> memref<1x1x8x128xi32, #tpu.memory_space<hbm>>
      %dma_wait3A_339 = tpu.memref_squeeze %dma_wait3A_338 : memref<1x1x8x128xi32, #tpu.memory_space<hbm>> -> memref<8x128xi32, #tpu.memory_space<hbm>>
      tpu.wait_dma2 semaphore(%run_scoped3A_323 : memref<!tpu.dma_semaphore, #tpu.memory_space<semaphore_mem>>) src(%arg4 : memref<8x128xi32, #tpu.memory_space<vmem>>) dst(%dma_wait3A_339 : memref<8x128xi32, #tpu.memory_space<hbm>>)
      tpu.yield
    }) : () -> ()
    %mul3A_277 = arith.constant 128 : i32
    %mul3A_278 = arith.muli %add3A, %mul3A_277 : i32
    %dma_wait3A_279 = arith.constant 168 : i32
    %dma_wait3A_280 = tpu.memref_slice %arg2[%dma_wait3A_279, %mul3A_278] : memref<200x4096xi32, #tpu.memory_space<hbm>> -> memref<8x128xi32, #tpu.memory_space<hbm>>
    %dma_wait3A_281 = arith.constant 168 : i32
    %dma_wait3A_282 = tpu.memref_slice %arg2[%dma_wait3A_281, %mul3A_278] : memref<200x4096xi32, #tpu.memory_space<hbm>> -> memref<8x128xi32, #tpu.memory_space<hbm>>
    tpu.wait_dma2 semaphore(%arg7 : memref<!tpu.dma_semaphore, #tpu.memory_space<semaphore_mem>>) src(%dma_wait3A_282 : memref<8x128xi32, #tpu.memory_space<hbm>>) dst(%arg5 : memref<8x128xi32, #tpu.memory_space<vmem>>)
    %mul3A_283 = arith.constant 128 : i32
    %mul3A_284 = arith.muli %add3A, %mul3A_283 : i32
    %dma_start3A_285 = arith.constant 176 : i32
    %dma_start3A_286 = tpu.memref_slice %arg2[%dma_start3A_285, %mul3A_284] : memref<200x4096xi32, #tpu.memory_space<hbm>> -> memref<8x128xi32, #tpu.memory_space<hbm>>
    %dma_start3A_287 = arith.constant 176 : i32
    %dma_start3A_288 = tpu.memref_slice %arg2[%dma_start3A_287, %mul3A_284] : memref<200x4096xi32, #tpu.memory_space<hbm>> -> memref<8x128xi32, #tpu.memory_space<hbm>>
    tpu.enqueue_dma source(%dma_start3A_288 : memref<8x128xi32, #tpu.memory_space<hbm>>) target(%arg4 : memref<8x128xi32, #tpu.memory_space<vmem>>) target_semaphore(%arg6 : memref<!tpu.dma_semaphore, #tpu.memory_space<semaphore_mem>>)
    %run_scoped3A_289 = arith.constant 21 : i32
    "tpu.region"() ({
      %run_scoped3A_323 = tpu.sem_alloc : memref<!tpu.dma_semaphore, #tpu.memory_space<semaphore_mem>>
      %dma_start3A_324 = arith.constant 0 : i32
      %dma_start3A_325 = arith.constant 0 : i32
      %dma_start3A_326 = tpu.memref_slice %arg3[%run_scoped3A_289, %add3A, %dma_start3A_324, %dma_start3A_325] : memref<25x32x8x128xi32, #tpu.memory_space<hbm>> -> memref<1x1x8x128xi32, #tpu.memory_space<hbm>>
      %dma_start3A_327 = tpu.memref_squeeze %dma_start3A_326 : memref<1x1x8x128xi32, #tpu.memory_space<hbm>> -> memref<8x128xi32, #tpu.memory_space<hbm>>
      %dma_start3A_328 = arith.constant 0 : i32
      %dma_start3A_329 = arith.constant 0 : i32
      %dma_start3A_330 = tpu.memref_slice %arg3[%run_scoped3A_289, %add3A, %dma_start3A_328, %dma_start3A_329] : memref<25x32x8x128xi32, #tpu.memory_space<hbm>> -> memref<1x1x8x128xi32, #tpu.memory_space<hbm>>
      %dma_start3A_331 = tpu.memref_squeeze %dma_start3A_330 : memref<1x1x8x128xi32, #tpu.memory_space<hbm>> -> memref<8x128xi32, #tpu.memory_space<hbm>>
      tpu.enqueue_dma source(%arg5 : memref<8x128xi32, #tpu.memory_space<vmem>>) target(%dma_start3A_331 : memref<8x128xi32, #tpu.memory_space<hbm>>) target_semaphore(%run_scoped3A_323 : memref<!tpu.dma_semaphore, #tpu.memory_space<semaphore_mem>>)
      %dma_wait3A_332 = arith.constant 0 : i32
      %dma_wait3A_333 = arith.constant 0 : i32
      %dma_wait3A_334 = tpu.memref_slice %arg3[%run_scoped3A_289, %add3A, %dma_wait3A_332, %dma_wait3A_333] : memref<25x32x8x128xi32, #tpu.memory_space<hbm>> -> memref<1x1x8x128xi32, #tpu.memory_space<hbm>>
      %dma_wait3A_335 = tpu.memref_squeeze %dma_wait3A_334 : memref<1x1x8x128xi32, #tpu.memory_space<hbm>> -> memref<8x128xi32, #tpu.memory_space<hbm>>
      %dma_wait3A_336 = arith.constant 0 : i32
      %dma_wait3A_337 = arith.constant 0 : i32
      %dma_wait3A_338 = tpu.memref_slice %arg3[%run_scoped3A_289, %add3A, %dma_wait3A_336, %dma_wait3A_337] : memref<25x32x8x128xi32, #tpu.memory_space<hbm>> -> memref<1x1x8x128xi32, #tpu.memory_space<hbm>>
      %dma_wait3A_339 = tpu.memref_squeeze %dma_wait3A_338 : memref<1x1x8x128xi32, #tpu.memory_space<hbm>> -> memref<8x128xi32, #tpu.memory_space<hbm>>
      tpu.wait_dma2 semaphore(%run_scoped3A_323 : memref<!tpu.dma_semaphore, #tpu.memory_space<semaphore_mem>>) src(%arg5 : memref<8x128xi32, #tpu.memory_space<vmem>>) dst(%dma_wait3A_339 : memref<8x128xi32, #tpu.memory_space<hbm>>)
      tpu.yield
    }) : () -> ()
    %mul3A_290 = arith.constant 128 : i32
    %mul3A_291 = arith.muli %add3A, %mul3A_290 : i32
    %dma_wait3A_292 = arith.constant 176 : i32
    %dma_wait3A_293 = tpu.memref_slice %arg2[%dma_wait3A_292, %mul3A_291] : memref<200x4096xi32, #tpu.memory_space<hbm>> -> memref<8x128xi32, #tpu.memory_space<hbm>>
    %dma_wait3A_294 = arith.constant 176 : i32
    %dma_wait3A_295 = tpu.memref_slice %arg2[%dma_wait3A_294, %mul3A_291] : memref<200x4096xi32, #tpu.memory_space<hbm>> -> memref<8x128xi32, #tpu.memory_space<hbm>>
    tpu.wait_dma2 semaphore(%arg6 : memref<!tpu.dma_semaphore, #tpu.memory_space<semaphore_mem>>) src(%dma_wait3A_295 : memref<8x128xi32, #tpu.memory_space<hbm>>) dst(%arg4 : memref<8x128xi32, #tpu.memory_space<vmem>>)
    %mul3A_296 = arith.constant 128 : i32
    %mul3A_297 = arith.muli %add3A, %mul3A_296 : i32
    %dma_start3A_298 = arith.constant 184 : i32
    %dma_start3A_299 = tpu.memref_slice %arg2[%dma_start3A_298, %mul3A_297] : memref<200x4096xi32, #tpu.memory_space<hbm>> -> memref<8x128xi32, #tpu.memory_space<hbm>>
    %dma_start3A_300 = arith.constant 184 : i32
    %dma_start3A_301 = tpu.memref_slice %arg2[%dma_start3A_300, %mul3A_297] : memref<200x4096xi32, #tpu.memory_space<hbm>> -> memref<8x128xi32, #tpu.memory_space<hbm>>
    tpu.enqueue_dma source(%dma_start3A_301 : memref<8x128xi32, #tpu.memory_space<hbm>>) target(%arg5 : memref<8x128xi32, #tpu.memory_space<vmem>>) target_semaphore(%arg7 : memref<!tpu.dma_semaphore, #tpu.memory_space<semaphore_mem>>)
    %run_scoped3A_302 = arith.constant 22 : i32
    "tpu.region"() ({
      %run_scoped3A_323 = tpu.sem_alloc : memref<!tpu.dma_semaphore, #tpu.memory_space<semaphore_mem>>
      %dma_start3A_324 = arith.constant 0 : i32
      %dma_start3A_325 = arith.constant 0 : i32
      %dma_start3A_326 = tpu.memref_slice %arg3[%run_scoped3A_302, %add3A, %dma_start3A_324, %dma_start3A_325] : memref<25x32x8x128xi32, #tpu.memory_space<hbm>> -> memref<1x1x8x128xi32, #tpu.memory_space<hbm>>
      %dma_start3A_327 = tpu.memref_squeeze %dma_start3A_326 : memref<1x1x8x128xi32, #tpu.memory_space<hbm>> -> memref<8x128xi32, #tpu.memory_space<hbm>>
      %dma_start3A_328 = arith.constant 0 : i32
      %dma_start3A_329 = arith.constant 0 : i32
      %dma_start3A_330 = tpu.memref_slice %arg3[%run_scoped3A_302, %add3A, %dma_start3A_328, %dma_start3A_329] : memref<25x32x8x128xi32, #tpu.memory_space<hbm>> -> memref<1x1x8x128xi32, #tpu.memory_space<hbm>>
      %dma_start3A_331 = tpu.memref_squeeze %dma_start3A_330 : memref<1x1x8x128xi32, #tpu.memory_space<hbm>> -> memref<8x128xi32, #tpu.memory_space<hbm>>
      tpu.enqueue_dma source(%arg4 : memref<8x128xi32, #tpu.memory_space<vmem>>) target(%dma_start3A_331 : memref<8x128xi32, #tpu.memory_space<hbm>>) target_semaphore(%run_scoped3A_323 : memref<!tpu.dma_semaphore, #tpu.memory_space<semaphore_mem>>)
      %dma_wait3A_332 = arith.constant 0 : i32
      %dma_wait3A_333 = arith.constant 0 : i32
      %dma_wait3A_334 = tpu.memref_slice %arg3[%run_scoped3A_302, %add3A, %dma_wait3A_332, %dma_wait3A_333] : memref<25x32x8x128xi32, #tpu.memory_space<hbm>> -> memref<1x1x8x128xi32, #tpu.memory_space<hbm>>
      %dma_wait3A_335 = tpu.memref_squeeze %dma_wait3A_334 : memref<1x1x8x128xi32, #tpu.memory_space<hbm>> -> memref<8x128xi32, #tpu.memory_space<hbm>>
      %dma_wait3A_336 = arith.constant 0 : i32
      %dma_wait3A_337 = arith.constant 0 : i32
      %dma_wait3A_338 = tpu.memref_slice %arg3[%run_scoped3A_302, %add3A, %dma_wait3A_336, %dma_wait3A_337] : memref<25x32x8x128xi32, #tpu.memory_space<hbm>> -> memref<1x1x8x128xi32, #tpu.memory_space<hbm>>
      %dma_wait3A_339 = tpu.memref_squeeze %dma_wait3A_338 : memref<1x1x8x128xi32, #tpu.memory_space<hbm>> -> memref<8x128xi32, #tpu.memory_space<hbm>>
      tpu.wait_dma2 semaphore(%run_scoped3A_323 : memref<!tpu.dma_semaphore, #tpu.memory_space<semaphore_mem>>) src(%arg4 : memref<8x128xi32, #tpu.memory_space<vmem>>) dst(%dma_wait3A_339 : memref<8x128xi32, #tpu.memory_space<hbm>>)
      tpu.yield
    }) : () -> ()
    %mul3A_303 = arith.constant 128 : i32
    %mul3A_304 = arith.muli %add3A, %mul3A_303 : i32
    %dma_wait3A_305 = arith.constant 184 : i32
    %dma_wait3A_306 = tpu.memref_slice %arg2[%dma_wait3A_305, %mul3A_304] : memref<200x4096xi32, #tpu.memory_space<hbm>> -> memref<8x128xi32, #tpu.memory_space<hbm>>
    %dma_wait3A_307 = arith.constant 184 : i32
    %dma_wait3A_308 = tpu.memref_slice %arg2[%dma_wait3A_307, %mul3A_304] : memref<200x4096xi32, #tpu.memory_space<hbm>> -> memref<8x128xi32, #tpu.memory_space<hbm>>
    tpu.wait_dma2 semaphore(%arg7 : memref<!tpu.dma_semaphore, #tpu.memory_space<semaphore_mem>>) src(%dma_wait3A_308 : memref<8x128xi32, #tpu.memory_space<hbm>>) dst(%arg5 : memref<8x128xi32, #tpu.memory_space<vmem>>)
    %mul3A_309 = arith.constant 128 : i32
    %mul3A_310 = arith.muli %add3A, %mul3A_309 : i32
    %dma_start3A_311 = arith.constant 192 : i32
    %dma_start3A_312 = tpu.memref_slice %arg2[%dma_start3A_311, %mul3A_310] : memref<200x4096xi32, #tpu.memory_space<hbm>> -> memref<8x128xi32, #tpu.memory_space<hbm>>
    %dma_start3A_313 = arith.constant 192 : i32
    %dma_start3A_314 = tpu.memref_slice %arg2[%dma_start3A_313, %mul3A_310] : memref<200x4096xi32, #tpu.memory_space<hbm>> -> memref<8x128xi32, #tpu.memory_space<hbm>>
    tpu.enqueue_dma source(%dma_start3A_314 : memref<8x128xi32, #tpu.memory_space<hbm>>) target(%arg4 : memref<8x128xi32, #tpu.memory_space<vmem>>) target_semaphore(%arg6 : memref<!tpu.dma_semaphore, #tpu.memory_space<semaphore_mem>>)
    %run_scoped3A_315 = arith.constant 23 : i32
    "tpu.region"() ({
      %run_scoped3A_323 = tpu.sem_alloc : memref<!tpu.dma_semaphore, #tpu.memory_space<semaphore_mem>>
      %dma_start3A_324 = arith.constant 0 : i32
      %dma_start3A_325 = arith.constant 0 : i32
      %dma_start3A_326 = tpu.memref_slice %arg3[%run_scoped3A_315, %add3A, %dma_start3A_324, %dma_start3A_325] : memref<25x32x8x128xi32, #tpu.memory_space<hbm>> -> memref<1x1x8x128xi32, #tpu.memory_space<hbm>>
      %dma_start3A_327 = tpu.memref_squeeze %dma_start3A_326 : memref<1x1x8x128xi32, #tpu.memory_space<hbm>> -> memref<8x128xi32, #tpu.memory_space<hbm>>
      %dma_start3A_328 = arith.constant 0 : i32
      %dma_start3A_329 = arith.constant 0 : i32
      %dma_start3A_330 = tpu.memref_slice %arg3[%run_scoped3A_315, %add3A, %dma_start3A_328, %dma_start3A_329] : memref<25x32x8x128xi32, #tpu.memory_space<hbm>> -> memref<1x1x8x128xi32, #tpu.memory_space<hbm>>
      %dma_start3A_331 = tpu.memref_squeeze %dma_start3A_330 : memref<1x1x8x128xi32, #tpu.memory_space<hbm>> -> memref<8x128xi32, #tpu.memory_space<hbm>>
      tpu.enqueue_dma source(%arg5 : memref<8x128xi32, #tpu.memory_space<vmem>>) target(%dma_start3A_331 : memref<8x128xi32, #tpu.memory_space<hbm>>) target_semaphore(%run_scoped3A_323 : memref<!tpu.dma_semaphore, #tpu.memory_space<semaphore_mem>>)
      %dma_wait3A_332 = arith.constant 0 : i32
      %dma_wait3A_333 = arith.constant 0 : i32
      %dma_wait3A_334 = tpu.memref_slice %arg3[%run_scoped3A_315, %add3A, %dma_wait3A_332, %dma_wait3A_333] : memref<25x32x8x128xi32, #tpu.memory_space<hbm>> -> memref<1x1x8x128xi32, #tpu.memory_space<hbm>>
      %dma_wait3A_335 = tpu.memref_squeeze %dma_wait3A_334 : memref<1x1x8x128xi32, #tpu.memory_space<hbm>> -> memref<8x128xi32, #tpu.memory_space<hbm>>
      %dma_wait3A_336 = arith.constant 0 : i32
      %dma_wait3A_337 = arith.constant 0 : i32
      %dma_wait3A_338 = tpu.memref_slice %arg3[%run_scoped3A_315, %add3A, %dma_wait3A_336, %dma_wait3A_337] : memref<25x32x8x128xi32, #tpu.memory_space<hbm>> -> memref<1x1x8x128xi32, #tpu.memory_space<hbm>>
      %dma_wait3A_339 = tpu.memref_squeeze %dma_wait3A_338 : memref<1x1x8x128xi32, #tpu.memory_space<hbm>> -> memref<8x128xi32, #tpu.memory_space<hbm>>
      tpu.wait_dma2 semaphore(%run_scoped3A_323 : memref<!tpu.dma_semaphore, #tpu.memory_space<semaphore_mem>>) src(%arg5 : memref<8x128xi32, #tpu.memory_space<vmem>>) dst(%dma_wait3A_339 : memref<8x128xi32, #tpu.memory_space<hbm>>)
      tpu.yield
    }) : () -> ()
    %mul3A_316 = arith.constant 128 : i32
    %mul3A_317 = arith.muli %add3A, %mul3A_316 : i32
    %dma_wait3A_318 = arith.constant 192 : i32
    %dma_wait3A_319 = tpu.memref_slice %arg2[%dma_wait3A_318, %mul3A_317] : memref<200x4096xi32, #tpu.memory_space<hbm>> -> memref<8x128xi32, #tpu.memory_space<hbm>>
    %dma_wait3A_320 = arith.constant 192 : i32
    %dma_wait3A_321 = tpu.memref_slice %arg2[%dma_wait3A_320, %mul3A_317] : memref<200x4096xi32, #tpu.memory_space<hbm>> -> memref<8x128xi32, #tpu.memory_space<hbm>>
    tpu.wait_dma2 semaphore(%arg6 : memref<!tpu.dma_semaphore, #tpu.memory_space<semaphore_mem>>) src(%dma_wait3A_321 : memref<8x128xi32, #tpu.memory_space<hbm>>) dst(%arg4 : memref<8x128xi32, #tpu.memory_space<vmem>>)
    %run_scoped3A_322 = arith.constant 24 : i32
    "tpu.region"() ({
      %run_scoped3A_323 = tpu.sem_alloc : memref<!tpu.dma_semaphore, #tpu.memory_space<semaphore_mem>>
      %dma_start3A_324 = arith.constant 0 : i32
      %dma_start3A_325 = arith.constant 0 : i32
      %dma_start3A_326 = tpu.memref_slice %arg3[%run_scoped3A_322, %add3A, %dma_start3A_324, %dma_start3A_325] : memref<25x32x8x128xi32, #tpu.memory_space<hbm>> -> memref<1x1x8x128xi32, #tpu.memory_space<hbm>>
      %dma_start3A_327 = tpu.memref_squeeze %dma_start3A_326 : memref<1x1x8x128xi32, #tpu.memory_space<hbm>> -> memref<8x128xi32, #tpu.memory_space<hbm>>
      %dma_start3A_328 = arith.constant 0 : i32
      %dma_start3A_329 = arith.constant 0 : i32
      %dma_start3A_330 = tpu.memref_slice %arg3[%run_scoped3A_322, %add3A, %dma_start3A_328, %dma_start3A_329] : memref<25x32x8x128xi32, #tpu.memory_space<hbm>> -> memref<1x1x8x128xi32, #tpu.memory_space<hbm>>
      %dma_start3A_331 = tpu.memref_squeeze %dma_start3A_330 : memref<1x1x8x128xi32, #tpu.memory_space<hbm>> -> memref<8x128xi32, #tpu.memory_space<hbm>>
      tpu.enqueue_dma source(%arg4 : memref<8x128xi32, #tpu.memory_space<vmem>>) target(%dma_start3A_331 : memref<8x128xi32, #tpu.memory_space<hbm>>) target_semaphore(%run_scoped3A_323 : memref<!tpu.dma_semaphore, #tpu.memory_space<semaphore_mem>>)
      %dma_wait3A_332 = arith.constant 0 : i32
      %dma_wait3A_333 = arith.constant 0 : i32
      %dma_wait3A_334 = tpu.memref_slice %arg3[%run_scoped3A_322, %add3A, %dma_wait3A_332, %dma_wait3A_333] : memref<25x32x8x128xi32, #tpu.memory_space<hbm>> -> memref<1x1x8x128xi32, #tpu.memory_space<hbm>>
      %dma_wait3A_335 = tpu.memref_squeeze %dma_wait3A_334 : memref<1x1x8x128xi32, #tpu.memory_space<hbm>> -> memref<8x128xi32, #tpu.memory_space<hbm>>
      %dma_wait3A_336 = arith.constant 0 : i32
      %dma_wait3A_337 = arith.constant 0 : i32
      %dma_wait3A_338 = tpu.memref_slice %arg3[%run_scoped3A_322, %add3A, %dma_wait3A_336, %dma_wait3A_337] : memref<25x32x8x128xi32, #tpu.memory_space<hbm>> -> memref<1x1x8x128xi32, #tpu.memory_space<hbm>>
      %dma_wait3A_339 = tpu.memref_squeeze %dma_wait3A_338 : memref<1x1x8x128xi32, #tpu.memory_space<hbm>> -> memref<8x128xi32, #tpu.memory_space<hbm>>
      tpu.wait_dma2 semaphore(%run_scoped3A_323 : memref<!tpu.dma_semaphore, #tpu.memory_space<semaphore_mem>>) src(%arg4 : memref<8x128xi32, #tpu.memory_space<vmem>>) dst(%dma_wait3A_339 : memref<8x128xi32, #tpu.memory_space<hbm>>)
      tpu.yield
    }) : () -> ()
    return
  }
}

</mosaic_0001>

<sc_bundles>
// kernel: kernel.4.cloned.1.call-start
scs
__scs_entry_jumppad:
0x0: {  	(pc) =	sbr.rel $0x88, $3  }
0x1: {  	(tag) =	ssettag $0x0;
	lr =	simm.s32 $0x1  }
0x2: {  	[smem:$0x3F9F] =	sst lr;
	_ =	strace $0xD0000000  }
0x3: {  	_ = 	snop  }
0x4: {  	_ = 	snop  }
0x5: {  	_ = 	snop  }
0x6: {  	_ = 	snop  }
0x7: {  	_ = 	snop  }
__scs_overlays_trampoline_lowered:
0x8: {  	[smem:$0x3FAE] =	sst s0  }
0x9: {  	[smem:$0x3FAF] =	sst s1  }
0xa: {  	[smem:$0x3FB0] =	sst s2  }
0xb: {  	[smem:$0x3FB1] =	sst s3  }
0xc: {  	[smem:$0x3FB2] =	sst s4  }
0xd: {  	[smem:$0x3FB3] =	sst s5  }
0xe: {  	[smem:$0x3FB4] =	sst s6  }
0xf: {  	[smem:$0x3FB5] =	sst s7  }
0x10: {  	[smem:$0x3FB6] =	sst s8  }
0x11: {  	[smem:$0x3FB7] =	sst s9;
	s0 =	simm.s32 @!p0 $0x0  }
0x12: {  	s1 =	sld [smem:$0x3F9D];
	s0 =	simm.s32 @p0 $0x1  }
0x13: {  	[smem:$0x3FB8] =	sst s0;
	s0 =	simm.s32 @!p1 $0x0  }
0x14: {  	s2 =	sld [smem:$0x3F9C];
	s0 =	simm.s32 @p1 $0x1  }
0x15: {  	[smem:$0x3FB9] =	sst s0;
	s0 =	simm.s32 @!p2 $0x0  }
0x16: {  	s3 =	sld [smem:$0x3FDB];
	s0 =	simm.s32 @p2 $0x1  }
0x17: {  	s4 =	simm.s32 $0x1BF5;
	[smem:$0x3FBB] =	sst s0  }
0x18: {  	s0 =	sld [smem:$0x3F9E];
	_ =	swait.ge [sflag:s4], $0x0  }
0x19: {  	s7 =	sld [smem:$0x3F9F]  }
0x1a: {  	s8 =	sadd.s32 $0xFFFFE003, lr  }
0x1b: {  	s9 =	sadd.s32 $0xFFFFFEF7, lr;
	s5 =	simm.s32 $0xFFFFFFFF;
	p2 =	slt.u32 s8, $0xFFFFF086  }
0x1c: {  	p1 =	slt.u32 s9, $0xF7A;
	s5 =	simm.s32 @!p2 $0x0  }
0x1d: {  	s5 =	simm.s32 @p1 $0x1;
	p0 =	seq.s32 s7, s2  }
0x1e: {  	s7 =	smul.u32 @!p0 $0xF7A, s2;
	p2 =	seq.s32 @!p0 s5, $0x0  }
0x1f: {  	s9 =	smul.u32 $0xF7A, s1;
	s8 =	simm.s32 @!p0 $0x1BF5;
	p2 =	por !p2, p0  }
0x20: {  	[sflag:s8] =	ssyncset.s32 @!p0 $0xFFFFF086;
	s6 =	sadd.s32 @!p0 s3, s7;
	s7 =	simm.s32 @!p0 $0x108  }
0x21: {  	s3 =	sadd.s32 s3, s9;
	s6 =	sadd.s32 @!p0 $0x88, s6;
	s7 =	simm.s32 @p2 $0x1082  }
0x22: {  	[simem:s7], [sflag:s8] =	dma.local @!p0 [hbm:s6], $0xF7A  }
0x23: {  	s9 =	sor.u32 $0xD0000000, s2;
	s6 =	simm.s32 $0x108;
	_ =	swait.ge @!p0 [sflag:s8], $0x0  }
0x24: {  	s3 =	sadd.s32 $0x88, s3;
	s6 =	simm.s32 @!p1 $0x1082;
	[sflag:s4] =	ssyncset.s32 $0xFFFFF086  }
0x25: {  	[simem:s6], [sflag:s4] =	dma.local [hbm:s3], $0xF7A  }
0x26: {  	[smem:$0x3F9F] =	sst s1;
	(tag) =	ssettag s2;
	_ =	strace s9  }
0x27: {  	s1 =	sld [smem:$0x3FAF]  }
0x28: {  	s2 =	sld [smem:$0x3FB0]  }
0x29: {  	s4 =	sld [smem:$0x3FB2]  }
0x2a: {  	p0 =	seq.s32 s5, $0x0;
	s5 =	sld [smem:$0x3FB3]  }
0x2b: {  	s6 =	sld [smem:$0x3FB4]  }
0x2c: {  	s7 =	sld [smem:$0x3FB5]  }
0x2d: {  	s3 =	simm.s32 $0x108;
	s8 =	sld [smem:$0x3FB6]  }
0x2e: {  	s3 =	simm.s32 @!p0 $0x1082;
	s9 =	sld [smem:$0x3FB7]  }
0x2f: {  	lr =	sadd.s32 s0, s3;
	s0 =	sld [smem:$0x3FAE]  }
0x30: {  	s3 =	sld [smem:$0x3FB1]  }
0x31: {  	[smem:$0x3FBA] =	sst s10  }
0x32: {  	s10 =	sld [smem:$0x3FB8];
	_ =	sdelay $0x3  }
0x33: {  	p0 =	seq.s32 s10, $0x1;
	s10 =	sld [smem:$0x3FBA];
	_ =	sdelay $0x3  }
0x34: {  	[smem:$0x3FBA] =	sst s10  }
0x35: {  	s10 =	sld [smem:$0x3FB9];
	_ =	sdelay $0x3  }
0x36: {  	p1 =	seq.s32 s10, $0x1;
	s10 =	sld [smem:$0x3FBA];
	_ =	sdelay $0x3  }
0x37: {  	[smem:$0x3FBA] =	sst s10  }
0x38: {  	s10 =	sld [smem:$0x3FBB]  }
0x39: {  	_ = 	snop;
	(pc) =	sbr.ind lr, $3  }
0x3a: {  	_ = 	snop  }
0x3b: {  	_ = 	snop  }
0x3c: {  	p2 =	seq.s32 s10, $0x1;
	s10 =	sld [smem:$0x3FBA]  }
0x3d: {  	_ =	shalt  }
0x3e: {  	_ =	shalt  }
0x3f: {  	_ =	shalt  }
0x40: {  	_ =	shalt  }
0x41: {  	_ =	shalt  }
0x42: {  	_ =	shalt  }
0x43: {  	_ =	shalt  }
0x44: {  	_ =	shalt  }
0x45: {  	_ =	shalt  }
0x46: {  	_ =	shalt  }
0x47: {  	_ =	shalt  }
0x48: {  	_ =	shalt  }
0x49: {  	_ =	shalt  }
0x4a: {  	_ =	shalt  }
0x4b: {  	_ =	shalt  }
0x4c: {  	_ =	shalt  }
0x4d: {  	_ =	shalt  }
0x4e: {  	_ =	shalt  }
0x4f: {  	_ =	shalt  }
0x50: {  	_ =	shalt  }
0x51: {  	_ =	shalt  }
0x52: {  	_ =	shalt  }
0x53: {  	_ =	shalt  }
0x54: {  	_ =	shalt  }
0x55: {  	_ =	shalt  }
0x56: {  	_ =	shalt  }
0x57: {  	_ =	shalt  }
0x58: {  	_ =	shalt  }
0x59: {  	_ =	shalt  }
0x5a: {  	_ =	shalt  }
0x5b: {  	_ =	shalt  }
0x5c: {  	_ =	shalt  }
0x5d: {  	_ =	shalt  }
0x5e: {  	_ =	shalt  }
0x5f: {  	_ =	shalt  }
0x60: {  	_ =	shalt  }
0x61: {  	_ =	shalt  }
0x62: {  	_ =	shalt  }
0x63: {  	_ =	shalt  }
0x64: {  	_ =	shalt  }
0x65: {  	_ =	shalt  }
0x66: {  	_ =	shalt  }
0x67: {  	_ =	shalt  }
0x68: {  	_ =	shalt  }
0x69: {  	_ =	shalt  }
0x6a: {  	_ =	shalt  }
0x6b: {  	_ =	shalt  }
0x6c: {  	_ =	shalt  }
0x6d: {  	_ =	shalt  }
0x6e: {  	_ =	shalt  }
0x6f: {  	_ =	shalt  }
0x70: {  	_ =	shalt  }
0x71: {  	_ =	shalt  }
0x72: {  	_ =	shalt  }
0x73: {  	_ =	shalt  }
0x74: {  	_ =	shalt  }
0x75: {  	_ =	shalt  }
0x76: {  	_ =	shalt  }
0x77: {  	_ =	shalt  }
0x78: {  	_ =	shalt  }
0x79: {  	_ =	shalt  }
0x7a: {  	_ =	shalt  }
0x7b: {  	_ =	shalt  }
0x7c: {  	_ =	shalt  }
0x7d: {  	_ =	shalt  }
0x7e: {  	_ =	shalt  }
0x7f: {  	_ =	shalt  }
0x80: {  	_ =	shalt  }
0x81: {  	_ =	shalt  }
0x82: {  	_ =	shalt  }
0x83: {  	_ =	shalt  }
0x84: {  	_ =	shalt  }
0x85: {  	_ =	shalt  }
0x86: {  	_ =	shalt  }
0x87: {  	_ =	shalt  }
.Lfunc_end0:
.L_simem_size_0:
called_computation_lowered:
.L_overlay_start_0:
0x88: {  	s2 =	sld [smem:$0x3FD9]  }
0x89: {  	s3 =	sld [smem:$0x3FFE];
	_ =	sdelay $0x1  }
0x8a: {  	s1 =	srdreg.scid  }
0x8b: {  	s0 =	sand.u32 $0x1, s1  }
0x8c: {  	s17 =	sshll.u32 s0, $0xA;
	s2 =	sadd.s32 s3, s2  }
0x8d: {  	s2 =	sadd.s32 s2, s17  }
0x8e: {  	[smem:$0x3FC6] =	sst s2  }
0x8f: {  	_ = 	snop  }
0x90: {  	s2 =	sld [smem:$0x3FC9];
	(tm) =	ssettm $0x1  }
0x91: {  	s18 =	sld [smem:$0x3FFB];
	_ =	sdelay $0x3  }
0x92: {  	_ =	strace s18  }
0x93: {  	s3 =	sld [smem:$0x3FFC];
	_ =	sdelay $0x3  }
0x94: {  	_ =	strace s3  }
0x95: {  	s3 =	sld [smem:$0x3FFD];
	_ =	sdelay $0x3  }
0x96: {  	_ =	strace s3  }
0x97: {  	_ =	strace $0x8FFFFFFF  }
0x98: {  	s19 =	sld [smem:$0x3FDB];
	_ =	sdelay $0x1  }
0x99: {  	s4 =	simm.s32 $_scs_section_size  }
0x9a: {  	s5 =	simm.s32 $_size__tile_overlayer_lowered;
	s6 =	simm.s32 $_tile_overlayer_lowered  }
0x9b: {  	s22 =	simm.s32 $0x1BFF;
	s21 =	sshll.u32 s6, $0x1;
	s3 =	sadd.s32 s4, s19  }
0x9c: {  	s7 =	simm.s32 $0x0;
	s20 =	sshll.u32 s5, $0x1;
	s5 =	sadd.s32 s21, s3  }
0x9d: {  	[timem:s7], [sflag:s22] =	dma.local [hbm:s5], s20  }
0x9e: {  	_ =	swait.ge [sflag:s22], s20  }
0x9f: {  	s4 =	ssub.s32 $0x0, s20;
	[sflag:s22] =	ssyncset.done $0x0  }
0xa0: {  	[sflag:s22] =	ssyncadd.s32 s4;
	_ =	sdelay $0x1  }
0xa1: {  	s23 =	simm.s32 $0x1B8B  }
0xa2: {  	_ =	swait.ge [sflag:s23], $0x1  }
0xa3: {  	[sflag:s23] =	ssyncset.done $0x0  }
0xa4: {  	s25 =	simm.s32 $0x1B8E;
	s24 =	sld [smem:$0x3FFE];
	[sflag:s23] =	ssyncadd.s32 $0xFFFFFFFF  }
0xa5: {  	s26 =	simm.s32 $execute0_lowered;
	[smem:$0x3FD2] =	sst s25  }
0xa6: {  	s5 =	sshll.u32 s26, $0x1;
	_ =	strace $0x80000046;
	[dreg:$0x1] =	wrdreg $0xFFFFFFFF  }
0xa7: {  	s28 =	simm.s32 $_size_execute0_lowered;
	s3 =	sadd.s32 s3, s5;
	[dreg:$0x0] =	wrdreg $0x0  }
0xa8: {  	s5 =	sshll.u32 s28, $0x1;
	[dreg:$0x2] =	wrdreg s3  }
0xa9: {  	[dreg:$0x3] =	wrdreg s5  }
0xaa: {  	[dreg:$0x4] =	wrdreg $0xC0  }
0xab: {  	_ =	task [dreg:s7], $0x5FFFF  }
0xac: {  	[dreg:$0x1] =	wrdreg $0xFFFFFFFF  }
0xad: {  	[dreg:$0x0] =	wrdreg $0x60  }
0xae: {  	[dreg:$0x2] =	wrdreg s2  }
0xaf: {  	[dreg:$0x3] =	wrdreg s24  }
0xb0: {  	[dreg:$0x4] =	wrdreg $0x9  }
0xb1: {  	_ =	task.clear_ibuf [dreg:s7], $0x5FFFF;
	_ =	strace $0x90000046  }
0xb2: {  	s29 =	simm.s32 $0x9;
	_ =	strace $0x80000048  }
0xb3: {  	_ =	swait.ge [sflag:s29], $0x1  }
0xb4: {  	[sflag:s29] =	ssyncadd.s32 $0xFFFFFFFF  }
0xb5: {  	_ =	strace $0x90000048  }
0xb6: {  	_ =	sfence  }
0xb7: {  	s30 =	sld [smem:$0x0];
	_ =	sdelay $0x2  }
0xb8: {  	s31 =	sshll.u32 s1, $0xD;
	s1 =	sshrl.u32 s1, $0x2  }
0xb9: {  	s3 =	sand.u32 $0x4000, s31;
	s1 =	sadd.s32 s1, s30  }
0xba: {  	s0 =	sor.u32 s3, s0;
	s1 =	sshll.u32 s1, $0x11  }
0xbb: {  	s0 =	sor.u32 s1, s0  }
0xbc: {  	s0 =	sadd.s32 $0x8F2B, s0  }
0xbd: {  	[sflag:s0] =	ssyncadd.remote.s32 $0x1  }
0xbe: {  	_ =	sfence.sel $0xFFFF  }
0xbf: {  	[dreg:$0x0] =	wrdreg $0xFFFFFFFF;
	(pc) =	sbr.abs _section_cstart, $3  }
0xc0: {  	[dreg:$0x1] =	wrdreg $0xFFFFFFFF  }
0xc1: {  	_ =	task.clear_ibuf [dreg:s7], $0x2FFFF;
	_ =	strace $0x9FFFFFFF  }
0xc2: {  	(tm) =	ssettm $0x7FFFFFFF  }
0xc3: {  	_ =	shalt  }
tec
execute0_lowered:
.L_overlay_start_1:
0x0: {  	(tag) =	ssettag $0x1  }
0x1: {  	s0 =	rddreg [dreg:$0x0];
	s2 =	srdreg.scid  }
0x2: {  	s1 =	rddreg [dreg:$0x1];
	s3 =	stileid.u32;
	s5 =	sand.u32 $0x1, s2  }
0x3: {  	s2 =	simm.s32 $0x0;
	s3 =	sshll.u32 s3, $0x8;
	s4 =	sshll.u32 s5, $0x7  }
0x4: {  	[smem:$0x7FF] =	sst s2;
	s4 =	sor.u32 s4, s3  }
0x5: {  	_ =	strace $0x80000047;
	s3 =	sadd.s32 $0x800, s1;
	s6 =	sadd.s32 s0, s4  }
0x6: {  	s7 =	sor.u32 $0x1000, s4;
	s16 =	sadd.s32 s3, s4;
	[dreg:$0x3] =	wrdreg s6  }
0x7: {  	s17 =	sor.u32 $0x2000, s4;
	s15 =	sadd.s32 s0, s7;
	[dreg:$0x5] =	wrdreg s16  }
0x8: {  	s18 =	sadd.s32 s0, s17;
	[dreg:$0x4] =	wrdreg s15  }
0x9: {  	s20 =	sor.u32 $0x3000, s4;
	s19 =	sadd.s32 s3, s7;
	[dreg:$0x6] =	wrdreg s18  }
0xa: {  	s21 =	sadd.s32 s0, s20;
	[dreg:$0x7] =	wrdreg s19  }
0xb: {  	s23 =	sor.u32 $0x4000, s4;
	s22 =	sadd.s32 s3, s17;
	[dreg:$0x8] =	wrdreg s21  }
0xc: {  	p0 =	por $0x0, $0x0;
	s24 =	sadd.s32 s0, s23;
	[dreg:$0x9] =	wrdreg s22  }
0xd: {  	s26 =	sor.u32 $0x5000, s4;
	s25 =	sadd.s32 s3, s20;
	[dreg:$0xa] =	wrdreg s24  }
0xe: {  	s5 =	ssub.s32 $0x2, s5;
	s8 =	sadd.s32 s0, s26;
	[dreg:$0xb] =	wrdreg s25  }
0xf: {  	s10 =	sor.u32 $0x6000, s4;
	s9 =	sadd.s32 s3, s23;
	[dreg:$0xc] =	wrdreg s8  }
0x10: {  	s13 =	sor.u32 $0x7000, s4;
	s11 =	sadd.s32 s0, s10;
	[dreg:$0xd] =	wrdreg s9  }
0x11: {  	s12 =	sadd.s32 s3, s26;
	s14 =	sadd.s32 s0, s13;
	[dreg:$0xe] =	wrdreg s11  }
0x12: {  	s16 =	sor.u32 $0x8000, s4;
	s7 =	sor.u32 $0x14000, s4;
	[dreg:$0xf] =	wrdreg s12  }
0x13: {  	[dreg:$0x10] =	wrdreg s14;
	s15 =	sadd.s32 s3, s10;
	s17 =	sadd.s32 s0, s16  }
0x14: {  	s18 =	sadd.s32 s3, s13;
	s19 =	sor.u32 $0x9000, s4;
	s1 =	rddreg [dreg:$0x3]  }
0x15: {  	s21 =	sadd.s32 s3, s16;
	s22 =	sor.u32 $0xA000, s4;
	[dreg:$0x11] =	wrdreg s15  }
0x16: {  	s25 =	sor.u32 $0xB000, s4;
	s9 =	sor.u32 $0xC000, s4;
	[dreg:$0x12] =	wrdreg s17  }
0x17: {  	s8 =	sshrl.u32 s5, $0x1;
	s13 =	sor.u32 $0xD000, s4;
	[dreg:$0x13] =	wrdreg s18  }
0x18: {  	s16 =	sor.u32 $0xF000, s4;
	s20 =	sadd.s32 s0, s19;
	[dreg:$0x15] =	wrdreg s21  }
0x19: {  	s23 =	sadd.s32 s0, s22;
	s24 =	sadd.s32 s3, s19;
	s26 =	sadd.s32 s0, s25  }
0x1a: {  	s6 =	sadd.s32 s3, s22;
	s11 =	sadd.s32 s0, s9;
	s12 =	sadd.s32 s3, s25  }
0x1b: {  	s10 =	ssub.s32 s5, s8;
	s14 =	sadd.s32 s0, s13;
	[dreg:$0x14] =	wrdreg s20  }
0x1c: {  	s31 =	sadd.s32 s3, s9;
	s15 =	sor.u32 $0xE000, s4;
	[dreg:$0x16] =	wrdreg s23  }
0x1d: {  	s30 =	sadd.s32 s3, s13;
	s17 =	sor.u32 $0x10000, s4;
	[dreg:$0x17] =	wrdreg s24  }
0x1e: {  	s25 =	sadd.s32 s3, s16;
	s18 =	sor.u32 $0x11000, s4;
	[dreg:$0x19] =	wrdreg s6  }
0x1f: {  	s19 =	sor.u32 $0x12000, s4;
	s8 =	sor.u32 $0x15000, s4;
	[dreg:$0x1a] =	wrdreg s11  }
0x20: {  	s9 =	sor.u32 $0x16000, s4;
	s13 =	sor.u32 $0x17000, s4;
	[dreg:$0x1b] =	wrdreg s12  }
0x21: {  	[dreg:$0x1c] =	wrdreg s14;
	s24 =	sadd.s32 s0, s17;
	s22 =	sadd.s32 s0, s18  }
0x22: {  	s23 =	sadd.s32 s3, s17;
	s21 =	sadd.s32 s3, s18;
	s6 =	sor.u32 $0x13000, s4  }
0x23: {  	s14 =	sadd.s32 s0, s8;
	s11 =	sadd.s32 s3, s8;
	s12 =	sadd.s32 s0, s9  }
0x24: {  	s8 =	sadd.s32 s3, s9;
	s9 =	sadd.s32 s0, s13;
	s18 =	sadd.s32 s0, s6  }
0x25: {  	s17 =	sadd.s32 s3, s6;
	s6 =	sadd.s32 s3, s13;
	s13 =	smax.u32 s10, $0x1  }
0x26: {  	[dreg:$0x18] =	wrdreg s26;
	s29 =	sadd.s32 s0, s15;
	p1 =	sne.s32 s13, $0x1  }
.Ltmp0:
0x27: {  	s26 =	sadd.s32 s0, s16;
	s28 =	sadd.s32 s3, s15;
	(pc) =	sbr.rel @!p1 .LBB2_3-.Ltmp0, $4  }
0x28: {  	s20 =	sadd.s32 s0, s19;
	s19 =	sadd.s32 s3, s19;
	s16 =	sadd.s32 s0, s7  }
0x29: {  	s15 =	sadd.s32 s3, s7;
	s7 =	sor.u32 $0x18000, s4;
	s4 =	simm.s32 $0x3  }
0x2a: {  	s5 =	sadd.s32 s0, s7;
	s3 =	sadd.s32 s3, s7;
	s7 =	simm.s32 $0x1  }
0x2b: {  	s10 =	simm.s32 $0x400;
	s0 =	sadd.s32 $0xFFFFFFFF, s13;
	s13 =	simm.s32 $0x2  }
0x2c: {  	[tilespmem:s2], [sflag:$0x1] =	stream.linear.gather [hbm4b:s1+s2], $0x400, $0x38;
	[tilespmem:$0x800] =	vst v63  }
0x2d: {  	_ =	swait.ge [sflag:s7], $0x400  }
0x2e: {  	[dreg:$0x1e] =	wrdreg s0;
	[sflag:s7] =	ssyncset.done $0x0  }
0x2f: {  	s1 =	rddreg [dreg:$0x4];
	[sflag:s7] =	ssyncadd.s32 $0xFFFFFC00  }
0x30: {  	[tilespmem:s10], [sflag:$0x2] =	stream.linear.gather [hbm4b:s1+s2], $0x400, $0x38;
	[tilespmem:$0x800] =	vst v63  }
0x31: {  	s0 =	rddreg [dreg:$0x5]  }
0x32: {  	[hbm4b:s0+s2] =	stream.linear.scatter [tilespmem:s2], [sflag:$0x3], $0x400, $0x38;
	[tilespmem:$0x800] =	vst v63  }
0x33: {  	_ =	swait.ge [sflag:s4], $0x400  }
0x34: {  	[sflag:s4] =	ssyncset.done $0x0  }
0x35: {  	[sflag:s4] =	ssyncadd.s32 $0xFFFFFC00  }
0x36: {  	_ =	swait.ge [sflag:s13], $0x400  }
0x37: {  	[sflag:s13] =	ssyncset.done $0x0  }
0x38: {  	s0 =	rddreg [dreg:$0x6];
	[sflag:s13] =	ssyncadd.s32 $0xFFFFFC00  }
0x39: {  	[tilespmem:s2], [sflag:$0x1] =	stream.linear.gather [hbm4b:s0+s2], $0x400, $0x38;
	[tilespmem:$0x800] =	vst v63  }
0x3a: {  	s1 =	rddreg [dreg:$0x7]  }
0x3b: {  	[hbm4b:s1+s2] =	stream.linear.scatter [tilespmem:s10], [sflag:$0x3], $0x400, $0x38;
	[tilespmem:$0x800] =	vst v63  }
0x3c: {  	_ =	swait.ge [sflag:s4], $0x400  }
0x3d: {  	[sflag:s4] =	ssyncset.done $0x0  }
0x3e: {  	[sflag:s4] =	ssyncadd.s32 $0xFFFFFC00  }
0x3f: {  	_ =	swait.ge [sflag:s7], $0x400  }
0x40: {  	[sflag:s7] =	ssyncset.done $0x0  }
0x41: {  	s0 =	rddreg [dreg:$0x8];
	[sflag:s7] =	ssyncadd.s32 $0xFFFFFC00  }
0x42: {  	[tilespmem:s10], [sflag:$0x2] =	stream.linear.gather [hbm4b:s0+s2], $0x400, $0x38;
	[tilespmem:$0x800] =	vst v63  }
0x43: {  	s1 =	rddreg [dreg:$0x9]  }
0x44: {  	[hbm4b:s1+s2] =	stream.linear.scatter [tilespmem:s2], [sflag:$0x3], $0x400, $0x38;
	[tilespmem:$0x800] =	vst v63  }
0x45: {  	_ =	swait.ge [sflag:s4], $0x400  }
0x46: {  	[sflag:s4] =	ssyncset.done $0x0  }
0x47: {  	[sflag:s4] =	ssyncadd.s32 $0xFFFFFC00  }
0x48: {  	_ =	swait.ge [sflag:s13], $0x400  }
0x49: {  	[sflag:s13] =	ssyncset.done $0x0  }
0x4a: {  	s0 =	rddreg [dreg:$0xa];
	[sflag:s13] =	ssyncadd.s32 $0xFFFFFC00  }
0x4b: {  	[tilespmem:s2], [sflag:$0x1] =	stream.linear.gather [hbm4b:s0+s2], $0x400, $0x38;
	[tilespmem:$0x800] =	vst v63  }
0x4c: {  	s1 =	rddreg [dreg:$0xb]  }
0x4d: {  	[hbm4b:s1+s2] =	stream.linear.scatter [tilespmem:s10], [sflag:$0x3], $0x400, $0x38;
	[tilespmem:$0x800] =	vst v63  }
0x4e: {  	_ =	swait.ge [sflag:s4], $0x400  }
0x4f: {  	[sflag:s4] =	ssyncset.done $0x0  }
0x50: {  	[sflag:s4] =	ssyncadd.s32 $0xFFFFFC00  }
0x51: {  	_ =	swait.ge [sflag:s7], $0x400  }
0x52: {  	[sflag:s7] =	ssyncset.done $0x0  }
0x53: {  	s0 =	rddreg [dreg:$0xc];
	[sflag:s7] =	ssyncadd.s32 $0xFFFFFC00  }
0x54: {  	[tilespmem:s10], [sflag:$0x2] =	stream.linear.gather [hbm4b:s0+s2], $0x400, $0x38;
	[tilespmem:$0x800] =	vst v63  }
0x55: {  	s1 =	rddreg [dreg:$0xd]  }
0x56: {  	[hbm4b:s1+s2] =	stream.linear.scatter [tilespmem:s2], [sflag:$0x3], $0x400, $0x38;
	[tilespmem:$0x800] =	vst v63  }
0x57: {  	_ =	swait.ge [sflag:s4], $0x400  }
0x58: {  	[sflag:s4] =	ssyncset.done $0x0  }
0x59: {  	[sflag:s4] =	ssyncadd.s32 $0xFFFFFC00  }
0x5a: {  	_ =	swait.ge [sflag:s13], $0x400  }
0x5b: {  	[sflag:s13] =	ssyncset.done $0x0  }
0x5c: {  	s0 =	rddreg [dreg:$0xe];
	[sflag:s13] =	ssyncadd.s32 $0xFFFFFC00  }
0x5d: {  	[tilespmem:s2], [sflag:$0x1] =	stream.linear.gather [hbm4b:s0+s2], $0x400, $0x38;
	[tilespmem:$0x800] =	vst v63  }
0x5e: {  	s1 =	rddreg [dreg:$0xf]  }
0x5f: {  	[hbm4b:s1+s2] =	stream.linear.scatter [tilespmem:s10], [sflag:$0x3], $0x400, $0x38;
	[tilespmem:$0x800] =	vst v63  }
0x60: {  	_ =	swait.ge [sflag:s4], $0x400  }
0x61: {  	[sflag:s4] =	ssyncset.done $0x0  }
0x62: {  	[sflag:s4] =	ssyncadd.s32 $0xFFFFFC00  }
0x63: {  	_ =	swait.ge [sflag:s7], $0x400  }
0x64: {  	[sflag:s7] =	ssyncset.done $0x0  }
0x65: {  	s0 =	rddreg [dreg:$0x10];
	[sflag:s7] =	ssyncadd.s32 $0xFFFFFC00  }
0x66: {  	[tilespmem:s10], [sflag:$0x2] =	stream.linear.gather [hbm4b:s0+s2], $0x400, $0x38;
	[tilespmem:$0x800] =	vst v63  }
0x67: {  	s1 =	rddreg [dreg:$0x11]  }
0x68: {  	[hbm4b:s1+s2] =	stream.linear.scatter [tilespmem:s2], [sflag:$0x3], $0x400, $0x38;
	[tilespmem:$0x800] =	vst v63  }
0x69: {  	_ =	swait.ge [sflag:s4], $0x400  }
0x6a: {  	[sflag:s4] =	ssyncset.done $0x0  }
0x6b: {  	[sflag:s4] =	ssyncadd.s32 $0xFFFFFC00  }
0x6c: {  	_ =	swait.ge [sflag:s13], $0x400  }
0x6d: {  	[sflag:s13] =	ssyncset.done $0x0  }
0x6e: {  	s0 =	rddreg [dreg:$0x12];
	[sflag:s13] =	ssyncadd.s32 $0xFFFFFC00  }
0x6f: {  	[tilespmem:s2], [sflag:$0x1] =	stream.linear.gather [hbm4b:s0+s2], $0x400, $0x38;
	[tilespmem:$0x800] =	vst v63  }
0x70: {  	s1 =	rddreg [dreg:$0x13]  }
0x71: {  	[hbm4b:s1+s2] =	stream.linear.scatter [tilespmem:s10], [sflag:$0x3], $0x400, $0x38;
	[tilespmem:$0x800] =	vst v63  }
0x72: {  	_ =	swait.ge [sflag:s4], $0x400  }
0x73: {  	[sflag:s4] =	ssyncset.done $0x0  }
0x74: {  	[sflag:s4] =	ssyncadd.s32 $0xFFFFFC00  }
0x75: {  	_ =	swait.ge [sflag:s7], $0x400  }
0x76: {  	[sflag:s7] =	ssyncset.done $0x0  }
0x77: {  	s0 =	rddreg [dreg:$0x14];
	[sflag:s7] =	ssyncadd.s32 $0xFFFFFC00  }
0x78: {  	[tilespmem:s10], [sflag:$0x2] =	stream.linear.gather [hbm4b:s0+s2], $0x400, $0x38;
	[tilespmem:$0x800] =	vst v63  }
0x79: {  	s1 =	rddreg [dreg:$0x15]  }
0x7a: {  	[hbm4b:s1+s2] =	stream.linear.scatter [tilespmem:s2], [sflag:$0x3], $0x400, $0x38;
	[tilespmem:$0x800] =	vst v63  }
0x7b: {  	_ =	swait.ge [sflag:s4], $0x400  }
0x7c: {  	[sflag:s4] =	ssyncset.done $0x0  }
0x7d: {  	[sflag:s4] =	ssyncadd.s32 $0xFFFFFC00  }
0x7e: {  	_ =	swait.ge [sflag:s13], $0x400  }
0x7f: {  	[sflag:s13] =	ssyncset.done $0x0  }
0x80: {  	s0 =	rddreg [dreg:$0x16];
	[sflag:s13] =	ssyncadd.s32 $0xFFFFFC00  }
0x81: {  	[tilespmem:s2], [sflag:$0x1] =	stream.linear.gather [hbm4b:s0+s2], $0x400, $0x38;
	[tilespmem:$0x800] =	vst v63  }
0x82: {  	s1 =	rddreg [dreg:$0x17]  }
0x83: {  	[hbm4b:s1+s2] =	stream.linear.scatter [tilespmem:s10], [sflag:$0x3], $0x400, $0x38;
	[tilespmem:$0x800] =	vst v63  }
0x84: {  	_ =	swait.ge [sflag:s4], $0x400  }
0x85: {  	[sflag:s4] =	ssyncset.done $0x0  }
0x86: {  	[sflag:s4] =	ssyncadd.s32 $0xFFFFFC00  }
0x87: {  	_ =	swait.ge [sflag:s7], $0x400  }
0x88: {  	[sflag:s7] =	ssyncset.done $0x0  }
0x89: {  	s0 =	rddreg [dreg:$0x18];
	[sflag:s7] =	ssyncadd.s32 $0xFFFFFC00  }
0x8a: {  	[tilespmem:s10], [sflag:$0x2] =	stream.linear.gather [hbm4b:s0+s2], $0x400, $0x38;
	[tilespmem:$0x800] =	vst v63  }
0x8b: {  	s1 =	rddreg [dreg:$0x19]  }
0x8c: {  	[hbm4b:s1+s2] =	stream.linear.scatter [tilespmem:s2], [sflag:$0x3], $0x400, $0x38;
	[tilespmem:$0x800] =	vst v63  }
0x8d: {  	_ =	swait.ge [sflag:s4], $0x400  }
0x8e: {  	[sflag:s4] =	ssyncset.done $0x0  }
0x8f: {  	[sflag:s4] =	ssyncadd.s32 $0xFFFFFC00  }
0x90: {  	_ =	swait.ge [sflag:s13], $0x400  }
0x91: {  	[sflag:s13] =	ssyncset.done $0x0  }
0x92: {  	s0 =	rddreg [dreg:$0x1a];
	[sflag:s13] =	ssyncadd.s32 $0xFFFFFC00  }
0x93: {  	[tilespmem:s2], [sflag:$0x1] =	stream.linear.gather [hbm4b:s0+s2], $0x400, $0x38;
	[tilespmem:$0x800] =	vst v63  }
0x94: {  	s1 =	rddreg [dreg:$0x1b]  }
0x95: {  	[hbm4b:s1+s2] =	stream.linear.scatter [tilespmem:s10], [sflag:$0x3], $0x400, $0x38;
	[tilespmem:$0x800] =	vst v63  }
0x96: {  	_ =	swait.ge [sflag:s4], $0x400  }
0x97: {  	[sflag:s4] =	ssyncset.done $0x0  }
0x98: {  	[sflag:s4] =	ssyncadd.s32 $0xFFFFFC00  }
0x99: {  	_ =	swait.ge [sflag:s7], $0x400  }
0x9a: {  	[sflag:s7] =	ssyncset.done $0x0  }
0x9b: {  	s1 =	rddreg [dreg:$0x1c];
	[sflag:s7] =	ssyncadd.s32 $0xFFFFFC00  }
0x9c: {  	[tilespmem:s10], [sflag:$0x2] =	stream.linear.gather [hbm4b:s1+s2], $0x400, $0x38;
	[tilespmem:$0x800] =	vst v63  }
0x9d: {  	_ = 	snop  }
0x9e: {  	[hbm4b:s31+s2] =	stream.linear.scatter [tilespmem:s2], [sflag:$0x3], $0x400, $0x38;
	[tilespmem:$0x800] =	vst v63  }
0x9f: {  	_ =	swait.ge [sflag:s4], $0x400  }
0xa0: {  	[sflag:s4] =	ssyncset.done $0x0  }
0xa1: {  	[sflag:s4] =	ssyncadd.s32 $0xFFFFFC00  }
0xa2: {  	_ =	swait.ge [sflag:s13], $0x400  }
0xa3: {  	[sflag:s13] =	ssyncset.done $0x0  }
0xa4: {  	[sflag:s13] =	ssyncadd.s32 $0xFFFFFC00  }
0xa5: {  	[tilespmem:s2], [sflag:$0x1] =	stream.linear.gather [hbm4b:s29+s2], $0x400, $0x38;
	[tilespmem:$0x800] =	vst v63  }
0xa6: {  	_ = 	snop  }
0xa7: {  	[hbm4b:s30+s2] =	stream.linear.scatter [tilespmem:s10], [sflag:$0x3], $0x400, $0x38;
	[tilespmem:$0x800] =	vst v63  }
0xa8: {  	_ =	swait.ge [sflag:s4], $0x400  }
0xa9: {  	[sflag:s4] =	ssyncset.done $0x0  }
0xaa: {  	[sflag:s4] =	ssyncadd.s32 $0xFFFFFC00  }
0xab: {  	_ =	swait.ge [sflag:s7], $0x400  }
0xac: {  	[sflag:s7] =	ssyncset.done $0x0  }
0xad: {  	[sflag:s7] =	ssyncadd.s32 $0xFFFFFC00  }
0xae: {  	[tilespmem:s10], [sflag:$0x2] =	stream.linear.gather [hbm4b:s26+s2], $0x400, $0x38;
	[tilespmem:$0x800] =	vst v63  }
0xaf: {  	_ = 	snop  }
0xb0: {  	[hbm4b:s28+s2] =	stream.linear.scatter [tilespmem:s2], [sflag:$0x3], $0x400, $0x38;
	[tilespmem:$0x800] =	vst v63  }
0xb1: {  	_ =	swait.ge [sflag:s4], $0x400  }
0xb2: {  	[sflag:s4] =	ssyncset.done $0x0  }
0xb3: {  	[sflag:s4] =	ssyncadd.s32 $0xFFFFFC00  }
0xb4: {  	_ =	swait.ge [sflag:s13], $0x400  }
0xb5: {  	[sflag:s13] =	ssyncset.done $0x0  }
0xb6: {  	[sflag:s13] =	ssyncadd.s32 $0xFFFFFC00  }
0xb7: {  	[tilespmem:s2], [sflag:$0x1] =	stream.linear.gather [hbm4b:s24+s2], $0x400, $0x38;
	[tilespmem:$0x800] =	vst v63  }
0xb8: {  	_ = 	snop  }
0xb9: {  	[hbm4b:s25+s2] =	stream.linear.scatter [tilespmem:s10], [sflag:$0x3], $0x400, $0x38;
	[tilespmem:$0x800] =	vst v63  }
0xba: {  	_ =	swait.ge [sflag:s4], $0x400  }
0xbb: {  	[sflag:s4] =	ssyncset.done $0x0  }
0xbc: {  	[sflag:s4] =	ssyncadd.s32 $0xFFFFFC00  }
0xbd: {  	_ =	swait.ge [sflag:s7], $0x400  }
0xbe: {  	[sflag:s7] =	ssyncset.done $0x0  }
0xbf: {  	[sflag:s7] =	ssyncadd.s32 $0xFFFFFC00  }
0xc0: {  	[tilespmem:s10], [sflag:$0x2] =	stream.linear.gather [hbm4b:s22+s2], $0x400, $0x38;
	[tilespmem:$0x800] =	vst v63  }
0xc1: {  	_ = 	snop  }
0xc2: {  	[hbm4b:s23+s2] =	stream.linear.scatter [tilespmem:s2], [sflag:$0x3], $0x400, $0x38;
	[tilespmem:$0x800] =	vst v63  }
0xc3: {  	_ =	swait.ge [sflag:s4], $0x400  }
0xc4: {  	[sflag:s4] =	ssyncset.done $0x0  }
0xc5: {  	[sflag:s4] =	ssyncadd.s32 $0xFFFFFC00  }
0xc6: {  	_ =	swait.ge [sflag:s13], $0x400  }
0xc7: {  	[sflag:s13] =	ssyncset.done $0x0  }
0xc8: {  	[sflag:s13] =	ssyncadd.s32 $0xFFFFFC00  }
0xc9: {  	[tilespmem:s2], [sflag:$0x1] =	stream.linear.gather [hbm4b:s20+s2], $0x400, $0x38;
	[tilespmem:$0x800] =	vst v63  }
0xca: {  	_ = 	snop  }
0xcb: {  	[hbm4b:s21+s2] =	stream.linear.scatter [tilespmem:s10], [sflag:$0x3], $0x400, $0x38;
	[tilespmem:$0x800] =	vst v63  }
0xcc: {  	_ =	swait.ge [sflag:s4], $0x400  }
0xcd: {  	[sflag:s4] =	ssyncset.done $0x0  }
0xce: {  	[sflag:s4] =	ssyncadd.s32 $0xFFFFFC00  }
0xcf: {  	_ =	swait.ge [sflag:s7], $0x400  }
0xd0: {  	[sflag:s7] =	ssyncset.done $0x0  }
0xd1: {  	[sflag:s7] =	ssyncadd.s32 $0xFFFFFC00  }
0xd2: {  	[tilespmem:s10], [sflag:$0x2] =	stream.linear.gather [hbm4b:s18+s2], $0x400, $0x38;
	[tilespmem:$0x800] =	vst v63  }
0xd3: {  	_ = 	snop  }
0xd4: {  	[hbm4b:s19+s2] =	stream.linear.scatter [tilespmem:s2], [sflag:$0x3], $0x400, $0x38;
	[tilespmem:$0x800] =	vst v63  }
0xd5: {  	_ =	swait.ge [sflag:s4], $0x400  }
0xd6: {  	[sflag:s4] =	ssyncset.done $0x0  }
0xd7: {  	[sflag:s4] =	ssyncadd.s32 $0xFFFFFC00  }
0xd8: {  	_ =	swait.ge [sflag:s13], $0x400  }
0xd9: {  	[sflag:s13] =	ssyncset.done $0x0  }
0xda: {  	[sflag:s13] =	ssyncadd.s32 $0xFFFFFC00  }
0xdb: {  	[tilespmem:s2], [sflag:$0x1] =	stream.linear.gather [hbm4b:s16+s2], $0x400, $0x38;
	[tilespmem:$0x800] =	vst v63  }
0xdc: {  	_ = 	snop  }
0xdd: {  	[hbm4b:s17+s2] =	stream.linear.scatter [tilespmem:s10], [sflag:$0x3], $0x400, $0x38;
	[tilespmem:$0x800] =	vst v63  }
0xde: {  	_ =	swait.ge [sflag:s4], $0x400  }
0xdf: {  	[sflag:s4] =	ssyncset.done $0x0  }
0xe0: {  	[sflag:s4] =	ssyncadd.s32 $0xFFFFFC00  }
0xe1: {  	_ =	swait.ge [sflag:s7], $0x400  }
0xe2: {  	[sflag:s7] =	ssyncset.done $0x0  }
0xe3: {  	[sflag:s7] =	ssyncadd.s32 $0xFFFFFC00  }
0xe4: {  	[tilespmem:s10], [sflag:$0x2] =	stream.linear.gather [hbm4b:s14+s2], $0x400, $0x38;
	[tilespmem:$0x800] =	vst v63  }
0xe5: {  	_ = 	snop  }
0xe6: {  	[hbm4b:s15+s2] =	stream.linear.scatter [tilespmem:s2], [sflag:$0x3], $0x400, $0x38;
	[tilespmem:$0x800] =	vst v63  }
0xe7: {  	_ =	swait.ge [sflag:s4], $0x400  }
0xe8: {  	[sflag:s4] =	ssyncset.done $0x0  }
0xe9: {  	[sflag:s4] =	ssyncadd.s32 $0xFFFFFC00  }
0xea: {  	_ =	swait.ge [sflag:s13], $0x400  }
0xeb: {  	[sflag:s13] =	ssyncset.done $0x0  }
0xec: {  	[sflag:s13] =	ssyncadd.s32 $0xFFFFFC00  }
0xed: {  	[tilespmem:s2], [sflag:$0x1] =	stream.linear.gather [hbm4b:s12+s2], $0x400, $0x38;
	[tilespmem:$0x800] =	vst v63  }
0xee: {  	_ = 	snop  }
0xef: {  	[hbm4b:s11+s2] =	stream.linear.scatter [tilespmem:s10], [sflag:$0x3], $0x400, $0x38;
	[tilespmem:$0x800] =	vst v63  }
0xf0: {  	_ =	swait.ge [sflag:s4], $0x400  }
0xf1: {  	[sflag:s4] =	ssyncset.done $0x0  }
0xf2: {  	[sflag:s4] =	ssyncadd.s32 $0xFFFFFC00  }
0xf3: {  	_ =	swait.ge [sflag:s7], $0x400  }
0xf4: {  	[sflag:s7] =	ssyncset.done $0x0  }
0xf5: {  	[sflag:s7] =	ssyncadd.s32 $0xFFFFFC00  }
0xf6: {  	[tilespmem:s10], [sflag:$0x2] =	stream.linear.gather [hbm4b:s9+s2], $0x400, $0x38;
	[tilespmem:$0x800] =	vst v63  }
0xf7: {  	_ = 	snop  }
0xf8: {  	[hbm4b:s8+s2] =	stream.linear.scatter [tilespmem:s2], [sflag:$0x3], $0x400, $0x38;
	[tilespmem:$0x800] =	vst v63  }
0xf9: {  	_ =	swait.ge [sflag:s4], $0x400  }
0xfa: {  	[sflag:s4] =	ssyncset.done $0x0  }
0xfb: {  	[sflag:s4] =	ssyncadd.s32 $0xFFFFFC00  }
0xfc: {  	_ =	swait.ge [sflag:s13], $0x400  }
0xfd: {  	[sflag:s13] =	ssyncset.done $0x0  }
0xfe: {  	[sflag:s13] =	ssyncadd.s32 $0xFFFFFC00  }
0xff: {  	[tilespmem:s2], [sflag:$0x1] =	stream.linear.gather [hbm4b:s5+s2], $0x400, $0x38;
	[tilespmem:$0x800] =	vst v63  }
0x100: {  	_ = 	snop  }
0x101: {  	[hbm4b:s6+s2] =	stream.linear.scatter [tilespmem:s10], [sflag:$0x3], $0x400, $0x38;
	[tilespmem:$0x800] =	vst v63  }
0x102: {  	_ =	swait.ge [sflag:s4], $0x400  }
0x103: {  	[sflag:s4] =	ssyncset.done $0x0  }
0x104: {  	[sflag:s4] =	ssyncadd.s32 $0xFFFFFC00  }
0x105: {  	_ =	swait.ge [sflag:s7], $0x400  }
0x106: {  	s1 =	rddreg [dreg:$0x1e]  }
0x107: {  	p1 =	sne.s32 s1, $0x1  }
.Ltmp1:
0x108: {  	[sflag:s7] =	ssyncset.done $0x0;
	(pc) =	sbr.rel @!p1 .LBB2_3-.Ltmp1, $4  }
0x109: {  	[sflag:s7] =	ssyncadd.s32 $0xFFFFFC00  }
0x10a: {  	[hbm4b:s3+s2] =	stream.linear.scatter [tilespmem:s2], [sflag:$0x3], $0x400, $0x38;
	[tilespmem:$0x800] =	vst v63  }
0x10b: {  	p0 =	por $0x1, $0x1;
	_ =	swait.ge [sflag:s4], $0x400;
	[dreg:$0x1d] =	wrdreg s31  }
0x10c: {  	s0 =	sadd.s32 $0xFFFFFFFF, s1;
	s1 =	rddreg [dreg:$0x3];
	[sflag:s4] =	ssyncset.done $0x0  }
.LBB2_2:
0x10d: {  	[sflag:s4] =	ssyncadd.s32 $0xFFFFFC00;
	s31 =	smov.u32 s30  }
0x10e: {  	s30 =	smov.u32 s29;
	s29 =	smov.u32 s28;
	s28 =	smov.u32 s26  }
0x10f: {  	s26 =	smov.u32 s25;
	s25 =	smov.u32 s24;
	s24 =	smov.u32 s23  }
0x110: {  	s23 =	smov.u32 s22;
	s22 =	smov.u32 s21;
	s21 =	smov.u32 s20  }
0x111: {  	s20 =	smov.u32 s19;
	s19 =	smov.u32 s18;
	s18 =	smov.u32 s17  }
0x112: {  	s17 =	smov.u32 s16;
	s16 =	smov.u32 s15;
	s15 =	smov.u32 s14  }
0x113: {  	[tilespmem:s2], [sflag:$0x1] =	stream.linear.gather [hbm4b:s1+s2], $0x400, $0x38;
	[tilespmem:$0x800] =	vst v63  }
0x114: {  	s14 =	smov.u32 s12;
	s12 =	smov.u32 s11;
	_ =	swait.ge [sflag:s7], $0x400  }
0x115: {  	s11 =	smov.u32 s9;
	s9 =	smov.u32 s8;
	[sflag:s7] =	ssyncset.done $0x0  }
0x116: {  	s8 =	smov.u32 s6;
	s1 =	rddreg [dreg:$0x4];
	[sflag:s7] =	ssyncadd.s32 $0xFFFFFC00  }
0x117: {  	[tilespmem:s10], [sflag:$0x2] =	stream.linear.gather [hbm4b:s1+s2], $0x400, $0x38;
	[tilespmem:$0x800] =	vst v63  }
0x118: {  	s6 =	smov.u32 s5;
	s5 =	smov.u32 s3;
	s3 =	rddreg [dreg:$0x5]  }
0x119: {  	[hbm4b:s3+s2] =	stream.linear.scatter [tilespmem:s2], [sflag:$0x3], $0x400, $0x38;
	[tilespmem:$0x800] =	vst v63  }
0x11a: {  	_ =	swait.ge [sflag:s4], $0x400  }
0x11b: {  	[sflag:s4] =	ssyncset.done $0x0  }
0x11c: {  	[sflag:s4] =	ssyncadd.s32 $0xFFFFFC00  }
0x11d: {  	_ =	swait.ge [sflag:s13], $0x400  }
0x11e: {  	[sflag:s13] =	ssyncset.done $0x0  }
0x11f: {  	s1 =	rddreg [dreg:$0x6];
	[sflag:s13] =	ssyncadd.s32 $0xFFFFFC00  }
0x120: {  	[tilespmem:s2], [sflag:$0x1] =	stream.linear.gather [hbm4b:s1+s2], $0x400, $0x38;
	[tilespmem:$0x800] =	vst v63  }
0x121: {  	s3 =	rddreg [dreg:$0x7]  }
0x122: {  	[hbm4b:s3+s2] =	stream.linear.scatter [tilespmem:s10], [sflag:$0x3], $0x400, $0x38;
	[tilespmem:$0x800] =	vst v63  }
0x123: {  	_ =	swait.ge [sflag:s4], $0x400  }
0x124: {  	[sflag:s4] =	ssyncset.done $0x0  }
0x125: {  	[sflag:s4] =	ssyncadd.s32 $0xFFFFFC00  }
0x126: {  	_ =	swait.ge [sflag:s7], $0x400  }
0x127: {  	[sflag:s7] =	ssyncset.done $0x0  }
0x128: {  	s1 =	rddreg [dreg:$0x8];
	[sflag:s7] =	ssyncadd.s32 $0xFFFFFC00  }
0x129: {  	[tilespmem:s10], [sflag:$0x2] =	stream.linear.gather [hbm4b:s1+s2], $0x400, $0x38;
	[tilespmem:$0x800] =	vst v63  }
0x12a: {  	s3 =	rddreg [dreg:$0x9]  }
0x12b: {  	[hbm4b:s3+s2] =	stream.linear.scatter [tilespmem:s2], [sflag:$0x3], $0x400, $0x38;
	[tilespmem:$0x800] =	vst v63  }
0x12c: {  	_ =	swait.ge [sflag:s4], $0x400  }
0x12d: {  	[sflag:s4] =	ssyncset.done $0x0  }
0x12e: {  	[sflag:s4] =	ssyncadd.s32 $0xFFFFFC00  }
0x12f: {  	_ =	swait.ge [sflag:s13], $0x400  }
0x130: {  	[sflag:s13] =	ssyncset.done $0x0  }
0x131: {  	s1 =	rddreg [dreg:$0xa];
	[sflag:s13] =	ssyncadd.s32 $0xFFFFFC00  }
0x132: {  	[tilespmem:s2], [sflag:$0x1] =	stream.linear.gather [hbm4b:s1+s2], $0x400, $0x38;
	[tilespmem:$0x800] =	vst v63  }
0x133: {  	s3 =	rddreg [dreg:$0xb]  }
0x134: {  	[hbm4b:s3+s2] =	stream.linear.scatter [tilespmem:s10], [sflag:$0x3], $0x400, $0x38;
	[tilespmem:$0x800] =	vst v63  }
0x135: {  	_ =	swait.ge [sflag:s4], $0x400  }
0x136: {  	[sflag:s4] =	ssyncset.done $0x0  }
0x137: {  	[sflag:s4] =	ssyncadd.s32 $0xFFFFFC00  }
0x138: {  	_ =	swait.ge [sflag:s7], $0x400  }
0x139: {  	[sflag:s7] =	ssyncset.done $0x0  }
0x13a: {  	s1 =	rddreg [dreg:$0xc];
	[sflag:s7] =	ssyncadd.s32 $0xFFFFFC00  }
0x13b: {  	[tilespmem:s10], [sflag:$0x2] =	stream.linear.gather [hbm4b:s1+s2], $0x400, $0x38;
	[tilespmem:$0x800] =	vst v63  }
0x13c: {  	s3 =	rddreg [dreg:$0xd]  }
0x13d: {  	[hbm4b:s3+s2] =	stream.linear.scatter [tilespmem:s2], [sflag:$0x3], $0x400, $0x38;
	[tilespmem:$0x800] =	vst v63  }
0x13e: {  	_ =	swait.ge [sflag:s4], $0x400  }
0x13f: {  	[sflag:s4] =	ssyncset.done $0x0  }
0x140: {  	[sflag:s4] =	ssyncadd.s32 $0xFFFFFC00  }
0x141: {  	_ =	swait.ge [sflag:s13], $0x400  }
0x142: {  	[sflag:s13] =	ssyncset.done $0x0  }
0x143: {  	s1 =	rddreg [dreg:$0xe];
	[sflag:s13] =	ssyncadd.s32 $0xFFFFFC00  }
0x144: {  	[tilespmem:s2], [sflag:$0x1] =	stream.linear.gather [hbm4b:s1+s2], $0x400, $0x38;
	[tilespmem:$0x800] =	vst v63  }
0x145: {  	s3 =	rddreg [dreg:$0xf]  }
0x146: {  	[hbm4b:s3+s2] =	stream.linear.scatter [tilespmem:s10], [sflag:$0x3], $0x400, $0x38;
	[tilespmem:$0x800] =	vst v63  }
0x147: {  	_ =	swait.ge [sflag:s4], $0x400  }
0x148: {  	[sflag:s4] =	ssyncset.done $0x0  }
0x149: {  	[sflag:s4] =	ssyncadd.s32 $0xFFFFFC00  }
0x14a: {  	_ =	swait.ge [sflag:s7], $0x400  }
0x14b: {  	[sflag:s7] =	ssyncset.done $0x0  }
0x14c: {  	s1 =	rddreg [dreg:$0x10];
	[sflag:s7] =	ssyncadd.s32 $0xFFFFFC00  }
0x14d: {  	[tilespmem:s10], [sflag:$0x2] =	stream.linear.gather [hbm4b:s1+s2], $0x400, $0x38;
	[tilespmem:$0x800] =	vst v63  }
0x14e: {  	s3 =	rddreg [dreg:$0x11]  }
0x14f: {  	[hbm4b:s3+s2] =	stream.linear.scatter [tilespmem:s2], [sflag:$0x3], $0x400, $0x38;
	[tilespmem:$0x800] =	vst v63  }
0x150: {  	_ =	swait.ge [sflag:s4], $0x400  }
0x151: {  	[sflag:s4] =	ssyncset.done $0x0  }
0x152: {  	[sflag:s4] =	ssyncadd.s32 $0xFFFFFC00  }
0x153: {  	_ =	swait.ge [sflag:s13], $0x400  }
0x154: {  	[sflag:s13] =	ssyncset.done $0x0  }
0x155: {  	s1 =	rddreg [dreg:$0x12];
	[sflag:s13] =	ssyncadd.s32 $0xFFFFFC00  }
0x156: {  	[tilespmem:s2], [sflag:$0x1] =	stream.linear.gather [hbm4b:s1+s2], $0x400, $0x38;
	[tilespmem:$0x800] =	vst v63  }
0x157: {  	s3 =	rddreg [dreg:$0x13]  }
0x158: {  	[hbm4b:s3+s2] =	stream.linear.scatter [tilespmem:s10], [sflag:$0x3], $0x400, $0x38;
	[tilespmem:$0x800] =	vst v63  }
0x159: {  	_ =	swait.ge [sflag:s4], $0x400  }
0x15a: {  	[sflag:s4] =	ssyncset.done $0x0  }
0x15b: {  	[sflag:s4] =	ssyncadd.s32 $0xFFFFFC00  }
0x15c: {  	_ =	swait.ge [sflag:s7], $0x400  }
0x15d: {  	[sflag:s7] =	ssyncset.done $0x0  }
0x15e: {  	s1 =	rddreg [dreg:$0x14];
	[sflag:s7] =	ssyncadd.s32 $0xFFFFFC00  }
0x15f: {  	[tilespmem:s10], [sflag:$0x2] =	stream.linear.gather [hbm4b:s1+s2], $0x400, $0x38;
	[tilespmem:$0x800] =	vst v63  }
0x160: {  	s3 =	rddreg [dreg:$0x15]  }
0x161: {  	[hbm4b:s3+s2] =	stream.linear.scatter [tilespmem:s2], [sflag:$0x3], $0x400, $0x38;
	[tilespmem:$0x800] =	vst v63  }
0x162: {  	_ =	swait.ge [sflag:s4], $0x400  }
0x163: {  	[sflag:s4] =	ssyncset.done $0x0  }
0x164: {  	[sflag:s4] =	ssyncadd.s32 $0xFFFFFC00  }
0x165: {  	_ =	swait.ge [sflag:s13], $0x400  }
0x166: {  	[sflag:s13] =	ssyncset.done $0x0  }
0x167: {  	s1 =	rddreg [dreg:$0x16];
	[sflag:s13] =	ssyncadd.s32 $0xFFFFFC00  }
0x168: {  	[tilespmem:s2], [sflag:$0x1] =	stream.linear.gather [hbm4b:s1+s2], $0x400, $0x38;
	[tilespmem:$0x800] =	vst v63  }
0x169: {  	s3 =	rddreg [dreg:$0x17]  }
0x16a: {  	[hbm4b:s3+s2] =	stream.linear.scatter [tilespmem:s10], [sflag:$0x3], $0x400, $0x38;
	[tilespmem:$0x800] =	vst v63  }
0x16b: {  	_ =	swait.ge [sflag:s4], $0x400  }
0x16c: {  	[sflag:s4] =	ssyncset.done $0x0  }
0x16d: {  	[sflag:s4] =	ssyncadd.s32 $0xFFFFFC00  }
0x16e: {  	_ =	swait.ge [sflag:s7], $0x400  }
0x16f: {  	[sflag:s7] =	ssyncset.done $0x0  }
0x170: {  	s1 =	rddreg [dreg:$0x18];
	[sflag:s7] =	ssyncadd.s32 $0xFFFFFC00  }
0x171: {  	[tilespmem:s10], [sflag:$0x2] =	stream.linear.gather [hbm4b:s1+s2], $0x400, $0x38;
	[tilespmem:$0x800] =	vst v63  }
0x172: {  	s3 =	rddreg [dreg:$0x19]  }
0x173: {  	[hbm4b:s3+s2] =	stream.linear.scatter [tilespmem:s2], [sflag:$0x3], $0x400, $0x38;
	[tilespmem:$0x800] =	vst v63  }
0x174: {  	_ =	swait.ge [sflag:s4], $0x400  }
0x175: {  	[sflag:s4] =	ssyncset.done $0x0  }
0x176: {  	[sflag:s4] =	ssyncadd.s32 $0xFFFFFC00  }
0x177: {  	_ =	swait.ge [sflag:s13], $0x400  }
0x178: {  	[sflag:s13] =	ssyncset.done $0x0  }
0x179: {  	s1 =	rddreg [dreg:$0x1a];
	[sflag:s13] =	ssyncadd.s32 $0xFFFFFC00  }
0x17a: {  	[tilespmem:s2], [sflag:$0x1] =	stream.linear.gather [hbm4b:s1+s2], $0x400, $0x38;
	[tilespmem:$0x800] =	vst v63  }
0x17b: {  	s3 =	rddreg [dreg:$0x1b]  }
0x17c: {  	[hbm4b:s3+s2] =	stream.linear.scatter [tilespmem:s10], [sflag:$0x3], $0x400, $0x38;
	[tilespmem:$0x800] =	vst v63  }
0x17d: {  	s3 =	smov.u32 s5  }
0x17e: {  	s5 =	smov.u32 s6;
	s6 =	smov.u32 s8;
	s8 =	smov.u32 s9  }
0x17f: {  	s9 =	smov.u32 s11;
	s11 =	smov.u32 s12;
	s12 =	smov.u32 s14  }
0x180: {  	s14 =	smov.u32 s15;
	s15 =	smov.u32 s16;
	s16 =	smov.u32 s17  }
0x181: {  	s17 =	smov.u32 s18;
	s18 =	smov.u32 s19;
	s19 =	smov.u32 s20  }
0x182: {  	s20 =	smov.u32 s21;
	s21 =	smov.u32 s22;
	s22 =	smov.u32 s23  }
0x183: {  	s23 =	smov.u32 s24;
	s24 =	smov.u32 s25;
	s25 =	smov.u32 s26  }
0x184: {  	s26 =	smov.u32 s28;
	s28 =	smov.u32 s29;
	s29 =	smov.u32 s30  }
0x185: {  	s30 =	smov.u32 s31;
	s31 =	rddreg [dreg:$0x1d];
	_ =	swait.ge [sflag:s4], $0x400  }
0x186: {  	[sflag:s4] =	ssyncset.done $0x0  }
0x187: {  	[sflag:s4] =	ssyncadd.s32 $0xFFFFFC00  }
0x188: {  	_ =	swait.ge [sflag:s7], $0x400  }
0x189: {  	[sflag:s7] =	ssyncset.done $0x0  }
0x18a: {  	s1 =	rddreg [dreg:$0x1c];
	[sflag:s7] =	ssyncadd.s32 $0xFFFFFC00  }
0x18b: {  	[tilespmem:s10], [sflag:$0x2] =	stream.linear.gather [hbm4b:s1+s2], $0x400, $0x38;
	[tilespmem:$0x800] =	vst v63  }
0x18c: {  	_ = 	snop  }
0x18d: {  	[hbm4b:s31+s2] =	stream.linear.scatter [tilespmem:s2], [sflag:$0x3], $0x400, $0x38;
	[tilespmem:$0x800] =	vst v63  }
0x18e: {  	_ =	swait.ge [sflag:s4], $0x400  }
0x18f: {  	[sflag:s4] =	ssyncset.done $0x0  }
0x190: {  	[sflag:s4] =	ssyncadd.s32 $0xFFFFFC00  }
0x191: {  	_ =	swait.ge [sflag:s13], $0x400  }
0x192: {  	[sflag:s13] =	ssyncset.done $0x0  }
0x193: {  	[sflag:s13] =	ssyncadd.s32 $0xFFFFFC00  }
0x194: {  	[tilespmem:s2], [sflag:$0x1] =	stream.linear.gather [hbm4b:s29+s2], $0x400, $0x38;
	[tilespmem:$0x800] =	vst v63  }
0x195: {  	_ = 	snop  }
0x196: {  	[hbm4b:s30+s2] =	stream.linear.scatter [tilespmem:s10], [sflag:$0x3], $0x400, $0x38;
	[tilespmem:$0x800] =	vst v63  }
0x197: {  	_ =	swait.ge [sflag:s4], $0x400  }
0x198: {  	[sflag:s4] =	ssyncset.done $0x0  }
0x199: {  	[sflag:s4] =	ssyncadd.s32 $0xFFFFFC00  }
0x19a: {  	_ =	swait.ge [sflag:s7], $0x400  }
0x19b: {  	[sflag:s7] =	ssyncset.done $0x0  }
0x19c: {  	[sflag:s7] =	ssyncadd.s32 $0xFFFFFC00  }
0x19d: {  	[tilespmem:s10], [sflag:$0x2] =	stream.linear.gather [hbm4b:s26+s2], $0x400, $0x38;
	[tilespmem:$0x800] =	vst v63  }
0x19e: {  	_ = 	snop  }
0x19f: {  	[hbm4b:s28+s2] =	stream.linear.scatter [tilespmem:s2], [sflag:$0x3], $0x400, $0x38;
	[tilespmem:$0x800] =	vst v63  }
0x1a0: {  	_ =	swait.ge [sflag:s4], $0x400  }
0x1a1: {  	[sflag:s4] =	ssyncset.done $0x0  }
0x1a2: {  	[sflag:s4] =	ssyncadd.s32 $0xFFFFFC00  }
0x1a3: {  	_ =	swait.ge [sflag:s13], $0x400  }
0x1a4: {  	[sflag:s13] =	ssyncset.done $0x0  }
0x1a5: {  	[sflag:s13] =	ssyncadd.s32 $0xFFFFFC00  }
0x1a6: {  	[tilespmem:s2], [sflag:$0x1] =	stream.linear.gather [hbm4b:s24+s2], $0x400, $0x38;
	[tilespmem:$0x800] =	vst v63  }
0x1a7: {  	_ = 	snop  }
0x1a8: {  	[hbm4b:s25+s2] =	stream.linear.scatter [tilespmem:s10], [sflag:$0x3], $0x400, $0x38;
	[tilespmem:$0x800] =	vst v63  }
0x1a9: {  	_ =	swait.ge [sflag:s4], $0x400  }
0x1aa: {  	[sflag:s4] =	ssyncset.done $0x0  }
0x1ab: {  	[sflag:s4] =	ssyncadd.s32 $0xFFFFFC00  }
0x1ac: {  	_ =	swait.ge [sflag:s7], $0x400  }
0x1ad: {  	[sflag:s7] =	ssyncset.done $0x0  }
0x1ae: {  	[sflag:s7] =	ssyncadd.s32 $0xFFFFFC00  }
0x1af: {  	[tilespmem:s10], [sflag:$0x2] =	stream.linear.gather [hbm4b:s22+s2], $0x400, $0x38;
	[tilespmem:$0x800] =	vst v63  }
0x1b0: {  	_ = 	snop  }
0x1b1: {  	[hbm4b:s23+s2] =	stream.linear.scatter [tilespmem:s2], [sflag:$0x3], $0x400, $0x38;
	[tilespmem:$0x800] =	vst v63  }
0x1b2: {  	_ =	swait.ge [sflag:s4], $0x400  }
0x1b3: {  	[sflag:s4] =	ssyncset.done $0x0  }
0x1b4: {  	[sflag:s4] =	ssyncadd.s32 $0xFFFFFC00  }
0x1b5: {  	_ =	swait.ge [sflag:s13], $0x400  }
0x1b6: {  	[sflag:s13] =	ssyncset.done $0x0  }
0x1b7: {  	[sflag:s13] =	ssyncadd.s32 $0xFFFFFC00  }
0x1b8: {  	[tilespmem:s2], [sflag:$0x1] =	stream.linear.gather [hbm4b:s20+s2], $0x400, $0x38;
	[tilespmem:$0x800] =	vst v63  }
0x1b9: {  	_ = 	snop  }
0x1ba: {  	[hbm4b:s21+s2] =	stream.linear.scatter [tilespmem:s10], [sflag:$0x3], $0x400, $0x38;
	[tilespmem:$0x800] =	vst v63  }
0x1bb: {  	_ =	swait.ge [sflag:s4], $0x400  }
0x1bc: {  	[sflag:s4] =	ssyncset.done $0x0  }
0x1bd: {  	[sflag:s4] =	ssyncadd.s32 $0xFFFFFC00  }
0x1be: {  	_ =	swait.ge [sflag:s7], $0x400  }
0x1bf: {  	[sflag:s7] =	ssyncset.done $0x0  }
0x1c0: {  	[sflag:s7] =	ssyncadd.s32 $0xFFFFFC00  }
0x1c1: {  	[tilespmem:s10], [sflag:$0x2] =	stream.linear.gather [hbm4b:s18+s2], $0x400, $0x38;
	[tilespmem:$0x800] =	vst v63  }
0x1c2: {  	_ = 	snop  }
0x1c3: {  	[hbm4b:s19+s2] =	stream.linear.scatter [tilespmem:s2], [sflag:$0x3], $0x400, $0x38;
	[tilespmem:$0x800] =	vst v63  }
0x1c4: {  	_ =	swait.ge [sflag:s4], $0x400  }
0x1c5: {  	[sflag:s4] =	ssyncset.done $0x0  }
0x1c6: {  	[sflag:s4] =	ssyncadd.s32 $0xFFFFFC00  }
0x1c7: {  	_ =	swait.ge [sflag:s13], $0x400  }
0x1c8: {  	[sflag:s13] =	ssyncset.done $0x0  }
0x1c9: {  	[sflag:s13] =	ssyncadd.s32 $0xFFFFFC00  }
0x1ca: {  	[tilespmem:s2], [sflag:$0x1] =	stream.linear.gather [hbm4b:s16+s2], $0x400, $0x38;
	[tilespmem:$0x800] =	vst v63  }
0x1cb: {  	_ = 	snop  }
0x1cc: {  	[hbm4b:s17+s2] =	stream.linear.scatter [tilespmem:s10], [sflag:$0x3], $0x400, $0x38;
	[tilespmem:$0x800] =	vst v63  }
0x1cd: {  	_ =	swait.ge [sflag:s4], $0x400  }
0x1ce: {  	[sflag:s4] =	ssyncset.done $0x0  }
0x1cf: {  	[sflag:s4] =	ssyncadd.s32 $0xFFFFFC00  }
0x1d0: {  	_ =	swait.ge [sflag:s7], $0x400  }
0x1d1: {  	[sflag:s7] =	ssyncset.done $0x0  }
0x1d2: {  	[sflag:s7] =	ssyncadd.s32 $0xFFFFFC00  }
0x1d3: {  	[tilespmem:s10], [sflag:$0x2] =	stream.linear.gather [hbm4b:s14+s2], $0x400, $0x38;
	[tilespmem:$0x800] =	vst v63  }
0x1d4: {  	_ = 	snop  }
0x1d5: {  	[hbm4b:s15+s2] =	stream.linear.scatter [tilespmem:s2], [sflag:$0x3], $0x400, $0x38;
	[tilespmem:$0x800] =	vst v63  }
0x1d6: {  	_ =	swait.ge [sflag:s4], $0x400  }
0x1d7: {  	[sflag:s4] =	ssyncset.done $0x0  }
0x1d8: {  	[sflag:s4] =	ssyncadd.s32 $0xFFFFFC00  }
0x1d9: {  	_ =	swait.ge [sflag:s13], $0x400  }
0x1da: {  	[sflag:s13] =	ssyncset.done $0x0  }
0x1db: {  	[sflag:s13] =	ssyncadd.s32 $0xFFFFFC00  }
0x1dc: {  	[tilespmem:s2], [sflag:$0x1] =	stream.linear.gather [hbm4b:s12+s2], $0x400, $0x38;
	[tilespmem:$0x800] =	vst v63  }
0x1dd: {  	_ = 	snop  }
0x1de: {  	[hbm4b:s11+s2] =	stream.linear.scatter [tilespmem:s10], [sflag:$0x3], $0x400, $0x38;
	[tilespmem:$0x800] =	vst v63  }
0x1df: {  	_ =	swait.ge [sflag:s4], $0x400  }
0x1e0: {  	[sflag:s4] =	ssyncset.done $0x0  }
0x1e1: {  	[sflag:s4] =	ssyncadd.s32 $0xFFFFFC00  }
0x1e2: {  	_ =	swait.ge [sflag:s7], $0x400  }
0x1e3: {  	[sflag:s7] =	ssyncset.done $0x0  }
0x1e4: {  	[sflag:s7] =	ssyncadd.s32 $0xFFFFFC00  }
0x1e5: {  	[tilespmem:s10], [sflag:$0x2] =	stream.linear.gather [hbm4b:s9+s2], $0x400, $0x38;
	[tilespmem:$0x800] =	vst v63  }
0x1e6: {  	_ = 	snop  }
0x1e7: {  	[hbm4b:s8+s2] =	stream.linear.scatter [tilespmem:s2], [sflag:$0x3], $0x400, $0x38;
	[tilespmem:$0x800] =	vst v63  }
0x1e8: {  	_ =	swait.ge [sflag:s4], $0x400  }
0x1e9: {  	[sflag:s4] =	ssyncset.done $0x0  }
0x1ea: {  	[sflag:s4] =	ssyncadd.s32 $0xFFFFFC00  }
0x1eb: {  	_ =	swait.ge [sflag:s13], $0x400  }
0x1ec: {  	[sflag:s13] =	ssyncset.done $0x0  }
0x1ed: {  	[sflag:s13] =	ssyncadd.s32 $0xFFFFFC00  }
0x1ee: {  	[tilespmem:s2], [sflag:$0x1] =	stream.linear.gather [hbm4b:s5+s2], $0x400, $0x38;
	[tilespmem:$0x800] =	vst v63  }
0x1ef: {  	_ = 	snop  }
0x1f0: {  	[hbm4b:s6+s2] =	stream.linear.scatter [tilespmem:s10], [sflag:$0x3], $0x400, $0x38;
	[tilespmem:$0x800] =	vst v63  }
0x1f1: {  	_ =	swait.ge [sflag:s4], $0x400  }
0x1f2: {  	[sflag:s4] =	ssyncset.done $0x0  }
0x1f3: {  	[sflag:s4] =	ssyncadd.s32 $0xFFFFFC00  }
0x1f4: {  	p1 =	sne.s32 s0, $0x1;
	_ =	swait.ge [sflag:s7], $0x400  }
.Ltmp2:
0x1f5: {  	[sflag:s7] =	ssyncset.done $0x0;
	(pc) =	sbr.rel @p1 .LBB2_2-.Ltmp2, $4  }
0x1f6: {  	[sflag:s7] =	ssyncadd.s32 $0xFFFFFC00  }
0x1f7: {  	[hbm4b:s3+s2] =	stream.linear.scatter [tilespmem:s2], [sflag:$0x3], $0x400, $0x38;
	[tilespmem:$0x800] =	vst v63  }
0x1f8: {  	_ =	swait.ge [sflag:s4], $0x400  }
0x1f9: {  	s0 =	sadd.s32 $0xFFFFFFFF, s0;
	s1 =	rddreg [dreg:$0x3];
	[sflag:s4] =	ssyncset.done $0x0  }
.LBB2_3:
0x1fa: {  	[sflag:s4] =	ssyncadd.s32 @p0 $0xFFFFFC00  }
0x1fb: {  	[tilespmem:s2], [sflag:$0x1] =	stream.linear.gather [hbm4b:s1+s2], $0x400, $0x38;
	[tilespmem:$0x800] =	vst v63  }
0x1fc: {  	_ =	swait.ge [sflag:s7], $0x400  }
0x1fd: {  	[sflag:s7] =	ssyncset.done $0x0  }
0x1fe: {  	s0 =	rddreg [dreg:$0x4];
	[sflag:s7] =	ssyncadd.s32 $0xFFFFFC00  }
0x1ff: {  	[tilespmem:s10], [sflag:$0x2] =	stream.linear.gather [hbm4b:s0+s2], $0x400, $0x38;
	[tilespmem:$0x800] =	vst v63  }
0x200: {  	s1 =	rddreg [dreg:$0x5]  }
0x201: {  	[hbm4b:s1+s2] =	stream.linear.scatter [tilespmem:s2], [sflag:$0x3], $0x400, $0x38;
	[tilespmem:$0x800] =	vst v63  }
0x202: {  	_ =	swait.ge [sflag:s4], $0x400  }
0x203: {  	[sflag:s4] =	ssyncset.done $0x0  }
0x204: {  	[sflag:s4] =	ssyncadd.s32 $0xFFFFFC00  }
0x205: {  	_ =	swait.ge [sflag:s13], $0x400  }
0x206: {  	[sflag:s13] =	ssyncset.done $0x0  }
0x207: {  	s0 =	rddreg [dreg:$0x6];
	[sflag:s13] =	ssyncadd.s32 $0xFFFFFC00  }
0x208: {  	[tilespmem:s2], [sflag:$0x1] =	stream.linear.gather [hbm4b:s0+s2], $0x400, $0x38;
	[tilespmem:$0x800] =	vst v63  }
0x209: {  	s1 =	rddreg [dreg:$0x7]  }
0x20a: {  	[hbm4b:s1+s2] =	stream.linear.scatter [tilespmem:s10], [sflag:$0x3], $0x400, $0x38;
	[tilespmem:$0x800] =	vst v63  }
0x20b: {  	_ =	swait.ge [sflag:s4], $0x400  }
0x20c: {  	[sflag:s4] =	ssyncset.done $0x0  }
0x20d: {  	[sflag:s4] =	ssyncadd.s32 $0xFFFFFC00  }
0x20e: {  	_ =	swait.ge [sflag:s7], $0x400  }
0x20f: {  	[sflag:s7] =	ssyncset.done $0x0  }
0x210: {  	s0 =	rddreg [dreg:$0x8];
	[sflag:s7] =	ssyncadd.s32 $0xFFFFFC00  }
0x211: {  	[tilespmem:s10], [sflag:$0x2] =	stream.linear.gather [hbm4b:s0+s2], $0x400, $0x38;
	[tilespmem:$0x800] =	vst v63  }
0x212: {  	s1 =	rddreg [dreg:$0x9]  }
0x213: {  	[hbm4b:s1+s2] =	stream.linear.scatter [tilespmem:s2], [sflag:$0x3], $0x400, $0x38;
	[tilespmem:$0x800] =	vst v63  }
0x214: {  	_ =	swait.ge [sflag:s4], $0x400  }
0x215: {  	[sflag:s4] =	ssyncset.done $0x0  }
0x216: {  	[sflag:s4] =	ssyncadd.s32 $0xFFFFFC00  }
0x217: {  	_ =	swait.ge [sflag:s13], $0x400  }
0x218: {  	[sflag:s13] =	ssyncset.done $0x0  }
0x219: {  	s0 =	rddreg [dreg:$0xa];
	[sflag:s13] =	ssyncadd.s32 $0xFFFFFC00  }
0x21a: {  	[tilespmem:s2], [sflag:$0x1] =	stream.linear.gather [hbm4b:s0+s2], $0x400, $0x38;
	[tilespmem:$0x800] =	vst v63  }
0x21b: {  	s1 =	rddreg [dreg:$0xb]  }
0x21c: {  	[hbm4b:s1+s2] =	stream.linear.scatter [tilespmem:s10], [sflag:$0x3], $0x400, $0x38;
	[tilespmem:$0x800] =	vst v63  }
0x21d: {  	_ =	swait.ge [sflag:s4], $0x400  }
0x21e: {  	[sflag:s4] =	ssyncset.done $0x0  }
0x21f: {  	[sflag:s4] =	ssyncadd.s32 $0xFFFFFC00  }
0x220: {  	_ =	swait.ge [sflag:s7], $0x400  }
0x221: {  	[sflag:s7] =	ssyncset.done $0x0  }
0x222: {  	s0 =	rddreg [dreg:$0xc];
	[sflag:s7] =	ssyncadd.s32 $0xFFFFFC00  }
0x223: {  	[tilespmem:s10], [sflag:$0x2] =	stream.linear.gather [hbm4b:s0+s2], $0x400, $0x38;
	[tilespmem:$0x800] =	vst v63  }
0x224: {  	s1 =	rddreg [dreg:$0xd]  }
0x225: {  	[hbm4b:s1+s2] =	stream.linear.scatter [tilespmem:s2], [sflag:$0x3], $0x400, $0x38;
	[tilespmem:$0x800] =	vst v63  }
0x226: {  	_ =	swait.ge [sflag:s4], $0x400  }
0x227: {  	[sflag:s4] =	ssyncset.done $0x0  }
0x228: {  	[sflag:s4] =	ssyncadd.s32 $0xFFFFFC00  }
0x229: {  	_ =	swait.ge [sflag:s13], $0x400  }
0x22a: {  	[sflag:s13] =	ssyncset.done $0x0  }
0x22b: {  	s0 =	rddreg [dreg:$0xe];
	[sflag:s13] =	ssyncadd.s32 $0xFFFFFC00  }
0x22c: {  	[tilespmem:s2], [sflag:$0x1] =	stream.linear.gather [hbm4b:s0+s2], $0x400, $0x38;
	[tilespmem:$0x800] =	vst v63  }
0x22d: {  	s1 =	rddreg [dreg:$0xf]  }
0x22e: {  	[hbm4b:s1+s2] =	stream.linear.scatter [tilespmem:s10], [sflag:$0x3], $0x400, $0x38;
	[tilespmem:$0x800] =	vst v63  }
0x22f: {  	_ =	swait.ge [sflag:s4], $0x400  }
0x230: {  	[sflag:s4] =	ssyncset.done $0x0  }
0x231: {  	[sflag:s4] =	ssyncadd.s32 $0xFFFFFC00  }
0x232: {  	_ =	swait.ge [sflag:s7], $0x400  }
0x233: {  	[sflag:s7] =	ssyncset.done $0x0  }
0x234: {  	s0 =	rddreg [dreg:$0x10];
	[sflag:s7] =	ssyncadd.s32 $0xFFFFFC00  }
0x235: {  	[tilespmem:s10], [sflag:$0x2] =	stream.linear.gather [hbm4b:s0+s2], $0x400, $0x38;
	[tilespmem:$0x800] =	vst v63  }
0x236: {  	s1 =	rddreg [dreg:$0x11]  }
0x237: {  	[hbm4b:s1+s2] =	stream.linear.scatter [tilespmem:s2], [sflag:$0x3], $0x400, $0x38;
	[tilespmem:$0x800] =	vst v63  }
0x238: {  	_ =	swait.ge [sflag:s4], $0x400  }
0x239: {  	[sflag:s4] =	ssyncset.done $0x0  }
0x23a: {  	[sflag:s4] =	ssyncadd.s32 $0xFFFFFC00  }
0x23b: {  	_ =	swait.ge [sflag:s13], $0x400  }
0x23c: {  	[sflag:s13] =	ssyncset.done $0x0  }
0x23d: {  	s0 =	rddreg [dreg:$0x12];
	[sflag:s13] =	ssyncadd.s32 $0xFFFFFC00  }
0x23e: {  	[tilespmem:s2], [sflag:$0x1] =	stream.linear.gather [hbm4b:s0+s2], $0x400, $0x38;
	[tilespmem:$0x800] =	vst v63  }
0x23f: {  	s1 =	rddreg [dreg:$0x13]  }
0x240: {  	[hbm4b:s1+s2] =	stream.linear.scatter [tilespmem:s10], [sflag:$0x3], $0x400, $0x38;
	[tilespmem:$0x800] =	vst v63  }
0x241: {  	_ =	swait.ge [sflag:s4], $0x400  }
0x242: {  	[sflag:s4] =	ssyncset.done $0x0  }
0x243: {  	[sflag:s4] =	ssyncadd.s32 $0xFFFFFC00  }
0x244: {  	_ =	swait.ge [sflag:s7], $0x400  }
0x245: {  	[sflag:s7] =	ssyncset.done $0x0  }
0x246: {  	s0 =	rddreg [dreg:$0x14];
	[sflag:s7] =	ssyncadd.s32 $0xFFFFFC00  }
0x247: {  	[tilespmem:s10], [sflag:$0x2] =	stream.linear.gather [hbm4b:s0+s2], $0x400, $0x38;
	[tilespmem:$0x800] =	vst v63  }
0x248: {  	s1 =	rddreg [dreg:$0x15]  }
0x249: {  	[hbm4b:s1+s2] =	stream.linear.scatter [tilespmem:s2], [sflag:$0x3], $0x400, $0x38;
	[tilespmem:$0x800] =	vst v63  }
0x24a: {  	_ =	swait.ge [sflag:s4], $0x400  }
0x24b: {  	[sflag:s4] =	ssyncset.done $0x0  }
0x24c: {  	[sflag:s4] =	ssyncadd.s32 $0xFFFFFC00  }
0x24d: {  	_ =	swait.ge [sflag:s13], $0x400  }
0x24e: {  	[sflag:s13] =	ssyncset.done $0x0  }
0x24f: {  	s0 =	rddreg [dreg:$0x16];
	[sflag:s13] =	ssyncadd.s32 $0xFFFFFC00  }
0x250: {  	[tilespmem:s2], [sflag:$0x1] =	stream.linear.gather [hbm4b:s0+s2], $0x400, $0x38;
	[tilespmem:$0x800] =	vst v63  }
0x251: {  	s1 =	rddreg [dreg:$0x17]  }
0x252: {  	[hbm4b:s1+s2] =	stream.linear.scatter [tilespmem:s10], [sflag:$0x3], $0x400, $0x38;
	[tilespmem:$0x800] =	vst v63  }
0x253: {  	_ =	swait.ge [sflag:s4], $0x400  }
0x254: {  	[sflag:s4] =	ssyncset.done $0x0  }
0x255: {  	[sflag:s4] =	ssyncadd.s32 $0xFFFFFC00  }
0x256: {  	_ =	swait.ge [sflag:s7], $0x400  }
0x257: {  	[sflag:s7] =	ssyncset.done $0x0  }
0x258: {  	s0 =	rddreg [dreg:$0x18];
	[sflag:s7] =	ssyncadd.s32 $0xFFFFFC00  }
0x259: {  	[tilespmem:s10], [sflag:$0x2] =	stream.linear.gather [hbm4b:s0+s2], $0x400, $0x38;
	[tilespmem:$0x800] =	vst v63  }
0x25a: {  	s1 =	rddreg [dreg:$0x19]  }
0x25b: {  	[hbm4b:s1+s2] =	stream.linear.scatter [tilespmem:s2], [sflag:$0x3], $0x400, $0x38;
	[tilespmem:$0x800] =	vst v63  }
0x25c: {  	_ =	swait.ge [sflag:s4], $0x400  }
0x25d: {  	[sflag:s4] =	ssyncset.done $0x0  }
0x25e: {  	[sflag:s4] =	ssyncadd.s32 $0xFFFFFC00  }
0x25f: {  	_ =	swait.ge [sflag:s13], $0x400  }
0x260: {  	[sflag:s13] =	ssyncset.done $0x0  }
0x261: {  	s0 =	rddreg [dreg:$0x1a];
	[sflag:s13] =	ssyncadd.s32 $0xFFFFFC00  }
0x262: {  	[tilespmem:s2], [sflag:$0x1] =	stream.linear.gather [hbm4b:s0+s2], $0x400, $0x38;
	[tilespmem:$0x800] =	vst v63  }
0x263: {  	s1 =	rddreg [dreg:$0x1b]  }
0x264: {  	[hbm4b:s1+s2] =	stream.linear.scatter [tilespmem:s10], [sflag:$0x3], $0x400, $0x38;
	[tilespmem:$0x800] =	vst v63  }
0x265: {  	_ =	swait.ge [sflag:s4], $0x400  }
0x266: {  	[sflag:s4] =	ssyncset.done $0x0  }
0x267: {  	[sflag:s4] =	ssyncadd.s32 $0xFFFFFC00  }
0x268: {  	_ =	swait.ge [sflag:s7], $0x400  }
0x269: {  	[sflag:s7] =	ssyncset.done $0x0  }
0x26a: {  	s1 =	rddreg [dreg:$0x1c];
	[sflag:s7] =	ssyncadd.s32 $0xFFFFFC00  }
0x26b: {  	[tilespmem:s10], [sflag:$0x2] =	stream.linear.gather [hbm4b:s1+s2], $0x400, $0x38;
	[tilespmem:$0x800] =	vst v63  }
0x26c: {  	_ = 	snop  }
0x26d: {  	[hbm4b:s31+s2] =	stream.linear.scatter [tilespmem:s2], [sflag:$0x3], $0x400, $0x38;
	[tilespmem:$0x800] =	vst v63  }
0x26e: {  	_ =	swait.ge [sflag:s4], $0x400  }
0x26f: {  	[sflag:s4] =	ssyncset.done $0x0  }
0x270: {  	[sflag:s4] =	ssyncadd.s32 $0xFFFFFC00  }
0x271: {  	_ =	swait.ge [sflag:s13], $0x400  }
0x272: {  	[sflag:s13] =	ssyncset.done $0x0  }
0x273: {  	[sflag:s13] =	ssyncadd.s32 $0xFFFFFC00  }
0x274: {  	[tilespmem:s2], [sflag:$0x1] =	stream.linear.gather [hbm4b:s29+s2], $0x400, $0x38;
	[tilespmem:$0x800] =	vst v63  }
0x275: {  	_ = 	snop  }
0x276: {  	[hbm4b:s30+s2] =	stream.linear.scatter [tilespmem:s10], [sflag:$0x3], $0x400, $0x38;
	[tilespmem:$0x800] =	vst v63  }
0x277: {  	_ =	swait.ge [sflag:s4], $0x400  }
0x278: {  	[sflag:s4] =	ssyncset.done $0x0  }
0x279: {  	[sflag:s4] =	ssyncadd.s32 $0xFFFFFC00  }
0x27a: {  	_ =	swait.ge [sflag:s7], $0x400  }
0x27b: {  	[sflag:s7] =	ssyncset.done $0x0  }
0x27c: {  	[sflag:s7] =	ssyncadd.s32 $0xFFFFFC00  }
0x27d: {  	[tilespmem:s10], [sflag:$0x2] =	stream.linear.gather [hbm4b:s26+s2], $0x400, $0x38;
	[tilespmem:$0x800] =	vst v63  }
0x27e: {  	_ = 	snop  }
0x27f: {  	[hbm4b:s28+s2] =	stream.linear.scatter [tilespmem:s2], [sflag:$0x3], $0x400, $0x38;
	[tilespmem:$0x800] =	vst v63  }
0x280: {  	_ =	swait.ge [sflag:s4], $0x400  }
0x281: {  	[sflag:s4] =	ssyncset.done $0x0  }
0x282: {  	[sflag:s4] =	ssyncadd.s32 $0xFFFFFC00  }
0x283: {  	_ =	swait.ge [sflag:s13], $0x400  }
0x284: {  	[sflag:s13] =	ssyncset.done $0x0  }
0x285: {  	[sflag:s13] =	ssyncadd.s32 $0xFFFFFC00  }
0x286: {  	[tilespmem:s2], [sflag:$0x1] =	stream.linear.gather [hbm4b:s24+s2], $0x400, $0x38;
	[tilespmem:$0x800] =	vst v63  }
0x287: {  	_ = 	snop  }
0x288: {  	[hbm4b:s25+s2] =	stream.linear.scatter [tilespmem:s10], [sflag:$0x3], $0x400, $0x38;
	[tilespmem:$0x800] =	vst v63  }
0x289: {  	_ =	swait.ge [sflag:s4], $0x400  }
0x28a: {  	[sflag:s4] =	ssyncset.done $0x0  }
0x28b: {  	[sflag:s4] =	ssyncadd.s32 $0xFFFFFC00  }
0x28c: {  	_ =	swait.ge [sflag:s7], $0x400  }
0x28d: {  	[sflag:s7] =	ssyncset.done $0x0  }
0x28e: {  	[sflag:s7] =	ssyncadd.s32 $0xFFFFFC00  }
0x28f: {  	[tilespmem:s10], [sflag:$0x2] =	stream.linear.gather [hbm4b:s22+s2], $0x400, $0x38;
	[tilespmem:$0x800] =	vst v63  }
0x290: {  	_ = 	snop  }
0x291: {  	[hbm4b:s23+s2] =	stream.linear.scatter [tilespmem:s2], [sflag:$0x3], $0x400, $0x38;
	[tilespmem:$0x800] =	vst v63  }
0x292: {  	_ =	swait.ge [sflag:s4], $0x400  }
0x293: {  	[sflag:s4] =	ssyncset.done $0x0  }
0x294: {  	[sflag:s4] =	ssyncadd.s32 $0xFFFFFC00  }
0x295: {  	_ =	swait.ge [sflag:s13], $0x400  }
0x296: {  	[sflag:s13] =	ssyncset.done $0x0  }
0x297: {  	[sflag:s13] =	ssyncadd.s32 $0xFFFFFC00  }
0x298: {  	[tilespmem:s2], [sflag:$0x1] =	stream.linear.gather [hbm4b:s20+s2], $0x400, $0x38;
	[tilespmem:$0x800] =	vst v63  }
0x299: {  	_ = 	snop  }
0x29a: {  	[hbm4b:s21+s2] =	stream.linear.scatter [tilespmem:s10], [sflag:$0x3], $0x400, $0x38;
	[tilespmem:$0x800] =	vst v63  }
0x29b: {  	_ =	swait.ge [sflag:s4], $0x400  }
0x29c: {  	[sflag:s4] =	ssyncset.done $0x0  }
0x29d: {  	[sflag:s4] =	ssyncadd.s32 $0xFFFFFC00  }
0x29e: {  	_ =	swait.ge [sflag:s7], $0x400  }
0x29f: {  	[sflag:s7] =	ssyncset.done $0x0  }
0x2a0: {  	[sflag:s7] =	ssyncadd.s32 $0xFFFFFC00  }
0x2a1: {  	[tilespmem:s10], [sflag:$0x2] =	stream.linear.gather [hbm4b:s18+s2], $0x400, $0x38;
	[tilespmem:$0x800] =	vst v63  }
0x2a2: {  	_ = 	snop  }
0x2a3: {  	[hbm4b:s19+s2] =	stream.linear.scatter [tilespmem:s2], [sflag:$0x3], $0x400, $0x38;
	[tilespmem:$0x800] =	vst v63  }
0x2a4: {  	_ =	swait.ge [sflag:s4], $0x400  }
0x2a5: {  	[sflag:s4] =	ssyncset.done $0x0  }
0x2a6: {  	[sflag:s4] =	ssyncadd.s32 $0xFFFFFC00  }
0x2a7: {  	_ =	swait.ge [sflag:s13], $0x400  }
0x2a8: {  	[sflag:s13] =	ssyncset.done $0x0  }
0x2a9: {  	[sflag:s13] =	ssyncadd.s32 $0xFFFFFC00  }
0x2aa: {  	[tilespmem:s2], [sflag:$0x1] =	stream.linear.gather [hbm4b:s16+s2], $0x400, $0x38;
	[tilespmem:$0x800] =	vst v63  }
0x2ab: {  	_ = 	snop  }
0x2ac: {  	[hbm4b:s17+s2] =	stream.linear.scatter [tilespmem:s10], [sflag:$0x3], $0x400, $0x38;
	[tilespmem:$0x800] =	vst v63  }
0x2ad: {  	_ =	swait.ge [sflag:s4], $0x400  }
0x2ae: {  	[sflag:s4] =	ssyncset.done $0x0  }
0x2af: {  	[sflag:s4] =	ssyncadd.s32 $0xFFFFFC00  }
0x2b0: {  	_ =	swait.ge [sflag:s7], $0x400  }
0x2b1: {  	[sflag:s7] =	ssyncset.done $0x0  }
0x2b2: {  	[sflag:s7] =	ssyncadd.s32 $0xFFFFFC00  }
0x2b3: {  	[tilespmem:s10], [sflag:$0x2] =	stream.linear.gather [hbm4b:s14+s2], $0x400, $0x38;
	[tilespmem:$0x800] =	vst v63  }
0x2b4: {  	_ = 	snop  }
0x2b5: {  	[hbm4b:s15+s2] =	stream.linear.scatter [tilespmem:s2], [sflag:$0x3], $0x400, $0x38;
	[tilespmem:$0x800] =	vst v63  }
0x2b6: {  	_ =	swait.ge [sflag:s4], $0x400  }
0x2b7: {  	[sflag:s4] =	ssyncset.done $0x0  }
0x2b8: {  	[sflag:s4] =	ssyncadd.s32 $0xFFFFFC00  }
0x2b9: {  	_ =	swait.ge [sflag:s13], $0x400  }
0x2ba: {  	[sflag:s13] =	ssyncset.done $0x0  }
0x2bb: {  	[sflag:s13] =	ssyncadd.s32 $0xFFFFFC00  }
0x2bc: {  	[tilespmem:s2], [sflag:$0x1] =	stream.linear.gather [hbm4b:s12+s2], $0x400, $0x38;
	[tilespmem:$0x800] =	vst v63  }
0x2bd: {  	_ = 	snop  }
0x2be: {  	[hbm4b:s11+s2] =	stream.linear.scatter [tilespmem:s10], [sflag:$0x3], $0x400, $0x38;
	[tilespmem:$0x800] =	vst v63  }
0x2bf: {  	_ =	swait.ge [sflag:s4], $0x400  }
0x2c0: {  	[sflag:s4] =	ssyncset.done $0x0  }
0x2c1: {  	[sflag:s4] =	ssyncadd.s32 $0xFFFFFC00  }
0x2c2: {  	_ =	swait.ge [sflag:s7], $0x400  }
0x2c3: {  	[sflag:s7] =	ssyncset.done $0x0  }
0x2c4: {  	[sflag:s7] =	ssyncadd.s32 $0xFFFFFC00  }
0x2c5: {  	[tilespmem:s10], [sflag:$0x2] =	stream.linear.gather [hbm4b:s9+s2], $0x400, $0x38;
	[tilespmem:$0x800] =	vst v63  }
0x2c6: {  	_ = 	snop  }
0x2c7: {  	[hbm4b:s8+s2] =	stream.linear.scatter [tilespmem:s2], [sflag:$0x3], $0x400, $0x38;
	[tilespmem:$0x800] =	vst v63  }
0x2c8: {  	_ =	swait.ge [sflag:s4], $0x400  }
0x2c9: {  	[sflag:s4] =	ssyncset.done $0x0  }
0x2ca: {  	[sflag:s4] =	ssyncadd.s32 $0xFFFFFC00  }
0x2cb: {  	_ =	swait.ge [sflag:s13], $0x400  }
0x2cc: {  	[sflag:s13] =	ssyncset.done $0x0  }
0x2cd: {  	[sflag:s13] =	ssyncadd.s32 $0xFFFFFC00  }
0x2ce: {  	[tilespmem:s2], [sflag:$0x1] =	stream.linear.gather [hbm4b:s5+s2], $0x400, $0x38;
	[tilespmem:$0x800] =	vst v63  }
0x2cf: {  	_ = 	snop  }
0x2d0: {  	[hbm4b:s6+s2] =	stream.linear.scatter [tilespmem:s10], [sflag:$0x3], $0x400, $0x38;
	[tilespmem:$0x800] =	vst v63  }
0x2d1: {  	_ =	swait.ge [sflag:s4], $0x400  }
0x2d2: {  	[sflag:s4] =	ssyncset.done $0x0  }
0x2d3: {  	[sflag:s4] =	ssyncadd.s32 $0xFFFFFC00  }
0x2d4: {  	_ =	swait.ge [sflag:s7], $0x400  }
0x2d5: {  	[sflag:s7] =	ssyncset.done $0x0  }
0x2d6: {  	[sflag:s7] =	ssyncadd.s32 $0xFFFFFC00  }
0x2d7: {  	[hbm4b:s3+s2] =	stream.linear.scatter [tilespmem:s2], [sflag:$0x3], $0x400, $0x38;
	[tilespmem:$0x800] =	vst v63  }
0x2d8: {  	_ =	swait.ge [sflag:s4], $0x400  }
0x2d9: {  	[sflag:s4] =	ssyncset.done $0x0  }
0x2da: {  	[sflag:s4] =	ssyncadd.s32 $0xFFFFFC00  }
0x2db: {  	_ =	sfence.sel $0x180000  }
0x2dc: {  	[bflag:$0x0] =	sbarrier.arrive $0xFFFF  }
0x2dd: {  	_ =	strace $0x90000047  }
0x2de: {  	s31 =	stileid.u32;
	[bflag:$0x2] =	sbarrier.arrive $0xFFFF  }
0x2df: {  	p0 =	sne.s32 s31, $0x0;
	s0 =	rddreg [dreg:$0x2]  }
0x2e0: {  	s0 =	sadd.s32 @!p0 $0x100000, s0  }
0x2e1: {  	[sflag:s0] =	ssyncadd.tile.s32 @!p0 $0x1;
	_ =	shalt  }
.Lfunc_end2:
_tile_overlayer_lowered:
.L_overlay_start_2:
0x2e2: {  	(tag) =	ssettag $0x2  }
0x2e3: {  	s0 =	rddreg [dreg:$0x0];
	s2 =	stileid.u32  }
0x2e4: {  	s1 =	rddreg [dreg:$0x1];
	p0 =	sne.s32 s2, $0x0  }
0x2e5: {  	s3 =	rddreg [dreg:$0x2];
	[bflag:$0x3] =	sbarrier.arrive $0xFFFF;
	s2 =	simm.s32 @!p0 $0x1C03  }
0x2e6: {  	[timem:s3], [sflag:s2] =	dma.local @!p0 [hbm:s0], s1  }
0x2e7: {  	s0 =	simm.s32 @!p0 $0x3  }
0x2e8: {  	_ =	swait.ge @!p0 [sflag:s0], s1  }
0x2e9: {  	s1 =	ssub.s32 @!p0 $0x0, s1;
	[sflag:s0] =	ssyncset.done @!p0 $0x0  }
0x2ea: {  	[sflag:s0] =	ssyncadd.s32 @!p0 s1  }
0x2eb: {  	[bflag:$0x3] =	sbarrier.arrive $0xFFFF  }
0x2ec: {  	_ =	shalt  }

// kernel: kernel.7.cloned.1.call-start
scs
__scs_entry_jumppad:
0x0: {  	(pc) =	sbr.rel $0x88, $3  }
0x1: {  	(tag) =	ssettag $0x0;
	lr =	simm.s32 $0x1  }
0x2: {  	[smem:$0x3F9F] =	sst lr;
	_ =	strace $0xD0000000  }
0x3: {  	_ = 	snop  }
0x4: {  	_ = 	snop  }
0x5: {  	_ = 	snop  }
0x6: {  	_ = 	snop  }
0x7: {  	_ = 	snop  }
__scs_overlays_trampoline_lowered:
0x8: {  	[smem:$0x3FAE] =	sst s0  }
0x9: {  	[smem:$0x3FAF] =	sst s1  }
0xa: {  	[smem:$0x3FB0] =	sst s2  }
0xb: {  	[smem:$0x3FB1] =	sst s3  }
0xc: {  	[smem:$0x3FB2] =	sst s4  }
0xd: {  	[smem:$0x3FB3] =	sst s5  }
0xe: {  	[smem:$0x3FB4] =	sst s6  }
0xf: {  	[smem:$0x3FB5] =	sst s7  }
0x10: {  	[smem:$0x3FB6] =	sst s8  }
0x11: {  	[smem:$0x3FB7] =	sst s9;
	s0 =	simm.s32 @!p0 $0x0  }
0x12: {  	s1 =	sld [smem:$0x3F9D];
	s0 =	simm.s32 @p0 $0x1  }
0x13: {  	[smem:$0x3FB8] =	sst s0;
	s0 =	simm.s32 @!p1 $0x0  }
0x14: {  	s2 =	sld [smem:$0x3F9C];
	s0 =	simm.s32 @p1 $0x1  }
0x15: {  	[smem:$0x3FB9] =	sst s0;
	s0 =	simm.s32 @!p2 $0x0  }
0x16: {  	s3 =	sld [smem:$0x3FDB];
	s0 =	simm.s32 @p2 $0x1  }
0x17: {  	s4 =	simm.s32 $0x1BF5;
	[smem:$0x3FBB] =	sst s0  }
0x18: {  	s0 =	sld [smem:$0x3F9E];
	_ =	swait.ge [sflag:s4], $0x0  }
0x19: {  	s7 =	sld [smem:$0x3F9F]  }
0x1a: {  	s8 =	sadd.s32 $0xFFFFE003, lr  }
0x1b: {  	s9 =	sadd.s32 $0xFFFFFEF7, lr;
	s5 =	simm.s32 $0xFFFFFFFF;
	p2 =	slt.u32 s8, $0xFFFFF086  }
0x1c: {  	p1 =	slt.u32 s9, $0xF7A;
	s5 =	simm.s32 @!p2 $0x0  }
0x1d: {  	s5 =	simm.s32 @p1 $0x1;
	p0 =	seq.s32 s7, s2  }
0x1e: {  	s7 =	smul.u32 @!p0 $0xF7A, s2;
	p2 =	seq.s32 @!p0 s5, $0x0  }
0x1f: {  	s9 =	smul.u32 $0xF7A, s1;
	s8 =	simm.s32 @!p0 $0x1BF5;
	p2 =	por !p2, p0  }
0x20: {  	[sflag:s8] =	ssyncset.s32 @!p0 $0xFFFFF086;
	s6 =	sadd.s32 @!p0 s3, s7;
	s7 =	simm.s32 @!p0 $0x108  }
0x21: {  	s3 =	sadd.s32 s3, s9;
	s6 =	sadd.s32 @!p0 $0x88, s6;
	s7 =	simm.s32 @p2 $0x1082  }
0x22: {  	[simem:s7], [sflag:s8] =	dma.local @!p0 [hbm:s6], $0xF7A  }
0x23: {  	s9 =	sor.u32 $0xD0000000, s2;
	s6 =	simm.s32 $0x108;
	_ =	swait.ge @!p0 [sflag:s8], $0x0  }
0x24: {  	s3 =	sadd.s32 $0x88, s3;
	s6 =	simm.s32 @!p1 $0x1082;
	[sflag:s4] =	ssyncset.s32 $0xFFFFF086  }
0x25: {  	[simem:s6], [sflag:s4] =	dma.local [hbm:s3], $0xF7A  }
0x26: {  	[smem:$0x3F9F] =	sst s1;
	(tag) =	ssettag s2;
	_ =	strace s9  }
0x27: {  	s1 =	sld [smem:$0x3FAF]  }
0x28: {  	s2 =	sld [smem:$0x3FB0]  }
0x29: {  	s4 =	sld [smem:$0x3FB2]  }
0x2a: {  	p0 =	seq.s32 s5, $0x0;
	s5 =	sld [smem:$0x3FB3]  }
0x2b: {  	s6 =	sld [smem:$0x3FB4]  }
0x2c: {  	s7 =	sld [smem:$0x3FB5]  }
0x2d: {  	s3 =	simm.s32 $0x108;
	s8 =	sld [smem:$0x3FB6]  }
0x2e: {  	s3 =	simm.s32 @!p0 $0x1082;
	s9 =	sld [smem:$0x3FB7]  }
0x2f: {  	lr =	sadd.s32 s0, s3;
	s0 =	sld [smem:$0x3FAE]  }
0x30: {  	s3 =	sld [smem:$0x3FB1]  }
0x31: {  	[smem:$0x3FBA] =	sst s10  }
0x32: {  	s10 =	sld [smem:$0x3FB8];
	_ =	sdelay $0x3  }
0x33: {  	p0 =	seq.s32 s10, $0x1;
	s10 =	sld [smem:$0x3FBA];
	_ =	sdelay $0x3  }
0x34: {  	[smem:$0x3FBA] =	sst s10  }
0x35: {  	s10 =	sld [smem:$0x3FB9];
	_ =	sdelay $0x3  }
0x36: {  	p1 =	seq.s32 s10, $0x1;
	s10 =	sld [smem:$0x3FBA];
	_ =	sdelay $0x3  }
0x37: {  	[smem:$0x3FBA] =	sst s10  }
0x38: {  	s10 =	sld [smem:$0x3FBB]  }
0x39: {  	_ = 	snop;
	(pc) =	sbr.ind lr, $3  }
0x3a: {  	_ = 	snop  }
0x3b: {  	_ = 	snop  }
0x3c: {  	p2 =	seq.s32 s10, $0x1;
	s10 =	sld [smem:$0x3FBA]  }
0x3d: {  	_ =	shalt  }
0x3e: {  	_ =	shalt  }
0x3f: {  	_ =	shalt  }
0x40: {  	_ =	shalt  }
0x41: {  	_ =	shalt  }
0x42: {  	_ =	shalt  }
0x43: {  	_ =	shalt  }
0x44: {  	_ =	shalt  }
0x45: {  	_ =	shalt  }
0x46: {  	_ =	shalt  }
0x47: {  	_ =	shalt  }
0x48: {  	_ =	shalt  }
0x49: {  	_ =	shalt  }
0x4a: {  	_ =	shalt  }
0x4b: {  	_ =	shalt  }
0x4c: {  	_ =	shalt  }
0x4d: {  	_ =	shalt  }
0x4e: {  	_ =	shalt  }
0x4f: {  	_ =	shalt  }
0x50: {  	_ =	shalt  }
0x51: {  	_ =	shalt  }
0x52: {  	_ =	shalt  }
0x53: {  	_ =	shalt  }
0x54: {  	_ =	shalt  }
0x55: {  	_ =	shalt  }
0x56: {  	_ =	shalt  }
0x57: {  	_ =	shalt  }
0x58: {  	_ =	shalt  }
0x59: {  	_ =	shalt  }
0x5a: {  	_ =	shalt  }
0x5b: {  	_ =	shalt  }
0x5c: {  	_ =	shalt  }
0x5d: {  	_ =	shalt  }
0x5e: {  	_ =	shalt  }
0x5f: {  	_ =	shalt  }
0x60: {  	_ =	shalt  }
0x61: {  	_ =	shalt  }
0x62: {  	_ =	shalt  }
0x63: {  	_ =	shalt  }
0x64: {  	_ =	shalt  }
0x65: {  	_ =	shalt  }
0x66: {  	_ =	shalt  }
0x67: {  	_ =	shalt  }
0x68: {  	_ =	shalt  }
0x69: {  	_ =	shalt  }
0x6a: {  	_ =	shalt  }
0x6b: {  	_ =	shalt  }
0x6c: {  	_ =	shalt  }
0x6d: {  	_ =	shalt  }
0x6e: {  	_ =	shalt  }
0x6f: {  	_ =	shalt  }
0x70: {  	_ =	shalt  }
0x71: {  	_ =	shalt  }
0x72: {  	_ =	shalt  }
0x73: {  	_ =	shalt  }
0x74: {  	_ =	shalt  }
0x75: {  	_ =	shalt  }
0x76: {  	_ =	shalt  }
0x77: {  	_ =	shalt  }
0x78: {  	_ =	shalt  }
0x79: {  	_ =	shalt  }
0x7a: {  	_ =	shalt  }
0x7b: {  	_ =	shalt  }
0x7c: {  	_ =	shalt  }
0x7d: {  	_ =	shalt  }
0x7e: {  	_ =	shalt  }
0x7f: {  	_ =	shalt  }
0x80: {  	_ =	shalt  }
0x81: {  	_ =	shalt  }
0x82: {  	_ =	shalt  }
0x83: {  	_ =	shalt  }
0x84: {  	_ =	shalt  }
0x85: {  	_ =	shalt  }
0x86: {  	_ =	shalt  }
0x87: {  	_ =	shalt  }
.Lfunc_end0:
.L_simem_size_0:
called_computation.1_lowered:
.L_overlay_start_0:
0x88: {  	s2 =	sld [smem:$0x3FD9]  }
0x89: {  	s3 =	sld [smem:$0x3FFE];
	_ =	sdelay $0x1  }
0x8a: {  	s1 =	srdreg.scid  }
0x8b: {  	s0 =	sand.u32 $0x1, s1  }
0x8c: {  	s17 =	sshll.u32 s0, $0xA;
	s2 =	sadd.s32 s3, s2  }
0x8d: {  	s2 =	sadd.s32 s2, s17  }
0x8e: {  	[smem:$0x3FC6] =	sst s2  }
0x8f: {  	_ = 	snop  }
0x90: {  	s2 =	sld [smem:$0x3FD0];
	(tm) =	ssettm $0x1  }
0x91: {  	s18 =	sld [smem:$0x3FFB];
	_ =	sdelay $0x3  }
0x92: {  	_ =	strace s18  }
0x93: {  	s3 =	sld [smem:$0x3FFC];
	_ =	sdelay $0x3  }
0x94: {  	_ =	strace s3  }
0x95: {  	s3 =	sld [smem:$0x3FFD];
	_ =	sdelay $0x3  }
0x96: {  	_ =	strace s3  }
0x97: {  	_ =	strace $0x8FFFFFFF  }
0x98: {  	s19 =	sld [smem:$0x3FDB];
	_ =	sdelay $0x1  }
0x99: {  	s4 =	simm.s32 $_scs_section_size  }
0x9a: {  	s5 =	simm.s32 $_size__tile_overlayer_lowered;
	s6 =	simm.s32 $_tile_overlayer_lowered  }
0x9b: {  	s22 =	simm.s32 $0x1BFF;
	s21 =	sshll.u32 s6, $0x1;
	s3 =	sadd.s32 s4, s19  }
0x9c: {  	s7 =	simm.s32 $0x0;
	s20 =	sshll.u32 s5, $0x1;
	s5 =	sadd.s32 s21, s3  }
0x9d: {  	[timem:s7], [sflag:s22] =	dma.local [hbm:s5], s20  }
0x9e: {  	_ =	swait.ge [sflag:s22], s20  }
0x9f: {  	s4 =	ssub.s32 $0x0, s20;
	[sflag:s22] =	ssyncset.done $0x0  }
0xa0: {  	[sflag:s22] =	ssyncadd.s32 s4;
	_ =	sdelay $0x1  }
0xa1: {  	s23 =	simm.s32 $0x1B8B  }
0xa2: {  	_ =	swait.ge [sflag:s23], $0x1  }
0xa3: {  	[sflag:s23] =	ssyncset.done $0x0  }
0xa4: {  	s25 =	simm.s32 $0x1B8E;
	s24 =	sld [smem:$0x3FFE];
	[sflag:s23] =	ssyncadd.s32 $0xFFFFFFFF  }
0xa5: {  	s26 =	simm.s32 $execute0_lowered;
	[smem:$0x3FD2] =	sst s25  }
0xa6: {  	s5 =	sshll.u32 s26, $0x1;
	_ =	strace $0x80000049;
	[dreg:$0x1] =	wrdreg $0xFFFFFFFF  }
0xa7: {  	s28 =	simm.s32 $_size_execute0_lowered;
	s3 =	sadd.s32 s3, s5;
	[dreg:$0x0] =	wrdreg $0x0  }
0xa8: {  	s5 =	sshll.u32 s28, $0x1;
	[dreg:$0x2] =	wrdreg s3  }
0xa9: {  	[dreg:$0x3] =	wrdreg s5  }
0xaa: {  	[dreg:$0x4] =	wrdreg $0xC0  }
0xab: {  	_ =	task [dreg:s7], $0x5FFFF  }
0xac: {  	[dreg:$0x1] =	wrdreg $0xFFFFFFFF  }
0xad: {  	[dreg:$0x0] =	wrdreg $0x60  }
0xae: {  	[dreg:$0x2] =	wrdreg s24  }
0xaf: {  	[dreg:$0x3] =	wrdreg s2  }
0xb0: {  	[dreg:$0x4] =	wrdreg $0x9  }
0xb1: {  	_ =	task.clear_ibuf [dreg:s7], $0x5FFFF;
	_ =	strace $0x90000049  }
0xb2: {  	s29 =	simm.s32 $0x9;
	_ =	strace $0x8000004B  }
0xb3: {  	_ =	swait.ge [sflag:s29], $0x1  }
0xb4: {  	[sflag:s29] =	ssyncadd.s32 $0xFFFFFFFF  }
0xb5: {  	_ =	strace $0x9000004B  }
0xb6: {  	_ =	sfence  }
0xb7: {  	s30 =	sld [smem:$0x0];
	_ =	sdelay $0x2  }
0xb8: {  	s31 =	sshll.u32 s1, $0xD;
	s1 =	sshrl.u32 s1, $0x2  }
0xb9: {  	s3 =	sand.u32 $0x4000, s31;
	s1 =	sadd.s32 s1, s30  }
0xba: {  	s0 =	sor.u32 s3, s0;
	s1 =	sshll.u32 s1, $0x11  }
0xbb: {  	s0 =	sor.u32 s1, s0  }
0xbc: {  	s0 =	sadd.s32 $0x8F2B, s0  }
0xbd: {  	[sflag:s0] =	ssyncadd.remote.s32 $0x1  }
0xbe: {  	_ =	sfence.sel $0xFFFF  }
0xbf: {  	[dreg:$0x0] =	wrdreg $0xFFFFFFFF;
	(pc) =	sbr.abs _section_cstart, $3  }
0xc0: {  	[dreg:$0x1] =	wrdreg $0xFFFFFFFF  }
0xc1: {  	_ =	task.clear_ibuf [dreg:s7], $0x2FFFF;
	_ =	strace $0x9FFFFFFF  }
0xc2: {  	(tm) =	ssettm $0x7FFFFFFF  }
0xc3: {  	_ =	shalt  }
tec
execute0_lowered:
.L_overlay_start_1:
0x0: {  	(tag) =	ssettag $0x1  }
0x1: {  	v0 =	vlaneseq.u32;
	s5 =	rddreg [dreg:$0x0]  }
0x2: {  	s2 =	rddreg [dreg:$0x1];
	s3 =	simm.s32 $0x0;
	v5 =	vmul.u32 $0x90, v0  }
0x3: {  	s1 =	srdreg.scid;
	[smem:$0x7FF] =	sst s3  }
0x4: {  	s6 =	sand.u32 $0x1, s1;
	s1 =	rddreg [dreg:$0x2];
	_ =	strace $0x8000004A;
	v0 =	vadd.s32 $0x1B07, v5;
	[tilespmem:$0x1FF10] =	vst v5  }
0x5: {  	v2 =	vadd.s32 $0x1B02, v5;
	[tilespmem:$0x1FEB0] =	vst v0  }
0x6: {  	v58 =	vadd.s32 $0x1B03, v5;
	[tilespmem:$0x1FEC0] =	vst v2  }
0x7: {  	v3 =	vadd.s32 $0x1B04, v5;
	[tilespmem:$0x1FED0] =	vst v58  }
0x8: {  	v31 =	vadd.s32 $0x1B05, v5;
	[tilespmem:$0x1FEE0] =	vst v3  }
0x9: {  	v20 =	vadd.s32 $0x1B06, v5;
	[tilespmem:$0x1FEF0] =	vst v31  }
0xa: {  	v7 =	vor.u32 $0x1, v5;
	[tilespmem:$0x1FF00] =	vst v20  }
0xb: {  	v11 =	vor.u32 $0x2, v5;
	[tilespmem:$0x1FF20] =	vst v7  }
0xc: {  	v16 =	vor.u32 $0x3, v5;
	[tilespmem:$0x1FF30] =	vst v11  }
0xd: {  	v21 =	vor.u32 $0x4, v5;
	[tilespmem:$0x1FF40] =	vst v16  }
0xe: {  	v23 =	vor.u32 $0x5, v5;
	[tilespmem:$0x1FF50] =	vst v21  }
0xf: {  	v27 =	vor.u32 $0x6, v5;
	[tilespmem:$0x1FF60] =	vst v23  }
0x10: {  	s0 =	stileid.u32;
	s9 =	simm.s32 $0x400;
	s10 =	simm.s32 $0x8000;
	v32 =	vor.u32 $0x7, v5;
	[tilespmem:$0x1FF70] =	vst v27  }
0x11: {  	s11 =	simm.s32 $0x5;
	s12 =	simm.s32 $0x80;
	s13 =	simm.s32 $0x6400;
	v19 =	vadd.s32 $0x904, v5;
	[tilespmem:$0x1FF80] =	vst v32  }
0x12: {  	v1 =	vimm.s32 $0x0;
	vm0 =	vcmask $0x300;
	s14 =	simm.s32 $0x8400;
	s15 =	simm.s32 $0x1;
	s16 =	simm.s32 $0xA400;
	v15 =	vadd.s32 $0x903, v5;
	[tilespmem:$0x1FF90] =	vst v19  }
0x13: {  	s17 =	simm.s32 $0x2;
	s19 =	simm.s32 $0xC800;
	v1 =	vsel vm0, $0x3, v1;
	s4 =	sshll.u32 s0, $0xB;
	v24 =	vadd.s32 $0x905, v5;
	[tilespmem:$0x1FFA0] =	vst v15  }
.Ltmp0:
0x14: {  	s18 =	simm.s32 $0x4;
	s7 =	sshll.u32 s6, $0xA;
	v41 =	vadd.s32 $0x900, v5;
	v18 =	vadd.s32 $0x1200, v5;
	v28 =	vadd.s32 $0x906, v5;
	[tilespmem:$0x1FFB0] =	vst v24;
	(pc) =	sbr.rel .LBB2_1-.Ltmp0, $4  }
0x15: {  	s20 =	simm.s32 $0x3;
	s6 =	ssub.s32 $0x2, s6;
	v6 =	vadd.s32 $0x1B00, v5;
	s4 =	sor.u32 s7, s4;
	v8 =	vadd.s32 $0x901, v5;
	v9 =	vadd.s32 $0x1201, v5;
	[tilespmem:$0x1FFC0] =	vst v28  }
0x16: {  	s21 =	simm.s32 $0x0;
	v10 =	vadd.s32 $0x1B01, v5;
	v12 =	vadd.s32 $0x902, v5;
	s8 =	sshrl.u32 s6, $0x1;
	v4 =	vadd.s32 $0x907, v5;
	s7 =	sshrl.u32 s4, $0x3;
	[tilespmem:$0x1FFD0] =	vst v41  }
0x17: {  	v13 =	vadd.s32 $0x1202, v5;
	v17 =	vadd.s32 $0x1203, v5;
	v22 =	vadd.s32 $0x1204, v5;
	s8 =	ssub.s32 s6, s8;
	[tilespmem:$0x1FFE0] =	vst v4;
	s7 =	sadd.s32 s7, s5;
	s5 =	sadd.s32 $0xF5BC00, s5  }
0x18: {  	v25 =	vadd.s32 $0x1205, v5;
	v29 =	vadd.s32 $0x1206, v5;
	v30 =	vadd.s32 $0x1207, v5;
	[tilespmem:$0x1FFF0] =	vst v10;
	s8 =	smax.u32 s8, $0x1;
	s6 =	sadd.s32 $0x800, s7;
	s7 =	sadd.s32 $0x8000, s2  }
.LBB2_16:
0x19: {  	_ =	swait.ge [sflag:s20], $0x2000  }
0x1a: {  	[sflag:s20] =	ssyncset.done $0x0  }
0x1b: {  	[sflag:s20] =	ssyncadd.s32 $0xFFFFE000  }
0x1c: {  	_ =	swait.ge [sflag:s18], $0x2000  }
0x1d: {  	v5 =	vld [tilespmem:$0x1FF10]  }
0x1e: {  	s21 =	sadd.s32 $0x1, s21;
	v7 =	vld [tilespmem:$0x1FF20]  }
0x1f: {  	v8 =	vmov v11;
	p0 =	sne.s32 s21, s8;
	v11 =	vld [tilespmem:$0x1FF30]  }
.Ltmp1:
0x20: {  	v16 =	vld [tilespmem:$0x1FF40];
	(pc) =	sbr.rel @!p0 .LBB2_17-.Ltmp1, $4  }
0x21: {  	v21 =	vld [tilespmem:$0x1FF50]  }
0x22: {  	v18 =	vmov v53;
	v23 =	vld [tilespmem:$0x1FF60]  }
0x23: {  	v6 =	vmovc v49;
	v9 =	vmovc v56;
	v10 =	vmov v50;
	v12 =	vmov v15;
	v13 =	vmov v59;
	[sflag:s18] =	ssyncset.done $0x0;
	v27 =	vld [tilespmem:$0x1FF70]  }
0x24: {  	v15 =	vmovc v61;
	v17 =	vmovc v62;
	v22 =	vmov v54;
	v25 =	vmov v51;
	v29 =	vmov v60;
	v32 =	vld [tilespmem:$0x1FF80];
	[sflag:s18] =	ssyncadd.s32 $0xFFFFE000  }
.LBB2_1:
0x25: {  	[tilespmem:s3], [sflag:$0x5] =	stream.strided.gather [hbm4b:s6+s9], $0x6400, s10, s9, $0x38;
	[tilespmem:$0xEC00] =	vst v63  }
0x26: {  	_ =	swait.ge [sflag:s11], $0x6400  }
0x27: {  	[sflag:s11] =	ssyncset.done $0x0  }
0x28: {  	[sflag:s11] =	ssyncadd.s32 $0xFFFF9C00  }
0x29: {  	[tilespmem:s13], [sflag:$0x1] =	stream.indirect.gather [hbm4b:s5+s12], $0x40, s3, s12, $0xb8;
	[tilespmem:$0xEC00] =	vst v63  }
0x2a: {  	s22 =	simm.s32 $0x0  }
0x2b: {  	v14 =	vmov v31;
	v26 =	vmov v58;
	[tilespmem:s14], [sflag:$0x2] =	stream.indirect.gather [hbm4b:s5+s12], $0x40, s12, s12, $0xb8;
	[tilespmem:$0xEC00] =	vst v63  }
.LBB2_2:
0x2c: {  	_ =	swait.ge [sflag:s15], $0x2000  }
0x2d: {  	s23 =	simm.s32 $0x0;
	p0 =	seq.s32 s22, $0x0;
	s31 =	simm.s32 $0x1  }
0x2e: {  	s24 =	simm.s32 $0x2;
	s25 =	simm.s32 $0x3;
	s28 =	simm.s32 $0x5;
	v33 =	vmov s23;
	v34 =	vmov s31  }
0x2f: {  	s29 =	simm.s32 $0x6;
	s30 =	simm.s32 $0x7;
	[sflag:s15] =	ssyncset.done $0x0;
	v35 =	vmov s24;
	v36 =	vmov s25;
	v38 =	vmov s28  }
0x30: {  	s25 =	simm.s32 $0x4;
	s26 =	simm.s32 @!p0 $0x3;
	v39 =	vmov s29;
	v40 =	vmov s30;
	v33 =	vshrl.u32 v33, $0x3;
	[sflag:s15] =	ssyncadd.s32 $0xFFFFE000  }
0x31: {  	v37 =	vmov s25;
	v34 =	vshrl.u32 v34, $0x3;
	v35 =	vshrl.u32 v35, $0x3;
	_ =	swait.ge @!p0 [sflag:s26], $0x2000  }
0x32: {  	v36 =	vshrl.u32 v36, $0x3;
	v40 =	vshrl.u32 v40, $0x3;
	v38 =	vshrl.u32 v38, $0x3;
	[sflag:s26] =	ssyncset.done @!p0 $0x0  }
0x33: {  	s24 =	simm.s32 $0x6500;
	v42 =	vshrl.u32 v39, $0x3;
	v33 =	vshll.u32 v33, v1;
	v40 =	vshll.u32 v40, v1;
	[sflag:s26] =	ssyncadd.s32 @!p0 $0xFFFFE000  }
0x34: {  	v37 =	vshrl.u32 v37, $0x3;
	v34 =	vshll.u32 v34, v1;
	v31 =	vbroadcast v40, $0x0;
	v61 =	vld [tilespmem:s24+$0xC0]  }
0x35: {  	v35 =	vshll.u32 v35, v1;
	v36 =	vshll.u32 v36, v1;
	v2 =	vbroadcast v33, $0x0;
	v43 =	vld [tilespmem:s24+$0xFFFFFF00]  }
0x36: {  	v62 =	vshll.u32 v38, v1;
	v3 =	vbroadcast v34, $0x0;
	v45 =	vld [tilespmem:s24+$0xFFFFFF40];
	v46 =	vadd.s32 v32, v31  }
0x37: {  	v44 =	vshll.u32 v37, v1;
	v37 =	vbroadcast v35, $0x0;
	v63 =	vadd.s32 v5, v2;
	v47 =	vld [tilespmem:s24+$0xFFFFFF80]  }
0x38: {  	v42 =	vshll.u32 v42, v1;
	v36 =	vbroadcast v36, $0x0;
	v48 =	vadd.s32 v7, v3;
	v49 =	vld [tilespmem:s24+$0xFFFFFFC0]  }
0x39: {  	v35 =	vbroadcast v44, $0x0;
	v50 =	vadd.s32 v11, v37;
	v51 =	vld [tilespmem:s24+$0x0];
	v57 =	vmul.f32 $8.000000000e+00, v61  }
0x3a: {  	v33 =	vbroadcast v62, $0x0;
	v52 =	vadd.s32 v16, v36;
	v53 =	vld [tilespmem:s24+$0x40];
	v43 =	vmul.f32 $8.000000000e+00, v43  }
0x3b: {  	v34 =	vbroadcast v42, $0x0;
	v55 =	vld [tilespmem:s24+$0x80];
	v54 =	vadd.s32 v21, v35;
	v45 =	vmul.f32 $8.000000000e+00, v45;
	[tilespmem:v46+s16+$0x0] =	vst.idx.msk $0xffff, v57  }
0x3c: {  	v59 =	vmul.f32 $8.000000000e+00, v47;
	[tilespmem:v63+s16+$0x0] =	vst.idx.msk $0xffff, v43;
	v43 =	vadd.s32 v23, v33;
	v44 =	vld [tilespmem:s24+$0xD0]  }
0x3d: {  	v61 =	vmul.f32 $8.000000000e+00, v49;
	v47 =	vadd.s32 v27, v34;
	[tilespmem:v48+s16+$0x0] =	vst.idx.msk $0xffff, v45;
	v60 =	vld [tilespmem:s24+$0xFFFFFF10]  }
0x3e: {  	s31 =	simm.s32 $0x8;
	v62 =	vmul.f32 $8.000000000e+00, v51;
	[tilespmem:v50+s16+$0x0] =	vst.idx.msk $0xffff, v59;
	v50 =	vadd.s32 v4, v31;
	v49 =	vld [tilespmem:s24+$0xFFFFFF50]  }
0x3f: {  	v58 =	vmov s31;
	v56 =	vadd.s32 v41, v2;
	[tilespmem:v52+s16+$0x0] =	vst.idx.msk $0xffff, v61;
	v63 =	vmul.f32 $8.000000000e+00, v53;
	v57 =	vld [tilespmem:s24+$0xFFFFFF90]  }
0x40: {  	v42 =	vshrl.u32 v58, $0x3;
	v38 =	vmul.f32 $8.000000000e+00, v55;
	v53 =	vadd.s32 v8, v3;
	[tilespmem:v54+s16+$0x0] =	vst.idx.msk $0xffff, v62;
	v58 =	vld [tilespmem:s24+$0xFFFFFFD0]  }
0x41: {  	v55 =	vadd.s32 v12, v37;
	v59 =	vld [tilespmem:s24+$0x10];
	[tilespmem:v43+s16+$0x0] =	vst.idx.msk $0xffff, v63;
	v43 =	vmul.f32 $8.000000000e+00, v44  }
0x42: {  	v46 =	vadd.s32 v15, v36;
	[tilespmem:v47+s16+$0x0] =	vst.idx.msk $0xffff, v38;
	v45 =	vmul.f32 $8.000000000e+00, v60;
	v60 =	vld [tilespmem:s24+$0x50]  }
0x43: {  	v61 =	vld [tilespmem:s24+$0x90];
	v39 =	vmul.f32 $8.000000000e+00, v49;
	v49 =	vadd.s32 v19, v35;
	[tilespmem:v50+s16+$0x0] =	vst.idx.msk $0xffff, v43  }
0x44: {  	v63 =	vmul.f32 $8.000000000e+00, v57;
	[tilespmem:v56+s16+$0x0] =	vst.idx.msk $0xffff, v45;
	v45 =	vadd.s32 v24, v33;
	v50 =	vld [tilespmem:s24+$0xE0]  }
0x45: {  	[tilespmem:v53+s16+$0x0] =	vst.idx.msk $0xffff, v39;
	v39 =	vmul.f32 $8.000000000e+00, v58;
	v53 =	vadd.s32 v28, v34;
	v56 =	vld [tilespmem:s24+$0xFFFFFF20]  }
0x46: {  	v43 =	vshll.u32 v42, v1;
	[tilespmem:v55+s16+$0x0] =	vst.idx.msk $0xffff, v63;
	v42 =	vmul.f32 $8.000000000e+00, v59;
	v55 =	vadd.s32 v30, v31;
	v57 =	vld [tilespmem:s24+$0xFFFFFF60]  }
0x47: {  	s30 =	simm.s32 $0xD;
	v58 =	vadd.s32 v18, v2;
	v59 =	vld [tilespmem:s24+$0xFFFFFFA0];
	[tilespmem:v46+s16+$0x0] =	vst.idx.msk $0xffff, v39;
	v46 =	vmul.f32 $8.000000000e+00, v60  }
0x48: {  	v62 =	vadd.s32 v9, v3;
	v44 =	vmov s30;
	v47 =	vmul.f32 $8.000000000e+00, v61;
	[tilespmem:v49+s16+$0x0] =	vst.idx.msk $0xffff, v42  }
0x49: {  	s31 =	simm.s32 $0xE;
	v61 =	vshrl.u32 v44, $0x3;
	v63 =	vld [tilespmem:s24+$0xFFFFFFE0];
	v49 =	vadd.s32 v13, v37;
	[tilespmem:v45+s16+$0x0] =	vst.idx.msk $0xffff, v46;
	v44 =	vmul.f32 $8.000000000e+00, v50  }
0x4a: {  	v38 =	vmov s31;
	v39 =	vld [tilespmem:s24+$0x20];
	[tilespmem:v53+s16+$0x0] =	vst.idx.msk $0xffff, v47;
	v50 =	vmul.f32 $8.000000000e+00, v56  }
0x4b: {  	v42 =	vshrl.u32 v38, $0x3;
	v38 =	vbroadcast v43, $0x0;
	v40 =	vld [tilespmem:s24+$0x60];
	v43 =	vmul.f32 $8.000000000e+00, v57;
	[tilespmem:v55+s16+$0x0] =	vst.idx.msk $0xffff, v44  }
0x4c: {  	v56 =	vadd.s32 v17, v36;
	v60 =	vld [tilespmem:s24+$0xA0];
	v59 =	vmul.f32 $8.000000000e+00, v59;
	[tilespmem:v58+s16+$0x0] =	vst.idx.msk $0xffff, v50  }
0x4d: {  	s28 =	simm.s32 $0xB;
	v57 =	vadd.s32 v22, v35;
	[tilespmem:v62+s16+$0x0] =	vst.idx.msk $0xffff, v43;
	v55 =	vld [tilespmem:s24+$0xF0]  }
0x4e: {  	s26 =	simm.s32 $0xA;
	v52 =	vmov s28;
	[tilespmem:v49+s16+$0x0] =	vst.idx.msk $0xffff, v59;
	v50 =	vld [tilespmem:s24+$0xFFFFFF30]  }
0x4f: {  	s25 =	simm.s32 $0x9;
	v51 =	vmov s26;
	v52 =	vshrl.u32 v52, $0x3;
	v62 =	vmul.f32 $8.000000000e+00, v63;
	v0 =	vld [tilespmem:$0x1FEB0]  }
0x50: {  	s29 =	simm.s32 $0xC;
	v48 =	vmov s25;
	v45 =	vshll.u32 v52, v1;
	v52 =	vld [tilespmem:s24+$0xFFFFFF70];
	v63 =	vmul.f32 $8.000000000e+00, v39  }
0x51: {  	v20 =	vmovc v41;
	v51 =	vshrl.u32 v51, $0x3;
	v54 =	vmov s29;
	v48 =	vshrl.u32 v48, $0x3;
	v49 =	vld [tilespmem:s24+$0xFFFFFFB0];
	[tilespmem:v56+s16+$0x0] =	vst.idx.msk $0xffff, v62  }
0x52: {  	v41 =	vshrl.u32 v54, $0x3;
	v54 =	vadd.s32 v25, v33;
	v47 =	vshll.u32 v48, v1;
	[tilespmem:v57+s16+$0x0] =	vst.idx.msk $0xffff, v63;
	v56 =	vld [tilespmem:s24+$0xFFFFFFF0]  }
0x53: {  	v46 =	vshll.u32 v41, v1;
	v48 =	vadd.s32 v6, v2;
	v41 =	vadd.s32 v10, v3;
	v3 =	vmovc v20;
	v20 =	vld [tilespmem:$0x1FEC0]  }
0x54: {  	v44 =	vshll.u32 v51, v1;
	v51 =	vadd.s32 v29, v34;
	v53 =	vadd.s32 v0, v31;
	v31 =	vld [tilespmem:$0x1FEE0]  }
0x55: {  	s23 =	sshll.u32 s22, $0x1;
	s26 =	simm.s32 $0xF;
	s25 =	simm.s32 $0x10;
	v4 =	vmovc v10;
	v10 =	vmovc v18;
	v43 =	vshll.u32 v61, v1;
	v39 =	vmul.f32 $8.000000000e+00, v40;
	v40 =	vmul.f32 $8.000000000e+00, v60;
	v18 =	vld [tilespmem:$0x1FF00]  }
.LBB2_3:
0x56: {  	_ = 	snop  }
0x57: {  	v57 =	vmov s26;
	v58 =	vld [tilespmem:s24+$0x30]  }
0x58: {  	v37 =	vadd.s32 v20, v37;
	v36 =	vadd.s32 v26, v36;
	v0 =	vld [tilespmem:$0x1FFE0];
	[tilespmem:v54+s16+$0x0] =	vst.idx.msk $0xffff, v39;
	v61 =	vmul.f32 $8.000000000e+00, v55  }
0x59: {  	v35 =	vadd.s32 v31, v35;
	v62 =	vshrl.u32 v57, $0x3;
	[tilespmem:v51+s16+$0x0] =	vst.idx.msk $0xffff, v40;
	v50 =	vmul.f32 $8.000000000e+00, v50;
	v55 =	vld [tilespmem:s24+$0x70]  }
0x5a: {  	v39 =	vmov v38;
	v38 =	vshll.u32 v62, v1;
	v63 =	vmul.f32 $8.000000000e+00, v52;
	v52 =	vld [tilespmem:s24+$0xB0];
	s24 =	sadd.s32 $0x200, s24;
	[tilespmem:v53+s16+$0x0] =	vst.idx.msk $0xffff, v61  }
0x5b: {  	v33 =	vadd.s32 v14, v33;
	v40 =	vbroadcast v38, $0x0;
	v57 =	vmul.f32 $8.000000000e+00, v49;
	[tilespmem:v48+s16+$0x0] =	vst.idx.msk $0xffff, v50;
	v53 =	vld [tilespmem:s24+$0xC0]  }
0x5c: {  	v42 =	vshll.u32 v42, v1;
	v34 =	vadd.s32 v18, v34;
	v59 =	vmul.f32 $8.000000000e+00, v56;
	[tilespmem:v41+s16+$0x0] =	vst.idx.msk $0xffff, v63;
	v48 =	vld [tilespmem:s24+$0xFFFFFF00]  }
0x5d: {  	v41 =	vbroadcast v47, $0x0;
	v47 =	vadd.s32 v32, v40;
	[tilespmem:v37+s16+$0x0] =	vst.idx.msk $0xffff, v57;
	v61 =	vmul.f32 $8.000000000e+00, v58;
	v60 =	vld [tilespmem:s24+$0xFFFFFF40]  }
0x5e: {  	v51 =	vadd.s32 v5, v39;
	v37 =	vbroadcast v44, $0x0;
	[tilespmem:v36+s16+$0x0] =	vst.idx.msk $0xffff, v59;
	v62 =	vld [tilespmem:s24+$0xFFFFFF80];
	v63 =	vmul.f32 $8.000000000e+00, v55  }
0x5f: {  	v36 =	vbroadcast v45, $0x0;
	v49 =	vadd.s32 v7, v41;
	[tilespmem:v35+s16+$0x0] =	vst.idx.msk $0xffff, v61;
	v55 =	vld [tilespmem:s24+$0xFFFFFFC0];
	v56 =	vmul.f32 $8.000000000e+00, v52  }
0x60: {  	v45 =	vadd.s32 v11, v37;
	v35 =	vbroadcast v46, $0x0;
	v57 =	vld [tilespmem:s24+$0x0];
	[tilespmem:v33+s16+$0x0] =	vst.idx.msk $0xffff, v63;
	v58 =	vmul.f32 $8.000000000e+00, v53  }
0x61: {  	v33 =	vbroadcast v43, $0x0;
	[tilespmem:v34+s16+$0x0] =	vst.idx.msk $0xffff, v56;
	v59 =	vmul.f32 $8.000000000e+00, v48;
	v48 =	vadd.s32 v16, v36;
	v53 =	vld [tilespmem:s24+$0x40]  }
0x62: {  	v43 =	vadd.s32 v21, v35;
	v34 =	vbroadcast v42, $0x0;
	v60 =	vmul.f32 $8.000000000e+00, v60;
	v50 =	vld [tilespmem:s24+$0x80];
	[tilespmem:v47+s16+$0x0] =	vst.idx.msk $0xffff, v58  }
0x63: {  	v62 =	vmul.f32 $8.000000000e+00, v62;
	v63 =	vadd.s32 v23, v33;
	[tilespmem:v51+s16+$0x0] =	vst.idx.msk $0xffff, v59;
	v47 =	vld [tilespmem:s24+$0xD0]  }
0x64: {  	v61 =	vmov s25;
	[tilespmem:v49+s16+$0x0] =	vst.idx.msk $0xffff, v60;
	v60 =	vmul.f32 $8.000000000e+00, v55;
	v49 =	vadd.s32 v27, v34;
	v51 =	vld [tilespmem:s24+$0xFFFFFF10]  }
0x65: {  	v42 =	vshrl.u32 v61, $0x3;
	[tilespmem:v45+s16+$0x0] =	vst.idx.msk $0xffff, v62;
	v61 =	vmul.f32 $8.000000000e+00, v57;
	v45 =	vadd.s32 v0, v40;
	v55 =	vld [tilespmem:s24+$0xFFFFFF50]  }
0x66: {  	v56 =	vadd.s32 v3, v39;
	v57 =	vld [tilespmem:s24+$0xFFFFFF90];
	[tilespmem:v48+s16+$0x0] =	vst.idx.msk $0xffff, v60;
	v62 =	vmul.f32 $8.000000000e+00, v53  }
0x67: {  	[tilespmem:v43+s16+$0x0] =	vst.idx.msk $0xffff, v61;
	v53 =	vadd.s32 v8, v41;
	v43 =	vmul.f32 $8.000000000e+00, v50;
	v58 =	vld [tilespmem:s24+$0xFFFFFFD0]  }
0x68: {  	v50 =	vadd.s32 v12, v37;
	[tilespmem:v63+s16+$0x0] =	vst.idx.msk $0xffff, v62;
	v38 =	vmul.f32 $8.000000000e+00, v47  }
0x69: {  	s30 =	sadd.s32 $0x1, s25;
	v59 =	vld [tilespmem:s24+$0x10];
	[tilespmem:v49+s16+$0x0] =	vst.idx.msk $0xffff, v43;
	v47 =	vmul.f32 $8.000000000e+00, v51;
	v51 =	vadd.s32 v15, v36  }
0x6a: {  	v54 =	vmov s30;
	v60 =	vld [tilespmem:s24+$0x50];
	v49 =	vmul.f32 $8.000000000e+00, v55;
	[tilespmem:v45+s16+$0x0] =	vst.idx.msk $0xffff, v38  }
0x6b: {  	s29 =	sadd.s32 $0x4, s25;
	v54 =	vshrl.u32 v54, $0x3;
	v55 =	vadd.s32 v19, v35;
	v61 =	vld [tilespmem:s24+$0x90];
	v63 =	vmul.f32 $8.000000000e+00, v57;
	[tilespmem:v56+s16+$0x0] =	vst.idx.msk $0xffff, v47  }
0x6c: {  	s31 =	sadd.s32 $0x2, s25;
	s30 =	sadd.s32 $0x5, s25;
	v44 =	vmov s29;
	v45 =	vadd.s32 v24, v33;
	[tilespmem:v53+s16+$0x0] =	vst.idx.msk $0xffff, v49;
	v47 =	vld [tilespmem:s24+$0xE0];
	v62 =	vmul.f32 $8.000000000e+00, v58  }
0x6d: {  	v46 =	vmov s30;
	v52 =	vmov s31;
	v53 =	vadd.s32 v28, v34;
	[tilespmem:v50+s16+$0x0] =	vst.idx.msk $0xffff, v63;
	v56 =	vld [tilespmem:s24+$0xFFFFFF20]  }
0x6e: {  	v38 =	vshll.u32 v42, v1;
	v42 =	vmul.f32 $8.000000000e+00, v59;
	v50 =	vadd.s32 v30, v40;
	v57 =	vld [tilespmem:s24+$0xFFFFFF60];
	[tilespmem:v51+s16+$0x0] =	vst.idx.msk $0xffff, v62  }
0x6f: {  	s31 =	sadd.s32 $0x6, s25;
	v52 =	vshrl.u32 v52, $0x3;
	v58 =	vadd.s32 v10, v39;
	v49 =	vmul.f32 $8.000000000e+00, v60;
	v62 =	vld [tilespmem:s24+$0xFFFFFFE0]  }
0x70: {  	v43 =	vmov s31;
	v59 =	vld [tilespmem:s24+$0xFFFFFFA0];
	v60 =	vshrl.u32 v44, $0x3;
	[tilespmem:v55+s16+$0x0] =	vst.idx.msk $0xffff, v42;
	v44 =	vmul.f32 $8.000000000e+00, v61  }
0x71: {  	v51 =	vadd.s32 v9, v41;
	v61 =	vshrl.u32 v46, $0x3;
	v63 =	vld [tilespmem:s24+$0x20];
	[tilespmem:v45+s16+$0x0] =	vst.idx.msk $0xffff, v49;
	v45 =	vmul.f32 $8.000000000e+00, v47  }
0x72: {  	s28 =	sadd.s32 $0x3, s25;
	v46 =	vadd.s32 v13, v37;
	v42 =	vshrl.u32 v43, $0x3;
	[tilespmem:v53+s16+$0x0] =	vst.idx.msk $0xffff, v44;
	v43 =	vmul.f32 $8.000000000e+00, v56;
	v0 =	vld [tilespmem:s24+$0x60]  }
0x73: {  	v48 =	vmov s28;
	v41 =	vadd.s32 v4, v41;
	v56 =	vadd.s32 v17, v36;
	v2 =	vld [tilespmem:s24+$0xA0];
	[tilespmem:v50+s16+$0x0] =	vst.idx.msk $0xffff, v45  }
0x74: {  	p1 =	slt.u32 s25, $0x78;
	v49 =	vmul.f32 $8.000000000e+00, v57;
	v57 =	vadd.s32 v22, v35;
	[tilespmem:v58+s16+$0x0] =	vst.idx.msk $0xffff, v43;
	v58 =	vmul.f32 $8.000000000e+00, v62;
	v62 =	vld [tilespmem:$0x1FEB0]  }
.Ltmp2:
0x75: {  	v44 =	vshll.u32 v52, v1;
	v47 =	vshll.u32 v54, v1;
	v43 =	vmul.f32 $8.000000000e+00, v59;
	v55 =	vld [tilespmem:s24+$0xF0];
	(pc) =	sbr.rel @p1 .LBB2_3-.Ltmp2, $4  }
0x76: {  	v48 =	vshrl.u32 v48, $0x3;
	v54 =	vadd.s32 v25, v33;
	[tilespmem:v51+s16+$0x0] =	vst.idx.msk $0xffff, v49;
	v51 =	vadd.s32 v29, v34;
	v50 =	vld [tilespmem:s24+$0xFFFFFF30]  }
0x77: {  	v45 =	vshll.u32 v48, v1;
	v48 =	vadd.s32 v6, v39;
	v52 =	vld [tilespmem:s24+$0xFFFFFF70];
	v63 =	vmul.f32 $8.000000000e+00, v63;
	[tilespmem:v46+s16+$0x0] =	vst.idx.msk $0xffff, v43  }
0x78: {  	v38 =	vbroadcast v38, $0x0;
	v46 =	vshll.u32 v60, v1;
	v43 =	vshll.u32 v61, v1;
	v49 =	vld [tilespmem:s24+$0xFFFFFFB0];
	[tilespmem:v56+s16+$0x0] =	vst.idx.msk $0xffff, v58  }
0x79: {  	s26 =	sadd.s32 $0x7, s25;
	s25 =	sadd.s32 $0x8, s25;
	v39 =	vmul.f32 $8.000000000e+00, v0;
	[tilespmem:v57+s16+$0x0] =	vst.idx.msk $0xffff, v63;
	v56 =	vld [tilespmem:s24+$0xFFFFFFF0];
	v53 =	vadd.s32 v62, v40;
	v40 =	vmul.f32 $8.000000000e+00, v2  }
0x7a: {  	_ =	sdelay $0x3  }
0x7b: {  	v2 =	vadd.s32 v20, v37;
	v63 =	vld [tilespmem:s24+$0x30];
	v57 =	vmul.f32 $8.000000000e+00, v55;
	s25 =	sadd.s32 $0x200, s24;
	[tilespmem:v54+s16+$0x0] =	vst.idx.msk $0xffff, v39  }
0x7c: {  	v0 =	vmov s26;
	v36 =	vadd.s32 v26, v36;
	v50 =	vmul.f32 $8.000000000e+00, v50;
	[tilespmem:v51+s16+$0x0] =	vst.idx.msk $0xffff, v40;
	v60 =	vld [tilespmem:s25+$0xFFFFFF00]  }
0x7d: {  	v35 =	vadd.s32 v31, v35;
	v0 =	vshrl.u32 v0, $0x3;
	v54 =	vld [tilespmem:s24+$0x70];
	v58 =	vmul.f32 $8.000000000e+00, v52;
	[tilespmem:v53+s16+$0x0] =	vst.idx.msk $0xffff, v57  }
0x7e: {  	v37 =	vadd.s32 v5, v38;
	v0 =	vshll.u32 v0, v1;
	v51 =	vld [tilespmem:s24+$0xB0];
	[tilespmem:v48+s16+$0x0] =	vst.idx.msk $0xffff, v50;
	v59 =	vmul.f32 $8.000000000e+00, v49  }
0x7f: {  	v33 =	vadd.s32 v14, v33;
	v39 =	vld [tilespmem:s25+$0xC0];
	v0 =	vbroadcast v0, $0x0;
	[tilespmem:v41+s16+$0x0] =	vst.idx.msk $0xffff, v58;
	v61 =	vmul.f32 $8.000000000e+00, v56  }
0x80: {  	v34 =	vadd.s32 v18, v34;
	v47 =	vbroadcast v47, $0x0;
	v41 =	vld [tilespmem:s25+$0xFFFFFF40];
	[tilespmem:v2+s16+$0x0] =	vst.idx.msk $0xffff, v59;
	v2 =	vmul.f32 $8.000000000e+00, v63  }
0x81: {  	v44 =	vbroadcast v44, $0x0;
	v48 =	vld [tilespmem:s25+$0xFFFFFF80];
	v50 =	vadd.s32 v32, v0;
	[tilespmem:v36+s16+$0x0] =	vst.idx.msk $0xffff, v61;
	v56 =	vmul.f32 $8.000000000e+00, v60  }
0x82: {  	v40 =	vadd.s32 v7, v47;
	v63 =	vmul.f32 $8.000000000e+00, v54;
	[tilespmem:v35+s16+$0x0] =	vst.idx.msk $0xffff, v2  }
0x83: {  	v2 =	vmul.f32 $8.000000000e+00, v51;
	v35 =	vadd.s32 v11, v44;
	[tilespmem:v37+s16+$0x0] =	vst.idx.msk $0xffff, v56  }
0x84: {  	v39 =	vmul.f32 $8.000000000e+00, v39;
	[tilespmem:v33+s16+$0x0] =	vst.idx.msk $0xffff, v63  }
0x85: {  	[tilespmem:v34+s16+$0x0] =	vst.idx.msk $0xffff, v2;
	v2 =	vmul.f32 $8.000000000e+00, v41  }
0x86: {  	v52 =	vld [tilespmem:s25+$0xFFFFFFC0];
	v59 =	vmul.f32 $8.000000000e+00, v48;
	[tilespmem:v50+s16+$0x0] =	vst.idx.msk $0xffff, v39  }
0x87: {  	v55 =	vmov v7;
	v45 =	vbroadcast v45, $0x0;
	v7 =	vld [tilespmem:s25+$0x0];
	[tilespmem:v40+s16+$0x0] =	vst.idx.msk $0xffff, v2  }
0x88: {  	v46 =	vbroadcast v46, $0x0;
	v57 =	vld [tilespmem:s25+$0x40];
	[tilespmem:v35+s16+$0x0] =	vst.idx.msk $0xffff, v59  }
0x89: {  	v42 =	vshll.u32 v42, v1;
	v43 =	vbroadcast v43, $0x0;
	v36 =	vadd.s32 v16, v45;
	v5 =	vld [tilespmem:$0x1FFE0]  }
0x8a: {  	v42 =	vbroadcast v42, $0x0;
	v34 =	vadd.s32 v21, v46;
	v63 =	vld [tilespmem:s25+$0x80]  }
0x8b: {  	v37 =	vadd.s32 v23, v43;
	v48 =	vld [tilespmem:s25+$0xFFFFFF10]  }
0x8c: {  	v39 =	vld [tilespmem:s25+$0xD0];
	v2 =	vmul.f32 $8.000000000e+00, v52;
	v40 =	vadd.s32 v27, v42  }
0x8d: {  	v60 =	vmul.f32 $8.000000000e+00, v7;
	v51 =	vadd.s32 v3, v38;
	v50 =	vld [tilespmem:s25+$0xFFFFFF50]  }
0x8e: {  	v52 =	vld [tilespmem:s25+$0xFFFFFF90];
	[tilespmem:v36+s16+$0x0] =	vst.idx.msk $0xffff, v2;
	v2 =	vmul.f32 $8.000000000e+00, v57;
	v35 =	vadd.s32 v5, v0  }
0x8f: {  	v36 =	vadd.s32 v8, v47;
	v49 =	vld [tilespmem:s25+$0xFFFFFFD0];
	[tilespmem:v34+s16+$0x0] =	vst.idx.msk $0xffff, v60;
	v63 =	vmul.f32 $8.000000000e+00, v63  }
0x90: {  	v34 =	vadd.s32 v12, v44;
	v7 =	vmul.f32 $8.000000000e+00, v48;
	v41 =	vld [tilespmem:s25+$0x10];
	[tilespmem:v37+s16+$0x0] =	vst.idx.msk $0xffff, v2  }
0x91: {  	v59 =	vmov v12;
	v2 =	vmul.f32 $8.000000000e+00, v39;
	v39 =	vadd.s32 v15, v45;
	v12 =	vld [tilespmem:s25+$0x50];
	[tilespmem:v40+s16+$0x0] =	vst.idx.msk $0xffff, v63  }
0x92: {  	v40 =	vadd.s32 v19, v46;
	[tilespmem:v51+s16+$0x0] =	vst.idx.msk $0xffff, v7;
	v57 =	vmul.f32 $8.000000000e+00, v50;
	v60 =	vld [tilespmem:s25+$0x90]  }
0x93: {  	v51 =	vld [tilespmem:s25+$0xFFFFFF20];
	[tilespmem:v35+s16+$0x0] =	vst.idx.msk $0xffff, v2;
	v2 =	vmul.f32 $8.000000000e+00, v52;
	v35 =	vadd.s32 v24, v43  }
0x94: {  	[tilespmem:v36+s16+$0x0] =	vst.idx.msk $0xffff, v57;
	v63 =	vmul.f32 $8.000000000e+00, v49;
	v36 =	vadd.s32 v28, v42;
	v37 =	vld [tilespmem:s25+$0xE0]  }
0x95: {  	v49 =	vld [tilespmem:s25+$0xFFFFFF60];
	[tilespmem:v34+s16+$0x0] =	vst.idx.msk $0xffff, v2;
	v2 =	vmul.f32 $8.000000000e+00, v41;
	v41 =	vadd.s32 v10, v38  }
0x96: {  	[tilespmem:v39+s16+$0x0] =	vst.idx.msk $0xffff, v63;
	v12 =	vmul.f32 $8.000000000e+00, v12;
	v34 =	vadd.s32 v30, v0;
	v7 =	vld [tilespmem:s25+$0xFFFFFFA0]  }
0x97: {  	v39 =	vadd.s32 v9, v47;
	v48 =	vld [tilespmem:s25+$0xFFFFFFE0];
	[tilespmem:v40+s16+$0x0] =	vst.idx.msk $0xffff, v2;
	v2 =	vmul.f32 $8.000000000e+00, v60  }
0x98: {  	v53 =	vmovc v32;
	v32 =	vmov v30;
	v30 =	vmul.f32 $8.000000000e+00, v51;
	v40 =	vadd.s32 v13, v44;
	v50 =	vld [tilespmem:s25+$0x20];
	[tilespmem:v35+s16+$0x0] =	vst.idx.msk $0xffff, v12  }
0x99: {  	v60 =	vmov v13;
	v13 =	vmul.f32 $8.000000000e+00, v37;
	v37 =	vadd.s32 v17, v45;
	v51 =	vld [tilespmem:s25+$0x60];
	[tilespmem:v36+s16+$0x0] =	vst.idx.msk $0xffff, v2  }
0x9a: {  	v2 =	vmul.f32 $8.000000000e+00, v49;
	v36 =	vadd.s32 v22, v46;
	v49 =	vld [tilespmem:s25+$0xA0];
	[tilespmem:v41+s16+$0x0] =	vst.idx.msk $0xffff, v30  }
0x9b: {  	v12 =	vadd.s32 v25, v43;
	[tilespmem:v34+s16+$0x0] =	vst.idx.msk $0xffff, v13;
	v7 =	vmul.f32 $8.000000000e+00, v7;
	v41 =	vld [tilespmem:s25+$0xFFFFFF30]  }
0x9c: {  	[tilespmem:v39+s16+$0x0] =	vst.idx.msk $0xffff, v2;
	v2 =	vmul.f32 $8.000000000e+00, v48;
	v39 =	vadd.s32 v29, v42;
	v13 =	vld [tilespmem:s25+$0xF0]  }
0x9d: {  	v38 =	vadd.s32 v6, v38;
	v48 =	vld [tilespmem:s25+$0xFFFFFF70];
	[tilespmem:v40+s16+$0x0] =	vst.idx.msk $0xffff, v7;
	v30 =	vmul.f32 $8.000000000e+00, v50  }
0x9e: {  	v0 =	vadd.s32 v62, v0;
	v40 =	vld [tilespmem:s25+$0xFFFFFFB0];
	[tilespmem:v37+s16+$0x0] =	vst.idx.msk $0xffff, v2;
	v2 =	vmul.f32 $8.000000000e+00, v51  }
0x9f: {  	v37 =	vadd.s32 v4, v47;
	v47 =	vld [tilespmem:s25+$0xFFFFFFF0];
	[tilespmem:v36+s16+$0x0] =	vst.idx.msk $0xffff, v30;
	v51 =	vmul.f32 $8.000000000e+00, v49  }
0xa0: {  	v3 =	vmov v6;
	v62 =	vadd.s32 v20, v44;
	v6 =	vld [tilespmem:s25+$0x30];
	[tilespmem:v12+s16+$0x0] =	vst.idx.msk $0xffff, v2;
	v7 =	vmul.f32 $8.000000000e+00, v41  }
0xa1: {  	v12 =	vadd.s32 v26, v45;
	v2 =	vmul.f32 $8.000000000e+00, v13;
	v13 =	vld [tilespmem:s25+$0x70];
	[tilespmem:v39+s16+$0x0] =	vst.idx.msk $0xffff, v51  }
0xa2: {  	v31 =	vadd.s32 v31, v46;
	v30 =	vmul.f32 $8.000000000e+00, v48;
	v48 =	vld [tilespmem:s25+$0xB0];
	[tilespmem:v38+s16+$0x0] =	vst.idx.msk $0xffff, v7  }
0xa3: {  	[tilespmem:v0+s16+$0x0] =	vst.idx.msk $0xffff, v2;
	v0 =	vmul.f32 $8.000000000e+00, v40;
	v2 =	vadd.s32 v14, v43  }
0xa4: {  	v51 =	vadd.s32 v18, v42;
	[tilespmem:v37+s16+$0x0] =	vst.idx.msk $0xffff, v30;
	v49 =	vmul.f32 $8.000000000e+00, v47  }
0xa5: {  	[tilespmem:v62+s16+$0x0] =	vst.idx.msk $0xffff, v0;
	v0 =	vmul.f32 $8.000000000e+00, v6  }
0xa6: {  	s26 =	sshll.u32 s22, $0x13;
	[tilespmem:v12+s16+$0x0] =	vst.idx.msk $0xffff, v49;
	v62 =	vmul.f32 $8.000000000e+00, v13  }
0xa7: {  	s24 =	sor.u32 s4, s26;
	[tilespmem:v31+s16+$0x0] =	vst.idx.msk $0xffff, v0;
	v0 =	vmul.f32 $8.000000000e+00, v48  }
0xa8: {  	s24 =	sshrl.u32 s24, $0x3;
	[tilespmem:v2+s16+$0x0] =	vst.idx.msk $0xffff, v62  }
0xa9: {  	s26 =	sadd.s32 s2, s24;
	s25 =	simm.s32 $0xA400;
	[tilespmem:v51+s16+$0x0] =	vst.idx.msk $0xffff, v0  }
0xaa: {  	[hbm4b:s26+s3] =	stream.linear.scatter [tilespmem:s25], [sflag:$0x3], $0x80, $0x38;
	[tilespmem:$0xEC00] =	vst v63  }
0xab: {  	s31 =	simm.s32 $0xA490;
	s28 =	sadd.s32 $0x10, s26  }
0xac: {  	[hbm4b:s28+s3] =	stream.linear.scatter [tilespmem:s31], [sflag:$0x3], $0x80, $0x38;
	[tilespmem:$0xEC00] =	vst v63  }
0xad: {  	s31 =	simm.s32 $0xA520;
	s28 =	sadd.s32 $0x20, s26  }
0xae: {  	[hbm4b:s28+s3] =	stream.linear.scatter [tilespmem:s31], [sflag:$0x3], $0x80, $0x38;
	[tilespmem:$0xEC00] =	vst v63  }
0xaf: {  	s31 =	simm.s32 $0xA5B0;
	s28 =	sadd.s32 $0x30, s26  }
0xb0: {  	[hbm4b:s28+s3] =	stream.linear.scatter [tilespmem:s31], [sflag:$0x3], $0x80, $0x38;
	[tilespmem:$0xEC00] =	vst v63  }
0xb1: {  	s31 =	simm.s32 $0xA640;
	s28 =	sadd.s32 $0x40, s26  }
0xb2: {  	[hbm4b:s28+s3] =	stream.linear.scatter [tilespmem:s31], [sflag:$0x3], $0x80, $0x38;
	[tilespmem:$0xEC00] =	vst v63  }
0xb3: {  	s29 =	simm.s32 $0xA7F0;
	s31 =	simm.s32 $0xA6D0;
	s28 =	sadd.s32 $0x50, s26  }
0xb4: {  	[hbm4b:s28+s3] =	stream.linear.scatter [tilespmem:s31], [sflag:$0x3], $0x80, $0x38;
	[tilespmem:$0xEC00] =	vst v63  }
0xb5: {  	s30 =	sadd.s32 $0x70, s26;
	v58 =	vmov v11;
	v54 =	vmov v23;
	v61 =	vmov v16;
	s31 =	simm.s32 $0xA760;
	s28 =	sadd.s32 $0x60, s26  }
0xb6: {  	v16 =	vmovc v21;
	v23 =	vmovc v27;
	v21 =	vmov v22;
	v56 =	vmov v8;
	v27 =	vmov v29;
	[hbm4b:s28+s3] =	stream.linear.scatter [tilespmem:s31], [sflag:$0x3], $0x80, $0x38;
	[tilespmem:$0xEC00] =	vst v63  }
0xb7: {  	v57 =	vmovc v9;
	v63 =	vmovc v17;
	v52 =	vmov v25;
	v20 =	vmov v5;
	v50 =	vmov v4;
	s25 =	simm.s32 $0x480;
	s26 =	sadd.s32 $0x1000, s26;
	s28 =	simm.s32 $0x2400  }
.LBB2_5:
0xb8: {  	[hbm4b:s30+s3] =	stream.linear.scatter [tilespmem:s29], [sflag:$0x3], $0x80, $0x38;
	[tilespmem:$0xEC00] =	vst v63  }
0xb9: {  	s29 =	smov.u32 s25;
	s25 =	smov.u32 s28  }
0xba: {  	s31 =	sadd.s32 $0x1200, s28;
	s25 =	sshra.s32 s25, $0x2;
	s30 =	sadd.s32 $0xA400, s29  }
0xbb: {  	[hbm4b:s26+s3] =	stream.linear.scatter [tilespmem:s30], [sflag:$0x3], $0x80, $0x38;
	[tilespmem:$0xEC00] =	vst v63  }
0xbc: {  	p1 =	sne.s32 s28, $0x7E00;
	s28 =	sadd.s32 $0xA490, s29;
	s30 =	sadd.s32 $0x10, s26  }
0xbd: {  	[hbm4b:s30+s3] =	stream.linear.scatter [tilespmem:s28], [sflag:$0x3], $0x80, $0x38;
	[tilespmem:$0xEC00] =	vst v63  }
0xbe: {  	s28 =	sadd.s32 $0xA520, s29;
	s30 =	sadd.s32 $0x20, s26  }
0xbf: {  	[hbm4b:s30+s3] =	stream.linear.scatter [tilespmem:s28], [sflag:$0x3], $0x80, $0x38;
	[tilespmem:$0xEC00] =	vst v63  }
0xc0: {  	s28 =	sadd.s32 $0xA5B0, s29;
	s30 =	sadd.s32 $0x30, s26  }
0xc1: {  	[hbm4b:s30+s3] =	stream.linear.scatter [tilespmem:s28], [sflag:$0x3], $0x80, $0x38;
	[tilespmem:$0xEC00] =	vst v63  }
0xc2: {  	s28 =	sadd.s32 $0xA640, s29;
	s30 =	sadd.s32 $0x40, s26  }
0xc3: {  	[hbm4b:s30+s3] =	stream.linear.scatter [tilespmem:s28], [sflag:$0x3], $0x80, $0x38;
	[tilespmem:$0xEC00] =	vst v63  }
.Ltmp3:
0xc4: {  	s28 =	sadd.s32 $0xA6D0, s29;
	s30 =	sadd.s32 $0x50, s26;
	(pc) =	sbr.rel @p1 .LBB2_5-.Ltmp3, $4  }
0xc5: {  	[hbm4b:s30+s3] =	stream.linear.scatter [tilespmem:s28], [sflag:$0x3], $0x80, $0x38;
	[tilespmem:$0xEC00] =	vst v63  }
0xc6: {  	s28 =	sadd.s32 $0xA760, s29;
	s30 =	sadd.s32 $0x60, s26;
	s29 =	sadd.s32 $0xA7F0, s29  }
0xc7: {  	[hbm4b:s30+s3] =	stream.linear.scatter [tilespmem:s28], [sflag:$0x3], $0x80, $0x38;
	[tilespmem:$0xEC00] =	vst v63  }
0xc8: {  	s30 =	sadd.s32 $0x70, s26;
	s26 =	sadd.s32 $0x1000, s26;
	s28 =	smov.u32 s31  }
0xc9: {  	[hbm4b:s30+s3] =	stream.linear.scatter [tilespmem:s29], [sflag:$0x3], $0x80, $0x38;
	[tilespmem:$0xEC00] =	vst v63  }
0xca: {  	s28 =	sadd.s32 $0xA400, s25  }
0xcb: {  	[hbm4b:s26+s3] =	stream.linear.scatter [tilespmem:s28], [sflag:$0x3], $0x80, $0x38;
	[tilespmem:$0xEC00] =	vst v63  }
0xcc: {  	s30 =	sadd.s32 $0xA490, s25;
	s31 =	sadd.s32 $0x10, s26  }
0xcd: {  	[hbm4b:s31+s3] =	stream.linear.scatter [tilespmem:s30], [sflag:$0x3], $0x80, $0x38;
	[tilespmem:$0xEC00] =	vst v63  }
0xce: {  	s30 =	sadd.s32 $0xA520, s25;
	s31 =	sadd.s32 $0x20, s26  }
0xcf: {  	[hbm4b:s31+s3] =	stream.linear.scatter [tilespmem:s30], [sflag:$0x3], $0x80, $0x38;
	[tilespmem:$0xEC00] =	vst v63  }
0xd0: {  	s30 =	sadd.s32 $0xA5B0, s25;
	s31 =	sadd.s32 $0x30, s26  }
0xd1: {  	[hbm4b:s31+s3] =	stream.linear.scatter [tilespmem:s30], [sflag:$0x3], $0x80, $0x38;
	[tilespmem:$0xEC00] =	vst v63  }
0xd2: {  	s30 =	sadd.s32 $0xA640, s25;
	s31 =	sadd.s32 $0x40, s26  }
0xd3: {  	[hbm4b:s31+s3] =	stream.linear.scatter [tilespmem:s30], [sflag:$0x3], $0x80, $0x38;
	[tilespmem:$0xEC00] =	vst v63  }
0xd4: {  	p1 =	sne.s32 s22, $0x63;
	s30 =	sadd.s32 $0xA6D0, s25;
	s31 =	sadd.s32 $0x50, s26  }
0xd5: {  	[hbm4b:s31+s3] =	stream.linear.scatter [tilespmem:s30], [sflag:$0x3], $0x80, $0x38;
	[tilespmem:$0xEC00] =	vst v63  }
.Ltmp4:
0xd6: {  	_ = 	snop;
	(pc) =	sbr.rel @p1 .LBB2_8-.Ltmp4, $4  }
0xd7: {  	s30 =	sadd.s32 $0xA760, s25;
	s31 =	sadd.s32 $0x60, s26  }
0xd8: {  	[hbm4b:s31+s3] =	stream.linear.scatter [tilespmem:s30], [sflag:$0x3], $0x80, $0x38;
	[tilespmem:$0xEC00] =	vst v63  }
0xd9: {  	s30 =	sadd.s32 $0xA7F0, s25;
	s31 =	sadd.s32 $0x70, s26  }
0xda: {  	v5 =	vmov v10;
	[hbm4b:s31+s3] =	stream.linear.scatter [tilespmem:s30], [sflag:$0x3], $0x80, $0x38;
	[tilespmem:$0xEC00] =	vst v63  }
.Ltmp5:
0xdb: {  	(pc) =	sbr.rel .LBB2_9-.Ltmp5, $4  }
0xdc: {  	v6 =	vmov v3;
	v7 =	vmov v55  }
0xdd: {  	_ =	swait.ge [sflag:s17], $0x2000;
	v8 =	vmovc v56;
	v9 =	vmovc v57;
	v10 =	vmov v50;
	v11 =	vmov v58;
	v12 =	vmov v59  }
0xde: {  	v13 =	vmovc v60;
	v15 =	vmovc v61;
	v17 =	vmov v63;
	v19 =	vmov v16;
	v22 =	vmov v21;
	[sflag:s17] =	ssyncset.done $0x0  }
0xdf: {  	v24 =	vmovc v54;
	v25 =	vmovc v52;
	v28 =	vmov v23;
	v29 =	vmov v27;
	v30 =	vmov v53;
	[sflag:s17] =	ssyncadd.s32 $0xFFFFE000  }
.LBB2_8:
0xe0: {  	s25 =	sshll.u32 s23, $0x7  }
0xe1: {  	s25 =	sadd.s32 $0x100, s25  }
.Ltmp6:
0xe2: {  	s25 =	sand.u32 $0xFF00, s25;
	(pc) =	sbr.rel @p0 .LBB2_10-.Ltmp6, $4  }
0xe3: {  	v6 =	vmov v3;
	v7 =	vmov v55;
	[tilespmem:s13], [sflag:$0x1] =	stream.indirect.gather [hbm4b:s5+s12], $0x40, s25, s12, $0xb8;
	[tilespmem:$0xEC00] =	vst v63  }
0xe4: {  	v8 =	vmovc v56;
	v9 =	vmovc v57;
	v10 =	vmov v50;
	v11 =	vmov v58;
	v12 =	vmov v59;
	_ =	swait.ge [sflag:s17], $0x2000  }
0xe5: {  	v13 =	vmovc v60;
	v15 =	vmovc v61;
	v17 =	vmov v63;
	v19 =	vmov v16;
	v22 =	vmov v21;
	[sflag:s17] =	ssyncset.done $0x0  }
0xe6: {  	v24 =	vmovc v54;
	v25 =	vmovc v52;
	v28 =	vmov v23;
	v29 =	vmov v27;
	v30 =	vmov v53;
	[sflag:s17] =	ssyncadd.s32 $0xFFFFE000  }
.LBB2_9:
0xe7: {  	_ =	swait.ge [sflag:s18], $0x2000  }
0xe8: {  	[sflag:s18] =	ssyncset.done $0x0  }
0xe9: {  	[sflag:s18] =	ssyncadd.s32 $0xFFFFE000  }
.LBB2_10:
0xea: {  	s25 =	simm.s32 $0x0;
	s31 =	simm.s32 $0x1  }
0xeb: {  	s26 =	simm.s32 $0x2;
	s28 =	simm.s32 $0x3;
	s30 =	simm.s32 $0x7;
	v0 =	vmov s25;
	v2 =	vmov s31  }
0xec: {  	s29 =	simm.s32 $0x5;
	v33 =	vmov s26;
	v34 =	vmov s28;
	v38 =	vmov s30  }
0xed: {  	v14 =	vld [tilespmem:$0x1FF10];
	s26 =	simm.s32 $0x4;
	v36 =	vmov s29;
	v0 =	vshrl.u32 v0, $0x3;
	v38 =	vshrl.u32 v38, $0x3  }
0xee: {  	s25 =	simm.s32 $0x8500;
	v35 =	vmov s26;
	v0 =	vshll.u32 v0, v1;
	v38 =	vshll.u32 v38, v1  }
0xef: {  	s28 =	simm.s32 $0x6;
	v2 =	vshrl.u32 v2, $0x3;
	v39 =	vbroadcast v0, $0x0;
	v0 =	vld [tilespmem:s25+$0xC0];
	v41 =	vbroadcast v38, $0x0  }
0xf0: {  	v37 =	vmov s28;
	v33 =	vshrl.u32 v33, $0x3;
	v61 =	vld [tilespmem:s25+$0xFFFFFF00];
	v2 =	vshll.u32 v2, v1  }
0xf1: {  	v43 =	vld [tilespmem:s25+$0xFFFFFF40];
	v33 =	vshll.u32 v33, v1;
	v18 =	vbroadcast v2, $0x0;
	v2 =	vadd.s32 v30, v41  }
0xf2: {  	v46 =	vld [tilespmem:s25+$0xFFFFFF80];
	v42 =	vshrl.u32 v37, $0x3;
	v37 =	vbroadcast v33, $0x0;
	v45 =	vadd.s32 v14, v39  }
0xf3: {  	v34 =	vshrl.u32 v34, $0x3;
	v36 =	vshrl.u32 v36, $0x3;
	v47 =	vadd.s32 v7, v18  }
0xf4: {  	v35 =	vshrl.u32 v35, $0x3;
	v49 =	vadd.s32 v11, v37;
	v0 =	vmul.f32 $8.000000000e+00, v0  }
0xf5: {  	v34 =	vshll.u32 v34, v1;
	v44 =	vshll.u32 v36, v1;
	v38 =	vmul.f32 $8.000000000e+00, v61  }
0xf6: {  	v48 =	vld [tilespmem:s25+$0xFFFFFFC0];
	v35 =	vshll.u32 v35, v1;
	v36 =	vbroadcast v34, $0x0;
	v43 =	vmul.f32 $8.000000000e+00, v43;
	[tilespmem:v2+s19+$0x0] =	vst.idx.msk $0xffff, v0  }
0xf7: {  	v50 =	vld [tilespmem:s25+$0x0];
	v35 =	vbroadcast v35, $0x0;
	[tilespmem:v45+s19+$0x0] =	vst.idx.msk $0xffff, v38;
	v2 =	vmul.f32 $8.000000000e+00, v46  }
0xf8: {  	v52 =	vld [tilespmem:s25+$0x40];
	v42 =	vshll.u32 v42, v1;
	v33 =	vbroadcast v44, $0x0;
	v51 =	vadd.s32 v15, v36;
	[tilespmem:v47+s19+$0x0] =	vst.idx.msk $0xffff, v43  }
0xf9: {  	v53 =	vld [tilespmem:s25+$0x80];
	v34 =	vbroadcast v42, $0x0;
	v44 =	vadd.s32 v19, v35;
	[tilespmem:v49+s19+$0x0] =	vst.idx.msk $0xffff, v2  }
0xfa: {  	v62 =	vadd.s32 v24, v33;
	v49 =	vadd.s32 v20, v41;
	v20 =	vld [tilespmem:$0x1FFD0]  }
0xfb: {  	v60 =	vmul.f32 $8.000000000e+00, v48;
	v46 =	vadd.s32 v28, v34;
	v63 =	vld [tilespmem:s25+$0xD0]  }
0xfc: {  	v45 =	vld [tilespmem:s25+$0xFFFFFF10];
	v2 =	vmul.f32 $8.000000000e+00, v50  }
0xfd: {  	v61 =	vmul.f32 $8.000000000e+00, v52;
	v48 =	vld [tilespmem:s25+$0xFFFFFF50];
	[tilespmem:v51+s19+$0x0] =	vst.idx.msk $0xffff, v60  }
0xfe: {  	v55 =	vld [tilespmem:s25+$0xFFFFFF90];
	[tilespmem:v44+s19+$0x0] =	vst.idx.msk $0xffff, v2;
	v2 =	vmul.f32 $8.000000000e+00, v53  }
0xff: {  	[tilespmem:v62+s19+$0x0] =	vst.idx.msk $0xffff, v61;
	v56 =	vld [tilespmem:s25+$0xFFFFFFD0];
	v54 =	vadd.s32 v20, v39  }
0x100: {  	v16 =	vld [tilespmem:$0x1FFA0];
	[tilespmem:v46+s19+$0x0] =	vst.idx.msk $0xffff, v2  }
0x101: {  	v52 =	vadd.s32 v8, v18;
	v62 =	vmul.f32 $8.000000000e+00, v63;
	v21 =	vld [tilespmem:$0x1FF90]  }
0x102: {  	v58 =	vld [tilespmem:s25+$0x50];
	v63 =	vmul.f32 $8.000000000e+00, v45  }
0x103: {  	v53 =	vadd.s32 v12, v37;
	v57 =	vld [tilespmem:s25+$0x10];
	[tilespmem:v49+s19+$0x0] =	vst.idx.msk $0xffff, v62  }
0x104: {  	v61 =	vmul.f32 $8.000000000e+00, v48;
	v59 =	vld [tilespmem:s25+$0x90];
	[tilespmem:v54+s19+$0x0] =	vst.idx.msk $0xffff, v63  }
0x105: {  	v23 =	vld [tilespmem:$0x1FFB0]  }
0x106: {  	s31 =	simm.s32 $0x8;
	s30 =	simm.s32 $0xA;
	v62 =	vmul.f32 $8.000000000e+00, v55;
	v48 =	vadd.s32 v21, v35;
	v54 =	vld [tilespmem:s25+$0xFFFFFF20];
	[tilespmem:v52+s19+$0x0] =	vst.idx.msk $0xffff, v61  }
0x107: {  	v0 =	vmov s31;
	s31 =	simm.s32 $0xB;
	v50 =	vmov s30;
	v27 =	vld [tilespmem:$0x1FFC0]  }
0x108: {  	v51 =	vmov s31;
	v49 =	vld [tilespmem:s25+$0xE0];
	v60 =	vadd.s32 v16, v36;
	v38 =	vmul.f32 $8.000000000e+00, v57;
	[tilespmem:v53+s19+$0x0] =	vst.idx.msk $0xffff, v62  }
0x109: {  	s30 =	simm.s32 $0xD;
	s31 =	simm.s32 $0xE;
	v57 =	vshrl.u32 v51, $0x3;
	v51 =	vadd.s32 v5, v39;
	v63 =	vmul.f32 $8.000000000e+00, v56;
	v56 =	vld [tilespmem:s25+$0xFFFFFFA0]  }
0x10a: {  	v42 =	vmov s30;
	v2 =	vmov s31;
	v53 =	vadd.s32 v32, v41  }
0x10b: {  	[tilespmem:v48+s19+$0x0] =	vst.idx.msk $0xffff, v38;
	v38 =	vmul.f32 $8.000000000e+00, v59;
	v59 =	vshrl.u32 v42, $0x3;
	v48 =	vadd.s32 v13, v37  }
0x10c: {  	s29 =	simm.s32 $0x9;
	v55 =	vld [tilespmem:s25+$0xFFFFFF60];
	v42 =	vshrl.u32 v2, $0x3;
	v2 =	vmul.f32 $8.000000000e+00, v54;
	v52 =	vadd.s32 v27, v34  }
0x10d: {  	v47 =	vmov s29;
	v49 =	vmul.f32 $8.000000000e+00, v49;
	[tilespmem:v60+s19+$0x0] =	vst.idx.msk $0xffff, v63;
	v43 =	vadd.s32 v23, v33  }
0x10e: {  	s29 =	simm.s32 $0xC;
	v40 =	vmul.f32 $8.000000000e+00, v58;
	v58 =	vadd.s32 v9, v18;
	v60 =	vld [tilespmem:s25+$0xFFFFFFE0];
	[tilespmem:v51+s19+$0x0] =	vst.idx.msk $0xffff, v2;
	v2 =	vmul.f32 $8.000000000e+00, v56  }
0x10f: {  	v0 =	vshrl.u32 v0, $0x3;
	v50 =	vshrl.u32 v50, $0x3;
	v44 =	vmov s29;
	v61 =	vld [tilespmem:s25+$0x20];
	[tilespmem:v53+s19+$0x0] =	vst.idx.msk $0xffff, v49  }
0x110: {  	v0 =	vshll.u32 v0, v1;
	v46 =	vshrl.u32 v44, $0x3;
	v44 =	vshll.u32 v50, v1;
	v56 =	vld [tilespmem:s25+$0xF0];
	[tilespmem:v48+s19+$0x0] =	vst.idx.msk $0xffff, v2  }
0x111: {  	v54 =	vadd.s32 v17, v36;
	v50 =	vld [tilespmem:s25+$0xFFFFFF30];
	[tilespmem:v52+s19+$0x0] =	vst.idx.msk $0xffff, v38;
	v38 =	vbroadcast v0, $0x0;
	v0 =	vmul.f32 $8.000000000e+00, v55  }
0x112: {  	v63 =	vadd.s32 v22, v35;
	[tilespmem:v43+s19+$0x0] =	vst.idx.msk $0xffff, v40;
	v49 =	vld [tilespmem:s25+$0xFFFFFFB0]  }
0x113: {  	v62 =	vld [tilespmem:s25+$0x60];
	[tilespmem:v58+s19+$0x0] =	vst.idx.msk $0xffff, v0  }
0x114: {  	v0 =	vmul.f32 $8.000000000e+00, v60;
	v4 =	vld [tilespmem:$0x1FEB0]  }
0x115: {  	v2 =	vmul.f32 $8.000000000e+00, v61;
	v40 =	vld [tilespmem:s25+$0xA0]  }
0x116: {  	v52 =	vld [tilespmem:s25+$0xFFFFFF70];
	[tilespmem:v54+s19+$0x0] =	vst.idx.msk $0xffff, v0  }
0x117: {  	[tilespmem:v63+s19+$0x0] =	vst.idx.msk $0xffff, v2;
	v54 =	vld [tilespmem:s25+$0xFFFFFFF0]  }
0x118: {  	v31 =	vld [tilespmem:$0x1FEF0]  }
0x119: {  	v47 =	vshrl.u32 v47, $0x3;
	v53 =	vadd.s32 v4, v41;
	v41 =	vadd.s32 v10, v18;
	v10 =	vld [tilespmem:$0x1FEC0]  }
0x11a: {  	v47 =	vshll.u32 v47, v1;
	v46 =	vshll.u32 v46, v1;
	v55 =	vadd.s32 v25, v33;
	v4 =	vmovc v14;
	v14 =	vld [tilespmem:$0x1FED0]  }
0x11b: {  	v45 =	vshll.u32 v57, v1;
	v51 =	vadd.s32 v29, v34;
	v48 =	vadd.s32 v6, v39;
	v18 =	vld [tilespmem:$0x1FEE0]  }
0x11c: {  	s28 =	simm.s32 $0xF;
	s26 =	simm.s32 $0x10;
	v43 =	vshll.u32 v59, v1;
	v39 =	vmul.f32 $8.000000000e+00, v62;
	v26 =	vld [tilespmem:$0x1FF00];
	v40 =	vmul.f32 $8.000000000e+00, v40  }
.LBB2_11:
0x11d: {  	_ = 	snop  }
0x11e: {  	v0 =	vmov s28;
	v60 =	vld [tilespmem:s25+$0x30]  }
0x11f: {  	v2 =	vadd.s32 v10, v37;
	v36 =	vadd.s32 v14, v36;
	v3 =	vld [tilespmem:$0x1FFE0];
	[tilespmem:v55+s19+$0x0] =	vst.idx.msk $0xffff, v39;
	v62 =	vmul.f32 $8.000000000e+00, v56  }
0x120: {  	v35 =	vadd.s32 v18, v35;
	v0 =	vshrl.u32 v0, $0x3;
	[tilespmem:v51+s19+$0x0] =	vst.idx.msk $0xffff, v40;
	v63 =	vmul.f32 $8.000000000e+00, v50;
	v56 =	vld [tilespmem:s25+$0x70]  }
0x121: {  	v33 =	vadd.s32 v31, v33;
	v0 =	vshll.u32 v0, v1;
	v58 =	vld [tilespmem:s25+$0xB0];
	v57 =	vmul.f32 $8.000000000e+00, v52;
	s25 =	sadd.s32 $0x200, s25;
	[tilespmem:v53+s19+$0x0] =	vst.idx.msk $0xffff, v62  }
0x122: {  	v42 =	vshll.u32 v42, v1;
	v40 =	vbroadcast v0, $0x0;
	v0 =	vmul.f32 $8.000000000e+00, v49;
	[tilespmem:v48+s19+$0x0] =	vst.idx.msk $0xffff, v63;
	v53 =	vld [tilespmem:s25+$0xC0]  }
0x123: {  	v34 =	vadd.s32 v26, v34;
	v39 =	vmov v38;
	v61 =	vmul.f32 $8.000000000e+00, v54;
	[tilespmem:v41+s19+$0x0] =	vst.idx.msk $0xffff, v57;
	v38 =	vld [tilespmem:s25+$0xFFFFFF00]  }
0x124: {  	v41 =	vbroadcast v47, $0x0;
	v62 =	vadd.s32 v30, v40;
	[tilespmem:v2+s19+$0x0] =	vst.idx.msk $0xffff, v0;
	v0 =	vmul.f32 $8.000000000e+00, v60;
	v49 =	vld [tilespmem:s25+$0xFFFFFF40]  }
0x125: {  	v37 =	vbroadcast v44, $0x0;
	v2 =	vadd.s32 v4, v39;
	[tilespmem:v36+s19+$0x0] =	vst.idx.msk $0xffff, v61;
	v63 =	vld [tilespmem:s25+$0xFFFFFF80];
	v59 =	vmul.f32 $8.000000000e+00, v56  }
0x126: {  	v36 =	vbroadcast v45, $0x0;
	v61 =	vld [tilespmem:s25+$0xFFFFFFC0];
	v60 =	vadd.s32 v7, v41;
	[tilespmem:v35+s19+$0x0] =	vst.idx.msk $0xffff, v0;
	v0 =	vmul.f32 $8.000000000e+00, v58  }
0x127: {  	v45 =	vadd.s32 v11, v37;
	v35 =	vbroadcast v46, $0x0;
	v56 =	vld [tilespmem:s25+$0x0];
	[tilespmem:v33+s19+$0x0] =	vst.idx.msk $0xffff, v59;
	v57 =	vmul.f32 $8.000000000e+00, v53  }
0x128: {  	v58 =	vadd.s32 v15, v36;
	[tilespmem:v34+s19+$0x0] =	vst.idx.msk $0xffff, v0;
	v33 =	vbroadcast v43, $0x0;
	v38 =	vmul.f32 $8.000000000e+00, v38;
	v59 =	vld [tilespmem:s25+$0x40]  }
0x129: {  	v34 =	vbroadcast v42, $0x0;
	v43 =	vadd.s32 v19, v35;
	v0 =	vmul.f32 $8.000000000e+00, v49;
	v49 =	vld [tilespmem:s25+$0x80];
	[tilespmem:v62+s19+$0x0] =	vst.idx.msk $0xffff, v57  }
0x12a: {  	[tilespmem:v2+s19+$0x0] =	vst.idx.msk $0xffff, v38;
	v2 =	vmul.f32 $8.000000000e+00, v63;
	v38 =	vadd.s32 v24, v33;
	v46 =	vld [tilespmem:s25+$0xD0]  }
0x12b: {  	[tilespmem:v60+s19+$0x0] =	vst.idx.msk $0xffff, v0;
	v0 =	vmul.f32 $8.000000000e+00, v61;
	v60 =	vadd.s32 v28, v34;
	v63 =	vld [tilespmem:s25+$0xFFFFFF10]  }
0x12c: {  	v62 =	vmov s26;
	v61 =	vld [tilespmem:s25+$0xFFFFFF50];
	[tilespmem:v45+s19+$0x0] =	vst.idx.msk $0xffff, v2;
	v2 =	vmul.f32 $8.000000000e+00, v56;
	v45 =	vadd.s32 v3, v40  }
0x12d: {  	v54 =	vadd.s32 v20, v39;
	v42 =	vshrl.u32 v62, $0x3;
	[tilespmem:v58+s19+$0x0] =	vst.idx.msk $0xffff, v0;
	v62 =	vld [tilespmem:s25+$0xFFFFFF90];
	v0 =	vmul.f32 $8.000000000e+00, v59  }
0x12e: {  	v53 =	vadd.s32 v8, v41;
	v56 =	vld [tilespmem:s25+$0xFFFFFFD0];
	[tilespmem:v43+s19+$0x0] =	vst.idx.msk $0xffff, v2;
	v2 =	vmul.f32 $8.000000000e+00, v49  }
0x12f: {  	s28 =	sadd.s32 $0x1, s26;
	v49 =	vadd.s32 v12, v37;
	v57 =	vld [tilespmem:s25+$0x10];
	[tilespmem:v38+s19+$0x0] =	vst.idx.msk $0xffff, v0;
	v0 =	vmul.f32 $8.000000000e+00, v46  }
0x130: {  	v50 =	vmov s28;
	s28 =	sadd.s32 $0x2, s26;
	v47 =	vadd.s32 v16, v36;
	v63 =	vmul.f32 $8.000000000e+00, v63;
	v58 =	vld [tilespmem:s25+$0x50];
	[tilespmem:v60+s19+$0x0] =	vst.idx.msk $0xffff, v2  }
0x131: {  	v52 =	vmov s28;
	s28 =	sadd.s32 $0x3, s26;
	v60 =	vmul.f32 $8.000000000e+00, v61;
	v61 =	vadd.s32 v21, v35;
	v59 =	vld [tilespmem:s25+$0x90];
	[tilespmem:v45+s19+$0x0] =	vst.idx.msk $0xffff, v0  }
0x132: {  	v44 =	vmov s28;
	s28 =	sadd.s32 $0x4, s26;
	[tilespmem:v54+s19+$0x0] =	vst.idx.msk $0xffff, v63;
	v62 =	vmul.f32 $8.000000000e+00, v62;
	v45 =	vadd.s32 v23, v33;
	v46 =	vld [tilespmem:s25+$0xE0]  }
0x133: {  	v43 =	vmov s28;
	s28 =	sadd.s32 $0x5, s26;
	[tilespmem:v53+s19+$0x0] =	vst.idx.msk $0xffff, v60;
	v63 =	vmul.f32 $8.000000000e+00, v56;
	v53 =	vadd.s32 v27, v34;
	v54 =	vld [tilespmem:s25+$0xFFFFFF20]  }
0x134: {  	v38 =	vmov s28;
	v55 =	vld [tilespmem:s25+$0xFFFFFF60];
	[tilespmem:v49+s19+$0x0] =	vst.idx.msk $0xffff, v62;
	v60 =	vmul.f32 $8.000000000e+00, v57;
	v49 =	vadd.s32 v32, v40  }
0x135: {  	s28 =	sadd.s32 $0x6, s26;
	v57 =	vshrl.u32 v44, $0x3;
	v44 =	vadd.s32 v5, v39;
	[tilespmem:v47+s19+$0x0] =	vst.idx.msk $0xffff, v63;
	v56 =	vld [tilespmem:s25+$0xFFFFFFA0];
	v47 =	vmul.f32 $8.000000000e+00, v58  }
0x136: {  	v48 =	vadd.s32 v9, v41;
	v2 =	vmov s28;
	v58 =	vld [tilespmem:s25+$0xFFFFFFE0];
	[tilespmem:v61+s19+$0x0] =	vst.idx.msk $0xffff, v60;
	v51 =	vmul.f32 $8.000000000e+00, v59  }
0x137: {  	v0 =	vshll.u32 v42, v1;
	v60 =	vadd.s32 v13, v37;
	v61 =	vld [tilespmem:s25+$0x20];
	[tilespmem:v45+s19+$0x0] =	vst.idx.msk $0xffff, v47;
	v45 =	vmul.f32 $8.000000000e+00, v46  }
0x138: {  	v42 =	vshrl.u32 v2, $0x3;
	v2 =	vmul.f32 $8.000000000e+00, v54;
	v54 =	vadd.s32 v17, v36;
	[tilespmem:v53+s19+$0x0] =	vst.idx.msk $0xffff, v51  }
0x139: {  	v59 =	vshrl.u32 v38, $0x3;
	v38 =	vbroadcast v0, $0x0;
	v0 =	vmul.f32 $8.000000000e+00, v55;
	[tilespmem:v49+s19+$0x0] =	vst.idx.msk $0xffff, v45  }
0x13a: {  	v62 =	vld [tilespmem:s25+$0x60];
	[tilespmem:v44+s19+$0x0] =	vst.idx.msk $0xffff, v2;
	v2 =	vmul.f32 $8.000000000e+00, v56  }
0x13b: {  	v3 =	vld [tilespmem:s25+$0xA0];
	[tilespmem:v48+s19+$0x0] =	vst.idx.msk $0xffff, v0;
	v0 =	vmul.f32 $8.000000000e+00, v58  }
0x13c: {  	[tilespmem:v60+s19+$0x0] =	vst.idx.msk $0xffff, v2;
	v2 =	vmul.f32 $8.000000000e+00, v61;
	v61 =	vld [tilespmem:$0x1FEB0]  }
0x13d: {  	p0 =	slt.u32 s26, $0x78;
	v63 =	vadd.s32 v22, v35;
	[tilespmem:v54+s19+$0x0] =	vst.idx.msk $0xffff, v0;
	v0 =	vld [tilespmem:$0x1FFF0]  }
.Ltmp7:
0x13e: {  	v50 =	vshrl.u32 v50, $0x3;
	v52 =	vshrl.u32 v52, $0x3;
	v43 =	vshrl.u32 v43, $0x3;
	v56 =	vld [tilespmem:s25+$0xF0];
	(pc) =	sbr.rel @p0 .LBB2_11-.Ltmp7, $4  }
0x13f: {  	v47 =	vshll.u32 v50, v1;
	v55 =	vadd.s32 v25, v33;
	v51 =	vadd.s32 v29, v34;
	v50 =	vld [tilespmem:s25+$0xFFFFFF30]  }
0x140: {  	v46 =	vshll.u32 v43, v1;
	v43 =	vshll.u32 v59, v1;
	v44 =	vshll.u32 v52, v1;
	v52 =	vld [tilespmem:s25+$0xFFFFFF70]  }
0x141: {  	v45 =	vshll.u32 v57, v1;
	v48 =	vadd.s32 v6, v39;
	v49 =	vld [tilespmem:s25+$0xFFFFFFB0];
	v39 =	vmul.f32 $8.000000000e+00, v62  }
0x142: {  	s28 =	sadd.s32 $0x7, s26;
	s26 =	sadd.s32 $0x8, s26;
	v54 =	vld [tilespmem:s25+$0xFFFFFFF0];
	[tilespmem:v63+s19+$0x0] =	vst.idx.msk $0xffff, v2;
	v53 =	vadd.s32 v61, v40;
	v40 =	vmul.f32 $8.000000000e+00, v3;
	v41 =	vadd.s32 v0, v41  }
0x143: {  	_ =	sdelay $0x3  }
0x144: {  	v0 =	vmov s28;
	v2 =	vadd.s32 v10, v37;
	v3 =	vld [tilespmem:s25+$0x30];
	[tilespmem:v55+s19+$0x0] =	vst.idx.msk $0xffff, v39;
	v61 =	vmul.f32 $8.000000000e+00, v56  }
0x145: {  	v36 =	vadd.s32 v14, v36;
	v0 =	vshrl.u32 v0, $0x3;
	v62 =	vmul.f32 $8.000000000e+00, v50;
	v63 =	vld [tilespmem:s25+$0x70];
	[tilespmem:v51+s19+$0x0] =	vst.idx.msk $0xffff, v40  }
0x146: {  	v35 =	vadd.s32 v18, v35;
	s26 =	sadd.s32 $0x200, s25;
	v0 =	vshll.u32 v0, v1;
	v55 =	vmul.f32 $8.000000000e+00, v52;
	v51 =	vld [tilespmem:s25+$0xB0];
	[tilespmem:v53+s19+$0x0] =	vst.idx.msk $0xffff, v61  }
0x147: {  	v33 =	vadd.s32 v31, v33;
	v56 =	vld [tilespmem:s26+$0xC0];
	v0 =	vbroadcast v0, $0x0;
	[tilespmem:v48+s19+$0x0] =	vst.idx.msk $0xffff, v62;
	v57 =	vmul.f32 $8.000000000e+00, v49  }
0x148: {  	v34 =	vadd.s32 v26, v34;
	v59 =	vld [tilespmem:s26+$0xFFFFFF00];
	[tilespmem:v41+s19+$0x0] =	vst.idx.msk $0xffff, v55;
	v60 =	vmul.f32 $8.000000000e+00, v54  }
0x149: {  	v47 =	vbroadcast v47, $0x0;
	v61 =	vld [tilespmem:s26+$0xFFFFFF40];
	v49 =	vadd.s32 v30, v0;
	[tilespmem:v2+s19+$0x0] =	vst.idx.msk $0xffff, v57;
	v2 =	vmul.f32 $8.000000000e+00, v3  }
0x14a: {  	v44 =	vbroadcast v44, $0x0;
	v62 =	vld [tilespmem:s26+$0xFFFFFF80];
	v3 =	vadd.s32 v4, v38;
	[tilespmem:v36+s19+$0x0] =	vst.idx.msk $0xffff, v60;
	v63 =	vmul.f32 $8.000000000e+00, v63  }
0x14b: {  	v40 =	vadd.s32 v7, v47;
	[tilespmem:v35+s19+$0x0] =	vst.idx.msk $0xffff, v2;
	v2 =	vmul.f32 $8.000000000e+00, v51  }
0x14c: {  	v54 =	vadd.s32 v11, v44;
	v37 =	vmul.f32 $8.000000000e+00, v56;
	[tilespmem:v33+s19+$0x0] =	vst.idx.msk $0xffff, v63  }
0x14d: {  	v56 =	vmul.f32 $8.000000000e+00, v59;
	[tilespmem:v34+s19+$0x0] =	vst.idx.msk $0xffff, v2  }
0x14e: {  	v45 =	vbroadcast v45, $0x0;
	v50 =	vld [tilespmem:s26+$0xFFFFFFC0];
	v2 =	vmul.f32 $8.000000000e+00, v61;
	[tilespmem:v49+s19+$0x0] =	vst.idx.msk $0xffff, v37  }
0x14f: {  	v55 =	vld [tilespmem:s26+$0x0];
	[tilespmem:v3+s19+$0x0] =	vst.idx.msk $0xffff, v56;
	v3 =	vmul.f32 $8.000000000e+00, v62  }
0x150: {  	v46 =	vbroadcast v46, $0x0;
	v57 =	vadd.s32 v15, v45;
	v59 =	vld [tilespmem:s26+$0x40];
	[tilespmem:v40+s19+$0x0] =	vst.idx.msk $0xffff, v2  }
0x151: {  	v42 =	vshll.u32 v42, v1;
	v43 =	vbroadcast v43, $0x0;
	v61 =	vld [tilespmem:s26+$0x80];
	[tilespmem:v54+s19+$0x0] =	vst.idx.msk $0xffff, v3  }
0x152: {  	v42 =	vbroadcast v42, $0x0;
	v60 =	vadd.s32 v19, v46;
	v7 =	vld [tilespmem:$0x1FFE0]  }
0x153: {  	v62 =	vadd.s32 v24, v43;
	v63 =	vld [tilespmem:s26+$0xFFFFFF10];
	v2 =	vmul.f32 $8.000000000e+00, v50  }
0x154: {  	v40 =	vadd.s32 v28, v42;
	v49 =	vld [tilespmem:s26+$0xFFFFFF50]  }
0x155: {  	v37 =	vld [tilespmem:s26+$0xD0];
	v50 =	vadd.s32 v20, v38;
	v3 =	vmul.f32 $8.000000000e+00, v55;
	[tilespmem:v57+s19+$0x0] =	vst.idx.msk $0xffff, v2  }
0x156: {  	v53 =	vadd.s32 v8, v47;
	v2 =	vmul.f32 $8.000000000e+00, v59;
	v54 =	vld [tilespmem:s26+$0xFFFFFFD0]  }
0x157: {  	v51 =	vld [tilespmem:s26+$0xFFFFFF90];
	[tilespmem:v60+s19+$0x0] =	vst.idx.msk $0xffff, v3;
	v3 =	vmul.f32 $8.000000000e+00, v61;
	v35 =	vadd.s32 v7, v0  }
0x158: {  	v59 =	vadd.s32 v16, v45;
	[tilespmem:v62+s19+$0x0] =	vst.idx.msk $0xffff, v2;
	v57 =	vmul.f32 $8.000000000e+00, v63  }
0x159: {  	v55 =	vadd.s32 v12, v44;
	v60 =	vld [tilespmem:s26+$0x50];
	[tilespmem:v40+s19+$0x0] =	vst.idx.msk $0xffff, v3;
	v3 =	vmul.f32 $8.000000000e+00, v49  }
0x15a: {  	v19 =	vmov v21;
	v56 =	vld [tilespmem:s26+$0x10];
	v2 =	vmul.f32 $8.000000000e+00, v37;
	[tilespmem:v50+s19+$0x0] =	vst.idx.msk $0xffff, v57  }
0x15b: {  	v62 =	vadd.s32 v21, v46;
	v21 =	vadd.s32 v23, v43;
	v50 =	vld [tilespmem:s26+$0xFFFFFF20];
	[tilespmem:v53+s19+$0x0] =	vst.idx.msk $0xffff, v3;
	v3 =	vmul.f32 $8.000000000e+00, v54  }
0x15c: {  	v63 =	vld [tilespmem:s26+$0x90];
	[tilespmem:v35+s19+$0x0] =	vst.idx.msk $0xffff, v2;
	v2 =	vmul.f32 $8.000000000e+00, v51  }
0x15d: {  	v41 =	vadd.s32 v5, v38;
	[tilespmem:v59+s19+$0x0] =	vst.idx.msk $0xffff, v3;
	v35 =	vld [tilespmem:s26+$0xE0]  }
0x15e: {  	v36 =	vadd.s32 v27, v42;
	v24 =	vmov v23;
	v23 =	vld [tilespmem:s26+$0xFFFFFF60];
	v3 =	vmul.f32 $8.000000000e+00, v60;
	[tilespmem:v55+s19+$0x0] =	vst.idx.msk $0xffff, v2  }
0x15f: {  	v34 =	vadd.s32 v32, v0;
	v2 =	vmul.f32 $8.000000000e+00, v56;
	v51 =	vld [tilespmem:s26+$0xFFFFFFA0]  }
0x160: {  	v37 =	vadd.s32 v9, v47;
	[tilespmem:v21+s19+$0x0] =	vst.idx.msk $0xffff, v3;
	v57 =	vmul.f32 $8.000000000e+00, v50  }
0x161: {  	v40 =	vadd.s32 v13, v44;
	[tilespmem:v62+s19+$0x0] =	vst.idx.msk $0xffff, v2;
	v2 =	vmul.f32 $8.000000000e+00, v63  }
0x162: {  	[tilespmem:v41+s19+$0x0] =	vst.idx.msk $0xffff, v57;
	v3 =	vmul.f32 $8.000000000e+00, v35  }
0x163: {  	[tilespmem:v36+s19+$0x0] =	vst.idx.msk $0xffff, v2;
	v2 =	vmul.f32 $8.000000000e+00, v23  }
0x164: {  	v39 =	vld [tilespmem:s26+$0xFFFFFFE0];
	[tilespmem:v34+s19+$0x0] =	vst.idx.msk $0xffff, v3;
	v3 =	vmul.f32 $8.000000000e+00, v51  }
0x165: {  	[tilespmem:v37+s19+$0x0] =	vst.idx.msk $0xffff, v2  }
0x166: {  	v35 =	vadd.s32 v17, v45;
	[tilespmem:v40+s19+$0x0] =	vst.idx.msk $0xffff, v3  }
0x167: {  	v53 =	vmov v5;
	v5 =	vld [tilespmem:$0x1FEB0];
	_ =	sdelay $0x1  }
0x168: {  	v21 =	vld [tilespmem:s26+$0x60];
	v2 =	vmul.f32 $8.000000000e+00, v39  }
0x169: {  	v49 =	vld [tilespmem:s26+$0x20]  }
0x16a: {  	v23 =	vld [tilespmem:s26+$0xA0];
	[tilespmem:v35+s19+$0x0] =	vst.idx.msk $0xffff, v2  }
0x16b: {  	v54 =	vmov v22;
	v22 =	vadd.s32 v22, v46;
	v0 =	vadd.s32 v5, v0;
	v5 =	vld [tilespmem:$0x1FFF0]  }
0x16c: {  	v52 =	vadd.s32 v25, v43;
	v41 =	vld [tilespmem:s26+$0xFFFFFF30]  }
0x16d: {  	v55 =	vadd.s32 v29, v42;
	v34 =	vld [tilespmem:s26+$0xF0]  }
0x16e: {  	v38 =	vadd.s32 v6, v38;
	v57 =	vld [tilespmem:s26+$0xFFFFFF70];
	v3 =	vmul.f32 $8.000000000e+00, v49  }
0x16f: {  	v40 =	vld [tilespmem:s26+$0xFFFFFFB0];
	v2 =	vmul.f32 $8.000000000e+00, v21  }
0x170: {  	v63 =	vld [tilespmem:s26+$0xFFFFFFF0];
	[tilespmem:v22+s19+$0x0] =	vst.idx.msk $0xffff, v3;
	v3 =	vmul.f32 $8.000000000e+00, v23;
	v35 =	vadd.s32 v5, v47  }
0x171: {  	v21 =	vadd.s32 v10, v44;
	[tilespmem:v52+s19+$0x0] =	vst.idx.msk $0xffff, v2;
	v23 =	vmul.f32 $8.000000000e+00, v41;
	v22 =	vld [tilespmem:s26+$0x30]  }
0x172: {  	v48 =	vadd.s32 v14, v45;
	v2 =	vmul.f32 $8.000000000e+00, v34;
	v52 =	vld [tilespmem:s26+$0x70];
	[tilespmem:v55+s19+$0x0] =	vst.idx.msk $0xffff, v3  }
0x173: {  	v3 =	vmul.f32 $8.000000000e+00, v57;
	v55 =	vadd.s32 v18, v46;
	[tilespmem:v38+s19+$0x0] =	vst.idx.msk $0xffff, v23;
	v57 =	vld [tilespmem:s26+$0xB0]  }
0x174: {  	[tilespmem:v0+s19+$0x0] =	vst.idx.msk $0xffff, v2;
	v0 =	vmul.f32 $8.000000000e+00, v40;
	v2 =	vadd.s32 v31, v43  }
0x175: {  	[tilespmem:v35+s19+$0x0] =	vst.idx.msk $0xffff, v3;
	v3 =	vmul.f32 $8.000000000e+00, v63;
	v63 =	vadd.s32 v26, v42  }
0x176: {  	[tilespmem:v21+s19+$0x0] =	vst.idx.msk $0xffff, v0;
	v0 =	vmul.f32 $8.000000000e+00, v22  }
0x177: {  	[tilespmem:v48+s19+$0x0] =	vst.idx.msk $0xffff, v3;
	v3 =	vmul.f32 $8.000000000e+00, v52  }
0x178: {  	[tilespmem:v55+s19+$0x0] =	vst.idx.msk $0xffff, v0;
	v0 =	vmul.f32 $8.000000000e+00, v57  }
0x179: {  	[tilespmem:v2+s19+$0x0] =	vst.idx.msk $0xffff, v3  }
0x17a: {  	s30 =	simm.s32 $0xC800;
	s25 =	sadd.s32 s24, s7;
	[tilespmem:v63+s19+$0x0] =	vst.idx.msk $0xffff, v0  }
0x17b: {  	[hbm4b:s25+s3] =	stream.linear.scatter [tilespmem:s30], [sflag:$0x4], $0x80, $0x38;
	[tilespmem:$0xEC00] =	vst v63  }
0x17c: {  	s31 =	simm.s32 $0xC890;
	s26 =	sadd.s32 $0x10, s25  }
0x17d: {  	[hbm4b:s26+s3] =	stream.linear.scatter [tilespmem:s31], [sflag:$0x4], $0x80, $0x38;
	[tilespmem:$0xEC00] =	vst v63  }
0x17e: {  	s28 =	simm.s32 $0xCBF0;
	s30 =	simm.s32 $0xC920;
	s31 =	sadd.s32 $0x20, s25  }
0x17f: {  	[hbm4b:s31+s3] =	stream.linear.scatter [tilespmem:s30], [sflag:$0x4], $0x80, $0x38;
	[tilespmem:$0xEC00] =	vst v63  }
0x180: {  	s24 =	simm.s32 $0x480;
	s30 =	simm.s32 $0xC9B0;
	s31 =	sadd.s32 $0x30, s25  }
0x181: {  	[hbm4b:s31+s3] =	stream.linear.scatter [tilespmem:s30], [sflag:$0x4], $0x80, $0x38;
	[tilespmem:$0xEC00] =	vst v63  }
0x182: {  	s29 =	sadd.s32 $0x70, s25;
	s30 =	simm.s32 $0xCA40;
	s31 =	sadd.s32 $0x40, s25  }
0x183: {  	[hbm4b:s31+s3] =	stream.linear.scatter [tilespmem:s30], [sflag:$0x4], $0x80, $0x38;
	[tilespmem:$0xEC00] =	vst v63  }
0x184: {  	s26 =	simm.s32 $0x2400;
	s30 =	simm.s32 $0xCAD0;
	s31 =	sadd.s32 $0x50, s25  }
0x185: {  	v58 =	vmovc v14;
	v11 =	vmovc v8;
	v15 =	vmov v12;
	v30 =	vmov v32;
	v28 =	vmov v27;
	[hbm4b:s31+s3] =	stream.linear.scatter [tilespmem:s30], [sflag:$0x4], $0x80, $0x38;
	[tilespmem:$0xEC00] =	vst v63  }
0x186: {  	v61 =	vmovc v16;
	v4 =	vmovc v7;
	v59 =	vmov v13;
	v60 =	vmov v29;
	v56 =	vmov v9;
	s30 =	simm.s32 $0xCB60;
	s31 =	sadd.s32 $0x60, s25;
	s25 =	sadd.s32 $0x1000, s25  }
0x187: {  	v62 =	vmovc v17;
	v51 =	vmovc v25;
	v49 =	vmov v6;
	v41 =	vmov v20;
	v50 =	vmov v5;
	[hbm4b:s31+s3] =	stream.linear.scatter [tilespmem:s30], [sflag:$0x4], $0x80, $0x38;
	[tilespmem:$0xEC00] =	vst v63  }
.LBB2_13:
0x188: {  	[hbm4b:s29+s3] =	stream.linear.scatter [tilespmem:s28], [sflag:$0x4], $0x80, $0x38;
	[tilespmem:$0xEC00] =	vst v63  }
0x189: {  	s28 =	smov.u32 s24;
	s24 =	smov.u32 s26  }
0x18a: {  	s30 =	sadd.s32 $0x1200, s26;
	s24 =	sshra.s32 s24, $0x2;
	s29 =	sadd.s32 $0xC800, s28  }
0x18b: {  	[hbm4b:s25+s3] =	stream.linear.scatter [tilespmem:s29], [sflag:$0x4], $0x80, $0x38;
	[tilespmem:$0xEC00] =	vst v63  }
0x18c: {  	p0 =	sne.s32 s26, $0x7E00;
	s26 =	sadd.s32 $0xC890, s28;
	s29 =	sadd.s32 $0x10, s25  }
0x18d: {  	[hbm4b:s29+s3] =	stream.linear.scatter [tilespmem:s26], [sflag:$0x4], $0x80, $0x38;
	[tilespmem:$0xEC00] =	vst v63  }
0x18e: {  	s26 =	sadd.s32 $0xC920, s28;
	s29 =	sadd.s32 $0x20, s25  }
0x18f: {  	[hbm4b:s29+s3] =	stream.linear.scatter [tilespmem:s26], [sflag:$0x4], $0x80, $0x38;
	[tilespmem:$0xEC00] =	vst v63  }
0x190: {  	s26 =	sadd.s32 $0xC9B0, s28;
	s29 =	sadd.s32 $0x30, s25  }
0x191: {  	[hbm4b:s29+s3] =	stream.linear.scatter [tilespmem:s26], [sflag:$0x4], $0x80, $0x38;
	[tilespmem:$0xEC00] =	vst v63  }
0x192: {  	s26 =	sadd.s32 $0xCA40, s28;
	s29 =	sadd.s32 $0x40, s25  }
0x193: {  	[hbm4b:s29+s3] =	stream.linear.scatter [tilespmem:s26], [sflag:$0x4], $0x80, $0x38;
	[tilespmem:$0xEC00] =	vst v63  }
.Ltmp8:
0x194: {  	s26 =	sadd.s32 $0xCAD0, s28;
	s29 =	sadd.s32 $0x50, s25;
	(pc) =	sbr.rel @p0 .LBB2_13-.Ltmp8, $4  }
0x195: {  	[hbm4b:s29+s3] =	stream.linear.scatter [tilespmem:s26], [sflag:$0x4], $0x80, $0x38;
	[tilespmem:$0xEC00] =	vst v63  }
0x196: {  	s26 =	sadd.s32 $0xCB60, s28;
	s29 =	sadd.s32 $0x60, s25;
	s28 =	sadd.s32 $0xCBF0, s28  }
0x197: {  	[hbm4b:s29+s3] =	stream.linear.scatter [tilespmem:s26], [sflag:$0x4], $0x80, $0x38;
	[tilespmem:$0xEC00] =	vst v63  }
0x198: {  	s29 =	sadd.s32 $0x70, s25;
	s25 =	sadd.s32 $0x1000, s25;
	s26 =	smov.u32 s30  }
0x199: {  	[hbm4b:s29+s3] =	stream.linear.scatter [tilespmem:s28], [sflag:$0x4], $0x80, $0x38;
	[tilespmem:$0xEC00] =	vst v63  }
0x19a: {  	s26 =	sadd.s32 $0xC800, s24  }
0x19b: {  	[hbm4b:s25+s3] =	stream.linear.scatter [tilespmem:s26], [sflag:$0x4], $0x80, $0x38;
	[tilespmem:$0xEC00] =	vst v63  }
0x19c: {  	s30 =	sadd.s32 $0xC890, s24;
	s31 =	sadd.s32 $0x10, s25  }
0x19d: {  	[hbm4b:s31+s3] =	stream.linear.scatter [tilespmem:s30], [sflag:$0x4], $0x80, $0x38;
	[tilespmem:$0xEC00] =	vst v63  }
0x19e: {  	s29 =	sadd.s32 $0xC920, s24;
	s30 =	sadd.s32 $0x20, s25  }
0x19f: {  	[hbm4b:s30+s3] =	stream.linear.scatter [tilespmem:s29], [sflag:$0x4], $0x80, $0x38;
	[tilespmem:$0xEC00] =	vst v63  }
0x1a0: {  	s31 =	sadd.s32 $0xC9B0, s24;
	s29 =	sadd.s32 $0x30, s25  }
0x1a1: {  	[hbm4b:s29+s3] =	stream.linear.scatter [tilespmem:s31], [sflag:$0x4], $0x80, $0x38;
	[tilespmem:$0xEC00] =	vst v63  }
0x1a2: {  	s30 =	sadd.s32 $0xCA40, s24;
	s31 =	sadd.s32 $0x40, s25  }
0x1a3: {  	[hbm4b:s31+s3] =	stream.linear.scatter [tilespmem:s30], [sflag:$0x4], $0x80, $0x38;
	[tilespmem:$0xEC00] =	vst v63  }
0x1a4: {  	p0 =	seq.s32 s22, $0x63;
	s29 =	sadd.s32 $0xCAD0, s24;
	s30 =	sadd.s32 $0x50, s25  }
0x1a5: {  	[hbm4b:s30+s3] =	stream.linear.scatter [tilespmem:s29], [sflag:$0x4], $0x80, $0x38;
	[tilespmem:$0xEC00] =	vst v63  }
.Ltmp9:
0x1a6: {  	_ = 	snop;
	(pc) =	sbr.rel @p0 .LBB2_16-.Ltmp9, $4  }
0x1a7: {  	s31 =	sadd.s32 $0xCB60, s24;
	s29 =	sadd.s32 $0x60, s25  }
0x1a8: {  	[hbm4b:s29+s3] =	stream.linear.scatter [tilespmem:s31], [sflag:$0x4], $0x80, $0x38;
	[tilespmem:$0xEC00] =	vst v63  }
0x1a9: {  	s30 =	sadd.s32 $0xCBF0, s24;
	s31 =	sadd.s32 $0x70, s25  }
0x1aa: {  	[hbm4b:s31+s3] =	stream.linear.scatter [tilespmem:s30], [sflag:$0x4], $0x80, $0x38;
	[tilespmem:$0xEC00] =	vst v63  }
0x1ab: {  	v5 =	vld [tilespmem:$0x1FF10]  }
0x1ac: {  	v7 =	vld [tilespmem:$0x1FF20]  }
0x1ad: {  	v8 =	vmov v11;
	v11 =	vld [tilespmem:$0x1FF30]  }
.Ltmp10:
0x1ae: {  	v16 =	vld [tilespmem:$0x1FF40];
	(pc) =	sbr.rel .LBB2_2-.Ltmp10, $4  }
0x1af: {  	s23 =	sshll.u32 s23, $0x7;
	v21 =	vld [tilespmem:$0x1FF50]  }
0x1b0: {  	v14 =	vmov v31;
	v26 =	vmov v58;
	v18 =	vmov v53;
	v23 =	vld [tilespmem:$0x1FF60];
	s23 =	sadd.s32 $0x180, s23  }
0x1b1: {  	s22 =	sadd.s32 $0x1, s22;
	v6 =	vmovc v49;
	v9 =	vmovc v56;
	v10 =	vmov v50;
	v12 =	vmov v15;
	v13 =	vmov v59;
	v27 =	vld [tilespmem:$0x1FF70];
	s23 =	sand.u32 $0xFF80, s23  }
0x1b2: {  	v15 =	vmovc v61;
	v17 =	vmovc v62;
	v22 =	vmov v54;
	v25 =	vmov v51;
	v29 =	vmov v60;
	v32 =	vld [tilespmem:$0x1FF80];
	[tilespmem:s14], [sflag:$0x2] =	stream.indirect.gather [hbm4b:s5+s12], $0x40, s23, s12, $0xb8  }
.LBB2_17:
0x1b3: {  	_ =	sfence.sel $0x180000  }
0x1b4: {  	[bflag:$0x0] =	sbarrier.arrive $0xFFFF  }
0x1b5: {  	p0 =	sne.s32 s0, $0x0;
	_ =	strace $0x9000004A  }
0x1b6: {  	s0 =	sadd.s32 @!p0 $0x100000, s1;
	[bflag:$0x2] =	sbarrier.arrive $0xFFFF  }
0x1b7: {  	[sflag:s0] =	ssyncadd.tile.s32 @!p0 $0x1;
	_ =	shalt  }
.Lfunc_end2:
_tile_overlayer_lowered:
.L_overlay_start_2:
0x1b8: {  	(tag) =	ssettag $0x2  }
0x1b9: {  	s0 =	rddreg [dreg:$0x0];
	s2 =	stileid.u32  }
0x1ba: {  	s1 =	rddreg [dreg:$0x1];
	p0 =	sne.s32 s2, $0x0  }
0x1bb: {  	s3 =	rddreg [dreg:$0x2];
	[bflag:$0x3] =	sbarrier.arrive $0xFFFF;
	s2 =	simm.s32 @!p0 $0x1C05  }
0x1bc: {  	[timem:s3], [sflag:s2] =	dma.local @!p0 [hbm:s0], s1  }
0x1bd: {  	s0 =	simm.s32 @!p0 $0x5  }
0x1be: {  	_ =	swait.ge @!p0 [sflag:s0], s1  }
0x1bf: {  	s1 =	ssub.s32 @!p0 $0x0, s1;
	[sflag:s0] =	ssyncset.done @!p0 $0x0  }
0x1c0: {  	[sflag:s0] =	ssyncadd.s32 @!p0 s1  }
0x1c1: {  	[bflag:$0x3] =	sbarrier.arrive $0xFFFF  }
0x1c2: {  	_ =	shalt  }

</sc_bundles>
